<compile_context>
chip_gen: v7x
topology: tpu7x:2x2x1
jax: 0.10.2.dev20260603
libtpu: 0.0.44.dev20260713+nightly
codegen_flags: <defaults>
</compile_context>

<pallas_src>
import functools

import jax
import jax.numpy as jnp
from jax import lax
from jax.experimental import pallas as pl
from jax.experimental.pallas import tpu as pltpu
from jax.experimental.pallas import tpu_sc as plsc

_N = 10000
_E = 160000
_NS = 16
_EP = _E // _NS
_BK = 80
_NCK = 5
_JB = 25
_NP = 10240
_RPS = _NP // _NS
_ZR = 32
_NZ = _RPS // _ZR
_SR = _NP // 128
_BM = 1024
_HI = None

_MESH = plsc.VectorSubcoreMesh(core_axis_name="c", subcore_axis_name="s")



def _sc_degrees(er1):

    @functools.partial(
        pl.kernel,
        out_type=(
            jax.ShapeDtypeStruct((_NP * 16,), jnp.float32),
            jax.ShapeDtypeStruct((_NP * 16,), jnp.float32),
        ),
        mesh=_MESH,
        compiler_params=pltpu.CompilerParams(needs_layout_passes=False),
        scratch_types=[
            pltpu.VMEM((_EP,), jnp.int32),
            pltpu.VMEM((_NP,), jnp.float32),
            pltpu.VMEM((16 * _RPS,), jnp.float32),
            pltpu.VMEM((16 * _RPS,), jnp.float32),
            pltpu.VMEM_SHARED((_NS * _NP,), jnp.float32),
        ],
    )
    def k(er_hbm, dego_hbm, degi_hbm, idx_v, acc_v, part_v, stage_v, slab):
        c = lax.axis_index("c")
        s = lax.axis_index("s")
        zero = jnp.zeros((16,), jnp.float32)
        one = jnp.ones((16,), jnp.float32)
        iota16 = lax.iota(jnp.int32, 16)

        def fz(i, carry):
            acc_v[pl.ds(i * 16, 16)] = zero
            return carry

        lax.fori_loop(0, _NP // 16, fz, 0)

        pltpu.sync_copy(er_hbm.at[pl.ds(c * _E + s * _EP, _EP)], idx_v)

        def body(t, carry):
            i16 = idx_v[pl.ds(t * 16, 16)]
            plsc.addupdate_scatter(acc_v, [i16], one)
            return carry

        lax.fori_loop(0, _EP // 16, body, 0)

        pltpu.sync_copy(acc_v, slab.at[pl.ds(s * _NP, _NP)])
        plsc.subcore_barrier()

        for p in range(_NS):
            pltpu.sync_copy(slab.at[pl.ds(p * _NP + s * _RPS, _RPS)],
                            part_v.at[pl.ds(p * _RPS, _RPS)])

        def red(w, carry):
            tot = part_v[pl.ds(w * 16, 16)]
            for p in range(1, _NS):
                tot = tot + part_v[pl.ds(p * _RPS + w * 16, 16)]
            n16 = iota16 + w * 16
            plsc.store_scatter(stage_v, [n16 * 16], tot)
            return carry

        lax.fori_loop(0, _RPS // 16, red, 0)

        @pl.when(c == 0)
        def _():
            pltpu.sync_copy(stage_v, dego_hbm.at[pl.ds(s * _RPS * 16,
                                                       _RPS * 16)])

        @pl.when(c == 1)
        def _():
            pltpu.sync_copy(stage_v, degi_hbm.at[pl.ds(s * _RPS * 16,
                                                       _RPS * 16)])

    return k(er1)



def _sc_agg128(tab, er):

    @functools.partial(
        pl.kernel,
        out_type=jax.ShapeDtypeStruct((2, _NP, 128), jnp.float32),
        mesh=_MESH,
        scratch_types=[
            pltpu.VMEM((_JB, _BK), jnp.int32),
            pltpu.VMEM((_JB, _BK), jnp.int32),
            pltpu.VMEM((_BK, 128), jnp.float32),
            pltpu.VMEM((_BK, 128), jnp.float32),
            pltpu.VMEM((_ZR, 128), jnp.float32),
            pltpu.VMEM_SHARED((_NP, 128), jnp.float32),
            pltpu.SemaphoreType.DMA,
            pltpu.SemaphoreType.DMA,
        ],
    )
    def k(tab_hbm, er_hbm, out_hbm, src_v, dst_v, rows_a, rows_b, zrow_v,
          acc, sem_a, sem_b):
        c = lax.axis_index("c")
        s = lax.axis_index("s")
        zero = jnp.zeros((16,), jnp.float32)

        def fzero(i, carry):
            def fz2(m, carry2):
                zrow_v[i, pl.ds(m * 16, 16)] = zero
                return carry2

            lax.fori_loop(0, 8, fz2, 0)
            return carry

        lax.fori_loop(0, _ZR, fzero, 0)
        for t in range(_NZ):
            pltpu.sync_copy(zrow_v, acc.at[pl.ds(s * _RPS + t * _ZR, _ZR)])
        plsc.subcore_barrier()

        def start_gather(j, buf, sem):
            pltpu.async_copy(tab_hbm.at[c].at[src_v.at[j]], buf, sem)

        def wait_gather(buf, sem):
            pltpu.make_async_copy(tab_hbm.at[c].at[src_v.at[0]], buf,
                                  sem).wait()

        def chunk(g, carry):
            pltpu.sync_copy(er_hbm.at[0, s, g], src_v)
            pltpu.sync_copy(er_hbm.at[1, s, g], dst_v)
            start_gather(0, rows_a, sem_a)

            def pair(p, carry2):
                j = p * 2
                wait_gather(rows_a, sem_a)
                start_gather(j + 1, rows_b, sem_b)
                pltpu.sync_copy(rows_a, acc.at[dst_v.at[j]], add=True)
                wait_gather(rows_b, sem_b)
                start_gather(j + 2, rows_a, sem_a)
                pltpu.sync_copy(rows_b, acc.at[dst_v.at[j + 1]], add=True)
                return carry2

            lax.fori_loop(0, (_JB - 1) // 2, pair, 0)
            wait_gather(rows_a, sem_a)
            pltpu.sync_copy(rows_a, acc.at[dst_v.at[_JB - 1]], add=True)
            return carry

        lax.fori_loop(0, _NCK, chunk, 0)
        plsc.subcore_barrier()
        pltpu.sync_copy(acc.at[pl.ds(s * _RPS, _RPS)],
                        out_hbm.at[c, pl.ds(s * _RPS, _RPS)])

    return k(tab, er)



def _sc_scol(st1, er1):

    @functools.partial(
        pl.kernel,
        out_type=jax.ShapeDtypeStruct((_NS * _NP,), jnp.float32),
        mesh=_MESH,
        compiler_params=pltpu.CompilerParams(needs_layout_passes=False),
        scratch_types=[
            pltpu.VMEM((_EP,), jnp.int32),
            pltpu.VMEM((_EP,), jnp.int32),
            pltpu.VMEM((_NP,), jnp.float32),
            pltpu.VMEM((_NP,), jnp.float32),
        ],
    )
    def k(st_hbm, er_hbm, outs_hbm, src_v, dst_v, stcol_v, sacc_v):
        c = lax.axis_index("c")
        s = lax.axis_index("s")
        zero = jnp.zeros((16,), jnp.float32)

        @pl.when(c == 0)
        def _():
            pltpu.sync_copy(st_hbm, stcol_v)
            pltpu.sync_copy(er_hbm.at[pl.ds(s * _EP, _EP)], src_v)
            pltpu.sync_copy(er_hbm.at[pl.ds(_E + s * _EP, _EP)], dst_v)

            def fzs(i, carry):
                sacc_v[pl.ds(i * 16, 16)] = zero
                return carry

            lax.fori_loop(0, _NP // 16, fzs, 0)

            def body(t, carry):
                i16 = src_v[pl.ds(t * 16, 16)]
                d16 = dst_v[pl.ds(t * 16, 16)]
                v16 = plsc.load_gather(stcol_v, [i16])
                plsc.addupdate_scatter(sacc_v, [d16], v16)
                return carry

            lax.fori_loop(0, _EP // 16, body, 0)
            pltpu.sync_copy(sacc_v, outs_hbm.at[pl.ds(s * _NP, _NP)])

    return k(st1, er1)



def _tc_prep_body(x_ref, dego_ref, out_ref):
    d = dego_ref[:, 0:1]
    ns = jnp.where(d > 0, lax.rsqrt(d), 0.0)
    xn = x_ref[...] * ns
    out_ref[0] = xn[:, :128]
    out_ref[1] = xn[:, 128:]


def _tc_prep(x, dego):
    bn = 1000
    return pl.pallas_call(
        _tc_prep_body,
        grid=(_N // bn,),
        in_specs=[
            pl.BlockSpec((bn, 256), lambda i: (i, 0)),
            pl.BlockSpec((bn, 16), lambda i: (i, 0)),
        ],
        out_specs=pl.BlockSpec((2, bn, 128), lambda i: (0, i, 0)),
        out_shape=jax.ShapeDtypeStruct((2, _N, 128), jnp.float32),
    )(x, dego)


def _tc_mid_body(agg1_ref, degi_ref, dego_ref, We1_ref, be1_ref, Wg1_ref,
                 bg1_ref, We2_ref, Wfc_ref, ct_ref, st_ref):
    a = jnp.concatenate([agg1_ref[0], agg1_ref[1]], axis=1)
    di = degi_ref[:, 0:1]
    nd = jnp.where(di > 0, lax.rsqrt(di), 0.0)
    do = dego_ref[:, 0:1]
    no = jnp.where(do > 0, lax.rsqrt(do), 0.0)
    a = a * nd
    h1 = jax.nn.relu(jnp.dot(a, We1_ref[...], precision=_HI) + be1_ref[...])
    z1 = jax.nn.relu(jnp.dot(a, Wg1_ref[...], precision=_HI) + bg1_ref[...])
    wv = jnp.dot(We2_ref[...], Wfc_ref[...], precision=jax.lax.Precision.HIGHEST)
    sc = jnp.dot(h1, wv, precision=jax.lax.Precision.HIGHEST)
    z1n = z1 * no
    ct_ref[0] = z1n[:, :128]
    ct_ref[1] = z1n[:, 128:]
    st_ref[...] = (sc[:, 0:1] * no).reshape(_BM // 128, 128)


def _tc_mid(agg1, degi, dego, We1, be1r, Wg1, bg1r, We2, Wfc):
    full = lambda shape: pl.BlockSpec(shape, lambda i: tuple(0 for _ in shape))
    return pl.pallas_call(
        _tc_mid_body,
        grid=(_NP // _BM,),
        in_specs=[
            pl.BlockSpec((2, _BM, 128), lambda i: (0, i, 0)),
            pl.BlockSpec((_BM, 16), lambda i: (i, 0)),
            pl.BlockSpec((_BM, 16), lambda i: (i, 0)),
            full((256, 256)),
            full((1, 256)),
            full((256, 256)),
            full((1, 256)),
            full((256, 256)),
            full((256, 1)),
        ],
        out_specs=(
            pl.BlockSpec((2, _BM, 128), lambda i: (0, i, 0)),
            pl.BlockSpec((_BM // 128, 128), lambda i: (i, 0)),
        ),
        out_shape=(
            jax.ShapeDtypeStruct((2, _NP, 128), jnp.float32),
            jax.ShapeDtypeStruct((_SR, 128), jnp.float32),
        ),
    )(agg1, degi, dego, We1, be1r, Wg1, bg1r, We2, Wfc)


def _tc_final_body(agg2_ref, part_ref, degi_ref, degf_ref, Wg2_ref, bg2_ref,
                   Wc_ref, bc_ref, be2_ref, Wfc_ref, bfc_ref, y_ref, sf_ref,
                   z_ref):
    q = jnp.concatenate([agg2_ref[0], agg2_ref[1]], axis=1)
    di = degi_ref[:, 0:1]
    nd = jnp.where(di > 0, lax.rsqrt(di), 0.0)
    z = jnp.dot(q * nd, Wg2_ref[...], precision=_HI) + bg2_ref[...]
    y = jnp.dot(z, Wc_ref[...], precision=_HI) + bc_ref[...]
    sconst = jnp.dot(be2_ref[...], Wfc_ref[...],
                     precision=jax.lax.Precision.HIGHEST) + bfc_ref[...]
    df = degf_ref[...]
    ndf = jnp.where(df > 0, lax.rsqrt(df), 0.0)
    sagg = jnp.sum(part_ref[...], axis=0)
    sf_ref[...] = sagg * ndf + sconst
    y_ref[...] = y
    z_ref[...] = z


def _tc_final(agg2, parts, degi, degf, Wg2, bg2r, Wc, bcr, be2r, Wfc, bfcr):
    full = lambda shape: pl.BlockSpec(shape, lambda i: tuple(0 for _ in shape))
    return pl.pallas_call(
        _tc_final_body,
        grid=(_NP // _BM,),
        in_specs=[
            pl.BlockSpec((2, _BM, 128), lambda i: (0, i, 0)),
            pl.BlockSpec((_NS, _BM // 128, 128), lambda i: (0, i, 0)),
            pl.BlockSpec((_BM, 16), lambda i: (i, 0)),
            pl.BlockSpec((_BM // 128, 128), lambda i: (i, 0)),
            full((256, 256)),
            full((1, 256)),
            full((256, 1)),
            full((1, 1)),
            full((1, 256)),
            full((256, 1)),
            full((1, 1)),
        ],
        out_specs=(
            pl.BlockSpec((_BM, 1), lambda i: (i, 0)),
            pl.BlockSpec((_BM // 128, 128), lambda i: (i, 0)),
            pl.BlockSpec((_BM, 256), lambda i: (i, 0)),
        ),
        out_shape=(
            jax.ShapeDtypeStruct((_N, 1), jnp.float32),
            jax.ShapeDtypeStruct((_NP // 128, 128), jnp.float32),
            jax.ShapeDtypeStruct((_N, 256), jnp.float32),
        ),
    )(agg2, parts, degi, degf, Wg2, bg2r, Wc, bcr, be2r, Wfc, bfcr)



def kernel(x, edge_index, We1, be1, We2, be2, Wfc, bfc, Wg1, bg1, Wg2, bg2,
           Wc, bc):
    er = edge_index.reshape(2, _NS, _NCK, _JB, _BK)
    dego_f, degi_f = _sc_degrees(edge_index.reshape(-1))
    dego = dego_f.reshape(_NP, 16)
    degi = degi_f.reshape(_NP, 16)
    xnt = _tc_prep(x, dego)
    agg1 = _sc_agg128(xnt, er)
    ct, st = _tc_mid(agg1, degi, dego, We1, be1.reshape(1, -1), Wg1,
                     bg1.reshape(1, -1), We2, Wfc)
    sparts = _sc_scol(st.reshape(-1), edge_index.reshape(-1))
    agg2 = _sc_agg128(ct, er)
    parts = sparts.reshape(_NS, _NP // 128, 128)
    degf = degi[:, 0].reshape(_NP // 128, 128)
    y, sf, z = _tc_final(agg2, parts, degi, degf, Wg2, bg2.reshape(1, -1), Wc,
                         bc.reshape(1, 1), be2.reshape(1, -1), Wfc,
                         bfc.reshape(1, 1))
    s = sf.reshape(-1)[:_N].reshape(_N, 1)
    return (y, s, z)

# --- scband reference (transcript-rebuilt; emitter-appended) ---
"""Pipeline reference for scband-fair-gnn-36292473651952 (READ-ONLY COPY).

The authoritative reference and input builder live on the scoring server;
editing this copy changes nothing except your own understanding.
"""

import jax, jax.numpy as jnp
import numpy as np

N = 10000
E = 160000
F_IN = 256
H = 256

def _gcn_layer(x, src, dst, W, b, n):
    # DGL GraphConv with norm='both': D^{-1/2} A D^{-1/2} X W + b
    deg_out = jnp.zeros((n,), jnp.float32).at[src].add(1.0)
    deg_in = jnp.zeros((n,), jnp.float32).at[dst].add(1.0)
    norm_src = jnp.where(deg_out > 0, deg_out ** -0.5, 0.0)
    norm_dst = jnp.where(deg_in > 0, deg_in ** -0.5, 0.0)
    h = x * norm_src[:, None]
    agg = jnp.zeros_like(h).at[dst].add(h[src])
    agg = agg * norm_dst[:, None]
    return agg @ W + b

def setup_inputs(seed: int = 0):
    key = jax.random.key(seed)
    ks = jax.random.split(key, 16)
    def w(k, fi, fo):
        return (jax.random.normal(k, (fi, fo), jnp.float32) / np.sqrt(fi)).astype(jnp.float32)
    inp = {}
    inp["x"] = jax.random.normal(ks[0], (N, F_IN), jnp.float32)
    inp["edge_index"] = jax.random.randint(ks[1], (2, E), 0, N, dtype=jnp.int32)
    # estimator GCN: GCN_Body(nfeat, hidden=256) + Linear(256, 1)
    inp["We1"] = w(ks[2], F_IN, H); inp["be1"] = jnp.zeros((H,), jnp.float32)
    inp["We2"] = w(ks[3], H, H);    inp["be2"] = jnp.zeros((H,), jnp.float32)
    inp["Wfc"] = w(ks[4], H, 1);    inp["bfc"] = jnp.zeros((1,), jnp.float32)
    # GNN body: GCN_Body(nfeat, num_hidden=256)
    inp["Wg1"] = w(ks[5], F_IN, H); inp["bg1"] = jnp.zeros((H,), jnp.float32)
    inp["Wg2"] = w(ks[6], H, H);    inp["bg2"] = jnp.zeros((H,), jnp.float32)
    # classifier Linear(256, 1)
    inp["Wc"] = w(ks[7], H, 1);     inp["bc"] = jnp.zeros((1,), jnp.float32)
    return inp

def reference(x, edge_index, We1, be1, We2, be2, Wfc, bfc, Wg1, bg1, Wg2, bg2, Wc, bc):
    src = edge_index[0]
    dst = edge_index[1]
    n = x.shape[0]
    # estimator: s = fc(GCN_Body(x))   (dropout = identity in eval)
    h = jax.nn.relu(_gcn_layer(x, src, dst, We1, be1, n))
    h = _gcn_layer(h, src, dst, We2, be2, n)
    s = h @ Wfc + bfc
    # GNN body -> z, classifier -> y
    z = jax.nn.relu(_gcn_layer(x, src, dst, Wg1, bg1, n))
    z = _gcn_layer(z, src, dst, Wg2, bg2, n)
    y = z @ Wc + bc
    return (y, s, z)

if __name__ == "__main__":
    import jax
    _d = setup_inputs()
    print(jax.jit(kernel)(*tuple(_d.values())))

</pallas_src>

<mosaic_0001>
#map = affine_map<(d0, d1) -> (0, 0, 0)>
#map1 = affine_map<(d0, d1) -> (0, 0, 0, 0, 0)>
module attributes {stable_mosaic.version = 14 : i64} {
  func.func @k(%arg0: i32, %arg1: i32, %arg2: memref<2x10240x128xf32, #tpu.memory_space<hbm>>, %arg3: memref<2x16x5x25x80xi32, #tpu.memory_space<hbm>>, %arg4: memref<2x10240x128xf32, #tpu.memory_space<hbm>>, %arg5: memref<25x80xi32, #tpu.memory_space<vmem>>, %arg6: memref<25x80xi32, #tpu.memory_space<vmem>>, %arg7: memref<80x128xf32, #tpu.memory_space<vmem>>, %arg8: memref<80x128xf32, #tpu.memory_space<vmem>>, %arg9: memref<32x128xf32, #tpu.memory_space<vmem>>, %arg10: memref<10240x128xf32, #tpu.memory_space<vmem_shared>>, %arg11: memref<!tpu.dma_semaphore, #tpu.memory_space<semaphore_mem>>, %arg12: memref<!tpu.dma_semaphore, #tpu.memory_space<semaphore_mem>>) attributes {dimension_semantics = [#tpu.dimension_semantics<core_parallel>, #tpu.dimension_semantics<subcore_parallel>], iteration_bounds = array<i64: 2, 16>, scalar_prefetch = 0 : i64, scratch_operands = 8 : i64, tpu.core_type = #tpu.core_type<sc_vector_subcore>, window_params = [{transform_indices = #map}, {transform_indices = #map1}, {transform_indices = #map}]} {
    %broadcast_in_dim3A = arith.constant 0.000000e+00 : f32
    %broadcast_in_dim3A_0 = vector.broadcast %broadcast_in_dim3A : f32 to vector<16xf32>
    %scan3A = arith.constant 0 : i32
    %scan3A_1 = arith.constant 0 : i32
    %scan3A_2 = arith.constant 32 : i32
    %scan3A_3 = arith.addi %scan3A_1, %scan3A_2 : i32
    %scan3A_4 = arith.constant 1 : i32
    scf.for %scan3A_95 = %scan3A_1 to %scan3A_3 step %scan3A_4  : i32 {
      %scan3A_96 = arith.constant 0 : i32
      %scan3A_97 = arith.constant 0 : i32
      %scan3A_98 = arith.constant 8 : i32
      %scan3A_99 = arith.addi %scan3A_97, %scan3A_98 : i32
      %scan3A_100 = arith.constant 1 : i32
      scf.for %scan3A_102 = %scan3A_97 to %scan3A_99 step %scan3A_100  : i32 {
        %mul3A_103 = arith.constant 16 : i32
        %mul3A_104 = arith.muli %scan3A_102, %mul3A_103 : i32
        %swap3A = arith.index_cast %scan3A_95 : i32 to index
        %swap3A_105 = arith.index_cast %mul3A_104 : i32 to index
        %swap3A_106 = tpu.vector_load %arg9[%swap3A, %swap3A_105] {strides = array<i32>} : memref<32x128xf32, #tpu.memory_space<vmem>>, vector<1x16xf32>,
        %swap3A_107 = vector.shape_cast %swap3A_106 : vector<1x16xf32> to vector<16xf32>
        %swap3A_108 = vector.shape_cast %broadcast_in_dim3A_0 : vector<16xf32> to vector<1x16xf32>
        tpu.vector_store %arg9[%swap3A, %swap3A_105], %swap3A_108 {strides = array<i32>} : memref<32x128xf32, #tpu.memory_space<vmem>>, vector<1x16xf32>,
      }
      %scan3A_101 = arith.constant 8 : i32
    }
    %scan3A_5 = arith.constant 32 : i32
    %mul3A = arith.constant 640 : i32
    %mul3A_6 = arith.muli %arg1, %mul3A : i32
    %add3A = arith.constant 0 : i32
    %add3A_7 = arith.addi %mul3A_6, %add3A : i32
    "tpu.region"() ({
      %run_scoped3A = tpu.sem_alloc : memref<!tpu.dma_semaphore, #tpu.memory_space<semaphore_mem>>
      %dma_start3A = arith.constant 0 : i32
      %dma_start3A_95 = tpu.memref_slice %arg10[%add3A_7, %dma_start3A] : memref<10240x128xf32, #tpu.memory_space<vmem_shared>> -> memref<32x128xf32, #tpu.memory_space<vmem_shared>>
      %dma_start3A_96 = arith.constant 0 : i32
      %dma_start3A_97 = tpu.memref_slice %arg10[%add3A_7, %dma_start3A_96] : memref<10240x128xf32, #tpu.memory_space<vmem_shared>> -> memref<32x128xf32, #tpu.memory_space<vmem_shared>>
      tpu.enqueue_dma source(%arg9 : memref<32x128xf32, #tpu.memory_space<vmem>>) target(%dma_start3A_97 : memref<32x128xf32, #tpu.memory_space<vmem_shared>>) target_semaphore(%run_scoped3A : memref<!tpu.dma_semaphore, #tpu.memory_space<semaphore_mem>>)
      %dma_wait3A = arith.constant 0 : i32
      %dma_wait3A_98 = tpu.memref_slice %arg10[%add3A_7, %dma_wait3A] : memref<10240x128xf32, #tpu.memory_space<vmem_shared>> -> memref<32x128xf32, #tpu.memory_space<vmem_shared>>
      %dma_wait3A_99 = arith.constant 0 : i32
      %dma_wait3A_100 = tpu.memref_slice %arg10[%add3A_7, %dma_wait3A_99] : memref<10240x128xf32, #tpu.memory_space<vmem_shared>> -> memref<32x128xf32, #tpu.memory_space<vmem_shared>>
      tpu.wait_dma2 semaphore(%run_scoped3A : memref<!tpu.dma_semaphore, #tpu.memory_space<semaphore_mem>>) src(%arg9 : memref<32x128xf32, #tpu.memory_space<vmem>>) dst(%dma_wait3A_100 : memref<32x128xf32, #tpu.memory_space<vmem_shared>>)
      tpu.yield
    }) : () -> ()
    %mul3A_8 = arith.constant 640 : i32
    %mul3A_9 = arith.muli %arg1, %mul3A_8 : i32
    %add3A_10 = arith.constant 32 : i32
    %add3A_11 = arith.addi %mul3A_9, %add3A_10 : i32
    "tpu.region"() ({
      %run_scoped3A = tpu.sem_alloc : memref<!tpu.dma_semaphore, #tpu.memory_space<semaphore_mem>>
      %dma_start3A = arith.constant 0 : i32
      %dma_start3A_95 = tpu.memref_slice %arg10[%add3A_11, %dma_start3A] : memref<10240x128xf32, #tpu.memory_space<vmem_shared>> -> memref<32x128xf32, #tpu.memory_space<vmem_shared>>
      %dma_start3A_96 = arith.constant 0 : i32
      %dma_start3A_97 = tpu.memref_slice %arg10[%add3A_11, %dma_start3A_96] : memref<10240x128xf32, #tpu.memory_space<vmem_shared>> -> memref<32x128xf32, #tpu.memory_space<vmem_shared>>
      tpu.enqueue_dma source(%arg9 : memref<32x128xf32, #tpu.memory_space<vmem>>) target(%dma_start3A_97 : memref<32x128xf32, #tpu.memory_space<vmem_shared>>) target_semaphore(%run_scoped3A : memref<!tpu.dma_semaphore, #tpu.memory_space<semaphore_mem>>)
      %dma_wait3A = arith.constant 0 : i32
      %dma_wait3A_98 = tpu.memref_slice %arg10[%add3A_11, %dma_wait3A] : memref<10240x128xf32, #tpu.memory_space<vmem_shared>> -> memref<32x128xf32, #tpu.memory_space<vmem_shared>>
      %dma_wait3A_99 = arith.constant 0 : i32
      %dma_wait3A_100 = tpu.memref_slice %arg10[%add3A_11, %dma_wait3A_99] : memref<10240x128xf32, #tpu.memory_space<vmem_shared>> -> memref<32x128xf32, #tpu.memory_space<vmem_shared>>
      tpu.wait_dma2 semaphore(%run_scoped3A : memref<!tpu.dma_semaphore, #tpu.memory_space<semaphore_mem>>) src(%arg9 : memref<32x128xf32, #tpu.memory_space<vmem>>) dst(%dma_wait3A_100 : memref<32x128xf32, #tpu.memory_space<vmem_shared>>)
      tpu.yield
    }) : () -> ()
    %mul3A_12 = arith.constant 640 : i32
    %mul3A_13 = arith.muli %arg1, %mul3A_12 : i32
    %add3A_14 = arith.constant 64 : i32
    %add3A_15 = arith.addi %mul3A_13, %add3A_14 : i32
    "tpu.region"() ({
      %run_scoped3A = tpu.sem_alloc : memref<!tpu.dma_semaphore, #tpu.memory_space<semaphore_mem>>
      %dma_start3A = arith.constant 0 : i32
      %dma_start3A_95 = tpu.memref_slice %arg10[%add3A_15, %dma_start3A] : memref<10240x128xf32, #tpu.memory_space<vmem_shared>> -> memref<32x128xf32, #tpu.memory_space<vmem_shared>>
      %dma_start3A_96 = arith.constant 0 : i32
      %dma_start3A_97 = tpu.memref_slice %arg10[%add3A_15, %dma_start3A_96] : memref<10240x128xf32, #tpu.memory_space<vmem_shared>> -> memref<32x128xf32, #tpu.memory_space<vmem_shared>>
      tpu.enqueue_dma source(%arg9 : memref<32x128xf32, #tpu.memory_space<vmem>>) target(%dma_start3A_97 : memref<32x128xf32, #tpu.memory_space<vmem_shared>>) target_semaphore(%run_scoped3A : memref<!tpu.dma_semaphore, #tpu.memory_space<semaphore_mem>>)
      %dma_wait3A = arith.constant 0 : i32
      %dma_wait3A_98 = tpu.memref_slice %arg10[%add3A_15, %dma_wait3A] : memref<10240x128xf32, #tpu.memory_space<vmem_shared>> -> memref<32x128xf32, #tpu.memory_space<vmem_shared>>
      %dma_wait3A_99 = arith.constant 0 : i32
      %dma_wait3A_100 = tpu.memref_slice %arg10[%add3A_15, %dma_wait3A_99] : memref<10240x128xf32, #tpu.memory_space<vmem_shared>> -> memref<32x128xf32, #tpu.memory_space<vmem_shared>>
      tpu.wait_dma2 semaphore(%run_scoped3A : memref<!tpu.dma_semaphore, #tpu.memory_space<semaphore_mem>>) src(%arg9 : memref<32x128xf32, #tpu.memory_space<vmem>>) dst(%dma_wait3A_100 : memref<32x128xf32, #tpu.memory_space<vmem_shared>>)
      tpu.yield
    }) : () -> ()
    %mul3A_16 = arith.constant 640 : i32
    %mul3A_17 = arith.muli %arg1, %mul3A_16 : i32
    %add3A_18 = arith.constant 96 : i32
    %add3A_19 = arith.addi %mul3A_17, %add3A_18 : i32
    "tpu.region"() ({
      %run_scoped3A = tpu.sem_alloc : memref<!tpu.dma_semaphore, #tpu.memory_space<semaphore_mem>>
      %dma_start3A = arith.constant 0 : i32
      %dma_start3A_95 = tpu.memref_slice %arg10[%add3A_19, %dma_start3A] : memref<10240x128xf32, #tpu.memory_space<vmem_shared>> -> memref<32x128xf32, #tpu.memory_space<vmem_shared>>
      %dma_start3A_96 = arith.constant 0 : i32
      %dma_start3A_97 = tpu.memref_slice %arg10[%add3A_19, %dma_start3A_96] : memref<10240x128xf32, #tpu.memory_space<vmem_shared>> -> memref<32x128xf32, #tpu.memory_space<vmem_shared>>
      tpu.enqueue_dma source(%arg9 : memref<32x128xf32, #tpu.memory_space<vmem>>) target(%dma_start3A_97 : memref<32x128xf32, #tpu.memory_space<vmem_shared>>) target_semaphore(%run_scoped3A : memref<!tpu.dma_semaphore, #tpu.memory_space<semaphore_mem>>)
      %dma_wait3A = arith.constant 0 : i32
      %dma_wait3A_98 = tpu.memref_slice %arg10[%add3A_19, %dma_wait3A] : memref<10240x128xf32, #tpu.memory_space<vmem_shared>> -> memref<32x128xf32, #tpu.memory_space<vmem_shared>>
      %dma_wait3A_99 = arith.constant 0 : i32
      %dma_wait3A_100 = tpu.memref_slice %arg10[%add3A_19, %dma_wait3A_99] : memref<10240x128xf32, #tpu.memory_space<vmem_shared>> -> memref<32x128xf32, #tpu.memory_space<vmem_shared>>
      tpu.wait_dma2 semaphore(%run_scoped3A : memref<!tpu.dma_semaphore, #tpu.memory_space<semaphore_mem>>) src(%arg9 : memref<32x128xf32, #tpu.memory_space<vmem>>) dst(%dma_wait3A_100 : memref<32x128xf32, #tpu.memory_space<vmem_shared>>)
      tpu.yield
    }) : () -> ()
    %mul3A_20 = arith.constant 640 : i32
    %mul3A_21 = arith.muli %arg1, %mul3A_20 : i32
    %add3A_22 = arith.constant 128 : i32
    %add3A_23 = arith.addi %mul3A_21, %add3A_22 : i32
    "tpu.region"() ({
      %run_scoped3A = tpu.sem_alloc : memref<!tpu.dma_semaphore, #tpu.memory_space<semaphore_mem>>
      %dma_start3A = arith.constant 0 : i32
      %dma_start3A_95 = tpu.memref_slice %arg10[%add3A_23, %dma_start3A] : memref<10240x128xf32, #tpu.memory_space<vmem_shared>> -> memref<32x128xf32, #tpu.memory_space<vmem_shared>>
      %dma_start3A_96 = arith.constant 0 : i32
      %dma_start3A_97 = tpu.memref_slice %arg10[%add3A_23, %dma_start3A_96] : memref<10240x128xf32, #tpu.memory_space<vmem_shared>> -> memref<32x128xf32, #tpu.memory_space<vmem_shared>>
      tpu.enqueue_dma source(%arg9 : memref<32x128xf32, #tpu.memory_space<vmem>>) target(%dma_start3A_97 : memref<32x128xf32, #tpu.memory_space<vmem_shared>>) target_semaphore(%run_scoped3A : memref<!tpu.dma_semaphore, #tpu.memory_space<semaphore_mem>>)
      %dma_wait3A = arith.constant 0 : i32
      %dma_wait3A_98 = tpu.memref_slice %arg10[%add3A_23, %dma_wait3A] : memref<10240x128xf32, #tpu.memory_space<vmem_shared>> -> memref<32x128xf32, #tpu.memory_space<vmem_shared>>
      %dma_wait3A_99 = arith.constant 0 : i32
      %dma_wait3A_100 = tpu.memref_slice %arg10[%add3A_23, %dma_wait3A_99] : memref<10240x128xf32, #tpu.memory_space<vmem_shared>> -> memref<32x128xf32, #tpu.memory_space<vmem_shared>>
      tpu.wait_dma2 semaphore(%run_scoped3A : memref<!tpu.dma_semaphore, #tpu.memory_space<semaphore_mem>>) src(%arg9 : memref<32x128xf32, #tpu.memory_space<vmem>>) dst(%dma_wait3A_100 : memref<32x128xf32, #tpu.memory_space<vmem_shared>>)
      tpu.yield
    }) : () -> ()
    %mul3A_24 = arith.constant 640 : i32
    %mul3A_25 = arith.muli %arg1, %mul3A_24 : i32
    %add3A_26 = arith.constant 160 : i32
    %add3A_27 = arith.addi %mul3A_25, %add3A_26 : i32
    "tpu.region"() ({
      %run_scoped3A = tpu.sem_alloc : memref<!tpu.dma_semaphore, #tpu.memory_space<semaphore_mem>>
      %dma_start3A = arith.constant 0 : i32
      %dma_start3A_95 = tpu.memref_slice %arg10[%add3A_27, %dma_start3A] : memref<10240x128xf32, #tpu.memory_space<vmem_shared>> -> memref<32x128xf32, #tpu.memory_space<vmem_shared>>
      %dma_start3A_96 = arith.constant 0 : i32
      %dma_start3A_97 = tpu.memref_slice %arg10[%add3A_27, %dma_start3A_96] : memref<10240x128xf32, #tpu.memory_space<vmem_shared>> -> memref<32x128xf32, #tpu.memory_space<vmem_shared>>
      tpu.enqueue_dma source(%arg9 : memref<32x128xf32, #tpu.memory_space<vmem>>) target(%dma_start3A_97 : memref<32x128xf32, #tpu.memory_space<vmem_shared>>) target_semaphore(%run_scoped3A : memref<!tpu.dma_semaphore, #tpu.memory_space<semaphore_mem>>)
      %dma_wait3A = arith.constant 0 : i32
      %dma_wait3A_98 = tpu.memref_slice %arg10[%add3A_27, %dma_wait3A] : memref<10240x128xf32, #tpu.memory_space<vmem_shared>> -> memref<32x128xf32, #tpu.memory_space<vmem_shared>>
      %dma_wait3A_99 = arith.constant 0 : i32
      %dma_wait3A_100 = tpu.memref_slice %arg10[%add3A_27, %dma_wait3A_99] : memref<10240x128xf32, #tpu.memory_space<vmem_shared>> -> memref<32x128xf32, #tpu.memory_space<vmem_shared>>
      tpu.wait_dma2 semaphore(%run_scoped3A : memref<!tpu.dma_semaphore, #tpu.memory_space<semaphore_mem>>) src(%arg9 : memref<32x128xf32, #tpu.memory_space<vmem>>) dst(%dma_wait3A_100 : memref<32x128xf32, #tpu.memory_space<vmem_shared>>)
      tpu.yield
    }) : () -> ()
    %mul3A_28 = arith.constant 640 : i32
    %mul3A_29 = arith.muli %arg1, %mul3A_28 : i32
    %add3A_30 = arith.constant 192 : i32
    %add3A_31 = arith.addi %mul3A_29, %add3A_30 : i32
    "tpu.region"() ({
      %run_scoped3A = tpu.sem_alloc : memref<!tpu.dma_semaphore, #tpu.memory_space<semaphore_mem>>
      %dma_start3A = arith.constant 0 : i32
      %dma_start3A_95 = tpu.memref_slice %arg10[%add3A_31, %dma_start3A] : memref<10240x128xf32, #tpu.memory_space<vmem_shared>> -> memref<32x128xf32, #tpu.memory_space<vmem_shared>>
      %dma_start3A_96 = arith.constant 0 : i32
      %dma_start3A_97 = tpu.memref_slice %arg10[%add3A_31, %dma_start3A_96] : memref<10240x128xf32, #tpu.memory_space<vmem_shared>> -> memref<32x128xf32, #tpu.memory_space<vmem_shared>>
      tpu.enqueue_dma source(%arg9 : memref<32x128xf32, #tpu.memory_space<vmem>>) target(%dma_start3A_97 : memref<32x128xf32, #tpu.memory_space<vmem_shared>>) target_semaphore(%run_scoped3A : memref<!tpu.dma_semaphore, #tpu.memory_space<semaphore_mem>>)
      %dma_wait3A = arith.constant 0 : i32
      %dma_wait3A_98 = tpu.memref_slice %arg10[%add3A_31, %dma_wait3A] : memref<10240x128xf32, #tpu.memory_space<vmem_shared>> -> memref<32x128xf32, #tpu.memory_space<vmem_shared>>
      %dma_wait3A_99 = arith.constant 0 : i32
      %dma_wait3A_100 = tpu.memref_slice %arg10[%add3A_31, %dma_wait3A_99] : memref<10240x128xf32, #tpu.memory_space<vmem_shared>> -> memref<32x128xf32, #tpu.memory_space<vmem_shared>>
      tpu.wait_dma2 semaphore(%run_scoped3A : memref<!tpu.dma_semaphore, #tpu.memory_space<semaphore_mem>>) src(%arg9 : memref<32x128xf32, #tpu.memory_space<vmem>>) dst(%dma_wait3A_100 : memref<32x128xf32, #tpu.memory_space<vmem_shared>>)
      tpu.yield
    }) : () -> ()
    %mul3A_32 = arith.constant 640 : i32
    %mul3A_33 = arith.muli %arg1, %mul3A_32 : i32
    %add3A_34 = arith.constant 224 : i32
    %add3A_35 = arith.addi %mul3A_33, %add3A_34 : i32
    "tpu.region"() ({
      %run_scoped3A = tpu.sem_alloc : memref<!tpu.dma_semaphore, #tpu.memory_space<semaphore_mem>>
      %dma_start3A = arith.constant 0 : i32
      %dma_start3A_95 = tpu.memref_slice %arg10[%add3A_35, %dma_start3A] : memref<10240x128xf32, #tpu.memory_space<vmem_shared>> -> memref<32x128xf32, #tpu.memory_space<vmem_shared>>
      %dma_start3A_96 = arith.constant 0 : i32
      %dma_start3A_97 = tpu.memref_slice %arg10[%add3A_35, %dma_start3A_96] : memref<10240x128xf32, #tpu.memory_space<vmem_shared>> -> memref<32x128xf32, #tpu.memory_space<vmem_shared>>
      tpu.enqueue_dma source(%arg9 : memref<32x128xf32, #tpu.memory_space<vmem>>) target(%dma_start3A_97 : memref<32x128xf32, #tpu.memory_space<vmem_shared>>) target_semaphore(%run_scoped3A : memref<!tpu.dma_semaphore, #tpu.memory_space<semaphore_mem>>)
      %dma_wait3A = arith.constant 0 : i32
      %dma_wait3A_98 = tpu.memref_slice %arg10[%add3A_35, %dma_wait3A] : memref<10240x128xf32, #tpu.memory_space<vmem_shared>> -> memref<32x128xf32, #tpu.memory_space<vmem_shared>>
      %dma_wait3A_99 = arith.constant 0 : i32
      %dma_wait3A_100 = tpu.memref_slice %arg10[%add3A_35, %dma_wait3A_99] : memref<10240x128xf32, #tpu.memory_space<vmem_shared>> -> memref<32x128xf32, #tpu.memory_space<vmem_shared>>
      tpu.wait_dma2 semaphore(%run_scoped3A : memref<!tpu.dma_semaphore, #tpu.memory_space<semaphore_mem>>) src(%arg9 : memref<32x128xf32, #tpu.memory_space<vmem>>) dst(%dma_wait3A_100 : memref<32x128xf32, #tpu.memory_space<vmem_shared>>)
      tpu.yield
    }) : () -> ()
    %mul3A_36 = arith.constant 640 : i32
    %mul3A_37 = arith.muli %arg1, %mul3A_36 : i32
    %add3A_38 = arith.constant 256 : i32
    %add3A_39 = arith.addi %mul3A_37, %add3A_38 : i32
    "tpu.region"() ({
      %run_scoped3A = tpu.sem_alloc : memref<!tpu.dma_semaphore, #tpu.memory_space<semaphore_mem>>
      %dma_start3A = arith.constant 0 : i32
      %dma_start3A_95 = tpu.memref_slice %arg10[%add3A_39, %dma_start3A] : memref<10240x128xf32, #tpu.memory_space<vmem_shared>> -> memref<32x128xf32, #tpu.memory_space<vmem_shared>>
      %dma_start3A_96 = arith.constant 0 : i32
      %dma_start3A_97 = tpu.memref_slice %arg10[%add3A_39, %dma_start3A_96] : memref<10240x128xf32, #tpu.memory_space<vmem_shared>> -> memref<32x128xf32, #tpu.memory_space<vmem_shared>>
      tpu.enqueue_dma source(%arg9 : memref<32x128xf32, #tpu.memory_space<vmem>>) target(%dma_start3A_97 : memref<32x128xf32, #tpu.memory_space<vmem_shared>>) target_semaphore(%run_scoped3A : memref<!tpu.dma_semaphore, #tpu.memory_space<semaphore_mem>>)
      %dma_wait3A = arith.constant 0 : i32
      %dma_wait3A_98 = tpu.memref_slice %arg10[%add3A_39, %dma_wait3A] : memref<10240x128xf32, #tpu.memory_space<vmem_shared>> -> memref<32x128xf32, #tpu.memory_space<vmem_shared>>
      %dma_wait3A_99 = arith.constant 0 : i32
      %dma_wait3A_100 = tpu.memref_slice %arg10[%add3A_39, %dma_wait3A_99] : memref<10240x128xf32, #tpu.memory_space<vmem_shared>> -> memref<32x128xf32, #tpu.memory_space<vmem_shared>>
      tpu.wait_dma2 semaphore(%run_scoped3A : memref<!tpu.dma_semaphore, #tpu.memory_space<semaphore_mem>>) src(%arg9 : memref<32x128xf32, #tpu.memory_space<vmem>>) dst(%dma_wait3A_100 : memref<32x128xf32, #tpu.memory_space<vmem_shared>>)
      tpu.yield
    }) : () -> ()
    %mul3A_40 = arith.constant 640 : i32
    %mul3A_41 = arith.muli %arg1, %mul3A_40 : i32
    %add3A_42 = arith.constant 288 : i32
    %add3A_43 = arith.addi %mul3A_41, %add3A_42 : i32
    "tpu.region"() ({
      %run_scoped3A = tpu.sem_alloc : memref<!tpu.dma_semaphore, #tpu.memory_space<semaphore_mem>>
      %dma_start3A = arith.constant 0 : i32
      %dma_start3A_95 = tpu.memref_slice %arg10[%add3A_43, %dma_start3A] : memref<10240x128xf32, #tpu.memory_space<vmem_shared>> -> memref<32x128xf32, #tpu.memory_space<vmem_shared>>
      %dma_start3A_96 = arith.constant 0 : i32
      %dma_start3A_97 = tpu.memref_slice %arg10[%add3A_43, %dma_start3A_96] : memref<10240x128xf32, #tpu.memory_space<vmem_shared>> -> memref<32x128xf32, #tpu.memory_space<vmem_shared>>
      tpu.enqueue_dma source(%arg9 : memref<32x128xf32, #tpu.memory_space<vmem>>) target(%dma_start3A_97 : memref<32x128xf32, #tpu.memory_space<vmem_shared>>) target_semaphore(%run_scoped3A : memref<!tpu.dma_semaphore, #tpu.memory_space<semaphore_mem>>)
      %dma_wait3A = arith.constant 0 : i32
      %dma_wait3A_98 = tpu.memref_slice %arg10[%add3A_43, %dma_wait3A] : memref<10240x128xf32, #tpu.memory_space<vmem_shared>> -> memref<32x128xf32, #tpu.memory_space<vmem_shared>>
      %dma_wait3A_99 = arith.constant 0 : i32
      %dma_wait3A_100 = tpu.memref_slice %arg10[%add3A_43, %dma_wait3A_99] : memref<10240x128xf32, #tpu.memory_space<vmem_shared>> -> memref<32x128xf32, #tpu.memory_space<vmem_shared>>
      tpu.wait_dma2 semaphore(%run_scoped3A : memref<!tpu.dma_semaphore, #tpu.memory_space<semaphore_mem>>) src(%arg9 : memref<32x128xf32, #tpu.memory_space<vmem>>) dst(%dma_wait3A_100 : memref<32x128xf32, #tpu.memory_space<vmem_shared>>)
      tpu.yield
    }) : () -> ()
    %mul3A_44 = arith.constant 640 : i32
    %mul3A_45 = arith.muli %arg1, %mul3A_44 : i32
    %add3A_46 = arith.constant 320 : i32
    %add3A_47 = arith.addi %mul3A_45, %add3A_46 : i32
    "tpu.region"() ({
      %run_scoped3A = tpu.sem_alloc : memref<!tpu.dma_semaphore, #tpu.memory_space<semaphore_mem>>
      %dma_start3A = arith.constant 0 : i32
      %dma_start3A_95 = tpu.memref_slice %arg10[%add3A_47, %dma_start3A] : memref<10240x128xf32, #tpu.memory_space<vmem_shared>> -> memref<32x128xf32, #tpu.memory_space<vmem_shared>>
      %dma_start3A_96 = arith.constant 0 : i32
      %dma_start3A_97 = tpu.memref_slice %arg10[%add3A_47, %dma_start3A_96] : memref<10240x128xf32, #tpu.memory_space<vmem_shared>> -> memref<32x128xf32, #tpu.memory_space<vmem_shared>>
      tpu.enqueue_dma source(%arg9 : memref<32x128xf32, #tpu.memory_space<vmem>>) target(%dma_start3A_97 : memref<32x128xf32, #tpu.memory_space<vmem_shared>>) target_semaphore(%run_scoped3A : memref<!tpu.dma_semaphore, #tpu.memory_space<semaphore_mem>>)
      %dma_wait3A = arith.constant 0 : i32
      %dma_wait3A_98 = tpu.memref_slice %arg10[%add3A_47, %dma_wait3A] : memref<10240x128xf32, #tpu.memory_space<vmem_shared>> -> memref<32x128xf32, #tpu.memory_space<vmem_shared>>
      %dma_wait3A_99 = arith.constant 0 : i32
      %dma_wait3A_100 = tpu.memref_slice %arg10[%add3A_47, %dma_wait3A_99] : memref<10240x128xf32, #tpu.memory_space<vmem_shared>> -> memref<32x128xf32, #tpu.memory_space<vmem_shared>>
      tpu.wait_dma2 semaphore(%run_scoped3A : memref<!tpu.dma_semaphore, #tpu.memory_space<semaphore_mem>>) src(%arg9 : memref<32x128xf32, #tpu.memory_space<vmem>>) dst(%dma_wait3A_100 : memref<32x128xf32, #tpu.memory_space<vmem_shared>>)
      tpu.yield
    }) : () -> ()
    %mul3A_48 = arith.constant 640 : i32
    %mul3A_49 = arith.muli %arg1, %mul3A_48 : i32
    %add3A_50 = arith.constant 352 : i32
    %add3A_51 = arith.addi %mul3A_49, %add3A_50 : i32
    "tpu.region"() ({
      %run_scoped3A = tpu.sem_alloc : memref<!tpu.dma_semaphore, #tpu.memory_space<semaphore_mem>>
      %dma_start3A = arith.constant 0 : i32
      %dma_start3A_95 = tpu.memref_slice %arg10[%add3A_51, %dma_start3A] : memref<10240x128xf32, #tpu.memory_space<vmem_shared>> -> memref<32x128xf32, #tpu.memory_space<vmem_shared>>
      %dma_start3A_96 = arith.constant 0 : i32
      %dma_start3A_97 = tpu.memref_slice %arg10[%add3A_51, %dma_start3A_96] : memref<10240x128xf32, #tpu.memory_space<vmem_shared>> -> memref<32x128xf32, #tpu.memory_space<vmem_shared>>
      tpu.enqueue_dma source(%arg9 : memref<32x128xf32, #tpu.memory_space<vmem>>) target(%dma_start3A_97 : memref<32x128xf32, #tpu.memory_space<vmem_shared>>) target_semaphore(%run_scoped3A : memref<!tpu.dma_semaphore, #tpu.memory_space<semaphore_mem>>)
      %dma_wait3A = arith.constant 0 : i32
      %dma_wait3A_98 = tpu.memref_slice %arg10[%add3A_51, %dma_wait3A] : memref<10240x128xf32, #tpu.memory_space<vmem_shared>> -> memref<32x128xf32, #tpu.memory_space<vmem_shared>>
      %dma_wait3A_99 = arith.constant 0 : i32
      %dma_wait3A_100 = tpu.memref_slice %arg10[%add3A_51, %dma_wait3A_99] : memref<10240x128xf32, #tpu.memory_space<vmem_shared>> -> memref<32x128xf32, #tpu.memory_space<vmem_shared>>
      tpu.wait_dma2 semaphore(%run_scoped3A : memref<!tpu.dma_semaphore, #tpu.memory_space<semaphore_mem>>) src(%arg9 : memref<32x128xf32, #tpu.memory_space<vmem>>) dst(%dma_wait3A_100 : memref<32x128xf32, #tpu.memory_space<vmem_shared>>)
      tpu.yield
    }) : () -> ()
    %mul3A_52 = arith.constant 640 : i32
    %mul3A_53 = arith.muli %arg1, %mul3A_52 : i32
    %add3A_54 = arith.constant 384 : i32
    %add3A_55 = arith.addi %mul3A_53, %add3A_54 : i32
    "tpu.region"() ({
      %run_scoped3A = tpu.sem_alloc : memref<!tpu.dma_semaphore, #tpu.memory_space<semaphore_mem>>
      %dma_start3A = arith.constant 0 : i32
      %dma_start3A_95 = tpu.memref_slice %arg10[%add3A_55, %dma_start3A] : memref<10240x128xf32, #tpu.memory_space<vmem_shared>> -> memref<32x128xf32, #tpu.memory_space<vmem_shared>>
      %dma_start3A_96 = arith.constant 0 : i32
      %dma_start3A_97 = tpu.memref_slice %arg10[%add3A_55, %dma_start3A_96] : memref<10240x128xf32, #tpu.memory_space<vmem_shared>> -> memref<32x128xf32, #tpu.memory_space<vmem_shared>>
      tpu.enqueue_dma source(%arg9 : memref<32x128xf32, #tpu.memory_space<vmem>>) target(%dma_start3A_97 : memref<32x128xf32, #tpu.memory_space<vmem_shared>>) target_semaphore(%run_scoped3A : memref<!tpu.dma_semaphore, #tpu.memory_space<semaphore_mem>>)
      %dma_wait3A = arith.constant 0 : i32
      %dma_wait3A_98 = tpu.memref_slice %arg10[%add3A_55, %dma_wait3A] : memref<10240x128xf32, #tpu.memory_space<vmem_shared>> -> memref<32x128xf32, #tpu.memory_space<vmem_shared>>
      %dma_wait3A_99 = arith.constant 0 : i32
      %dma_wait3A_100 = tpu.memref_slice %arg10[%add3A_55, %dma_wait3A_99] : memref<10240x128xf32, #tpu.memory_space<vmem_shared>> -> memref<32x128xf32, #tpu.memory_space<vmem_shared>>
      tpu.wait_dma2 semaphore(%run_scoped3A : memref<!tpu.dma_semaphore, #tpu.memory_space<semaphore_mem>>) src(%arg9 : memref<32x128xf32, #tpu.memory_space<vmem>>) dst(%dma_wait3A_100 : memref<32x128xf32, #tpu.memory_space<vmem_shared>>)
      tpu.yield
    }) : () -> ()
    %mul3A_56 = arith.constant 640 : i32
    %mul3A_57 = arith.muli %arg1, %mul3A_56 : i32
    %add3A_58 = arith.constant 416 : i32
    %add3A_59 = arith.addi %mul3A_57, %add3A_58 : i32
    "tpu.region"() ({
      %run_scoped3A = tpu.sem_alloc : memref<!tpu.dma_semaphore, #tpu.memory_space<semaphore_mem>>
      %dma_start3A = arith.constant 0 : i32
      %dma_start3A_95 = tpu.memref_slice %arg10[%add3A_59, %dma_start3A] : memref<10240x128xf32, #tpu.memory_space<vmem_shared>> -> memref<32x128xf32, #tpu.memory_space<vmem_shared>>
      %dma_start3A_96 = arith.constant 0 : i32
      %dma_start3A_97 = tpu.memref_slice %arg10[%add3A_59, %dma_start3A_96] : memref<10240x128xf32, #tpu.memory_space<vmem_shared>> -> memref<32x128xf32, #tpu.memory_space<vmem_shared>>
      tpu.enqueue_dma source(%arg9 : memref<32x128xf32, #tpu.memory_space<vmem>>) target(%dma_start3A_97 : memref<32x128xf32, #tpu.memory_space<vmem_shared>>) target_semaphore(%run_scoped3A : memref<!tpu.dma_semaphore, #tpu.memory_space<semaphore_mem>>)
      %dma_wait3A = arith.constant 0 : i32
      %dma_wait3A_98 = tpu.memref_slice %arg10[%add3A_59, %dma_wait3A] : memref<10240x128xf32, #tpu.memory_space<vmem_shared>> -> memref<32x128xf32, #tpu.memory_space<vmem_shared>>
      %dma_wait3A_99 = arith.constant 0 : i32
      %dma_wait3A_100 = tpu.memref_slice %arg10[%add3A_59, %dma_wait3A_99] : memref<10240x128xf32, #tpu.memory_space<vmem_shared>> -> memref<32x128xf32, #tpu.memory_space<vmem_shared>>
      tpu.wait_dma2 semaphore(%run_scoped3A : memref<!tpu.dma_semaphore, #tpu.memory_space<semaphore_mem>>) src(%arg9 : memref<32x128xf32, #tpu.memory_space<vmem>>) dst(%dma_wait3A_100 : memref<32x128xf32, #tpu.memory_space<vmem_shared>>)
      tpu.yield
    }) : () -> ()
    %mul3A_60 = arith.constant 640 : i32
    %mul3A_61 = arith.muli %arg1, %mul3A_60 : i32
    %add3A_62 = arith.constant 448 : i32
    %add3A_63 = arith.addi %mul3A_61, %add3A_62 : i32
    "tpu.region"() ({
      %run_scoped3A = tpu.sem_alloc : memref<!tpu.dma_semaphore, #tpu.memory_space<semaphore_mem>>
      %dma_start3A = arith.constant 0 : i32
      %dma_start3A_95 = tpu.memref_slice %arg10[%add3A_63, %dma_start3A] : memref<10240x128xf32, #tpu.memory_space<vmem_shared>> -> memref<32x128xf32, #tpu.memory_space<vmem_shared>>
      %dma_start3A_96 = arith.constant 0 : i32
      %dma_start3A_97 = tpu.memref_slice %arg10[%add3A_63, %dma_start3A_96] : memref<10240x128xf32, #tpu.memory_space<vmem_shared>> -> memref<32x128xf32, #tpu.memory_space<vmem_shared>>
      tpu.enqueue_dma source(%arg9 : memref<32x128xf32, #tpu.memory_space<vmem>>) target(%dma_start3A_97 : memref<32x128xf32, #tpu.memory_space<vmem_shared>>) target_semaphore(%run_scoped3A : memref<!tpu.dma_semaphore, #tpu.memory_space<semaphore_mem>>)
      %dma_wait3A = arith.constant 0 : i32
      %dma_wait3A_98 = tpu.memref_slice %arg10[%add3A_63, %dma_wait3A] : memref<10240x128xf32, #tpu.memory_space<vmem_shared>> -> memref<32x128xf32, #tpu.memory_space<vmem_shared>>
      %dma_wait3A_99 = arith.constant 0 : i32
      %dma_wait3A_100 = tpu.memref_slice %arg10[%add3A_63, %dma_wait3A_99] : memref<10240x128xf32, #tpu.memory_space<vmem_shared>> -> memref<32x128xf32, #tpu.memory_space<vmem_shared>>
      tpu.wait_dma2 semaphore(%run_scoped3A : memref<!tpu.dma_semaphore, #tpu.memory_space<semaphore_mem>>) src(%arg9 : memref<32x128xf32, #tpu.memory_space<vmem>>) dst(%dma_wait3A_100 : memref<32x128xf32, #tpu.memory_space<vmem_shared>>)
      tpu.yield
    }) : () -> ()
    %mul3A_64 = arith.constant 640 : i32
    %mul3A_65 = arith.muli %arg1, %mul3A_64 : i32
    %add3A_66 = arith.constant 480 : i32
    %add3A_67 = arith.addi %mul3A_65, %add3A_66 : i32
    "tpu.region"() ({
      %run_scoped3A = tpu.sem_alloc : memref<!tpu.dma_semaphore, #tpu.memory_space<semaphore_mem>>
      %dma_start3A = arith.constant 0 : i32
      %dma_start3A_95 = tpu.memref_slice %arg10[%add3A_67, %dma_start3A] : memref<10240x128xf32, #tpu.memory_space<vmem_shared>> -> memref<32x128xf32, #tpu.memory_space<vmem_shared>>
      %dma_start3A_96 = arith.constant 0 : i32
      %dma_start3A_97 = tpu.memref_slice %arg10[%add3A_67, %dma_start3A_96] : memref<10240x128xf32, #tpu.memory_space<vmem_shared>> -> memref<32x128xf32, #tpu.memory_space<vmem_shared>>
      tpu.enqueue_dma source(%arg9 : memref<32x128xf32, #tpu.memory_space<vmem>>) target(%dma_start3A_97 : memref<32x128xf32, #tpu.memory_space<vmem_shared>>) target_semaphore(%run_scoped3A : memref<!tpu.dma_semaphore, #tpu.memory_space<semaphore_mem>>)
      %dma_wait3A = arith.constant 0 : i32
      %dma_wait3A_98 = tpu.memref_slice %arg10[%add3A_67, %dma_wait3A] : memref<10240x128xf32, #tpu.memory_space<vmem_shared>> -> memref<32x128xf32, #tpu.memory_space<vmem_shared>>
      %dma_wait3A_99 = arith.constant 0 : i32
      %dma_wait3A_100 = tpu.memref_slice %arg10[%add3A_67, %dma_wait3A_99] : memref<10240x128xf32, #tpu.memory_space<vmem_shared>> -> memref<32x128xf32, #tpu.memory_space<vmem_shared>>
      tpu.wait_dma2 semaphore(%run_scoped3A : memref<!tpu.dma_semaphore, #tpu.memory_space<semaphore_mem>>) src(%arg9 : memref<32x128xf32, #tpu.memory_space<vmem>>) dst(%dma_wait3A_100 : memref<32x128xf32, #tpu.memory_space<vmem_shared>>)
      tpu.yield
    }) : () -> ()
    %mul3A_68 = arith.constant 640 : i32
    %mul3A_69 = arith.muli %arg1, %mul3A_68 : i32
    %add3A_70 = arith.constant 512 : i32
    %add3A_71 = arith.addi %mul3A_69, %add3A_70 : i32
    "tpu.region"() ({
      %run_scoped3A = tpu.sem_alloc : memref<!tpu.dma_semaphore, #tpu.memory_space<semaphore_mem>>
      %dma_start3A = arith.constant 0 : i32
      %dma_start3A_95 = tpu.memref_slice %arg10[%add3A_71, %dma_start3A] : memref<10240x128xf32, #tpu.memory_space<vmem_shared>> -> memref<32x128xf32, #tpu.memory_space<vmem_shared>>
      %dma_start3A_96 = arith.constant 0 : i32
      %dma_start3A_97 = tpu.memref_slice %arg10[%add3A_71, %dma_start3A_96] : memref<10240x128xf32, #tpu.memory_space<vmem_shared>> -> memref<32x128xf32, #tpu.memory_space<vmem_shared>>
      tpu.enqueue_dma source(%arg9 : memref<32x128xf32, #tpu.memory_space<vmem>>) target(%dma_start3A_97 : memref<32x128xf32, #tpu.memory_space<vmem_shared>>) target_semaphore(%run_scoped3A : memref<!tpu.dma_semaphore, #tpu.memory_space<semaphore_mem>>)
      %dma_wait3A = arith.constant 0 : i32
      %dma_wait3A_98 = tpu.memref_slice %arg10[%add3A_71, %dma_wait3A] : memref<10240x128xf32, #tpu.memory_space<vmem_shared>> -> memref<32x128xf32, #tpu.memory_space<vmem_shared>>
      %dma_wait3A_99 = arith.constant 0 : i32
      %dma_wait3A_100 = tpu.memref_slice %arg10[%add3A_71, %dma_wait3A_99] : memref<10240x128xf32, #tpu.memory_space<vmem_shared>> -> memref<32x128xf32, #tpu.memory_space<vmem_shared>>
      tpu.wait_dma2 semaphore(%run_scoped3A : memref<!tpu.dma_semaphore, #tpu.memory_space<semaphore_mem>>) src(%arg9 : memref<32x128xf32, #tpu.memory_space<vmem>>) dst(%dma_wait3A_100 : memref<32x128xf32, #tpu.memory_space<vmem_shared>>)
      tpu.yield
    }) : () -> ()
    %mul3A_72 = arith.constant 640 : i32
    %mul3A_73 = arith.muli %arg1, %mul3A_72 : i32
    %add3A_74 = arith.constant 544 : i32
    %add3A_75 = arith.addi %mul3A_73, %add3A_74 : i32
    "tpu.region"() ({
      %run_scoped3A = tpu.sem_alloc : memref<!tpu.dma_semaphore, #tpu.memory_space<semaphore_mem>>
      %dma_start3A = arith.constant 0 : i32
      %dma_start3A_95 = tpu.memref_slice %arg10[%add3A_75, %dma_start3A] : memref<10240x128xf32, #tpu.memory_space<vmem_shared>> -> memref<32x128xf32, #tpu.memory_space<vmem_shared>>
      %dma_start3A_96 = arith.constant 0 : i32
      %dma_start3A_97 = tpu.memref_slice %arg10[%add3A_75, %dma_start3A_96] : memref<10240x128xf32, #tpu.memory_space<vmem_shared>> -> memref<32x128xf32, #tpu.memory_space<vmem_shared>>
      tpu.enqueue_dma source(%arg9 : memref<32x128xf32, #tpu.memory_space<vmem>>) target(%dma_start3A_97 : memref<32x128xf32, #tpu.memory_space<vmem_shared>>) target_semaphore(%run_scoped3A : memref<!tpu.dma_semaphore, #tpu.memory_space<semaphore_mem>>)
      %dma_wait3A = arith.constant 0 : i32
      %dma_wait3A_98 = tpu.memref_slice %arg10[%add3A_75, %dma_wait3A] : memref<10240x128xf32, #tpu.memory_space<vmem_shared>> -> memref<32x128xf32, #tpu.memory_space<vmem_shared>>
      %dma_wait3A_99 = arith.constant 0 : i32
      %dma_wait3A_100 = tpu.memref_slice %arg10[%add3A_75, %dma_wait3A_99] : memref<10240x128xf32, #tpu.memory_space<vmem_shared>> -> memref<32x128xf32, #tpu.memory_space<vmem_shared>>
      tpu.wait_dma2 semaphore(%run_scoped3A : memref<!tpu.dma_semaphore, #tpu.memory_space<semaphore_mem>>) src(%arg9 : memref<32x128xf32, #tpu.memory_space<vmem>>) dst(%dma_wait3A_100 : memref<32x128xf32, #tpu.memory_space<vmem_shared>>)
      tpu.yield
    }) : () -> ()
    %mul3A_76 = arith.constant 640 : i32
    %mul3A_77 = arith.muli %arg1, %mul3A_76 : i32
    %add3A_78 = arith.constant 576 : i32
    %add3A_79 = arith.addi %mul3A_77, %add3A_78 : i32
    "tpu.region"() ({
      %run_scoped3A = tpu.sem_alloc : memref<!tpu.dma_semaphore, #tpu.memory_space<semaphore_mem>>
      %dma_start3A = arith.constant 0 : i32
      %dma_start3A_95 = tpu.memref_slice %arg10[%add3A_79, %dma_start3A] : memref<10240x128xf32, #tpu.memory_space<vmem_shared>> -> memref<32x128xf32, #tpu.memory_space<vmem_shared>>
      %dma_start3A_96 = arith.constant 0 : i32
      %dma_start3A_97 = tpu.memref_slice %arg10[%add3A_79, %dma_start3A_96] : memref<10240x128xf32, #tpu.memory_space<vmem_shared>> -> memref<32x128xf32, #tpu.memory_space<vmem_shared>>
      tpu.enqueue_dma source(%arg9 : memref<32x128xf32, #tpu.memory_space<vmem>>) target(%dma_start3A_97 : memref<32x128xf32, #tpu.memory_space<vmem_shared>>) target_semaphore(%run_scoped3A : memref<!tpu.dma_semaphore, #tpu.memory_space<semaphore_mem>>)
      %dma_wait3A = arith.constant 0 : i32
      %dma_wait3A_98 = tpu.memref_slice %arg10[%add3A_79, %dma_wait3A] : memref<10240x128xf32, #tpu.memory_space<vmem_shared>> -> memref<32x128xf32, #tpu.memory_space<vmem_shared>>
      %dma_wait3A_99 = arith.constant 0 : i32
      %dma_wait3A_100 = tpu.memref_slice %arg10[%add3A_79, %dma_wait3A_99] : memref<10240x128xf32, #tpu.memory_space<vmem_shared>> -> memref<32x128xf32, #tpu.memory_space<vmem_shared>>
      tpu.wait_dma2 semaphore(%run_scoped3A : memref<!tpu.dma_semaphore, #tpu.memory_space<semaphore_mem>>) src(%arg9 : memref<32x128xf32, #tpu.memory_space<vmem>>) dst(%dma_wait3A_100 : memref<32x128xf32, #tpu.memory_space<vmem_shared>>)
      tpu.yield
    }) : () -> ()
    %mul3A_80 = arith.constant 640 : i32
    %mul3A_81 = arith.muli %arg1, %mul3A_80 : i32
    %add3A_82 = arith.constant 608 : i32
    %add3A_83 = arith.addi %mul3A_81, %add3A_82 : i32
    "tpu.region"() ({
      %run_scoped3A = tpu.sem_alloc : memref<!tpu.dma_semaphore, #tpu.memory_space<semaphore_mem>>
      %dma_start3A = arith.constant 0 : i32
      %dma_start3A_95 = tpu.memref_slice %arg10[%add3A_83, %dma_start3A] : memref<10240x128xf32, #tpu.memory_space<vmem_shared>> -> memref<32x128xf32, #tpu.memory_space<vmem_shared>>
      %dma_start3A_96 = arith.constant 0 : i32
      %dma_start3A_97 = tpu.memref_slice %arg10[%add3A_83, %dma_start3A_96] : memref<10240x128xf32, #tpu.memory_space<vmem_shared>> -> memref<32x128xf32, #tpu.memory_space<vmem_shared>>
      tpu.enqueue_dma source(%arg9 : memref<32x128xf32, #tpu.memory_space<vmem>>) target(%dma_start3A_97 : memref<32x128xf32, #tpu.memory_space<vmem_shared>>) target_semaphore(%run_scoped3A : memref<!tpu.dma_semaphore, #tpu.memory_space<semaphore_mem>>)
      %dma_wait3A = arith.constant 0 : i32
      %dma_wait3A_98 = tpu.memref_slice %arg10[%add3A_83, %dma_wait3A] : memref<10240x128xf32, #tpu.memory_space<vmem_shared>> -> memref<32x128xf32, #tpu.memory_space<vmem_shared>>
      %dma_wait3A_99 = arith.constant 0 : i32
      %dma_wait3A_100 = tpu.memref_slice %arg10[%add3A_83, %dma_wait3A_99] : memref<10240x128xf32, #tpu.memory_space<vmem_shared>> -> memref<32x128xf32, #tpu.memory_space<vmem_shared>>
      tpu.wait_dma2 semaphore(%run_scoped3A : memref<!tpu.dma_semaphore, #tpu.memory_space<semaphore_mem>>) src(%arg9 : memref<32x128xf32, #tpu.memory_space<vmem>>) dst(%dma_wait3A_100 : memref<32x128xf32, #tpu.memory_space<vmem_shared>>)
      tpu.yield
    }) : () -> ()
    %barrier3A = arith.constant 0 : index
    tpu.barrier barrier_id(%barrier3A)
    %scan3A_84 = arith.constant 0 : i32
    %scan3A_85 = arith.constant 0 : i32
    %scan3A_86 = arith.constant 5 : i32
    %scan3A_87 = arith.addi %scan3A_85, %scan3A_86 : i32
    %scan3A_88 = arith.constant 1 : i32
    scf.for %scan3A_95 = %scan3A_85 to %scan3A_87 step %scan3A_88  : i32 {
      %run_scoped3A = arith.constant 0 : i32
      "tpu.region"() ({
        %run_scoped3A_124 = tpu.sem_alloc : memref<!tpu.dma_semaphore, #tpu.memory_space<semaphore_mem>>
        %dma_start3A_125 = arith.constant 0 : i32
        %dma_start3A_126 = arith.constant 0 : i32
        %dma_start3A_127 = tpu.memref_slice %arg3[%run_scoped3A, %arg1, %scan3A_95, %dma_start3A_125, %dma_start3A_126] : memref<2x16x5x25x80xi32, #tpu.memory_space<hbm>> -> memref<1x1x1x25x80xi32, #tpu.memory_space<hbm>>
        %dma_start3A_128 = tpu.memref_squeeze %dma_start3A_127 : memref<1x1x1x25x80xi32, #tpu.memory_space<hbm>> -> memref<25x80xi32, #tpu.memory_space<hbm>>
        %dma_start3A_129 = arith.constant 0 : i32
        %dma_start3A_130 = arith.constant 0 : i32
        %dma_start3A_131 = tpu.memref_slice %arg3[%run_scoped3A, %arg1, %scan3A_95, %dma_start3A_129, %dma_start3A_130] : memref<2x16x5x25x80xi32, #tpu.memory_space<hbm>> -> memref<1x1x1x25x80xi32, #tpu.memory_space<hbm>>
        %dma_start3A_132 = tpu.memref_squeeze %dma_start3A_131 : memref<1x1x1x25x80xi32, #tpu.memory_space<hbm>> -> memref<25x80xi32, #tpu.memory_space<hbm>>
        tpu.enqueue_dma source(%dma_start3A_132 : memref<25x80xi32, #tpu.memory_space<hbm>>) target(%arg5 : memref<25x80xi32, #tpu.memory_space<vmem>>) target_semaphore(%run_scoped3A_124 : memref<!tpu.dma_semaphore, #tpu.memory_space<semaphore_mem>>)
        %dma_wait3A_133 = arith.constant 0 : i32
        %dma_wait3A_134 = arith.constant 0 : i32
        %dma_wait3A_135 = tpu.memref_slice %arg3[%run_scoped3A, %arg1, %scan3A_95, %dma_wait3A_133, %dma_wait3A_134] : memref<2x16x5x25x80xi32, #tpu.memory_space<hbm>> -> memref<1x1x1x25x80xi32, #tpu.memory_space<hbm>>
        %dma_wait3A_136 = tpu.memref_squeeze %dma_wait3A_135 : memref<1x1x1x25x80xi32, #tpu.memory_space<hbm>> -> memref<25x80xi32, #tpu.memory_space<hbm>>
        %dma_wait3A_137 = arith.constant 0 : i32
        %dma_wait3A_138 = arith.constant 0 : i32
        %dma_wait3A_139 = tpu.memref_slice %arg3[%run_scoped3A, %arg1, %scan3A_95, %dma_wait3A_137, %dma_wait3A_138] : memref<2x16x5x25x80xi32, #tpu.memory_space<hbm>> -> memref<1x1x1x25x80xi32, #tpu.memory_space<hbm>>
        %dma_wait3A_140 = tpu.memref_squeeze %dma_wait3A_139 : memref<1x1x1x25x80xi32, #tpu.memory_space<hbm>> -> memref<25x80xi32, #tpu.memory_space<hbm>>
        tpu.wait_dma2 semaphore(%run_scoped3A_124 : memref<!tpu.dma_semaphore, #tpu.memory_space<semaphore_mem>>) src(%dma_wait3A_140 : memref<25x80xi32, #tpu.memory_space<hbm>>) dst(%arg5 : memref<25x80xi32, #tpu.memory_space<vmem>>)
        tpu.yield
      }) : () -> ()
      %run_scoped3A_96 = arith.constant 1 : i32
      "tpu.region"() ({
        %run_scoped3A_124 = tpu.sem_alloc : memref<!tpu.dma_semaphore, #tpu.memory_space<semaphore_mem>>
        %dma_start3A_125 = arith.constant 0 : i32
        %dma_start3A_126 = arith.constant 0 : i32
        %dma_start3A_127 = tpu.memref_slice %arg3[%run_scoped3A_96, %arg1, %scan3A_95, %dma_start3A_125, %dma_start3A_126] : memref<2x16x5x25x80xi32, #tpu.memory_space<hbm>> -> memref<1x1x1x25x80xi32, #tpu.memory_space<hbm>>
        %dma_start3A_128 = tpu.memref_squeeze %dma_start3A_127 : memref<1x1x1x25x80xi32, #tpu.memory_space<hbm>> -> memref<25x80xi32, #tpu.memory_space<hbm>>
        %dma_start3A_129 = arith.constant 0 : i32
        %dma_start3A_130 = arith.constant 0 : i32
        %dma_start3A_131 = tpu.memref_slice %arg3[%run_scoped3A_96, %arg1, %scan3A_95, %dma_start3A_129, %dma_start3A_130] : memref<2x16x5x25x80xi32, #tpu.memory_space<hbm>> -> memref<1x1x1x25x80xi32, #tpu.memory_space<hbm>>
        %dma_start3A_132 = tpu.memref_squeeze %dma_start3A_131 : memref<1x1x1x25x80xi32, #tpu.memory_space<hbm>> -> memref<25x80xi32, #tpu.memory_space<hbm>>
        tpu.enqueue_dma source(%dma_start3A_132 : memref<25x80xi32, #tpu.memory_space<hbm>>) target(%arg6 : memref<25x80xi32, #tpu.memory_space<vmem>>) target_semaphore(%run_scoped3A_124 : memref<!tpu.dma_semaphore, #tpu.memory_space<semaphore_mem>>)
        %dma_wait3A_133 = arith.constant 0 : i32
        %dma_wait3A_134 = arith.constant 0 : i32
        %dma_wait3A_135 = tpu.memref_slice %arg3[%run_scoped3A_96, %arg1, %scan3A_95, %dma_wait3A_133, %dma_wait3A_134] : memref<2x16x5x25x80xi32, #tpu.memory_space<hbm>> -> memref<1x1x1x25x80xi32, #tpu.memory_space<hbm>>
        %dma_wait3A_136 = tpu.memref_squeeze %dma_wait3A_135 : memref<1x1x1x25x80xi32, #tpu.memory_space<hbm>> -> memref<25x80xi32, #tpu.memory_space<hbm>>
        %dma_wait3A_137 = arith.constant 0 : i32
        %dma_wait3A_138 = arith.constant 0 : i32
        %dma_wait3A_139 = tpu.memref_slice %arg3[%run_scoped3A_96, %arg1, %scan3A_95, %dma_wait3A_137, %dma_wait3A_138] : memref<2x16x5x25x80xi32, #tpu.memory_space<hbm>> -> memref<1x1x1x25x80xi32, #tpu.memory_space<hbm>>
        %dma_wait3A_140 = tpu.memref_squeeze %dma_wait3A_139 : memref<1x1x1x25x80xi32, #tpu.memory_space<hbm>> -> memref<25x80xi32, #tpu.memory_space<hbm>>
        tpu.wait_dma2 semaphore(%run_scoped3A_124 : memref<!tpu.dma_semaphore, #tpu.memory_space<semaphore_mem>>) src(%dma_wait3A_140 : memref<25x80xi32, #tpu.memory_space<hbm>>) dst(%arg6 : memref<25x80xi32, #tpu.memory_space<vmem>>)
        tpu.yield
      }) : () -> ()
      %dma_start3A = arith.constant 0 : i32
      %dma_start3A_97 = arith.constant 0 : i32
      %dma_start3A_98 = tpu.memref_slice %arg5[%dma_start3A, %dma_start3A_97] : memref<25x80xi32, #tpu.memory_space<vmem>> -> memref<1x80xi32, #tpu.memory_space<vmem>>
      %dma_start3A_99 = tpu.memref_squeeze %dma_start3A_98 : memref<1x80xi32, #tpu.memory_space<vmem>> -> memref<80xi32, #tpu.memory_space<vmem>>
      %dma_start3A_100 = arith.constant 0 : i32
      %dma_start3A_101 = arith.constant 0 : i32
      %dma_start3A_102 = tpu.memref_slice %arg2[%arg0, %dma_start3A_100, %dma_start3A_101] : memref<2x10240x128xf32, #tpu.memory_space<hbm>> -> memref<1x10240x128xf32, #tpu.memory_space<hbm>>
      %dma_start3A_103 = tpu.memref_squeeze %dma_start3A_102 : memref<1x10240x128xf32, #tpu.memory_space<hbm>> -> memref<10240x128xf32, #tpu.memory_space<hbm>>
      %dma_start3A_104 = arith.constant 0 : i32
      %dma_start3A_105 = arith.constant 0 : i32
      %dma_start3A_106 = tpu.memref_slice %dma_start3A_103[%dma_start3A_104, %dma_start3A_105] : memref<10240x128xf32, #tpu.memory_space<hbm>> -> memref<10240x128xf32, #tpu.memory_space<hbm>>
      tpu.enqueue_indirect_dma source(%dma_start3A_106 : memref<10240x128xf32, #tpu.memory_space<hbm>>) target(%arg7 : memref<80x128xf32, #tpu.memory_space<vmem>>) offsets(%dma_start3A_99 : memref<80xi32, #tpu.memory_space<vmem>>) semaphore(%arg11 : memref<!tpu.dma_semaphore, #tpu.memory_space<semaphore_mem>>)
      %scan3A_107 = arith.constant 0 : i32
      %scan3A_108 = arith.constant 0 : i32
      %scan3A_109 = arith.constant 12 : i32
      %scan3A_110 = arith.addi %scan3A_108, %scan3A_109 : i32
      %scan3A_111 = arith.constant 1 : i32
      scf.for %scan3A_124 = %scan3A_108 to %scan3A_110 step %scan3A_111  : i32 {
        %mul3A_125 = arith.constant 2 : i32
        %mul3A_126 = arith.muli %scan3A_124, %mul3A_125 : i32
        %dma_wait3A_127 = arith.constant 0 : i32
        %dma_wait3A_128 = arith.constant 0 : i32
        %dma_wait3A_129 = tpu.memref_slice %arg5[%dma_wait3A_127, %dma_wait3A_128] : memref<25x80xi32, #tpu.memory_space<vmem>> -> memref<1x80xi32, #tpu.memory_space<vmem>>
        %dma_wait3A_130 = tpu.memref_squeeze %dma_wait3A_129 : memref<1x80xi32, #tpu.memory_space<vmem>> -> memref<80xi32, #tpu.memory_space<vmem>>
        %dma_wait3A_131 = arith.constant 0 : i32
        %dma_wait3A_132 = arith.constant 0 : i32
        %dma_wait3A_133 = tpu.memref_slice %arg2[%arg0, %dma_wait3A_131, %dma_wait3A_132] : memref<2x10240x128xf32, #tpu.memory_space<hbm>> -> memref<1x10240x128xf32, #tpu.memory_space<hbm>>
        %dma_wait3A_134 = tpu.memref_squeeze %dma_wait3A_133 : memref<1x10240x128xf32, #tpu.memory_space<hbm>> -> memref<10240x128xf32, #tpu.memory_space<hbm>>
        %dma_wait3A_135 = arith.constant 0 : i32
        %dma_wait3A_136 = arith.constant 0 : i32
        %dma_wait3A_137 = tpu.memref_slice %dma_wait3A_134[%dma_wait3A_135, %dma_wait3A_136] : memref<10240x128xf32, #tpu.memory_space<hbm>> -> memref<10240x128xf32, #tpu.memory_space<hbm>>
        tpu.wait_indirect_dma semaphore(%arg11 : memref<!tpu.dma_semaphore, #tpu.memory_space<semaphore_mem>>) src(%dma_wait3A_137 : memref<10240x128xf32, #tpu.memory_space<hbm>>) dst(%arg7 : memref<80x128xf32, #tpu.memory_space<vmem>>)
        %add3A_138 = arith.constant 1 : i32
        %add3A_139 = arith.addi %mul3A_126, %add3A_138 : i32
        %dma_start3A_140 = arith.constant 0 : i32
        %dma_start3A_141 = tpu.memref_slice %arg5[%add3A_139, %dma_start3A_140] : memref<25x80xi32, #tpu.memory_space<vmem>> -> memref<1x80xi32, #tpu.memory_space<vmem>>
        %dma_start3A_142 = tpu.memref_squeeze %dma_start3A_141 : memref<1x80xi32, #tpu.memory_space<vmem>> -> memref<80xi32, #tpu.memory_space<vmem>>
        %dma_start3A_143 = arith.constant 0 : i32
        %dma_start3A_144 = arith.constant 0 : i32
        %dma_start3A_145 = tpu.memref_slice %arg2[%arg0, %dma_start3A_143, %dma_start3A_144] : memref<2x10240x128xf32, #tpu.memory_space<hbm>> -> memref<1x10240x128xf32, #tpu.memory_space<hbm>>
        %dma_start3A_146 = tpu.memref_squeeze %dma_start3A_145 : memref<1x10240x128xf32, #tpu.memory_space<hbm>> -> memref<10240x128xf32, #tpu.memory_space<hbm>>
        %dma_start3A_147 = arith.constant 0 : i32
        %dma_start3A_148 = arith.constant 0 : i32
        %dma_start3A_149 = tpu.memref_slice %dma_start3A_146[%dma_start3A_147, %dma_start3A_148] : memref<10240x128xf32, #tpu.memory_space<hbm>> -> memref<10240x128xf32, #tpu.memory_space<hbm>>
        tpu.enqueue_indirect_dma source(%dma_start3A_149 : memref<10240x128xf32, #tpu.memory_space<hbm>>) target(%arg8 : memref<80x128xf32, #tpu.memory_space<vmem>>) offsets(%dma_start3A_142 : memref<80xi32, #tpu.memory_space<vmem>>) semaphore(%arg12 : memref<!tpu.dma_semaphore, #tpu.memory_space<semaphore_mem>>)
        "tpu.region"() ({
          %run_scoped3A_175 = tpu.sem_alloc : memref<!tpu.dma_semaphore, #tpu.memory_space<semaphore_mem>>
          %dma_start3A_176 = arith.constant 0 : i32
          %dma_start3A_177 = tpu.memref_slice %arg6[%mul3A_126, %dma_start3A_176] : memref<25x80xi32, #tpu.memory_space<vmem>> -> memref<1x80xi32, #tpu.memory_space<vmem>>
          %dma_start3A_178 = tpu.memref_squeeze %dma_start3A_177 : memref<1x80xi32, #tpu.memory_space<vmem>> -> memref<80xi32, #tpu.memory_space<vmem>>
          %dma_start3A_179 = arith.constant 0 : i32
          %dma_start3A_180 = arith.constant 0 : i32
          %dma_start3A_181 = tpu.memref_slice %arg10[%dma_start3A_179, %dma_start3A_180] : memref<10240x128xf32, #tpu.memory_space<vmem_shared>> -> memref<10240x128xf32, #tpu.memory_space<vmem_shared>>
          tpu.enqueue_indirect_dma source(%arg7 : memref<80x128xf32, #tpu.memory_space<vmem>>) target(%dma_start3A_181 : memref<10240x128xf32, #tpu.memory_space<vmem_shared>>) offsets(%dma_start3A_178 : memref<80xi32, #tpu.memory_space<vmem>>) semaphore(%run_scoped3A_175 : memref<!tpu.dma_semaphore, #tpu.memory_space<semaphore_mem>>) {add = true}
          %dma_wait3A_182 = arith.constant 0 : i32
          %dma_wait3A_183 = tpu.memref_slice %arg6[%mul3A_126, %dma_wait3A_182] : memref<25x80xi32, #tpu.memory_space<vmem>> -> memref<1x80xi32, #tpu.memory_space<vmem>>
          %dma_wait3A_184 = tpu.memref_squeeze %dma_wait3A_183 : memref<1x80xi32, #tpu.memory_space<vmem>> -> memref<80xi32, #tpu.memory_space<vmem>>
          %dma_wait3A_185 = arith.constant 0 : i32
          %dma_wait3A_186 = arith.constant 0 : i32
          %dma_wait3A_187 = tpu.memref_slice %arg10[%dma_wait3A_185, %dma_wait3A_186] : memref<10240x128xf32, #tpu.memory_space<vmem_shared>> -> memref<10240x128xf32, #tpu.memory_space<vmem_shared>>
          tpu.wait_indirect_dma semaphore(%run_scoped3A_175 : memref<!tpu.dma_semaphore, #tpu.memory_space<semaphore_mem>>) src(%arg7 : memref<80x128xf32, #tpu.memory_space<vmem>>) dst(%dma_wait3A_187 : memref<10240x128xf32, #tpu.memory_space<vmem_shared>>)
          tpu.yield
        }) : () -> ()
        %dma_wait3A_150 = arith.constant 0 : i32
        %dma_wait3A_151 = arith.constant 0 : i32
        %dma_wait3A_152 = tpu.memref_slice %arg5[%dma_wait3A_150, %dma_wait3A_151] : memref<25x80xi32, #tpu.memory_space<vmem>> -> memref<1x80xi32, #tpu.memory_space<vmem>>
        %dma_wait3A_153 = tpu.memref_squeeze %dma_wait3A_152 : memref<1x80xi32, #tpu.memory_space<vmem>> -> memref<80xi32, #tpu.memory_space<vmem>>
        %dma_wait3A_154 = arith.constant 0 : i32
        %dma_wait3A_155 = arith.constant 0 : i32
        %dma_wait3A_156 = tpu.memref_slice %arg2[%arg0, %dma_wait3A_154, %dma_wait3A_155] : memref<2x10240x128xf32, #tpu.memory_space<hbm>> -> memref<1x10240x128xf32, #tpu.memory_space<hbm>>
        %dma_wait3A_157 = tpu.memref_squeeze %dma_wait3A_156 : memref<1x10240x128xf32, #tpu.memory_space<hbm>> -> memref<10240x128xf32, #tpu.memory_space<hbm>>
        %dma_wait3A_158 = arith.constant 0 : i32
        %dma_wait3A_159 = arith.constant 0 : i32
        %dma_wait3A_160 = tpu.memref_slice %dma_wait3A_157[%dma_wait3A_158, %dma_wait3A_159] : memref<10240x128xf32, #tpu.memory_space<hbm>> -> memref<10240x128xf32, #tpu.memory_space<hbm>>
        tpu.wait_indirect_dma semaphore(%arg12 : memref<!tpu.dma_semaphore, #tpu.memory_space<semaphore_mem>>) src(%dma_wait3A_160 : memref<10240x128xf32, #tpu.memory_space<hbm>>) dst(%arg8 : memref<80x128xf32, #tpu.memory_space<vmem>>)
        %add3A_161 = arith.constant 2 : i32
        %add3A_162 = arith.addi %mul3A_126, %add3A_161 : i32
        %dma_start3A_163 = arith.constant 0 : i32
        %dma_start3A_164 = tpu.memref_slice %arg5[%add3A_162, %dma_start3A_163] : memref<25x80xi32, #tpu.memory_space<vmem>> -> memref<1x80xi32, #tpu.memory_space<vmem>>
        %dma_start3A_165 = tpu.memref_squeeze %dma_start3A_164 : memref<1x80xi32, #tpu.memory_space<vmem>> -> memref<80xi32, #tpu.memory_space<vmem>>
        %dma_start3A_166 = arith.constant 0 : i32
        %dma_start3A_167 = arith.constant 0 : i32
        %dma_start3A_168 = tpu.memref_slice %arg2[%arg0, %dma_start3A_166, %dma_start3A_167] : memref<2x10240x128xf32, #tpu.memory_space<hbm>> -> memref<1x10240x128xf32, #tpu.memory_space<hbm>>
        %dma_start3A_169 = tpu.memref_squeeze %dma_start3A_168 : memref<1x10240x128xf32, #tpu.memory_space<hbm>> -> memref<10240x128xf32, #tpu.memory_space<hbm>>
        %dma_start3A_170 = arith.constant 0 : i32
        %dma_start3A_171 = arith.constant 0 : i32
        %dma_start3A_172 = tpu.memref_slice %dma_start3A_169[%dma_start3A_170, %dma_start3A_171] : memref<10240x128xf32, #tpu.memory_space<hbm>> -> memref<10240x128xf32, #tpu.memory_space<hbm>>
        tpu.enqueue_indirect_dma source(%dma_start3A_172 : memref<10240x128xf32, #tpu.memory_space<hbm>>) target(%arg7 : memref<80x128xf32, #tpu.memory_space<vmem>>) offsets(%dma_start3A_165 : memref<80xi32, #tpu.memory_space<vmem>>) semaphore(%arg11 : memref<!tpu.dma_semaphore, #tpu.memory_space<semaphore_mem>>)
        %add3A_173 = arith.constant 1 : i32
        %add3A_174 = arith.addi %mul3A_126, %add3A_173 : i32
        "tpu.region"() ({
          %run_scoped3A_175 = tpu.sem_alloc : memref<!tpu.dma_semaphore, #tpu.memory_space<semaphore_mem>>
          %dma_start3A_176 = arith.constant 0 : i32
          %dma_start3A_177 = tpu.memref_slice %arg6[%add3A_174, %dma_start3A_176] : memref<25x80xi32, #tpu.memory_space<vmem>> -> memref<1x80xi32, #tpu.memory_space<vmem>>
          %dma_start3A_178 = tpu.memref_squeeze %dma_start3A_177 : memref<1x80xi32, #tpu.memory_space<vmem>> -> memref<80xi32, #tpu.memory_space<vmem>>
          %dma_start3A_179 = arith.constant 0 : i32
          %dma_start3A_180 = arith.constant 0 : i32
          %dma_start3A_181 = tpu.memref_slice %arg10[%dma_start3A_179, %dma_start3A_180] : memref<10240x128xf32, #tpu.memory_space<vmem_shared>> -> memref<10240x128xf32, #tpu.memory_space<vmem_shared>>
          tpu.enqueue_indirect_dma source(%arg8 : memref<80x128xf32, #tpu.memory_space<vmem>>) target(%dma_start3A_181 : memref<10240x128xf32, #tpu.memory_space<vmem_shared>>) offsets(%dma_start3A_178 : memref<80xi32, #tpu.memory_space<vmem>>) semaphore(%run_scoped3A_175 : memref<!tpu.dma_semaphore, #tpu.memory_space<semaphore_mem>>) {add = true}
          %dma_wait3A_182 = arith.constant 0 : i32
          %dma_wait3A_183 = tpu.memref_slice %arg6[%add3A_174, %dma_wait3A_182] : memref<25x80xi32, #tpu.memory_space<vmem>> -> memref<1x80xi32, #tpu.memory_space<vmem>>
          %dma_wait3A_184 = tpu.memref_squeeze %dma_wait3A_183 : memref<1x80xi32, #tpu.memory_space<vmem>> -> memref<80xi32, #tpu.memory_space<vmem>>
          %dma_wait3A_185 = arith.constant 0 : i32
          %dma_wait3A_186 = arith.constant 0 : i32
          %dma_wait3A_187 = tpu.memref_slice %arg10[%dma_wait3A_185, %dma_wait3A_186] : memref<10240x128xf32, #tpu.memory_space<vmem_shared>> -> memref<10240x128xf32, #tpu.memory_space<vmem_shared>>
          tpu.wait_indirect_dma semaphore(%run_scoped3A_175 : memref<!tpu.dma_semaphore, #tpu.memory_space<semaphore_mem>>) src(%arg8 : memref<80x128xf32, #tpu.memory_space<vmem>>) dst(%dma_wait3A_187 : memref<10240x128xf32, #tpu.memory_space<vmem_shared>>)
          tpu.yield
        }) : () -> ()
      }
      %scan3A_112 = arith.constant 12 : i32
      %dma_wait3A = arith.constant 0 : i32
      %dma_wait3A_113 = arith.constant 0 : i32
      %dma_wait3A_114 = tpu.memref_slice %arg5[%dma_wait3A, %dma_wait3A_113] : memref<25x80xi32, #tpu.memory_space<vmem>> -> memref<1x80xi32, #tpu.memory_space<vmem>>
      %dma_wait3A_115 = tpu.memref_squeeze %dma_wait3A_114 : memref<1x80xi32, #tpu.memory_space<vmem>> -> memref<80xi32, #tpu.memory_space<vmem>>
      %dma_wait3A_116 = arith.constant 0 : i32
      %dma_wait3A_117 = arith.constant 0 : i32
      %dma_wait3A_118 = tpu.memref_slice %arg2[%arg0, %dma_wait3A_116, %dma_wait3A_117] : memref<2x10240x128xf32, #tpu.memory_space<hbm>> -> memref<1x10240x128xf32, #tpu.memory_space<hbm>>
      %dma_wait3A_119 = tpu.memref_squeeze %dma_wait3A_118 : memref<1x10240x128xf32, #tpu.memory_space<hbm>> -> memref<10240x128xf32, #tpu.memory_space<hbm>>
      %dma_wait3A_120 = arith.constant 0 : i32
      %dma_wait3A_121 = arith.constant 0 : i32
      %dma_wait3A_122 = tpu.memref_slice %dma_wait3A_119[%dma_wait3A_120, %dma_wait3A_121] : memref<10240x128xf32, #tpu.memory_space<hbm>> -> memref<10240x128xf32, #tpu.memory_space<hbm>>
      tpu.wait_indirect_dma semaphore(%arg11 : memref<!tpu.dma_semaphore, #tpu.memory_space<semaphore_mem>>) src(%dma_wait3A_122 : memref<10240x128xf32, #tpu.memory_space<hbm>>) dst(%arg7 : memref<80x128xf32, #tpu.memory_space<vmem>>)
      %run_scoped3A_123 = arith.constant 24 : i32
      "tpu.region"() ({
        %run_scoped3A_124 = tpu.sem_alloc : memref<!tpu.dma_semaphore, #tpu.memory_space<semaphore_mem>>
        %dma_start3A_125 = arith.constant 0 : i32
        %dma_start3A_126 = tpu.memref_slice %arg6[%run_scoped3A_123, %dma_start3A_125] : memref<25x80xi32, #tpu.memory_space<vmem>> -> memref<1x80xi32, #tpu.memory_space<vmem>>
        %dma_start3A_127 = tpu.memref_squeeze %dma_start3A_126 : memref<1x80xi32, #tpu.memory_space<vmem>> -> memref<80xi32, #tpu.memory_space<vmem>>
        %dma_start3A_128 = arith.constant 0 : i32
        %dma_start3A_129 = arith.constant 0 : i32
        %dma_start3A_130 = tpu.memref_slice %arg10[%dma_start3A_128, %dma_start3A_129] : memref<10240x128xf32, #tpu.memory_space<vmem_shared>> -> memref<10240x128xf32, #tpu.memory_space<vmem_shared>>
        tpu.enqueue_indirect_dma source(%arg7 : memref<80x128xf32, #tpu.memory_space<vmem>>) target(%dma_start3A_130 : memref<10240x128xf32, #tpu.memory_space<vmem_shared>>) offsets(%dma_start3A_127 : memref<80xi32, #tpu.memory_space<vmem>>) semaphore(%run_scoped3A_124 : memref<!tpu.dma_semaphore, #tpu.memory_space<semaphore_mem>>) {add = true}
        %dma_wait3A_131 = arith.constant 0 : i32
        %dma_wait3A_132 = tpu.memref_slice %arg6[%run_scoped3A_123, %dma_wait3A_131] : memref<25x80xi32, #tpu.memory_space<vmem>> -> memref<1x80xi32, #tpu.memory_space<vmem>>
        %dma_wait3A_133 = tpu.memref_squeeze %dma_wait3A_132 : memref<1x80xi32, #tpu.memory_space<vmem>> -> memref<80xi32, #tpu.memory_space<vmem>>
        %dma_wait3A_134 = arith.constant 0 : i32
        %dma_wait3A_135 = arith.constant 0 : i32
        %dma_wait3A_136 = tpu.memref_slice %arg10[%dma_wait3A_134, %dma_wait3A_135] : memref<10240x128xf32, #tpu.memory_space<vmem_shared>> -> memref<10240x128xf32, #tpu.memory_space<vmem_shared>>
        tpu.wait_indirect_dma semaphore(%run_scoped3A_124 : memref<!tpu.dma_semaphore, #tpu.memory_space<semaphore_mem>>) src(%arg7 : memref<80x128xf32, #tpu.memory_space<vmem>>) dst(%dma_wait3A_136 : memref<10240x128xf32, #tpu.memory_space<vmem_shared>>)
        tpu.yield
      }) : () -> ()
    }
    %scan3A_89 = arith.constant 5 : i32
    %barrier3A_90 = arith.constant 0 : index
    tpu.barrier barrier_id(%barrier3A_90)
    %mul3A_91 = arith.constant 640 : i32
    %mul3A_92 = arith.muli %arg1, %mul3A_91 : i32
    %mul3A_93 = arith.constant 640 : i32
    %mul3A_94 = arith.muli %arg1, %mul3A_93 : i32
    "tpu.region"() ({
      %run_scoped3A = tpu.sem_alloc : memref<!tpu.dma_semaphore, #tpu.memory_space<semaphore_mem>>
      %dma_start3A = arith.constant 0 : i32
      %dma_start3A_95 = tpu.memref_slice %arg4[%arg0, %mul3A_94, %dma_start3A] : memref<2x10240x128xf32, #tpu.memory_space<hbm>> -> memref<1x640x128xf32, #tpu.memory_space<hbm>>
      %dma_start3A_96 = tpu.memref_squeeze %dma_start3A_95 : memref<1x640x128xf32, #tpu.memory_space<hbm>> -> memref<640x128xf32, #tpu.memory_space<hbm>>
      %dma_start3A_97 = arith.constant 0 : i32
      %dma_start3A_98 = tpu.memref_slice %arg10[%mul3A_92, %dma_start3A_97] : memref<10240x128xf32, #tpu.memory_space<vmem_shared>> -> memref<640x128xf32, #tpu.memory_space<vmem_shared>>
      tpu.enqueue_dma source(%dma_start3A_98 : memref<640x128xf32, #tpu.memory_space<vmem_shared>>) target(%dma_start3A_96 : memref<640x128xf32, #tpu.memory_space<hbm>>) target_semaphore(%run_scoped3A : memref<!tpu.dma_semaphore, #tpu.memory_space<semaphore_mem>>)
      %dma_wait3A = arith.constant 0 : i32
      %dma_wait3A_99 = tpu.memref_slice %arg4[%arg0, %mul3A_94, %dma_wait3A] : memref<2x10240x128xf32, #tpu.memory_space<hbm>> -> memref<1x640x128xf32, #tpu.memory_space<hbm>>
      %dma_wait3A_100 = tpu.memref_squeeze %dma_wait3A_99 : memref<1x640x128xf32, #tpu.memory_space<hbm>> -> memref<640x128xf32, #tpu.memory_space<hbm>>
      %dma_wait3A_101 = arith.constant 0 : i32
      %dma_wait3A_102 = tpu.memref_slice %arg10[%mul3A_92, %dma_wait3A_101] : memref<10240x128xf32, #tpu.memory_space<vmem_shared>> -> memref<640x128xf32, #tpu.memory_space<vmem_shared>>
      tpu.wait_dma2 semaphore(%run_scoped3A : memref<!tpu.dma_semaphore, #tpu.memory_space<semaphore_mem>>) src(%dma_wait3A_102 : memref<640x128xf32, #tpu.memory_space<vmem_shared>>) dst(%dma_wait3A_100 : memref<640x128xf32, #tpu.memory_space<hbm>>)
      tpu.yield
    }) : () -> ()
    return
  }
}

#map = affine_map<(d0, d1) -> (0)>
module attributes {stable_mosaic.version = 14 : i64} {
  func.func @k(%arg0: i32, %arg1: i32, %arg2: memref<10240xf32, #tpu.memory_space<hbm>>, %arg3: memref<320000xi32, #tpu.memory_space<hbm>>, %arg4: memref<163840xf32, #tpu.memory_space<hbm>>, %arg5: memref<10000xi32, #tpu.memory_space<vmem>>, %arg6: memref<10000xi32, #tpu.memory_space<vmem>>, %arg7: memref<10240xf32, #tpu.memory_space<vmem>>, %arg8: memref<10240xf32, #tpu.memory_space<vmem>>) attributes {dimension_semantics = [#tpu.dimension_semantics<core_parallel>, #tpu.dimension_semantics<subcore_parallel>], iteration_bounds = array<i64: 2, 16>, scalar_prefetch = 0 : i64, scratch_operands = 4 : i64, tpu.core_type = #tpu.core_type<sc_vector_subcore>, window_params = [{transform_indices = #map}, {transform_indices = #map}, {transform_indices = #map}]} {
    %broadcast_in_dim3A = arith.constant 0.000000e+00 : f32
    %broadcast_in_dim3A_0 = vector.broadcast %broadcast_in_dim3A : f32 to vector<16xf32>
    %eq3A = arith.constant 0 : i32
    %eq3A_1 = arith.cmpi eq, %arg0, %eq3A : i32
    %convert_element_type3A = arith.extui %eq3A_1 : i1 to i32
    %cond3A = arith.constant 0 : i32
    %cond3A_2 = arith.cmpi ne, %convert_element_type3A, %cond3A : i32
    scf.if %cond3A_2 {
      "tpu.region"() ({
        %run_scoped3A = tpu.sem_alloc : memref<!tpu.dma_semaphore, #tpu.memory_space<semaphore_mem>>
        tpu.enqueue_dma source(%arg2 : memref<10240xf32, #tpu.memory_space<hbm>>) target(%arg7 : memref<10240xf32, #tpu.memory_space<vmem>>) target_semaphore(%run_scoped3A : memref<!tpu.dma_semaphore, #tpu.memory_space<semaphore_mem>>)
        tpu.wait_dma2 semaphore(%run_scoped3A : memref<!tpu.dma_semaphore, #tpu.memory_space<semaphore_mem>>) src(%arg2 : memref<10240xf32, #tpu.memory_space<hbm>>) dst(%arg7 : memref<10240xf32, #tpu.memory_space<vmem>>)
        tpu.yield
      }) : () -> ()
      %mul3A = arith.constant 10000 : i32
      %mul3A_3 = arith.muli %arg1, %mul3A : i32
      "tpu.region"() ({
        %run_scoped3A = tpu.sem_alloc : memref<!tpu.dma_semaphore, #tpu.memory_space<semaphore_mem>>
        %dma_start3A = tpu.memref_slice %arg3[%mul3A_3] : memref<320000xi32, #tpu.memory_space<hbm>> -> memref<10000xi32, #tpu.memory_space<hbm>>
        %dma_start3A_20 = tpu.memref_slice %arg3[%mul3A_3] : memref<320000xi32, #tpu.memory_space<hbm>> -> memref<10000xi32, #tpu.memory_space<hbm>>
        tpu.enqueue_dma source(%dma_start3A_20 : memref<10000xi32, #tpu.memory_space<hbm>>) target(%arg5 : memref<10000xi32, #tpu.memory_space<vmem>>) target_semaphore(%run_scoped3A : memref<!tpu.dma_semaphore, #tpu.memory_space<semaphore_mem>>)
        %dma_wait3A = tpu.memref_slice %arg3[%mul3A_3] : memref<320000xi32, #tpu.memory_space<hbm>> -> memref<10000xi32, #tpu.memory_space<hbm>>
        %dma_wait3A_21 = tpu.memref_slice %arg3[%mul3A_3] : memref<320000xi32, #tpu.memory_space<hbm>> -> memref<10000xi32, #tpu.memory_space<hbm>>
        tpu.wait_dma2 semaphore(%run_scoped3A : memref<!tpu.dma_semaphore, #tpu.memory_space<semaphore_mem>>) src(%dma_wait3A_21 : memref<10000xi32, #tpu.memory_space<hbm>>) dst(%arg5 : memref<10000xi32, #tpu.memory_space<vmem>>)
        tpu.yield
      }) : () -> ()
      %mul3A_4 = arith.constant 10000 : i32
      %mul3A_5 = arith.muli %arg1, %mul3A_4 : i32
      %add3A = arith.constant 160000 : i32
      %add3A_6 = arith.addi %add3A, %mul3A_5 : i32
      "tpu.region"() ({
        %run_scoped3A = tpu.sem_alloc : memref<!tpu.dma_semaphore, #tpu.memory_space<semaphore_mem>>
        %dma_start3A = tpu.memref_slice %arg3[%add3A_6] : memref<320000xi32, #tpu.memory_space<hbm>> -> memref<10000xi32, #tpu.memory_space<hbm>>
        %dma_start3A_20 = tpu.memref_slice %arg3[%add3A_6] : memref<320000xi32, #tpu.memory_space<hbm>> -> memref<10000xi32, #tpu.memory_space<hbm>>
        tpu.enqueue_dma source(%dma_start3A_20 : memref<10000xi32, #tpu.memory_space<hbm>>) target(%arg6 : memref<10000xi32, #tpu.memory_space<vmem>>) target_semaphore(%run_scoped3A : memref<!tpu.dma_semaphore, #tpu.memory_space<semaphore_mem>>)
        %dma_wait3A = tpu.memref_slice %arg3[%add3A_6] : memref<320000xi32, #tpu.memory_space<hbm>> -> memref<10000xi32, #tpu.memory_space<hbm>>
        %dma_wait3A_21 = tpu.memref_slice %arg3[%add3A_6] : memref<320000xi32, #tpu.memory_space<hbm>> -> memref<10000xi32, #tpu.memory_space<hbm>>
        tpu.wait_dma2 semaphore(%run_scoped3A : memref<!tpu.dma_semaphore, #tpu.memory_space<semaphore_mem>>) src(%dma_wait3A_21 : memref<10000xi32, #tpu.memory_space<hbm>>) dst(%arg6 : memref<10000xi32, #tpu.memory_space<vmem>>)
        tpu.yield
      }) : () -> ()
      %scan3A = arith.constant 0 : i32
      %scan3A_7 = arith.constant 0 : i32
      %scan3A_8 = arith.constant 640 : i32
      %scan3A_9 = arith.addi %scan3A_7, %scan3A_8 : i32
      %scan3A_10 = arith.constant 1 : i32
      scf.for %scan3A_20 = %scan3A_7 to %scan3A_9 step %scan3A_10  : i32 {
        %mul3A_21 = arith.constant 16 : i32
        %mul3A_22 = arith.muli %scan3A_20, %mul3A_21 : i32
        %swap3A = arith.index_cast %mul3A_22 : i32 to index
        %swap3A_23 = tpu.vector_load %arg8[%swap3A] {strides = array<i32>} : memref<10240xf32, #tpu.memory_space<vmem>>, vector<16xf32>,
        tpu.vector_store %arg8[%swap3A], %broadcast_in_dim3A_0 {strides = array<i32>} : memref<10240xf32, #tpu.memory_space<vmem>>, vector<16xf32>,
      }
      %scan3A_11 = arith.constant 640 : i32
      %scan3A_12 = arith.constant 0 : i32
      %scan3A_13 = arith.constant 0 : i32
      %scan3A_14 = arith.constant 625 : i32
      %scan3A_15 = arith.addi %scan3A_13, %scan3A_14 : i32
      %scan3A_16 = arith.constant 1 : i32
      scf.for %scan3A_20 = %scan3A_13 to %scan3A_15 step %scan3A_16  : i32 {
        %mul3A_21 = arith.constant 16 : i32
        %mul3A_22 = arith.muli %scan3A_20, %mul3A_21 : i32
        %get3A = arith.index_cast %mul3A_22 : i32 to index
        %get3A_23 = tpu.vector_load %arg5[%get3A] {strides = array<i32>} : memref<10000xi32, #tpu.memory_space<vmem>>, vector<16xi32>,
        %mul3A_24 = arith.constant 16 : i32
        %mul3A_25 = arith.muli %scan3A_20, %mul3A_24 : i32
        %get3A_26 = arith.index_cast %mul3A_25 : i32 to index
        %get3A_27 = tpu.vector_load %arg6[%get3A_26] {strides = array<i32>} : memref<10000xi32, #tpu.memory_space<vmem>>, vector<16xi32>,
        %gather3A = tpu.vector_load_idx %arg7[%get3A_23] : memref<10240xf32, #tpu.memory_space<vmem>>[vector<16xi32>], vector<16xf32>,
        tpu.vector_store_idx %arg8[%get3A_27], %gather3A {add = true} : memref<10240xf32, #tpu.memory_space<vmem>>[vector<16xi32>], vector<16xf32>,
      }
      %scan3A_17 = arith.constant 625 : i32
      %mul3A_18 = arith.constant 10240 : i32
      %mul3A_19 = arith.muli %arg1, %mul3A_18 : i32
      "tpu.region"() ({
        %run_scoped3A = tpu.sem_alloc : memref<!tpu.dma_semaphore, #tpu.memory_space<semaphore_mem>>
        %dma_start3A = tpu.memref_slice %arg4[%mul3A_19] : memref<163840xf32, #tpu.memory_space<hbm>> -> memref<10240xf32, #tpu.memory_space<hbm>>
        %dma_start3A_20 = tpu.memref_slice %arg4[%mul3A_19] : memref<163840xf32, #tpu.memory_space<hbm>> -> memref<10240xf32, #tpu.memory_space<hbm>>
        tpu.enqueue_dma source(%arg8 : memref<10240xf32, #tpu.memory_space<vmem>>) target(%dma_start3A_20 : memref<10240xf32, #tpu.memory_space<hbm>>) target_semaphore(%run_scoped3A : memref<!tpu.dma_semaphore, #tpu.memory_space<semaphore_mem>>)
        %dma_wait3A = tpu.memref_slice %arg4[%mul3A_19] : memref<163840xf32, #tpu.memory_space<hbm>> -> memref<10240xf32, #tpu.memory_space<hbm>>
        %dma_wait3A_21 = tpu.memref_slice %arg4[%mul3A_19] : memref<163840xf32, #tpu.memory_space<hbm>> -> memref<10240xf32, #tpu.memory_space<hbm>>
        tpu.wait_dma2 semaphore(%run_scoped3A : memref<!tpu.dma_semaphore, #tpu.memory_space<semaphore_mem>>) src(%arg8 : memref<10240xf32, #tpu.memory_space<vmem>>) dst(%dma_wait3A_21 : memref<10240xf32, #tpu.memory_space<hbm>>)
        tpu.yield
      }) : () -> ()
    } else {
    }
    return
  }
}

#map = affine_map<(d0, d1) -> (0)>
module attributes {stable_mosaic.version = 14 : i64} {
  func.func @k(%arg0: i32, %arg1: i32, %arg2: memref<320000xi32, #tpu.memory_space<hbm>>, %arg3: memref<163840xf32, #tpu.memory_space<hbm>>, %arg4: memref<163840xf32, #tpu.memory_space<hbm>>, %arg5: memref<10000xi32, #tpu.memory_space<vmem>>, %arg6: memref<10240xf32, #tpu.memory_space<vmem>>, %arg7: memref<10240xf32, #tpu.memory_space<vmem>>, %arg8: memref<10240xf32, #tpu.memory_space<vmem>>, %arg9: memref<163840xf32, #tpu.memory_space<vmem_shared>>) attributes {dimension_semantics = [#tpu.dimension_semantics<core_parallel>, #tpu.dimension_semantics<subcore_parallel>], iteration_bounds = array<i64: 2, 16>, scalar_prefetch = 0 : i64, scratch_operands = 5 : i64, tpu.core_type = #tpu.core_type<sc_vector_subcore>, window_params = [{transform_indices = #map}, {transform_indices = #map}, {transform_indices = #map}]} {
    %broadcast_in_dim3A = arith.constant 0.000000e+00 : f32
    %broadcast_in_dim3A_0 = vector.broadcast %broadcast_in_dim3A : f32 to vector<16xf32>
    %broadcast_in_dim3A_1 = arith.constant 1.000000e+00 : f32
    %broadcast_in_dim3A_2 = vector.broadcast %broadcast_in_dim3A_1 : f32 to vector<16xf32>
    %iota3A = tpu.iota {dimensions = array<i32: 0>} : vector<16xi32>
    %scan3A = arith.constant 0 : i32
    %scan3A_3 = arith.constant 0 : i32
    %scan3A_4 = arith.constant 640 : i32
    %scan3A_5 = arith.addi %scan3A_3, %scan3A_4 : i32
    %scan3A_6 = arith.constant 1 : i32
    scf.for %scan3A_96 = %scan3A_3 to %scan3A_5 step %scan3A_6  : i32 {
      %mul3A_97 = arith.constant 16 : i32
      %mul3A_98 = arith.muli %scan3A_96, %mul3A_97 : i32
      %swap3A = arith.index_cast %mul3A_98 : i32 to index
      %swap3A_99 = tpu.vector_load %arg6[%swap3A] {strides = array<i32>} : memref<10240xf32, #tpu.memory_space<vmem>>, vector<16xf32>,
      tpu.vector_store %arg6[%swap3A], %broadcast_in_dim3A_0 {strides = array<i32>} : memref<10240xf32, #tpu.memory_space<vmem>>, vector<16xf32>,
    }
    %scan3A_7 = arith.constant 640 : i32
    %mul3A = arith.constant 160000 : i32
    %mul3A_8 = arith.muli %arg0, %mul3A : i32
    %mul3A_9 = arith.constant 10000 : i32
    %mul3A_10 = arith.muli %arg1, %mul3A_9 : i32
    %add3A = arith.addi %mul3A_8, %mul3A_10 : i32
    "tpu.region"() ({
      %run_scoped3A = tpu.sem_alloc : memref<!tpu.dma_semaphore, #tpu.memory_space<semaphore_mem>>
      %dma_start3A = tpu.memref_slice %arg2[%add3A] : memref<320000xi32, #tpu.memory_space<hbm>> -> memref<10000xi32, #tpu.memory_space<hbm>>
      %dma_start3A_96 = tpu.memref_slice %arg2[%add3A] : memref<320000xi32, #tpu.memory_space<hbm>> -> memref<10000xi32, #tpu.memory_space<hbm>>
      tpu.enqueue_dma source(%dma_start3A_96 : memref<10000xi32, #tpu.memory_space<hbm>>) target(%arg5 : memref<10000xi32, #tpu.memory_space<vmem>>) target_semaphore(%run_scoped3A : memref<!tpu.dma_semaphore, #tpu.memory_space<semaphore_mem>>)
      %dma_wait3A = tpu.memref_slice %arg2[%add3A] : memref<320000xi32, #tpu.memory_space<hbm>> -> memref<10000xi32, #tpu.memory_space<hbm>>
      %dma_wait3A_97 = tpu.memref_slice %arg2[%add3A] : memref<320000xi32, #tpu.memory_space<hbm>> -> memref<10000xi32, #tpu.memory_space<hbm>>
      tpu.wait_dma2 semaphore(%run_scoped3A : memref<!tpu.dma_semaphore, #tpu.memory_space<semaphore_mem>>) src(%dma_wait3A_97 : memref<10000xi32, #tpu.memory_space<hbm>>) dst(%arg5 : memref<10000xi32, #tpu.memory_space<vmem>>)
      tpu.yield
    }) : () -> ()
    %scan3A_11 = arith.constant 0 : i32
    %scan3A_12 = arith.constant 0 : i32
    %scan3A_13 = arith.constant 625 : i32
    %scan3A_14 = arith.addi %scan3A_12, %scan3A_13 : i32
    %scan3A_15 = arith.constant 1 : i32
    scf.for %scan3A_96 = %scan3A_12 to %scan3A_14 step %scan3A_15  : i32 {
      %mul3A_97 = arith.constant 16 : i32
      %mul3A_98 = arith.muli %scan3A_96, %mul3A_97 : i32
      %get3A = arith.index_cast %mul3A_98 : i32 to index
      %get3A_99 = tpu.vector_load %arg5[%get3A] {strides = array<i32>} : memref<10000xi32, #tpu.memory_space<vmem>>, vector<16xi32>,
      tpu.vector_store_idx %arg6[%get3A_99], %broadcast_in_dim3A_2 {add = true} : memref<10240xf32, #tpu.memory_space<vmem>>[vector<16xi32>], vector<16xf32>,
    }
    %scan3A_16 = arith.constant 625 : i32
    %mul3A_17 = arith.constant 10240 : i32
    %mul3A_18 = arith.muli %arg1, %mul3A_17 : i32
    "tpu.region"() ({
      %run_scoped3A = tpu.sem_alloc : memref<!tpu.dma_semaphore, #tpu.memory_space<semaphore_mem>>
      %dma_start3A = tpu.memref_slice %arg9[%mul3A_18] : memref<163840xf32, #tpu.memory_space<vmem_shared>> -> memref<10240xf32, #tpu.memory_space<vmem_shared>>
      %dma_start3A_96 = tpu.memref_slice %arg9[%mul3A_18] : memref<163840xf32, #tpu.memory_space<vmem_shared>> -> memref<10240xf32, #tpu.memory_space<vmem_shared>>
      tpu.enqueue_dma source(%arg6 : memref<10240xf32, #tpu.memory_space<vmem>>) target(%dma_start3A_96 : memref<10240xf32, #tpu.memory_space<vmem_shared>>) target_semaphore(%run_scoped3A : memref<!tpu.dma_semaphore, #tpu.memory_space<semaphore_mem>>)
      %dma_wait3A = tpu.memref_slice %arg9[%mul3A_18] : memref<163840xf32, #tpu.memory_space<vmem_shared>> -> memref<10240xf32, #tpu.memory_space<vmem_shared>>
      %dma_wait3A_97 = tpu.memref_slice %arg9[%mul3A_18] : memref<163840xf32, #tpu.memory_space<vmem_shared>> -> memref<10240xf32, #tpu.memory_space<vmem_shared>>
      tpu.wait_dma2 semaphore(%run_scoped3A : memref<!tpu.dma_semaphore, #tpu.memory_space<semaphore_mem>>) src(%arg6 : memref<10240xf32, #tpu.memory_space<vmem>>) dst(%dma_wait3A_97 : memref<10240xf32, #tpu.memory_space<vmem_shared>>)
      tpu.yield
    }) : () -> ()
    %barrier3A = arith.constant 0 : index
    tpu.barrier barrier_id(%barrier3A)
    %mul3A_19 = arith.constant 640 : i32
    %mul3A_20 = arith.muli %arg1, %mul3A_19 : i32
    %add3A_21 = arith.constant 0 : i32
    %add3A_22 = arith.addi %add3A_21, %mul3A_20 : i32
    "tpu.region"() ({
      %run_scoped3A = tpu.sem_alloc : memref<!tpu.dma_semaphore, #tpu.memory_space<semaphore_mem>>
      %dma_start3A = arith.constant 0 : i32
      %dma_start3A_96 = tpu.memref_slice %arg7[%dma_start3A] : memref<10240xf32, #tpu.memory_space<vmem>> -> memref<640xf32, #tpu.memory_space<vmem>>
      %dma_start3A_97 = tpu.memref_slice %arg9[%add3A_22] : memref<163840xf32, #tpu.memory_space<vmem_shared>> -> memref<640xf32, #tpu.memory_space<vmem_shared>>
      %dma_start3A_98 = arith.constant 0 : i32
      %dma_start3A_99 = tpu.memref_slice %arg7[%dma_start3A_98] : memref<10240xf32, #tpu.memory_space<vmem>> -> memref<640xf32, #tpu.memory_space<vmem>>
      %dma_start3A_100 = tpu.memref_slice %arg9[%add3A_22] : memref<163840xf32, #tpu.memory_space<vmem_shared>> -> memref<640xf32, #tpu.memory_space<vmem_shared>>
      tpu.enqueue_dma source(%dma_start3A_100 : memref<640xf32, #tpu.memory_space<vmem_shared>>) target(%dma_start3A_99 : memref<640xf32, #tpu.memory_space<vmem>>) target_semaphore(%run_scoped3A : memref<!tpu.dma_semaphore, #tpu.memory_space<semaphore_mem>>)
      %dma_wait3A = arith.constant 0 : i32
      %dma_wait3A_101 = tpu.memref_slice %arg7[%dma_wait3A] : memref<10240xf32, #tpu.memory_space<vmem>> -> memref<640xf32, #tpu.memory_space<vmem>>
      %dma_wait3A_102 = tpu.memref_slice %arg9[%add3A_22] : memref<163840xf32, #tpu.memory_space<vmem_shared>> -> memref<640xf32, #tpu.memory_space<vmem_shared>>
      %dma_wait3A_103 = arith.constant 0 : i32
      %dma_wait3A_104 = tpu.memref_slice %arg7[%dma_wait3A_103] : memref<10240xf32, #tpu.memory_space<vmem>> -> memref<640xf32, #tpu.memory_space<vmem>>
      %dma_wait3A_105 = tpu.memref_slice %arg9[%add3A_22] : memref<163840xf32, #tpu.memory_space<vmem_shared>> -> memref<640xf32, #tpu.memory_space<vmem_shared>>
      tpu.wait_dma2 semaphore(%run_scoped3A : memref<!tpu.dma_semaphore, #tpu.memory_space<semaphore_mem>>) src(%dma_wait3A_105 : memref<640xf32, #tpu.memory_space<vmem_shared>>) dst(%dma_wait3A_104 : memref<640xf32, #tpu.memory_space<vmem>>)
      tpu.yield
    }) : () -> ()
    %mul3A_23 = arith.constant 640 : i32
    %mul3A_24 = arith.muli %arg1, %mul3A_23 : i32
    %add3A_25 = arith.constant 10240 : i32
    %add3A_26 = arith.addi %add3A_25, %mul3A_24 : i32
    "tpu.region"() ({
      %run_scoped3A = tpu.sem_alloc : memref<!tpu.dma_semaphore, #tpu.memory_space<semaphore_mem>>
      %dma_start3A = arith.constant 640 : i32
      %dma_start3A_96 = tpu.memref_slice %arg7[%dma_start3A] : memref<10240xf32, #tpu.memory_space<vmem>> -> memref<640xf32, #tpu.memory_space<vmem>>
      %dma_start3A_97 = tpu.memref_slice %arg9[%add3A_26] : memref<163840xf32, #tpu.memory_space<vmem_shared>> -> memref<640xf32, #tpu.memory_space<vmem_shared>>
      %dma_start3A_98 = arith.constant 640 : i32
      %dma_start3A_99 = tpu.memref_slice %arg7[%dma_start3A_98] : memref<10240xf32, #tpu.memory_space<vmem>> -> memref<640xf32, #tpu.memory_space<vmem>>
      %dma_start3A_100 = tpu.memref_slice %arg9[%add3A_26] : memref<163840xf32, #tpu.memory_space<vmem_shared>> -> memref<640xf32, #tpu.memory_space<vmem_shared>>
      tpu.enqueue_dma source(%dma_start3A_100 : memref<640xf32, #tpu.memory_space<vmem_shared>>) target(%dma_start3A_99 : memref<640xf32, #tpu.memory_space<vmem>>) target_semaphore(%run_scoped3A : memref<!tpu.dma_semaphore, #tpu.memory_space<semaphore_mem>>)
      %dma_wait3A = arith.constant 640 : i32
      %dma_wait3A_101 = tpu.memref_slice %arg7[%dma_wait3A] : memref<10240xf32, #tpu.memory_space<vmem>> -> memref<640xf32, #tpu.memory_space<vmem>>
      %dma_wait3A_102 = tpu.memref_slice %arg9[%add3A_26] : memref<163840xf32, #tpu.memory_space<vmem_shared>> -> memref<640xf32, #tpu.memory_space<vmem_shared>>
      %dma_wait3A_103 = arith.constant 640 : i32
      %dma_wait3A_104 = tpu.memref_slice %arg7[%dma_wait3A_103] : memref<10240xf32, #tpu.memory_space<vmem>> -> memref<640xf32, #tpu.memory_space<vmem>>
      %dma_wait3A_105 = tpu.memref_slice %arg9[%add3A_26] : memref<163840xf32, #tpu.memory_space<vmem_shared>> -> memref<640xf32, #tpu.memory_space<vmem_shared>>
      tpu.wait_dma2 semaphore(%run_scoped3A : memref<!tpu.dma_semaphore, #tpu.memory_space<semaphore_mem>>) src(%dma_wait3A_105 : memref<640xf32, #tpu.memory_space<vmem_shared>>) dst(%dma_wait3A_104 : memref<640xf32, #tpu.memory_space<vmem>>)
      tpu.yield
    }) : () -> ()
    %mul3A_27 = arith.constant 640 : i32
    %mul3A_28 = arith.muli %arg1, %mul3A_27 : i32
    %add3A_29 = arith.constant 20480 : i32
    %add3A_30 = arith.addi %add3A_29, %mul3A_28 : i32
    "tpu.region"() ({
      %run_scoped3A = tpu.sem_alloc : memref<!tpu.dma_semaphore, #tpu.memory_space<semaphore_mem>>
      %dma_start3A = arith.constant 1280 : i32
      %dma_start3A_96 = tpu.memref_slice %arg7[%dma_start3A] : memref<10240xf32, #tpu.memory_space<vmem>> -> memref<640xf32, #tpu.memory_space<vmem>>
      %dma_start3A_97 = tpu.memref_slice %arg9[%add3A_30] : memref<163840xf32, #tpu.memory_space<vmem_shared>> -> memref<640xf32, #tpu.memory_space<vmem_shared>>
      %dma_start3A_98 = arith.constant 1280 : i32
      %dma_start3A_99 = tpu.memref_slice %arg7[%dma_start3A_98] : memref<10240xf32, #tpu.memory_space<vmem>> -> memref<640xf32, #tpu.memory_space<vmem>>
      %dma_start3A_100 = tpu.memref_slice %arg9[%add3A_30] : memref<163840xf32, #tpu.memory_space<vmem_shared>> -> memref<640xf32, #tpu.memory_space<vmem_shared>>
      tpu.enqueue_dma source(%dma_start3A_100 : memref<640xf32, #tpu.memory_space<vmem_shared>>) target(%dma_start3A_99 : memref<640xf32, #tpu.memory_space<vmem>>) target_semaphore(%run_scoped3A : memref<!tpu.dma_semaphore, #tpu.memory_space<semaphore_mem>>)
      %dma_wait3A = arith.constant 1280 : i32
      %dma_wait3A_101 = tpu.memref_slice %arg7[%dma_wait3A] : memref<10240xf32, #tpu.memory_space<vmem>> -> memref<640xf32, #tpu.memory_space<vmem>>
      %dma_wait3A_102 = tpu.memref_slice %arg9[%add3A_30] : memref<163840xf32, #tpu.memory_space<vmem_shared>> -> memref<640xf32, #tpu.memory_space<vmem_shared>>
      %dma_wait3A_103 = arith.constant 1280 : i32
      %dma_wait3A_104 = tpu.memref_slice %arg7[%dma_wait3A_103] : memref<10240xf32, #tpu.memory_space<vmem>> -> memref<640xf32, #tpu.memory_space<vmem>>
      %dma_wait3A_105 = tpu.memref_slice %arg9[%add3A_30] : memref<163840xf32, #tpu.memory_space<vmem_shared>> -> memref<640xf32, #tpu.memory_space<vmem_shared>>
      tpu.wait_dma2 semaphore(%run_scoped3A : memref<!tpu.dma_semaphore, #tpu.memory_space<semaphore_mem>>) src(%dma_wait3A_105 : memref<640xf32, #tpu.memory_space<vmem_shared>>) dst(%dma_wait3A_104 : memref<640xf32, #tpu.memory_space<vmem>>)
      tpu.yield
    }) : () -> ()
    %mul3A_31 = arith.constant 640 : i32
    %mul3A_32 = arith.muli %arg1, %mul3A_31 : i32
    %add3A_33 = arith.constant 30720 : i32
    %add3A_34 = arith.addi %add3A_33, %mul3A_32 : i32
    "tpu.region"() ({
      %run_scoped3A = tpu.sem_alloc : memref<!tpu.dma_semaphore, #tpu.memory_space<semaphore_mem>>
      %dma_start3A = arith.constant 1920 : i32
      %dma_start3A_96 = tpu.memref_slice %arg7[%dma_start3A] : memref<10240xf32, #tpu.memory_space<vmem>> -> memref<640xf32, #tpu.memory_space<vmem>>
      %dma_start3A_97 = tpu.memref_slice %arg9[%add3A_34] : memref<163840xf32, #tpu.memory_space<vmem_shared>> -> memref<640xf32, #tpu.memory_space<vmem_shared>>
      %dma_start3A_98 = arith.constant 1920 : i32
      %dma_start3A_99 = tpu.memref_slice %arg7[%dma_start3A_98] : memref<10240xf32, #tpu.memory_space<vmem>> -> memref<640xf32, #tpu.memory_space<vmem>>
      %dma_start3A_100 = tpu.memref_slice %arg9[%add3A_34] : memref<163840xf32, #tpu.memory_space<vmem_shared>> -> memref<640xf32, #tpu.memory_space<vmem_shared>>
      tpu.enqueue_dma source(%dma_start3A_100 : memref<640xf32, #tpu.memory_space<vmem_shared>>) target(%dma_start3A_99 : memref<640xf32, #tpu.memory_space<vmem>>) target_semaphore(%run_scoped3A : memref<!tpu.dma_semaphore, #tpu.memory_space<semaphore_mem>>)
      %dma_wait3A = arith.constant 1920 : i32
      %dma_wait3A_101 = tpu.memref_slice %arg7[%dma_wait3A] : memref<10240xf32, #tpu.memory_space<vmem>> -> memref<640xf32, #tpu.memory_space<vmem>>
      %dma_wait3A_102 = tpu.memref_slice %arg9[%add3A_34] : memref<163840xf32, #tpu.memory_space<vmem_shared>> -> memref<640xf32, #tpu.memory_space<vmem_shared>>
      %dma_wait3A_103 = arith.constant 1920 : i32
      %dma_wait3A_104 = tpu.memref_slice %arg7[%dma_wait3A_103] : memref<10240xf32, #tpu.memory_space<vmem>> -> memref<640xf32, #tpu.memory_space<vmem>>
      %dma_wait3A_105 = tpu.memref_slice %arg9[%add3A_34] : memref<163840xf32, #tpu.memory_space<vmem_shared>> -> memref<640xf32, #tpu.memory_space<vmem_shared>>
      tpu.wait_dma2 semaphore(%run_scoped3A : memref<!tpu.dma_semaphore, #tpu.memory_space<semaphore_mem>>) src(%dma_wait3A_105 : memref<640xf32, #tpu.memory_space<vmem_shared>>) dst(%dma_wait3A_104 : memref<640xf32, #tpu.memory_space<vmem>>)
      tpu.yield
    }) : () -> ()
    %mul3A_35 = arith.constant 640 : i32
    %mul3A_36 = arith.muli %arg1, %mul3A_35 : i32
    %add3A_37 = arith.constant 40960 : i32
    %add3A_38 = arith.addi %add3A_37, %mul3A_36 : i32
    "tpu.region"() ({
      %run_scoped3A = tpu.sem_alloc : memref<!tpu.dma_semaphore, #tpu.memory_space<semaphore_mem>>
      %dma_start3A = arith.constant 2560 : i32
      %dma_start3A_96 = tpu.memref_slice %arg7[%dma_start3A] : memref<10240xf32, #tpu.memory_space<vmem>> -> memref<640xf32, #tpu.memory_space<vmem>>
      %dma_start3A_97 = tpu.memref_slice %arg9[%add3A_38] : memref<163840xf32, #tpu.memory_space<vmem_shared>> -> memref<640xf32, #tpu.memory_space<vmem_shared>>
      %dma_start3A_98 = arith.constant 2560 : i32
      %dma_start3A_99 = tpu.memref_slice %arg7[%dma_start3A_98] : memref<10240xf32, #tpu.memory_space<vmem>> -> memref<640xf32, #tpu.memory_space<vmem>>
      %dma_start3A_100 = tpu.memref_slice %arg9[%add3A_38] : memref<163840xf32, #tpu.memory_space<vmem_shared>> -> memref<640xf32, #tpu.memory_space<vmem_shared>>
      tpu.enqueue_dma source(%dma_start3A_100 : memref<640xf32, #tpu.memory_space<vmem_shared>>) target(%dma_start3A_99 : memref<640xf32, #tpu.memory_space<vmem>>) target_semaphore(%run_scoped3A : memref<!tpu.dma_semaphore, #tpu.memory_space<semaphore_mem>>)
      %dma_wait3A = arith.constant 2560 : i32
      %dma_wait3A_101 = tpu.memref_slice %arg7[%dma_wait3A] : memref<10240xf32, #tpu.memory_space<vmem>> -> memref<640xf32, #tpu.memory_space<vmem>>
      %dma_wait3A_102 = tpu.memref_slice %arg9[%add3A_38] : memref<163840xf32, #tpu.memory_space<vmem_shared>> -> memref<640xf32, #tpu.memory_space<vmem_shared>>
      %dma_wait3A_103 = arith.constant 2560 : i32
      %dma_wait3A_104 = tpu.memref_slice %arg7[%dma_wait3A_103] : memref<10240xf32, #tpu.memory_space<vmem>> -> memref<640xf32, #tpu.memory_space<vmem>>
      %dma_wait3A_105 = tpu.memref_slice %arg9[%add3A_38] : memref<163840xf32, #tpu.memory_space<vmem_shared>> -> memref<640xf32, #tpu.memory_space<vmem_shared>>
      tpu.wait_dma2 semaphore(%run_scoped3A : memref<!tpu.dma_semaphore, #tpu.memory_space<semaphore_mem>>) src(%dma_wait3A_105 : memref<640xf32, #tpu.memory_space<vmem_shared>>) dst(%dma_wait3A_104 : memref<640xf32, #tpu.memory_space<vmem>>)
      tpu.yield
    }) : () -> ()
    %mul3A_39 = arith.constant 640 : i32
    %mul3A_40 = arith.muli %arg1, %mul3A_39 : i32
    %add3A_41 = arith.constant 51200 : i32
    %add3A_42 = arith.addi %add3A_41, %mul3A_40 : i32
    "tpu.region"() ({
      %run_scoped3A = tpu.sem_alloc : memref<!tpu.dma_semaphore, #tpu.memory_space<semaphore_mem>>
      %dma_start3A = arith.constant 3200 : i32
      %dma_start3A_96 = tpu.memref_slice %arg7[%dma_start3A] : memref<10240xf32, #tpu.memory_space<vmem>> -> memref<640xf32, #tpu.memory_space<vmem>>
      %dma_start3A_97 = tpu.memref_slice %arg9[%add3A_42] : memref<163840xf32, #tpu.memory_space<vmem_shared>> -> memref<640xf32, #tpu.memory_space<vmem_shared>>
      %dma_start3A_98 = arith.constant 3200 : i32
      %dma_start3A_99 = tpu.memref_slice %arg7[%dma_start3A_98] : memref<10240xf32, #tpu.memory_space<vmem>> -> memref<640xf32, #tpu.memory_space<vmem>>
      %dma_start3A_100 = tpu.memref_slice %arg9[%add3A_42] : memref<163840xf32, #tpu.memory_space<vmem_shared>> -> memref<640xf32, #tpu.memory_space<vmem_shared>>
      tpu.enqueue_dma source(%dma_start3A_100 : memref<640xf32, #tpu.memory_space<vmem_shared>>) target(%dma_start3A_99 : memref<640xf32, #tpu.memory_space<vmem>>) target_semaphore(%run_scoped3A : memref<!tpu.dma_semaphore, #tpu.memory_space<semaphore_mem>>)
      %dma_wait3A = arith.constant 3200 : i32
      %dma_wait3A_101 = tpu.memref_slice %arg7[%dma_wait3A] : memref<10240xf32, #tpu.memory_space<vmem>> -> memref<640xf32, #tpu.memory_space<vmem>>
      %dma_wait3A_102 = tpu.memref_slice %arg9[%add3A_42] : memref<163840xf32, #tpu.memory_space<vmem_shared>> -> memref<640xf32, #tpu.memory_space<vmem_shared>>
      %dma_wait3A_103 = arith.constant 3200 : i32
      %dma_wait3A_104 = tpu.memref_slice %arg7[%dma_wait3A_103] : memref<10240xf32, #tpu.memory_space<vmem>> -> memref<640xf32, #tpu.memory_space<vmem>>
      %dma_wait3A_105 = tpu.memref_slice %arg9[%add3A_42] : memref<163840xf32, #tpu.memory_space<vmem_shared>> -> memref<640xf32, #tpu.memory_space<vmem_shared>>
      tpu.wait_dma2 semaphore(%run_scoped3A : memref<!tpu.dma_semaphore, #tpu.memory_space<semaphore_mem>>) src(%dma_wait3A_105 : memref<640xf32, #tpu.memory_space<vmem_shared>>) dst(%dma_wait3A_104 : memref<640xf32, #tpu.memory_space<vmem>>)
      tpu.yield
    }) : () -> ()
    %mul3A_43 = arith.constant 640 : i32
    %mul3A_44 = arith.muli %arg1, %mul3A_43 : i32
    %add3A_45 = arith.constant 61440 : i32
    %add3A_46 = arith.addi %add3A_45, %mul3A_44 : i32
    "tpu.region"() ({
      %run_scoped3A = tpu.sem_alloc : memref<!tpu.dma_semaphore, #tpu.memory_space<semaphore_mem>>
      %dma_start3A = arith.constant 3840 : i32
      %dma_start3A_96 = tpu.memref_slice %arg7[%dma_start3A] : memref<10240xf32, #tpu.memory_space<vmem>> -> memref<640xf32, #tpu.memory_space<vmem>>
      %dma_start3A_97 = tpu.memref_slice %arg9[%add3A_46] : memref<163840xf32, #tpu.memory_space<vmem_shared>> -> memref<640xf32, #tpu.memory_space<vmem_shared>>
      %dma_start3A_98 = arith.constant 3840 : i32
      %dma_start3A_99 = tpu.memref_slice %arg7[%dma_start3A_98] : memref<10240xf32, #tpu.memory_space<vmem>> -> memref<640xf32, #tpu.memory_space<vmem>>
      %dma_start3A_100 = tpu.memref_slice %arg9[%add3A_46] : memref<163840xf32, #tpu.memory_space<vmem_shared>> -> memref<640xf32, #tpu.memory_space<vmem_shared>>
      tpu.enqueue_dma source(%dma_start3A_100 : memref<640xf32, #tpu.memory_space<vmem_shared>>) target(%dma_start3A_99 : memref<640xf32, #tpu.memory_space<vmem>>) target_semaphore(%run_scoped3A : memref<!tpu.dma_semaphore, #tpu.memory_space<semaphore_mem>>)
      %dma_wait3A = arith.constant 3840 : i32
      %dma_wait3A_101 = tpu.memref_slice %arg7[%dma_wait3A] : memref<10240xf32, #tpu.memory_space<vmem>> -> memref<640xf32, #tpu.memory_space<vmem>>
      %dma_wait3A_102 = tpu.memref_slice %arg9[%add3A_46] : memref<163840xf32, #tpu.memory_space<vmem_shared>> -> memref<640xf32, #tpu.memory_space<vmem_shared>>
      %dma_wait3A_103 = arith.constant 3840 : i32
      %dma_wait3A_104 = tpu.memref_slice %arg7[%dma_wait3A_103] : memref<10240xf32, #tpu.memory_space<vmem>> -> memref<640xf32, #tpu.memory_space<vmem>>
      %dma_wait3A_105 = tpu.memref_slice %arg9[%add3A_46] : memref<163840xf32, #tpu.memory_space<vmem_shared>> -> memref<640xf32, #tpu.memory_space<vmem_shared>>
      tpu.wait_dma2 semaphore(%run_scoped3A : memref<!tpu.dma_semaphore, #tpu.memory_space<semaphore_mem>>) src(%dma_wait3A_105 : memref<640xf32, #tpu.memory_space<vmem_shared>>) dst(%dma_wait3A_104 : memref<640xf32, #tpu.memory_space<vmem>>)
      tpu.yield
    }) : () -> ()
    %mul3A_47 = arith.constant 640 : i32
    %mul3A_48 = arith.muli %arg1, %mul3A_47 : i32
    %add3A_49 = arith.constant 71680 : i32
    %add3A_50 = arith.addi %add3A_49, %mul3A_48 : i32
    "tpu.region"() ({
      %run_scoped3A = tpu.sem_alloc : memref<!tpu.dma_semaphore, #tpu.memory_space<semaphore_mem>>
      %dma_start3A = arith.constant 4480 : i32
      %dma_start3A_96 = tpu.memref_slice %arg7[%dma_start3A] : memref<10240xf32, #tpu.memory_space<vmem>> -> memref<640xf32, #tpu.memory_space<vmem>>
      %dma_start3A_97 = tpu.memref_slice %arg9[%add3A_50] : memref<163840xf32, #tpu.memory_space<vmem_shared>> -> memref<640xf32, #tpu.memory_space<vmem_shared>>
      %dma_start3A_98 = arith.constant 4480 : i32
      %dma_start3A_99 = tpu.memref_slice %arg7[%dma_start3A_98] : memref<10240xf32, #tpu.memory_space<vmem>> -> memref<640xf32, #tpu.memory_space<vmem>>
      %dma_start3A_100 = tpu.memref_slice %arg9[%add3A_50] : memref<163840xf32, #tpu.memory_space<vmem_shared>> -> memref<640xf32, #tpu.memory_space<vmem_shared>>
      tpu.enqueue_dma source(%dma_start3A_100 : memref<640xf32, #tpu.memory_space<vmem_shared>>) target(%dma_start3A_99 : memref<640xf32, #tpu.memory_space<vmem>>) target_semaphore(%run_scoped3A : memref<!tpu.dma_semaphore, #tpu.memory_space<semaphore_mem>>)
      %dma_wait3A = arith.constant 4480 : i32
      %dma_wait3A_101 = tpu.memref_slice %arg7[%dma_wait3A] : memref<10240xf32, #tpu.memory_space<vmem>> -> memref<640xf32, #tpu.memory_space<vmem>>
      %dma_wait3A_102 = tpu.memref_slice %arg9[%add3A_50] : memref<163840xf32, #tpu.memory_space<vmem_shared>> -> memref<640xf32, #tpu.memory_space<vmem_shared>>
      %dma_wait3A_103 = arith.constant 4480 : i32
      %dma_wait3A_104 = tpu.memref_slice %arg7[%dma_wait3A_103] : memref<10240xf32, #tpu.memory_space<vmem>> -> memref<640xf32, #tpu.memory_space<vmem>>
      %dma_wait3A_105 = tpu.memref_slice %arg9[%add3A_50] : memref<163840xf32, #tpu.memory_space<vmem_shared>> -> memref<640xf32, #tpu.memory_space<vmem_shared>>
      tpu.wait_dma2 semaphore(%run_scoped3A : memref<!tpu.dma_semaphore, #tpu.memory_space<semaphore_mem>>) src(%dma_wait3A_105 : memref<640xf32, #tpu.memory_space<vmem_shared>>) dst(%dma_wait3A_104 : memref<640xf32, #tpu.memory_space<vmem>>)
      tpu.yield
    }) : () -> ()
    %mul3A_51 = arith.constant 640 : i32
    %mul3A_52 = arith.muli %arg1, %mul3A_51 : i32
    %add3A_53 = arith.constant 81920 : i32
    %add3A_54 = arith.addi %add3A_53, %mul3A_52 : i32
    "tpu.region"() ({
      %run_scoped3A = tpu.sem_alloc : memref<!tpu.dma_semaphore, #tpu.memory_space<semaphore_mem>>
      %dma_start3A = arith.constant 5120 : i32
      %dma_start3A_96 = tpu.memref_slice %arg7[%dma_start3A] : memref<10240xf32, #tpu.memory_space<vmem>> -> memref<640xf32, #tpu.memory_space<vmem>>
      %dma_start3A_97 = tpu.memref_slice %arg9[%add3A_54] : memref<163840xf32, #tpu.memory_space<vmem_shared>> -> memref<640xf32, #tpu.memory_space<vmem_shared>>
      %dma_start3A_98 = arith.constant 5120 : i32
      %dma_start3A_99 = tpu.memref_slice %arg7[%dma_start3A_98] : memref<10240xf32, #tpu.memory_space<vmem>> -> memref<640xf32, #tpu.memory_space<vmem>>
      %dma_start3A_100 = tpu.memref_slice %arg9[%add3A_54] : memref<163840xf32, #tpu.memory_space<vmem_shared>> -> memref<640xf32, #tpu.memory_space<vmem_shared>>
      tpu.enqueue_dma source(%dma_start3A_100 : memref<640xf32, #tpu.memory_space<vmem_shared>>) target(%dma_start3A_99 : memref<640xf32, #tpu.memory_space<vmem>>) target_semaphore(%run_scoped3A : memref<!tpu.dma_semaphore, #tpu.memory_space<semaphore_mem>>)
      %dma_wait3A = arith.constant 5120 : i32
      %dma_wait3A_101 = tpu.memref_slice %arg7[%dma_wait3A] : memref<10240xf32, #tpu.memory_space<vmem>> -> memref<640xf32, #tpu.memory_space<vmem>>
      %dma_wait3A_102 = tpu.memref_slice %arg9[%add3A_54] : memref<163840xf32, #tpu.memory_space<vmem_shared>> -> memref<640xf32, #tpu.memory_space<vmem_shared>>
      %dma_wait3A_103 = arith.constant 5120 : i32
      %dma_wait3A_104 = tpu.memref_slice %arg7[%dma_wait3A_103] : memref<10240xf32, #tpu.memory_space<vmem>> -> memref<640xf32, #tpu.memory_space<vmem>>
      %dma_wait3A_105 = tpu.memref_slice %arg9[%add3A_54] : memref<163840xf32, #tpu.memory_space<vmem_shared>> -> memref<640xf32, #tpu.memory_space<vmem_shared>>
      tpu.wait_dma2 semaphore(%run_scoped3A : memref<!tpu.dma_semaphore, #tpu.memory_space<semaphore_mem>>) src(%dma_wait3A_105 : memref<640xf32, #tpu.memory_space<vmem_shared>>) dst(%dma_wait3A_104 : memref<640xf32, #tpu.memory_space<vmem>>)
      tpu.yield
    }) : () -> ()
    %mul3A_55 = arith.constant 640 : i32
    %mul3A_56 = arith.muli %arg1, %mul3A_55 : i32
    %add3A_57 = arith.constant 92160 : i32
    %add3A_58 = arith.addi %add3A_57, %mul3A_56 : i32
    "tpu.region"() ({
      %run_scoped3A = tpu.sem_alloc : memref<!tpu.dma_semaphore, #tpu.memory_space<semaphore_mem>>
      %dma_start3A = arith.constant 5760 : i32
      %dma_start3A_96 = tpu.memref_slice %arg7[%dma_start3A] : memref<10240xf32, #tpu.memory_space<vmem>> -> memref<640xf32, #tpu.memory_space<vmem>>
      %dma_start3A_97 = tpu.memref_slice %arg9[%add3A_58] : memref<163840xf32, #tpu.memory_space<vmem_shared>> -> memref<640xf32, #tpu.memory_space<vmem_shared>>
      %dma_start3A_98 = arith.constant 5760 : i32
      %dma_start3A_99 = tpu.memref_slice %arg7[%dma_start3A_98] : memref<10240xf32, #tpu.memory_space<vmem>> -> memref<640xf32, #tpu.memory_space<vmem>>
      %dma_start3A_100 = tpu.memref_slice %arg9[%add3A_58] : memref<163840xf32, #tpu.memory_space<vmem_shared>> -> memref<640xf32, #tpu.memory_space<vmem_shared>>
      tpu.enqueue_dma source(%dma_start3A_100 : memref<640xf32, #tpu.memory_space<vmem_shared>>) target(%dma_start3A_99 : memref<640xf32, #tpu.memory_space<vmem>>) target_semaphore(%run_scoped3A : memref<!tpu.dma_semaphore, #tpu.memory_space<semaphore_mem>>)
      %dma_wait3A = arith.constant 5760 : i32
      %dma_wait3A_101 = tpu.memref_slice %arg7[%dma_wait3A] : memref<10240xf32, #tpu.memory_space<vmem>> -> memref<640xf32, #tpu.memory_space<vmem>>
      %dma_wait3A_102 = tpu.memref_slice %arg9[%add3A_58] : memref<163840xf32, #tpu.memory_space<vmem_shared>> -> memref<640xf32, #tpu.memory_space<vmem_shared>>
      %dma_wait3A_103 = arith.constant 5760 : i32
      %dma_wait3A_104 = tpu.memref_slice %arg7[%dma_wait3A_103] : memref<10240xf32, #tpu.memory_space<vmem>> -> memref<640xf32, #tpu.memory_space<vmem>>
      %dma_wait3A_105 = tpu.memref_slice %arg9[%add3A_58] : memref<163840xf32, #tpu.memory_space<vmem_shared>> -> memref<640xf32, #tpu.memory_space<vmem_shared>>
      tpu.wait_dma2 semaphore(%run_scoped3A : memref<!tpu.dma_semaphore, #tpu.memory_space<semaphore_mem>>) src(%dma_wait3A_105 : memref<640xf32, #tpu.memory_space<vmem_shared>>) dst(%dma_wait3A_104 : memref<640xf32, #tpu.memory_space<vmem>>)
      tpu.yield
    }) : () -> ()
    %mul3A_59 = arith.constant 640 : i32
    %mul3A_60 = arith.muli %arg1, %mul3A_59 : i32
    %add3A_61 = arith.constant 102400 : i32
    %add3A_62 = arith.addi %add3A_61, %mul3A_60 : i32
    "tpu.region"() ({
      %run_scoped3A = tpu.sem_alloc : memref<!tpu.dma_semaphore, #tpu.memory_space<semaphore_mem>>
      %dma_start3A = arith.constant 6400 : i32
      %dma_start3A_96 = tpu.memref_slice %arg7[%dma_start3A] : memref<10240xf32, #tpu.memory_space<vmem>> -> memref<640xf32, #tpu.memory_space<vmem>>
      %dma_start3A_97 = tpu.memref_slice %arg9[%add3A_62] : memref<163840xf32, #tpu.memory_space<vmem_shared>> -> memref<640xf32, #tpu.memory_space<vmem_shared>>
      %dma_start3A_98 = arith.constant 6400 : i32
      %dma_start3A_99 = tpu.memref_slice %arg7[%dma_start3A_98] : memref<10240xf32, #tpu.memory_space<vmem>> -> memref<640xf32, #tpu.memory_space<vmem>>
      %dma_start3A_100 = tpu.memref_slice %arg9[%add3A_62] : memref<163840xf32, #tpu.memory_space<vmem_shared>> -> memref<640xf32, #tpu.memory_space<vmem_shared>>
      tpu.enqueue_dma source(%dma_start3A_100 : memref<640xf32, #tpu.memory_space<vmem_shared>>) target(%dma_start3A_99 : memref<640xf32, #tpu.memory_space<vmem>>) target_semaphore(%run_scoped3A : memref<!tpu.dma_semaphore, #tpu.memory_space<semaphore_mem>>)
      %dma_wait3A = arith.constant 6400 : i32
      %dma_wait3A_101 = tpu.memref_slice %arg7[%dma_wait3A] : memref<10240xf32, #tpu.memory_space<vmem>> -> memref<640xf32, #tpu.memory_space<vmem>>
      %dma_wait3A_102 = tpu.memref_slice %arg9[%add3A_62] : memref<163840xf32, #tpu.memory_space<vmem_shared>> -> memref<640xf32, #tpu.memory_space<vmem_shared>>
      %dma_wait3A_103 = arith.constant 6400 : i32
      %dma_wait3A_104 = tpu.memref_slice %arg7[%dma_wait3A_103] : memref<10240xf32, #tpu.memory_space<vmem>> -> memref<640xf32, #tpu.memory_space<vmem>>
      %dma_wait3A_105 = tpu.memref_slice %arg9[%add3A_62] : memref<163840xf32, #tpu.memory_space<vmem_shared>> -> memref<640xf32, #tpu.memory_space<vmem_shared>>
      tpu.wait_dma2 semaphore(%run_scoped3A : memref<!tpu.dma_semaphore, #tpu.memory_space<semaphore_mem>>) src(%dma_wait3A_105 : memref<640xf32, #tpu.memory_space<vmem_shared>>) dst(%dma_wait3A_104 : memref<640xf32, #tpu.memory_space<vmem>>)
      tpu.yield
    }) : () -> ()
    %mul3A_63 = arith.constant 640 : i32
    %mul3A_64 = arith.muli %arg1, %mul3A_63 : i32
    %add3A_65 = arith.constant 112640 : i32
    %add3A_66 = arith.addi %add3A_65, %mul3A_64 : i32
    "tpu.region"() ({
      %run_scoped3A = tpu.sem_alloc : memref<!tpu.dma_semaphore, #tpu.memory_space<semaphore_mem>>
      %dma_start3A = arith.constant 7040 : i32
      %dma_start3A_96 = tpu.memref_slice %arg7[%dma_start3A] : memref<10240xf32, #tpu.memory_space<vmem>> -> memref<640xf32, #tpu.memory_space<vmem>>
      %dma_start3A_97 = tpu.memref_slice %arg9[%add3A_66] : memref<163840xf32, #tpu.memory_space<vmem_shared>> -> memref<640xf32, #tpu.memory_space<vmem_shared>>
      %dma_start3A_98 = arith.constant 7040 : i32
      %dma_start3A_99 = tpu.memref_slice %arg7[%dma_start3A_98] : memref<10240xf32, #tpu.memory_space<vmem>> -> memref<640xf32, #tpu.memory_space<vmem>>
      %dma_start3A_100 = tpu.memref_slice %arg9[%add3A_66] : memref<163840xf32, #tpu.memory_space<vmem_shared>> -> memref<640xf32, #tpu.memory_space<vmem_shared>>
      tpu.enqueue_dma source(%dma_start3A_100 : memref<640xf32, #tpu.memory_space<vmem_shared>>) target(%dma_start3A_99 : memref<640xf32, #tpu.memory_space<vmem>>) target_semaphore(%run_scoped3A : memref<!tpu.dma_semaphore, #tpu.memory_space<semaphore_mem>>)
      %dma_wait3A = arith.constant 7040 : i32
      %dma_wait3A_101 = tpu.memref_slice %arg7[%dma_wait3A] : memref<10240xf32, #tpu.memory_space<vmem>> -> memref<640xf32, #tpu.memory_space<vmem>>
      %dma_wait3A_102 = tpu.memref_slice %arg9[%add3A_66] : memref<163840xf32, #tpu.memory_space<vmem_shared>> -> memref<640xf32, #tpu.memory_space<vmem_shared>>
      %dma_wait3A_103 = arith.constant 7040 : i32
      %dma_wait3A_104 = tpu.memref_slice %arg7[%dma_wait3A_103] : memref<10240xf32, #tpu.memory_space<vmem>> -> memref<640xf32, #tpu.memory_space<vmem>>
      %dma_wait3A_105 = tpu.memref_slice %arg9[%add3A_66] : memref<163840xf32, #tpu.memory_space<vmem_shared>> -> memref<640xf32, #tpu.memory_space<vmem_shared>>
      tpu.wait_dma2 semaphore(%run_scoped3A : memref<!tpu.dma_semaphore, #tpu.memory_space<semaphore_mem>>) src(%dma_wait3A_105 : memref<640xf32, #tpu.memory_space<vmem_shared>>) dst(%dma_wait3A_104 : memref<640xf32, #tpu.memory_space<vmem>>)
      tpu.yield
    }) : () -> ()
    %mul3A_67 = arith.constant 640 : i32
    %mul3A_68 = arith.muli %arg1, %mul3A_67 : i32
    %add3A_69 = arith.constant 122880 : i32
    %add3A_70 = arith.addi %add3A_69, %mul3A_68 : i32
    "tpu.region"() ({
      %run_scoped3A = tpu.sem_alloc : memref<!tpu.dma_semaphore, #tpu.memory_space<semaphore_mem>>
      %dma_start3A = arith.constant 7680 : i32
      %dma_start3A_96 = tpu.memref_slice %arg7[%dma_start3A] : memref<10240xf32, #tpu.memory_space<vmem>> -> memref<640xf32, #tpu.memory_space<vmem>>
      %dma_start3A_97 = tpu.memref_slice %arg9[%add3A_70] : memref<163840xf32, #tpu.memory_space<vmem_shared>> -> memref<640xf32, #tpu.memory_space<vmem_shared>>
      %dma_start3A_98 = arith.constant 7680 : i32
      %dma_start3A_99 = tpu.memref_slice %arg7[%dma_start3A_98] : memref<10240xf32, #tpu.memory_space<vmem>> -> memref<640xf32, #tpu.memory_space<vmem>>
      %dma_start3A_100 = tpu.memref_slice %arg9[%add3A_70] : memref<163840xf32, #tpu.memory_space<vmem_shared>> -> memref<640xf32, #tpu.memory_space<vmem_shared>>
      tpu.enqueue_dma source(%dma_start3A_100 : memref<640xf32, #tpu.memory_space<vmem_shared>>) target(%dma_start3A_99 : memref<640xf32, #tpu.memory_space<vmem>>) target_semaphore(%run_scoped3A : memref<!tpu.dma_semaphore, #tpu.memory_space<semaphore_mem>>)
      %dma_wait3A = arith.constant 7680 : i32
      %dma_wait3A_101 = tpu.memref_slice %arg7[%dma_wait3A] : memref<10240xf32, #tpu.memory_space<vmem>> -> memref<640xf32, #tpu.memory_space<vmem>>
      %dma_wait3A_102 = tpu.memref_slice %arg9[%add3A_70] : memref<163840xf32, #tpu.memory_space<vmem_shared>> -> memref<640xf32, #tpu.memory_space<vmem_shared>>
      %dma_wait3A_103 = arith.constant 7680 : i32
      %dma_wait3A_104 = tpu.memref_slice %arg7[%dma_wait3A_103] : memref<10240xf32, #tpu.memory_space<vmem>> -> memref<640xf32, #tpu.memory_space<vmem>>
      %dma_wait3A_105 = tpu.memref_slice %arg9[%add3A_70] : memref<163840xf32, #tpu.memory_space<vmem_shared>> -> memref<640xf32, #tpu.memory_space<vmem_shared>>
      tpu.wait_dma2 semaphore(%run_scoped3A : memref<!tpu.dma_semaphore, #tpu.memory_space<semaphore_mem>>) src(%dma_wait3A_105 : memref<640xf32, #tpu.memory_space<vmem_shared>>) dst(%dma_wait3A_104 : memref<640xf32, #tpu.memory_space<vmem>>)
      tpu.yield
    }) : () -> ()
    %mul3A_71 = arith.constant 640 : i32
    %mul3A_72 = arith.muli %arg1, %mul3A_71 : i32
    %add3A_73 = arith.constant 133120 : i32
    %add3A_74 = arith.addi %add3A_73, %mul3A_72 : i32
    "tpu.region"() ({
      %run_scoped3A = tpu.sem_alloc : memref<!tpu.dma_semaphore, #tpu.memory_space<semaphore_mem>>
      %dma_start3A = arith.constant 8320 : i32
      %dma_start3A_96 = tpu.memref_slice %arg7[%dma_start3A] : memref<10240xf32, #tpu.memory_space<vmem>> -> memref<640xf32, #tpu.memory_space<vmem>>
      %dma_start3A_97 = tpu.memref_slice %arg9[%add3A_74] : memref<163840xf32, #tpu.memory_space<vmem_shared>> -> memref<640xf32, #tpu.memory_space<vmem_shared>>
      %dma_start3A_98 = arith.constant 8320 : i32
      %dma_start3A_99 = tpu.memref_slice %arg7[%dma_start3A_98] : memref<10240xf32, #tpu.memory_space<vmem>> -> memref<640xf32, #tpu.memory_space<vmem>>
      %dma_start3A_100 = tpu.memref_slice %arg9[%add3A_74] : memref<163840xf32, #tpu.memory_space<vmem_shared>> -> memref<640xf32, #tpu.memory_space<vmem_shared>>
      tpu.enqueue_dma source(%dma_start3A_100 : memref<640xf32, #tpu.memory_space<vmem_shared>>) target(%dma_start3A_99 : memref<640xf32, #tpu.memory_space<vmem>>) target_semaphore(%run_scoped3A : memref<!tpu.dma_semaphore, #tpu.memory_space<semaphore_mem>>)
      %dma_wait3A = arith.constant 8320 : i32
      %dma_wait3A_101 = tpu.memref_slice %arg7[%dma_wait3A] : memref<10240xf32, #tpu.memory_space<vmem>> -> memref<640xf32, #tpu.memory_space<vmem>>
      %dma_wait3A_102 = tpu.memref_slice %arg9[%add3A_74] : memref<163840xf32, #tpu.memory_space<vmem_shared>> -> memref<640xf32, #tpu.memory_space<vmem_shared>>
      %dma_wait3A_103 = arith.constant 8320 : i32
      %dma_wait3A_104 = tpu.memref_slice %arg7[%dma_wait3A_103] : memref<10240xf32, #tpu.memory_space<vmem>> -> memref<640xf32, #tpu.memory_space<vmem>>
      %dma_wait3A_105 = tpu.memref_slice %arg9[%add3A_74] : memref<163840xf32, #tpu.memory_space<vmem_shared>> -> memref<640xf32, #tpu.memory_space<vmem_shared>>
      tpu.wait_dma2 semaphore(%run_scoped3A : memref<!tpu.dma_semaphore, #tpu.memory_space<semaphore_mem>>) src(%dma_wait3A_105 : memref<640xf32, #tpu.memory_space<vmem_shared>>) dst(%dma_wait3A_104 : memref<640xf32, #tpu.memory_space<vmem>>)
      tpu.yield
    }) : () -> ()
    %mul3A_75 = arith.constant 640 : i32
    %mul3A_76 = arith.muli %arg1, %mul3A_75 : i32
    %add3A_77 = arith.constant 143360 : i32
    %add3A_78 = arith.addi %add3A_77, %mul3A_76 : i32
    "tpu.region"() ({
      %run_scoped3A = tpu.sem_alloc : memref<!tpu.dma_semaphore, #tpu.memory_space<semaphore_mem>>
      %dma_start3A = arith.constant 8960 : i32
      %dma_start3A_96 = tpu.memref_slice %arg7[%dma_start3A] : memref<10240xf32, #tpu.memory_space<vmem>> -> memref<640xf32, #tpu.memory_space<vmem>>
      %dma_start3A_97 = tpu.memref_slice %arg9[%add3A_78] : memref<163840xf32, #tpu.memory_space<vmem_shared>> -> memref<640xf32, #tpu.memory_space<vmem_shared>>
      %dma_start3A_98 = arith.constant 8960 : i32
      %dma_start3A_99 = tpu.memref_slice %arg7[%dma_start3A_98] : memref<10240xf32, #tpu.memory_space<vmem>> -> memref<640xf32, #tpu.memory_space<vmem>>
      %dma_start3A_100 = tpu.memref_slice %arg9[%add3A_78] : memref<163840xf32, #tpu.memory_space<vmem_shared>> -> memref<640xf32, #tpu.memory_space<vmem_shared>>
      tpu.enqueue_dma source(%dma_start3A_100 : memref<640xf32, #tpu.memory_space<vmem_shared>>) target(%dma_start3A_99 : memref<640xf32, #tpu.memory_space<vmem>>) target_semaphore(%run_scoped3A : memref<!tpu.dma_semaphore, #tpu.memory_space<semaphore_mem>>)
      %dma_wait3A = arith.constant 8960 : i32
      %dma_wait3A_101 = tpu.memref_slice %arg7[%dma_wait3A] : memref<10240xf32, #tpu.memory_space<vmem>> -> memref<640xf32, #tpu.memory_space<vmem>>
      %dma_wait3A_102 = tpu.memref_slice %arg9[%add3A_78] : memref<163840xf32, #tpu.memory_space<vmem_shared>> -> memref<640xf32, #tpu.memory_space<vmem_shared>>
      %dma_wait3A_103 = arith.constant 8960 : i32
      %dma_wait3A_104 = tpu.memref_slice %arg7[%dma_wait3A_103] : memref<10240xf32, #tpu.memory_space<vmem>> -> memref<640xf32, #tpu.memory_space<vmem>>
      %dma_wait3A_105 = tpu.memref_slice %arg9[%add3A_78] : memref<163840xf32, #tpu.memory_space<vmem_shared>> -> memref<640xf32, #tpu.memory_space<vmem_shared>>
      tpu.wait_dma2 semaphore(%run_scoped3A : memref<!tpu.dma_semaphore, #tpu.memory_space<semaphore_mem>>) src(%dma_wait3A_105 : memref<640xf32, #tpu.memory_space<vmem_shared>>) dst(%dma_wait3A_104 : memref<640xf32, #tpu.memory_space<vmem>>)
      tpu.yield
    }) : () -> ()
    %mul3A_79 = arith.constant 640 : i32
    %mul3A_80 = arith.muli %arg1, %mul3A_79 : i32
    %add3A_81 = arith.constant 153600 : i32
    %add3A_82 = arith.addi %add3A_81, %mul3A_80 : i32
    "tpu.region"() ({
      %run_scoped3A = tpu.sem_alloc : memref<!tpu.dma_semaphore, #tpu.memory_space<semaphore_mem>>
      %dma_start3A = arith.constant 9600 : i32
      %dma_start3A_96 = tpu.memref_slice %arg7[%dma_start3A] : memref<10240xf32, #tpu.memory_space<vmem>> -> memref<640xf32, #tpu.memory_space<vmem>>
      %dma_start3A_97 = tpu.memref_slice %arg9[%add3A_82] : memref<163840xf32, #tpu.memory_space<vmem_shared>> -> memref<640xf32, #tpu.memory_space<vmem_shared>>
      %dma_start3A_98 = arith.constant 9600 : i32
      %dma_start3A_99 = tpu.memref_slice %arg7[%dma_start3A_98] : memref<10240xf32, #tpu.memory_space<vmem>> -> memref<640xf32, #tpu.memory_space<vmem>>
      %dma_start3A_100 = tpu.memref_slice %arg9[%add3A_82] : memref<163840xf32, #tpu.memory_space<vmem_shared>> -> memref<640xf32, #tpu.memory_space<vmem_shared>>
      tpu.enqueue_dma source(%dma_start3A_100 : memref<640xf32, #tpu.memory_space<vmem_shared>>) target(%dma_start3A_99 : memref<640xf32, #tpu.memory_space<vmem>>) target_semaphore(%run_scoped3A : memref<!tpu.dma_semaphore, #tpu.memory_space<semaphore_mem>>)
      %dma_wait3A = arith.constant 9600 : i32
      %dma_wait3A_101 = tpu.memref_slice %arg7[%dma_wait3A] : memref<10240xf32, #tpu.memory_space<vmem>> -> memref<640xf32, #tpu.memory_space<vmem>>
      %dma_wait3A_102 = tpu.memref_slice %arg9[%add3A_82] : memref<163840xf32, #tpu.memory_space<vmem_shared>> -> memref<640xf32, #tpu.memory_space<vmem_shared>>
      %dma_wait3A_103 = arith.constant 9600 : i32
      %dma_wait3A_104 = tpu.memref_slice %arg7[%dma_wait3A_103] : memref<10240xf32, #tpu.memory_space<vmem>> -> memref<640xf32, #tpu.memory_space<vmem>>
      %dma_wait3A_105 = tpu.memref_slice %arg9[%add3A_82] : memref<163840xf32, #tpu.memory_space<vmem_shared>> -> memref<640xf32, #tpu.memory_space<vmem_shared>>
      tpu.wait_dma2 semaphore(%run_scoped3A : memref<!tpu.dma_semaphore, #tpu.memory_space<semaphore_mem>>) src(%dma_wait3A_105 : memref<640xf32, #tpu.memory_space<vmem_shared>>) dst(%dma_wait3A_104 : memref<640xf32, #tpu.memory_space<vmem>>)
      tpu.yield
    }) : () -> ()
    %scan3A_83 = arith.constant 0 : i32
    %scan3A_84 = arith.constant 0 : i32
    %scan3A_85 = arith.constant 40 : i32
    %scan3A_86 = arith.addi %scan3A_84, %scan3A_85 : i32
    %scan3A_87 = arith.constant 1 : i32
    scf.for %scan3A_96 = %scan3A_84 to %scan3A_86 step %scan3A_87  : i32 {
      %mul3A_97 = arith.constant 16 : i32
      %mul3A_98 = arith.muli %scan3A_96, %mul3A_97 : i32
      %get3A = arith.index_cast %mul3A_98 : i32 to index
      %get3A_99 = tpu.vector_load %arg7[%get3A] {strides = array<i32>} : memref<10240xf32, #tpu.memory_space<vmem>>, vector<16xf32>,
      %mul3A_100 = arith.constant 16 : i32
      %mul3A_101 = arith.muli %scan3A_96, %mul3A_100 : i32
      %add3A_102 = arith.constant 640 : i32
      %add3A_103 = arith.addi %add3A_102, %mul3A_101 : i32
      %get3A_104 = arith.index_cast %add3A_103 : i32 to index
      %get3A_105 = tpu.vector_load %arg7[%get3A_104] {strides = array<i32>} : memref<10240xf32, #tpu.memory_space<vmem>>, vector<16xf32>,
      %add3A_106 = arith.addf %get3A_99, %get3A_105 : vector<16xf32>
      %mul3A_107 = arith.constant 16 : i32
      %mul3A_108 = arith.muli %scan3A_96, %mul3A_107 : i32
      %add3A_109 = arith.constant 1280 : i32
      %add3A_110 = arith.addi %add3A_109, %mul3A_108 : i32
      %get3A_111 = arith.index_cast %add3A_110 : i32 to index
      %get3A_112 = tpu.vector_load %arg7[%get3A_111] {strides = array<i32>} : memref<10240xf32, #tpu.memory_space<vmem>>, vector<16xf32>,
      %add3A_113 = arith.addf %add3A_106, %get3A_112 : vector<16xf32>
      %mul3A_114 = arith.constant 16 : i32
      %mul3A_115 = arith.muli %scan3A_96, %mul3A_114 : i32
      %add3A_116 = arith.constant 1920 : i32
      %add3A_117 = arith.addi %add3A_116, %mul3A_115 : i32
      %get3A_118 = arith.index_cast %add3A_117 : i32 to index
      %get3A_119 = tpu.vector_load %arg7[%get3A_118] {strides = array<i32>} : memref<10240xf32, #tpu.memory_space<vmem>>, vector<16xf32>,
      %add3A_120 = arith.addf %add3A_113, %get3A_119 : vector<16xf32>
      %mul3A_121 = arith.constant 16 : i32
      %mul3A_122 = arith.muli %scan3A_96, %mul3A_121 : i32
      %add3A_123 = arith.constant 2560 : i32
      %add3A_124 = arith.addi %add3A_123, %mul3A_122 : i32
      %get3A_125 = arith.index_cast %add3A_124 : i32 to index
      %get3A_126 = tpu.vector_load %arg7[%get3A_125] {strides = array<i32>} : memref<10240xf32, #tpu.memory_space<vmem>>, vector<16xf32>,
      %add3A_127 = arith.addf %add3A_120, %get3A_126 : vector<16xf32>
      %mul3A_128 = arith.constant 16 : i32
      %mul3A_129 = arith.muli %scan3A_96, %mul3A_128 : i32
      %add3A_130 = arith.constant 3200 : i32
      %add3A_131 = arith.addi %add3A_130, %mul3A_129 : i32
      %get3A_132 = arith.index_cast %add3A_131 : i32 to index
      %get3A_133 = tpu.vector_load %arg7[%get3A_132] {strides = array<i32>} : memref<10240xf32, #tpu.memory_space<vmem>>, vector<16xf32>,
      %add3A_134 = arith.addf %add3A_127, %get3A_133 : vector<16xf32>
      %mul3A_135 = arith.constant 16 : i32
      %mul3A_136 = arith.muli %scan3A_96, %mul3A_135 : i32
      %add3A_137 = arith.constant 3840 : i32
      %add3A_138 = arith.addi %add3A_137, %mul3A_136 : i32
      %get3A_139 = arith.index_cast %add3A_138 : i32 to index
      %get3A_140 = tpu.vector_load %arg7[%get3A_139] {strides = array<i32>} : memref<10240xf32, #tpu.memory_space<vmem>>, vector<16xf32>,
      %add3A_141 = arith.addf %add3A_134, %get3A_140 : vector<16xf32>
      %mul3A_142 = arith.constant 16 : i32
      %mul3A_143 = arith.muli %scan3A_96, %mul3A_142 : i32
      %add3A_144 = arith.constant 4480 : i32
      %add3A_145 = arith.addi %add3A_144, %mul3A_143 : i32
      %get3A_146 = arith.index_cast %add3A_145 : i32 to index
      %get3A_147 = tpu.vector_load %arg7[%get3A_146] {strides = array<i32>} : memref<10240xf32, #tpu.memory_space<vmem>>, vector<16xf32>,
      %add3A_148 = arith.addf %add3A_141, %get3A_147 : vector<16xf32>
      %mul3A_149 = arith.constant 16 : i32
      %mul3A_150 = arith.muli %scan3A_96, %mul3A_149 : i32
      %add3A_151 = arith.constant 5120 : i32
      %add3A_152 = arith.addi %add3A_151, %mul3A_150 : i32
      %get3A_153 = arith.index_cast %add3A_152 : i32 to index
      %get3A_154 = tpu.vector_load %arg7[%get3A_153] {strides = array<i32>} : memref<10240xf32, #tpu.memory_space<vmem>>, vector<16xf32>,
      %add3A_155 = arith.addf %add3A_148, %get3A_154 : vector<16xf32>
      %mul3A_156 = arith.constant 16 : i32
      %mul3A_157 = arith.muli %scan3A_96, %mul3A_156 : i32
      %add3A_158 = arith.constant 5760 : i32
      %add3A_159 = arith.addi %add3A_158, %mul3A_157 : i32
      %get3A_160 = arith.index_cast %add3A_159 : i32 to index
      %get3A_161 = tpu.vector_load %arg7[%get3A_160] {strides = array<i32>} : memref<10240xf32, #tpu.memory_space<vmem>>, vector<16xf32>,
      %add3A_162 = arith.addf %add3A_155, %get3A_161 : vector<16xf32>
      %mul3A_163 = arith.constant 16 : i32
      %mul3A_164 = arith.muli %scan3A_96, %mul3A_163 : i32
      %add3A_165 = arith.constant 6400 : i32
      %add3A_166 = arith.addi %add3A_165, %mul3A_164 : i32
      %get3A_167 = arith.index_cast %add3A_166 : i32 to index
      %get3A_168 = tpu.vector_load %arg7[%get3A_167] {strides = array<i32>} : memref<10240xf32, #tpu.memory_space<vmem>>, vector<16xf32>,
      %add3A_169 = arith.addf %add3A_162, %get3A_168 : vector<16xf32>
      %mul3A_170 = arith.constant 16 : i32
      %mul3A_171 = arith.muli %scan3A_96, %mul3A_170 : i32
      %add3A_172 = arith.constant 7040 : i32
      %add3A_173 = arith.addi %add3A_172, %mul3A_171 : i32
      %get3A_174 = arith.index_cast %add3A_173 : i32 to index
      %get3A_175 = tpu.vector_load %arg7[%get3A_174] {strides = array<i32>} : memref<10240xf32, #tpu.memory_space<vmem>>, vector<16xf32>,
      %add3A_176 = arith.addf %add3A_169, %get3A_175 : vector<16xf32>
      %mul3A_177 = arith.constant 16 : i32
      %mul3A_178 = arith.muli %scan3A_96, %mul3A_177 : i32
      %add3A_179 = arith.constant 7680 : i32
      %add3A_180 = arith.addi %add3A_179, %mul3A_178 : i32
      %get3A_181 = arith.index_cast %add3A_180 : i32 to index
      %get3A_182 = tpu.vector_load %arg7[%get3A_181] {strides = array<i32>} : memref<10240xf32, #tpu.memory_space<vmem>>, vector<16xf32>,
      %add3A_183 = arith.addf %add3A_176, %get3A_182 : vector<16xf32>
      %mul3A_184 = arith.constant 16 : i32
      %mul3A_185 = arith.muli %scan3A_96, %mul3A_184 : i32
      %add3A_186 = arith.constant 8320 : i32
      %add3A_187 = arith.addi %add3A_186, %mul3A_185 : i32
      %get3A_188 = arith.index_cast %add3A_187 : i32 to index
      %get3A_189 = tpu.vector_load %arg7[%get3A_188] {strides = array<i32>} : memref<10240xf32, #tpu.memory_space<vmem>>, vector<16xf32>,
      %add3A_190 = arith.addf %add3A_183, %get3A_189 : vector<16xf32>
      %mul3A_191 = arith.constant 16 : i32
      %mul3A_192 = arith.muli %scan3A_96, %mul3A_191 : i32
      %add3A_193 = arith.constant 8960 : i32
      %add3A_194 = arith.addi %add3A_193, %mul3A_192 : i32
      %get3A_195 = arith.index_cast %add3A_194 : i32 to index
      %get3A_196 = tpu.vector_load %arg7[%get3A_195] {strides = array<i32>} : memref<10240xf32, #tpu.memory_space<vmem>>, vector<16xf32>,
      %add3A_197 = arith.addf %add3A_190, %get3A_196 : vector<16xf32>
      %mul3A_198 = arith.constant 16 : i32
      %mul3A_199 = arith.muli %scan3A_96, %mul3A_198 : i32
      %add3A_200 = arith.constant 9600 : i32
      %add3A_201 = arith.addi %add3A_200, %mul3A_199 : i32
      %get3A_202 = arith.index_cast %add3A_201 : i32 to index
      %get3A_203 = tpu.vector_load %arg7[%get3A_202] {strides = array<i32>} : memref<10240xf32, #tpu.memory_space<vmem>>, vector<16xf32>,
      %add3A_204 = arith.addf %add3A_197, %get3A_203 : vector<16xf32>
      %mul3A_205 = arith.constant 16 : i32
      %mul3A_206 = arith.muli %scan3A_96, %mul3A_205 : i32
      %add3A_207 = vector.broadcast %mul3A_206 : i32 to vector<16xi32>
      %add3A_208 = arith.addi %iota3A, %add3A_207 : vector<16xi32>
      %mul3A_209 = arith.constant 16 : i32
      %mul3A_210 = vector.broadcast %mul3A_209 : i32 to vector<16xi32>
      %mul3A_211 = arith.muli %add3A_208, %mul3A_210 : vector<16xi32>
      tpu.vector_store_idx %arg8[%mul3A_211], %add3A_204 : memref<10240xf32, #tpu.memory_space<vmem>>[vector<16xi32>], vector<16xf32>,
    }
    %scan3A_88 = arith.constant 40 : i32
    %eq3A = arith.constant 0 : i32
    %eq3A_89 = arith.cmpi eq, %arg0, %eq3A : i32
    %convert_element_type3A = arith.extui %eq3A_89 : i1 to i32
    %cond3A = arith.constant 0 : i32
    %cond3A_90 = arith.cmpi ne, %convert_element_type3A, %cond3A : i32
    scf.if %cond3A_90 {
      %mul3A_96 = arith.constant 640 : i32
      %mul3A_97 = arith.muli %arg1, %mul3A_96 : i32
      %mul3A_98 = arith.constant 16 : i32
      %mul3A_99 = arith.muli %mul3A_97, %mul3A_98 : i32
      "tpu.region"() ({
        %run_scoped3A = tpu.sem_alloc : memref<!tpu.dma_semaphore, #tpu.memory_space<semaphore_mem>>
        %dma_start3A = tpu.memref_slice %arg3[%mul3A_99] : memref<163840xf32, #tpu.memory_space<hbm>> -> memref<10240xf32, #tpu.memory_space<hbm>>
        %dma_start3A_100 = tpu.memref_slice %arg3[%mul3A_99] : memref<163840xf32, #tpu.memory_space<hbm>> -> memref<10240xf32, #tpu.memory_space<hbm>>
        tpu.enqueue_dma source(%arg8 : memref<10240xf32, #tpu.memory_space<vmem>>) target(%dma_start3A_100 : memref<10240xf32, #tpu.memory_space<hbm>>) target_semaphore(%run_scoped3A : memref<!tpu.dma_semaphore, #tpu.memory_space<semaphore_mem>>)
        %dma_wait3A = tpu.memref_slice %arg3[%mul3A_99] : memref<163840xf32, #tpu.memory_space<hbm>> -> memref<10240xf32, #tpu.memory_space<hbm>>
        %dma_wait3A_101 = tpu.memref_slice %arg3[%mul3A_99] : memref<163840xf32, #tpu.memory_space<hbm>> -> memref<10240xf32, #tpu.memory_space<hbm>>
        tpu.wait_dma2 semaphore(%run_scoped3A : memref<!tpu.dma_semaphore, #tpu.memory_space<semaphore_mem>>) src(%arg8 : memref<10240xf32, #tpu.memory_space<vmem>>) dst(%dma_wait3A_101 : memref<10240xf32, #tpu.memory_space<hbm>>)
        tpu.yield
      }) : () -> ()
    } else {
    }
    %eq3A_91 = arith.constant 1 : i32
    %eq3A_92 = arith.cmpi eq, %arg0, %eq3A_91 : i32
    %convert_element_type3A_93 = arith.extui %eq3A_92 : i1 to i32
    %cond3A_94 = arith.constant 0 : i32
    %cond3A_95 = arith.cmpi ne, %convert_element_type3A_93, %cond3A_94 : i32
    scf.if %cond3A_95 {
      %mul3A_96 = arith.constant 640 : i32
      %mul3A_97 = arith.muli %arg1, %mul3A_96 : i32
      %mul3A_98 = arith.constant 16 : i32
      %mul3A_99 = arith.muli %mul3A_97, %mul3A_98 : i32
      "tpu.region"() ({
        %run_scoped3A = tpu.sem_alloc : memref<!tpu.dma_semaphore, #tpu.memory_space<semaphore_mem>>
        %dma_start3A = tpu.memref_slice %arg4[%mul3A_99] : memref<163840xf32, #tpu.memory_space<hbm>> -> memref<10240xf32, #tpu.memory_space<hbm>>
        %dma_start3A_100 = tpu.memref_slice %arg4[%mul3A_99] : memref<163840xf32, #tpu.memory_space<hbm>> -> memref<10240xf32, #tpu.memory_space<hbm>>
        tpu.enqueue_dma source(%arg8 : memref<10240xf32, #tpu.memory_space<vmem>>) target(%dma_start3A_100 : memref<10240xf32, #tpu.memory_space<hbm>>) target_semaphore(%run_scoped3A : memref<!tpu.dma_semaphore, #tpu.memory_space<semaphore_mem>>)
        %dma_wait3A = tpu.memref_slice %arg4[%mul3A_99] : memref<163840xf32, #tpu.memory_space<hbm>> -> memref<10240xf32, #tpu.memory_space<hbm>>
        %dma_wait3A_101 = tpu.memref_slice %arg4[%mul3A_99] : memref<163840xf32, #tpu.memory_space<hbm>> -> memref<10240xf32, #tpu.memory_space<hbm>>
        tpu.wait_dma2 semaphore(%run_scoped3A : memref<!tpu.dma_semaphore, #tpu.memory_space<semaphore_mem>>) src(%arg8 : memref<10240xf32, #tpu.memory_space<vmem>>) dst(%dma_wait3A_101 : memref<10240xf32, #tpu.memory_space<hbm>>)
        tpu.yield
      }) : () -> ()
    } else {
    }
    return
  }
}

#map = affine_map<(d0, d1) -> (0, 0, 0)>
#map1 = affine_map<(d0, d1) -> (0, 0, 0, 0, 0)>
module attributes {stable_mosaic.version = 14 : i64} {
  func.func @k(%arg0: i32, %arg1: i32, %arg2: memref<2x10000x128xf32, #tpu.memory_space<hbm>>, %arg3: memref<2x16x5x25x80xi32, #tpu.memory_space<hbm>>, %arg4: memref<2x10240x128xf32, #tpu.memory_space<hbm>>, %arg5: memref<25x80xi32, #tpu.memory_space<vmem>>, %arg6: memref<25x80xi32, #tpu.memory_space<vmem>>, %arg7: memref<80x128xf32, #tpu.memory_space<vmem>>, %arg8: memref<80x128xf32, #tpu.memory_space<vmem>>, %arg9: memref<32x128xf32, #tpu.memory_space<vmem>>, %arg10: memref<10240x128xf32, #tpu.memory_space<vmem_shared>>, %arg11: memref<!tpu.dma_semaphore, #tpu.memory_space<semaphore_mem>>, %arg12: memref<!tpu.dma_semaphore, #tpu.memory_space<semaphore_mem>>) attributes {dimension_semantics = [#tpu.dimension_semantics<core_parallel>, #tpu.dimension_semantics<subcore_parallel>], iteration_bounds = array<i64: 2, 16>, scalar_prefetch = 0 : i64, scratch_operands = 8 : i64, tpu.core_type = #tpu.core_type<sc_vector_subcore>, window_params = [{transform_indices = #map}, {transform_indices = #map1}, {transform_indices = #map}]} {
    %broadcast_in_dim3A = arith.constant 0.000000e+00 : f32
    %broadcast_in_dim3A_0 = vector.broadcast %broadcast_in_dim3A : f32 to vector<16xf32>
    %scan3A = arith.constant 0 : i32
    %scan3A_1 = arith.constant 0 : i32
    %scan3A_2 = arith.constant 32 : i32
    %scan3A_3 = arith.addi %scan3A_1, %scan3A_2 : i32
    %scan3A_4 = arith.constant 1 : i32
    scf.for %scan3A_95 = %scan3A_1 to %scan3A_3 step %scan3A_4  : i32 {
      %scan3A_96 = arith.constant 0 : i32
      %scan3A_97 = arith.constant 0 : i32
      %scan3A_98 = arith.constant 8 : i32
      %scan3A_99 = arith.addi %scan3A_97, %scan3A_98 : i32
      %scan3A_100 = arith.constant 1 : i32
      scf.for %scan3A_102 = %scan3A_97 to %scan3A_99 step %scan3A_100  : i32 {
        %mul3A_103 = arith.constant 16 : i32
        %mul3A_104 = arith.muli %scan3A_102, %mul3A_103 : i32
        %swap3A = arith.index_cast %scan3A_95 : i32 to index
        %swap3A_105 = arith.index_cast %mul3A_104 : i32 to index
        %swap3A_106 = tpu.vector_load %arg9[%swap3A, %swap3A_105] {strides = array<i32>} : memref<32x128xf32, #tpu.memory_space<vmem>>, vector<1x16xf32>,
        %swap3A_107 = vector.shape_cast %swap3A_106 : vector<1x16xf32> to vector<16xf32>
        %swap3A_108 = vector.shape_cast %broadcast_in_dim3A_0 : vector<16xf32> to vector<1x16xf32>
        tpu.vector_store %arg9[%swap3A, %swap3A_105], %swap3A_108 {strides = array<i32>} : memref<32x128xf32, #tpu.memory_space<vmem>>, vector<1x16xf32>,
      }
      %scan3A_101 = arith.constant 8 : i32
    }
    %scan3A_5 = arith.constant 32 : i32
    %mul3A = arith.constant 640 : i32
    %mul3A_6 = arith.muli %arg1, %mul3A : i32
    %add3A = arith.constant 0 : i32
    %add3A_7 = arith.addi %mul3A_6, %add3A : i32
    "tpu.region"() ({
      %run_scoped3A = tpu.sem_alloc : memref<!tpu.dma_semaphore, #tpu.memory_space<semaphore_mem>>
      %dma_start3A = arith.constant 0 : i32
      %dma_start3A_95 = tpu.memref_slice %arg10[%add3A_7, %dma_start3A] : memref<10240x128xf32, #tpu.memory_space<vmem_shared>> -> memref<32x128xf32, #tpu.memory_space<vmem_shared>>
      %dma_start3A_96 = arith.constant 0 : i32
      %dma_start3A_97 = tpu.memref_slice %arg10[%add3A_7, %dma_start3A_96] : memref<10240x128xf32, #tpu.memory_space<vmem_shared>> -> memref<32x128xf32, #tpu.memory_space<vmem_shared>>
      tpu.enqueue_dma source(%arg9 : memref<32x128xf32, #tpu.memory_space<vmem>>) target(%dma_start3A_97 : memref<32x128xf32, #tpu.memory_space<vmem_shared>>) target_semaphore(%run_scoped3A : memref<!tpu.dma_semaphore, #tpu.memory_space<semaphore_mem>>)
      %dma_wait3A = arith.constant 0 : i32
      %dma_wait3A_98 = tpu.memref_slice %arg10[%add3A_7, %dma_wait3A] : memref<10240x128xf32, #tpu.memory_space<vmem_shared>> -> memref<32x128xf32, #tpu.memory_space<vmem_shared>>
      %dma_wait3A_99 = arith.constant 0 : i32
      %dma_wait3A_100 = tpu.memref_slice %arg10[%add3A_7, %dma_wait3A_99] : memref<10240x128xf32, #tpu.memory_space<vmem_shared>> -> memref<32x128xf32, #tpu.memory_space<vmem_shared>>
      tpu.wait_dma2 semaphore(%run_scoped3A : memref<!tpu.dma_semaphore, #tpu.memory_space<semaphore_mem>>) src(%arg9 : memref<32x128xf32, #tpu.memory_space<vmem>>) dst(%dma_wait3A_100 : memref<32x128xf32, #tpu.memory_space<vmem_shared>>)
      tpu.yield
    }) : () -> ()
    %mul3A_8 = arith.constant 640 : i32
    %mul3A_9 = arith.muli %arg1, %mul3A_8 : i32
    %add3A_10 = arith.constant 32 : i32
    %add3A_11 = arith.addi %mul3A_9, %add3A_10 : i32
    "tpu.region"() ({
      %run_scoped3A = tpu.sem_alloc : memref<!tpu.dma_semaphore, #tpu.memory_space<semaphore_mem>>
      %dma_start3A = arith.constant 0 : i32
      %dma_start3A_95 = tpu.memref_slice %arg10[%add3A_11, %dma_start3A] : memref<10240x128xf32, #tpu.memory_space<vmem_shared>> -> memref<32x128xf32, #tpu.memory_space<vmem_shared>>
      %dma_start3A_96 = arith.constant 0 : i32
      %dma_start3A_97 = tpu.memref_slice %arg10[%add3A_11, %dma_start3A_96] : memref<10240x128xf32, #tpu.memory_space<vmem_shared>> -> memref<32x128xf32, #tpu.memory_space<vmem_shared>>
      tpu.enqueue_dma source(%arg9 : memref<32x128xf32, #tpu.memory_space<vmem>>) target(%dma_start3A_97 : memref<32x128xf32, #tpu.memory_space<vmem_shared>>) target_semaphore(%run_scoped3A : memref<!tpu.dma_semaphore, #tpu.memory_space<semaphore_mem>>)
      %dma_wait3A = arith.constant 0 : i32
      %dma_wait3A_98 = tpu.memref_slice %arg10[%add3A_11, %dma_wait3A] : memref<10240x128xf32, #tpu.memory_space<vmem_shared>> -> memref<32x128xf32, #tpu.memory_space<vmem_shared>>
      %dma_wait3A_99 = arith.constant 0 : i32
      %dma_wait3A_100 = tpu.memref_slice %arg10[%add3A_11, %dma_wait3A_99] : memref<10240x128xf32, #tpu.memory_space<vmem_shared>> -> memref<32x128xf32, #tpu.memory_space<vmem_shared>>
      tpu.wait_dma2 semaphore(%run_scoped3A : memref<!tpu.dma_semaphore, #tpu.memory_space<semaphore_mem>>) src(%arg9 : memref<32x128xf32, #tpu.memory_space<vmem>>) dst(%dma_wait3A_100 : memref<32x128xf32, #tpu.memory_space<vmem_shared>>)
      tpu.yield
    }) : () -> ()
    %mul3A_12 = arith.constant 640 : i32
    %mul3A_13 = arith.muli %arg1, %mul3A_12 : i32
    %add3A_14 = arith.constant 64 : i32
    %add3A_15 = arith.addi %mul3A_13, %add3A_14 : i32
    "tpu.region"() ({
      %run_scoped3A = tpu.sem_alloc : memref<!tpu.dma_semaphore, #tpu.memory_space<semaphore_mem>>
      %dma_start3A = arith.constant 0 : i32
      %dma_start3A_95 = tpu.memref_slice %arg10[%add3A_15, %dma_start3A] : memref<10240x128xf32, #tpu.memory_space<vmem_shared>> -> memref<32x128xf32, #tpu.memory_space<vmem_shared>>
      %dma_start3A_96 = arith.constant 0 : i32
      %dma_start3A_97 = tpu.memref_slice %arg10[%add3A_15, %dma_start3A_96] : memref<10240x128xf32, #tpu.memory_space<vmem_shared>> -> memref<32x128xf32, #tpu.memory_space<vmem_shared>>
      tpu.enqueue_dma source(%arg9 : memref<32x128xf32, #tpu.memory_space<vmem>>) target(%dma_start3A_97 : memref<32x128xf32, #tpu.memory_space<vmem_shared>>) target_semaphore(%run_scoped3A : memref<!tpu.dma_semaphore, #tpu.memory_space<semaphore_mem>>)
      %dma_wait3A = arith.constant 0 : i32
      %dma_wait3A_98 = tpu.memref_slice %arg10[%add3A_15, %dma_wait3A] : memref<10240x128xf32, #tpu.memory_space<vmem_shared>> -> memref<32x128xf32, #tpu.memory_space<vmem_shared>>
      %dma_wait3A_99 = arith.constant 0 : i32
      %dma_wait3A_100 = tpu.memref_slice %arg10[%add3A_15, %dma_wait3A_99] : memref<10240x128xf32, #tpu.memory_space<vmem_shared>> -> memref<32x128xf32, #tpu.memory_space<vmem_shared>>
      tpu.wait_dma2 semaphore(%run_scoped3A : memref<!tpu.dma_semaphore, #tpu.memory_space<semaphore_mem>>) src(%arg9 : memref<32x128xf32, #tpu.memory_space<vmem>>) dst(%dma_wait3A_100 : memref<32x128xf32, #tpu.memory_space<vmem_shared>>)
      tpu.yield
    }) : () -> ()
    %mul3A_16 = arith.constant 640 : i32
    %mul3A_17 = arith.muli %arg1, %mul3A_16 : i32
    %add3A_18 = arith.constant 96 : i32
    %add3A_19 = arith.addi %mul3A_17, %add3A_18 : i32
    "tpu.region"() ({
      %run_scoped3A = tpu.sem_alloc : memref<!tpu.dma_semaphore, #tpu.memory_space<semaphore_mem>>
      %dma_start3A = arith.constant 0 : i32
      %dma_start3A_95 = tpu.memref_slice %arg10[%add3A_19, %dma_start3A] : memref<10240x128xf32, #tpu.memory_space<vmem_shared>> -> memref<32x128xf32, #tpu.memory_space<vmem_shared>>
      %dma_start3A_96 = arith.constant 0 : i32
      %dma_start3A_97 = tpu.memref_slice %arg10[%add3A_19, %dma_start3A_96] : memref<10240x128xf32, #tpu.memory_space<vmem_shared>> -> memref<32x128xf32, #tpu.memory_space<vmem_shared>>
      tpu.enqueue_dma source(%arg9 : memref<32x128xf32, #tpu.memory_space<vmem>>) target(%dma_start3A_97 : memref<32x128xf32, #tpu.memory_space<vmem_shared>>) target_semaphore(%run_scoped3A : memref<!tpu.dma_semaphore, #tpu.memory_space<semaphore_mem>>)
      %dma_wait3A = arith.constant 0 : i32
      %dma_wait3A_98 = tpu.memref_slice %arg10[%add3A_19, %dma_wait3A] : memref<10240x128xf32, #tpu.memory_space<vmem_shared>> -> memref<32x128xf32, #tpu.memory_space<vmem_shared>>
      %dma_wait3A_99 = arith.constant 0 : i32
      %dma_wait3A_100 = tpu.memref_slice %arg10[%add3A_19, %dma_wait3A_99] : memref<10240x128xf32, #tpu.memory_space<vmem_shared>> -> memref<32x128xf32, #tpu.memory_space<vmem_shared>>
      tpu.wait_dma2 semaphore(%run_scoped3A : memref<!tpu.dma_semaphore, #tpu.memory_space<semaphore_mem>>) src(%arg9 : memref<32x128xf32, #tpu.memory_space<vmem>>) dst(%dma_wait3A_100 : memref<32x128xf32, #tpu.memory_space<vmem_shared>>)
      tpu.yield
    }) : () -> ()
    %mul3A_20 = arith.constant 640 : i32
    %mul3A_21 = arith.muli %arg1, %mul3A_20 : i32
    %add3A_22 = arith.constant 128 : i32
    %add3A_23 = arith.addi %mul3A_21, %add3A_22 : i32
    "tpu.region"() ({
      %run_scoped3A = tpu.sem_alloc : memref<!tpu.dma_semaphore, #tpu.memory_space<semaphore_mem>>
      %dma_start3A = arith.constant 0 : i32
      %dma_start3A_95 = tpu.memref_slice %arg10[%add3A_23, %dma_start3A] : memref<10240x128xf32, #tpu.memory_space<vmem_shared>> -> memref<32x128xf32, #tpu.memory_space<vmem_shared>>
      %dma_start3A_96 = arith.constant 0 : i32
      %dma_start3A_97 = tpu.memref_slice %arg10[%add3A_23, %dma_start3A_96] : memref<10240x128xf32, #tpu.memory_space<vmem_shared>> -> memref<32x128xf32, #tpu.memory_space<vmem_shared>>
      tpu.enqueue_dma source(%arg9 : memref<32x128xf32, #tpu.memory_space<vmem>>) target(%dma_start3A_97 : memref<32x128xf32, #tpu.memory_space<vmem_shared>>) target_semaphore(%run_scoped3A : memref<!tpu.dma_semaphore, #tpu.memory_space<semaphore_mem>>)
      %dma_wait3A = arith.constant 0 : i32
      %dma_wait3A_98 = tpu.memref_slice %arg10[%add3A_23, %dma_wait3A] : memref<10240x128xf32, #tpu.memory_space<vmem_shared>> -> memref<32x128xf32, #tpu.memory_space<vmem_shared>>
      %dma_wait3A_99 = arith.constant 0 : i32
      %dma_wait3A_100 = tpu.memref_slice %arg10[%add3A_23, %dma_wait3A_99] : memref<10240x128xf32, #tpu.memory_space<vmem_shared>> -> memref<32x128xf32, #tpu.memory_space<vmem_shared>>
      tpu.wait_dma2 semaphore(%run_scoped3A : memref<!tpu.dma_semaphore, #tpu.memory_space<semaphore_mem>>) src(%arg9 : memref<32x128xf32, #tpu.memory_space<vmem>>) dst(%dma_wait3A_100 : memref<32x128xf32, #tpu.memory_space<vmem_shared>>)
      tpu.yield
    }) : () -> ()
    %mul3A_24 = arith.constant 640 : i32
    %mul3A_25 = arith.muli %arg1, %mul3A_24 : i32
    %add3A_26 = arith.constant 160 : i32
    %add3A_27 = arith.addi %mul3A_25, %add3A_26 : i32
    "tpu.region"() ({
      %run_scoped3A = tpu.sem_alloc : memref<!tpu.dma_semaphore, #tpu.memory_space<semaphore_mem>>
      %dma_start3A = arith.constant 0 : i32
      %dma_start3A_95 = tpu.memref_slice %arg10[%add3A_27, %dma_start3A] : memref<10240x128xf32, #tpu.memory_space<vmem_shared>> -> memref<32x128xf32, #tpu.memory_space<vmem_shared>>
      %dma_start3A_96 = arith.constant 0 : i32
      %dma_start3A_97 = tpu.memref_slice %arg10[%add3A_27, %dma_start3A_96] : memref<10240x128xf32, #tpu.memory_space<vmem_shared>> -> memref<32x128xf32, #tpu.memory_space<vmem_shared>>
      tpu.enqueue_dma source(%arg9 : memref<32x128xf32, #tpu.memory_space<vmem>>) target(%dma_start3A_97 : memref<32x128xf32, #tpu.memory_space<vmem_shared>>) target_semaphore(%run_scoped3A : memref<!tpu.dma_semaphore, #tpu.memory_space<semaphore_mem>>)
      %dma_wait3A = arith.constant 0 : i32
      %dma_wait3A_98 = tpu.memref_slice %arg10[%add3A_27, %dma_wait3A] : memref<10240x128xf32, #tpu.memory_space<vmem_shared>> -> memref<32x128xf32, #tpu.memory_space<vmem_shared>>
      %dma_wait3A_99 = arith.constant 0 : i32
      %dma_wait3A_100 = tpu.memref_slice %arg10[%add3A_27, %dma_wait3A_99] : memref<10240x128xf32, #tpu.memory_space<vmem_shared>> -> memref<32x128xf32, #tpu.memory_space<vmem_shared>>
      tpu.wait_dma2 semaphore(%run_scoped3A : memref<!tpu.dma_semaphore, #tpu.memory_space<semaphore_mem>>) src(%arg9 : memref<32x128xf32, #tpu.memory_space<vmem>>) dst(%dma_wait3A_100 : memref<32x128xf32, #tpu.memory_space<vmem_shared>>)
      tpu.yield
    }) : () -> ()
    %mul3A_28 = arith.constant 640 : i32
    %mul3A_29 = arith.muli %arg1, %mul3A_28 : i32
    %add3A_30 = arith.constant 192 : i32
    %add3A_31 = arith.addi %mul3A_29, %add3A_30 : i32
    "tpu.region"() ({
      %run_scoped3A = tpu.sem_alloc : memref<!tpu.dma_semaphore, #tpu.memory_space<semaphore_mem>>
      %dma_start3A = arith.constant 0 : i32
      %dma_start3A_95 = tpu.memref_slice %arg10[%add3A_31, %dma_start3A] : memref<10240x128xf32, #tpu.memory_space<vmem_shared>> -> memref<32x128xf32, #tpu.memory_space<vmem_shared>>
      %dma_start3A_96 = arith.constant 0 : i32
      %dma_start3A_97 = tpu.memref_slice %arg10[%add3A_31, %dma_start3A_96] : memref<10240x128xf32, #tpu.memory_space<vmem_shared>> -> memref<32x128xf32, #tpu.memory_space<vmem_shared>>
      tpu.enqueue_dma source(%arg9 : memref<32x128xf32, #tpu.memory_space<vmem>>) target(%dma_start3A_97 : memref<32x128xf32, #tpu.memory_space<vmem_shared>>) target_semaphore(%run_scoped3A : memref<!tpu.dma_semaphore, #tpu.memory_space<semaphore_mem>>)
      %dma_wait3A = arith.constant 0 : i32
      %dma_wait3A_98 = tpu.memref_slice %arg10[%add3A_31, %dma_wait3A] : memref<10240x128xf32, #tpu.memory_space<vmem_shared>> -> memref<32x128xf32, #tpu.memory_space<vmem_shared>>
      %dma_wait3A_99 = arith.constant 0 : i32
      %dma_wait3A_100 = tpu.memref_slice %arg10[%add3A_31, %dma_wait3A_99] : memref<10240x128xf32, #tpu.memory_space<vmem_shared>> -> memref<32x128xf32, #tpu.memory_space<vmem_shared>>
      tpu.wait_dma2 semaphore(%run_scoped3A : memref<!tpu.dma_semaphore, #tpu.memory_space<semaphore_mem>>) src(%arg9 : memref<32x128xf32, #tpu.memory_space<vmem>>) dst(%dma_wait3A_100 : memref<32x128xf32, #tpu.memory_space<vmem_shared>>)
      tpu.yield
    }) : () -> ()
    %mul3A_32 = arith.constant 640 : i32
    %mul3A_33 = arith.muli %arg1, %mul3A_32 : i32
    %add3A_34 = arith.constant 224 : i32
    %add3A_35 = arith.addi %mul3A_33, %add3A_34 : i32
    "tpu.region"() ({
      %run_scoped3A = tpu.sem_alloc : memref<!tpu.dma_semaphore, #tpu.memory_space<semaphore_mem>>
      %dma_start3A = arith.constant 0 : i32
      %dma_start3A_95 = tpu.memref_slice %arg10[%add3A_35, %dma_start3A] : memref<10240x128xf32, #tpu.memory_space<vmem_shared>> -> memref<32x128xf32, #tpu.memory_space<vmem_shared>>
      %dma_start3A_96 = arith.constant 0 : i32
      %dma_start3A_97 = tpu.memref_slice %arg10[%add3A_35, %dma_start3A_96] : memref<10240x128xf32, #tpu.memory_space<vmem_shared>> -> memref<32x128xf32, #tpu.memory_space<vmem_shared>>
      tpu.enqueue_dma source(%arg9 : memref<32x128xf32, #tpu.memory_space<vmem>>) target(%dma_start3A_97 : memref<32x128xf32, #tpu.memory_space<vmem_shared>>) target_semaphore(%run_scoped3A : memref<!tpu.dma_semaphore, #tpu.memory_space<semaphore_mem>>)
      %dma_wait3A = arith.constant 0 : i32
      %dma_wait3A_98 = tpu.memref_slice %arg10[%add3A_35, %dma_wait3A] : memref<10240x128xf32, #tpu.memory_space<vmem_shared>> -> memref<32x128xf32, #tpu.memory_space<vmem_shared>>
      %dma_wait3A_99 = arith.constant 0 : i32
      %dma_wait3A_100 = tpu.memref_slice %arg10[%add3A_35, %dma_wait3A_99] : memref<10240x128xf32, #tpu.memory_space<vmem_shared>> -> memref<32x128xf32, #tpu.memory_space<vmem_shared>>
      tpu.wait_dma2 semaphore(%run_scoped3A : memref<!tpu.dma_semaphore, #tpu.memory_space<semaphore_mem>>) src(%arg9 : memref<32x128xf32, #tpu.memory_space<vmem>>) dst(%dma_wait3A_100 : memref<32x128xf32, #tpu.memory_space<vmem_shared>>)
      tpu.yield
    }) : () -> ()
    %mul3A_36 = arith.constant 640 : i32
    %mul3A_37 = arith.muli %arg1, %mul3A_36 : i32
    %add3A_38 = arith.constant 256 : i32
    %add3A_39 = arith.addi %mul3A_37, %add3A_38 : i32
    "tpu.region"() ({
      %run_scoped3A = tpu.sem_alloc : memref<!tpu.dma_semaphore, #tpu.memory_space<semaphore_mem>>
      %dma_start3A = arith.constant 0 : i32
      %dma_start3A_95 = tpu.memref_slice %arg10[%add3A_39, %dma_start3A] : memref<10240x128xf32, #tpu.memory_space<vmem_shared>> -> memref<32x128xf32, #tpu.memory_space<vmem_shared>>
      %dma_start3A_96 = arith.constant 0 : i32
      %dma_start3A_97 = tpu.memref_slice %arg10[%add3A_39, %dma_start3A_96] : memref<10240x128xf32, #tpu.memory_space<vmem_shared>> -> memref<32x128xf32, #tpu.memory_space<vmem_shared>>
      tpu.enqueue_dma source(%arg9 : memref<32x128xf32, #tpu.memory_space<vmem>>) target(%dma_start3A_97 : memref<32x128xf32, #tpu.memory_space<vmem_shared>>) target_semaphore(%run_scoped3A : memref<!tpu.dma_semaphore, #tpu.memory_space<semaphore_mem>>)
      %dma_wait3A = arith.constant 0 : i32
      %dma_wait3A_98 = tpu.memref_slice %arg10[%add3A_39, %dma_wait3A] : memref<10240x128xf32, #tpu.memory_space<vmem_shared>> -> memref<32x128xf32, #tpu.memory_space<vmem_shared>>
      %dma_wait3A_99 = arith.constant 0 : i32
      %dma_wait3A_100 = tpu.memref_slice %arg10[%add3A_39, %dma_wait3A_99] : memref<10240x128xf32, #tpu.memory_space<vmem_shared>> -> memref<32x128xf32, #tpu.memory_space<vmem_shared>>
      tpu.wait_dma2 semaphore(%run_scoped3A : memref<!tpu.dma_semaphore, #tpu.memory_space<semaphore_mem>>) src(%arg9 : memref<32x128xf32, #tpu.memory_space<vmem>>) dst(%dma_wait3A_100 : memref<32x128xf32, #tpu.memory_space<vmem_shared>>)
      tpu.yield
    }) : () -> ()
    %mul3A_40 = arith.constant 640 : i32
    %mul3A_41 = arith.muli %arg1, %mul3A_40 : i32
    %add3A_42 = arith.constant 288 : i32
    %add3A_43 = arith.addi %mul3A_41, %add3A_42 : i32
    "tpu.region"() ({
      %run_scoped3A = tpu.sem_alloc : memref<!tpu.dma_semaphore, #tpu.memory_space<semaphore_mem>>
      %dma_start3A = arith.constant 0 : i32
      %dma_start3A_95 = tpu.memref_slice %arg10[%add3A_43, %dma_start3A] : memref<10240x128xf32, #tpu.memory_space<vmem_shared>> -> memref<32x128xf32, #tpu.memory_space<vmem_shared>>
      %dma_start3A_96 = arith.constant 0 : i32
      %dma_start3A_97 = tpu.memref_slice %arg10[%add3A_43, %dma_start3A_96] : memref<10240x128xf32, #tpu.memory_space<vmem_shared>> -> memref<32x128xf32, #tpu.memory_space<vmem_shared>>
      tpu.enqueue_dma source(%arg9 : memref<32x128xf32, #tpu.memory_space<vmem>>) target(%dma_start3A_97 : memref<32x128xf32, #tpu.memory_space<vmem_shared>>) target_semaphore(%run_scoped3A : memref<!tpu.dma_semaphore, #tpu.memory_space<semaphore_mem>>)
      %dma_wait3A = arith.constant 0 : i32
      %dma_wait3A_98 = tpu.memref_slice %arg10[%add3A_43, %dma_wait3A] : memref<10240x128xf32, #tpu.memory_space<vmem_shared>> -> memref<32x128xf32, #tpu.memory_space<vmem_shared>>
      %dma_wait3A_99 = arith.constant 0 : i32
      %dma_wait3A_100 = tpu.memref_slice %arg10[%add3A_43, %dma_wait3A_99] : memref<10240x128xf32, #tpu.memory_space<vmem_shared>> -> memref<32x128xf32, #tpu.memory_space<vmem_shared>>
      tpu.wait_dma2 semaphore(%run_scoped3A : memref<!tpu.dma_semaphore, #tpu.memory_space<semaphore_mem>>) src(%arg9 : memref<32x128xf32, #tpu.memory_space<vmem>>) dst(%dma_wait3A_100 : memref<32x128xf32, #tpu.memory_space<vmem_shared>>)
      tpu.yield
    }) : () -> ()
    %mul3A_44 = arith.constant 640 : i32
    %mul3A_45 = arith.muli %arg1, %mul3A_44 : i32
    %add3A_46 = arith.constant 320 : i32
    %add3A_47 = arith.addi %mul3A_45, %add3A_46 : i32
    "tpu.region"() ({
      %run_scoped3A = tpu.sem_alloc : memref<!tpu.dma_semaphore, #tpu.memory_space<semaphore_mem>>
      %dma_start3A = arith.constant 0 : i32
      %dma_start3A_95 = tpu.memref_slice %arg10[%add3A_47, %dma_start3A] : memref<10240x128xf32, #tpu.memory_space<vmem_shared>> -> memref<32x128xf32, #tpu.memory_space<vmem_shared>>
      %dma_start3A_96 = arith.constant 0 : i32
      %dma_start3A_97 = tpu.memref_slice %arg10[%add3A_47, %dma_start3A_96] : memref<10240x128xf32, #tpu.memory_space<vmem_shared>> -> memref<32x128xf32, #tpu.memory_space<vmem_shared>>
      tpu.enqueue_dma source(%arg9 : memref<32x128xf32, #tpu.memory_space<vmem>>) target(%dma_start3A_97 : memref<32x128xf32, #tpu.memory_space<vmem_shared>>) target_semaphore(%run_scoped3A : memref<!tpu.dma_semaphore, #tpu.memory_space<semaphore_mem>>)
      %dma_wait3A = arith.constant 0 : i32
      %dma_wait3A_98 = tpu.memref_slice %arg10[%add3A_47, %dma_wait3A] : memref<10240x128xf32, #tpu.memory_space<vmem_shared>> -> memref<32x128xf32, #tpu.memory_space<vmem_shared>>
      %dma_wait3A_99 = arith.constant 0 : i32
      %dma_wait3A_100 = tpu.memref_slice %arg10[%add3A_47, %dma_wait3A_99] : memref<10240x128xf32, #tpu.memory_space<vmem_shared>> -> memref<32x128xf32, #tpu.memory_space<vmem_shared>>
      tpu.wait_dma2 semaphore(%run_scoped3A : memref<!tpu.dma_semaphore, #tpu.memory_space<semaphore_mem>>) src(%arg9 : memref<32x128xf32, #tpu.memory_space<vmem>>) dst(%dma_wait3A_100 : memref<32x128xf32, #tpu.memory_space<vmem_shared>>)
      tpu.yield
    }) : () -> ()
    %mul3A_48 = arith.constant 640 : i32
    %mul3A_49 = arith.muli %arg1, %mul3A_48 : i32
    %add3A_50 = arith.constant 352 : i32
    %add3A_51 = arith.addi %mul3A_49, %add3A_50 : i32
    "tpu.region"() ({
      %run_scoped3A = tpu.sem_alloc : memref<!tpu.dma_semaphore, #tpu.memory_space<semaphore_mem>>
      %dma_start3A = arith.constant 0 : i32
      %dma_start3A_95 = tpu.memref_slice %arg10[%add3A_51, %dma_start3A] : memref<10240x128xf32, #tpu.memory_space<vmem_shared>> -> memref<32x128xf32, #tpu.memory_space<vmem_shared>>
      %dma_start3A_96 = arith.constant 0 : i32
      %dma_start3A_97 = tpu.memref_slice %arg10[%add3A_51, %dma_start3A_96] : memref<10240x128xf32, #tpu.memory_space<vmem_shared>> -> memref<32x128xf32, #tpu.memory_space<vmem_shared>>
      tpu.enqueue_dma source(%arg9 : memref<32x128xf32, #tpu.memory_space<vmem>>) target(%dma_start3A_97 : memref<32x128xf32, #tpu.memory_space<vmem_shared>>) target_semaphore(%run_scoped3A : memref<!tpu.dma_semaphore, #tpu.memory_space<semaphore_mem>>)
      %dma_wait3A = arith.constant 0 : i32
      %dma_wait3A_98 = tpu.memref_slice %arg10[%add3A_51, %dma_wait3A] : memref<10240x128xf32, #tpu.memory_space<vmem_shared>> -> memref<32x128xf32, #tpu.memory_space<vmem_shared>>
      %dma_wait3A_99 = arith.constant 0 : i32
      %dma_wait3A_100 = tpu.memref_slice %arg10[%add3A_51, %dma_wait3A_99] : memref<10240x128xf32, #tpu.memory_space<vmem_shared>> -> memref<32x128xf32, #tpu.memory_space<vmem_shared>>
      tpu.wait_dma2 semaphore(%run_scoped3A : memref<!tpu.dma_semaphore, #tpu.memory_space<semaphore_mem>>) src(%arg9 : memref<32x128xf32, #tpu.memory_space<vmem>>) dst(%dma_wait3A_100 : memref<32x128xf32, #tpu.memory_space<vmem_shared>>)
      tpu.yield
    }) : () -> ()
    %mul3A_52 = arith.constant 640 : i32
    %mul3A_53 = arith.muli %arg1, %mul3A_52 : i32
    %add3A_54 = arith.constant 384 : i32
    %add3A_55 = arith.addi %mul3A_53, %add3A_54 : i32
    "tpu.region"() ({
      %run_scoped3A = tpu.sem_alloc : memref<!tpu.dma_semaphore, #tpu.memory_space<semaphore_mem>>
      %dma_start3A = arith.constant 0 : i32
      %dma_start3A_95 = tpu.memref_slice %arg10[%add3A_55, %dma_start3A] : memref<10240x128xf32, #tpu.memory_space<vmem_shared>> -> memref<32x128xf32, #tpu.memory_space<vmem_shared>>
      %dma_start3A_96 = arith.constant 0 : i32
      %dma_start3A_97 = tpu.memref_slice %arg10[%add3A_55, %dma_start3A_96] : memref<10240x128xf32, #tpu.memory_space<vmem_shared>> -> memref<32x128xf32, #tpu.memory_space<vmem_shared>>
      tpu.enqueue_dma source(%arg9 : memref<32x128xf32, #tpu.memory_space<vmem>>) target(%dma_start3A_97 : memref<32x128xf32, #tpu.memory_space<vmem_shared>>) target_semaphore(%run_scoped3A : memref<!tpu.dma_semaphore, #tpu.memory_space<semaphore_mem>>)
      %dma_wait3A = arith.constant 0 : i32
      %dma_wait3A_98 = tpu.memref_slice %arg10[%add3A_55, %dma_wait3A] : memref<10240x128xf32, #tpu.memory_space<vmem_shared>> -> memref<32x128xf32, #tpu.memory_space<vmem_shared>>
      %dma_wait3A_99 = arith.constant 0 : i32
      %dma_wait3A_100 = tpu.memref_slice %arg10[%add3A_55, %dma_wait3A_99] : memref<10240x128xf32, #tpu.memory_space<vmem_shared>> -> memref<32x128xf32, #tpu.memory_space<vmem_shared>>
      tpu.wait_dma2 semaphore(%run_scoped3A : memref<!tpu.dma_semaphore, #tpu.memory_space<semaphore_mem>>) src(%arg9 : memref<32x128xf32, #tpu.memory_space<vmem>>) dst(%dma_wait3A_100 : memref<32x128xf32, #tpu.memory_space<vmem_shared>>)
      tpu.yield
    }) : () -> ()
    %mul3A_56 = arith.constant 640 : i32
    %mul3A_57 = arith.muli %arg1, %mul3A_56 : i32
    %add3A_58 = arith.constant 416 : i32
    %add3A_59 = arith.addi %mul3A_57, %add3A_58 : i32
    "tpu.region"() ({
      %run_scoped3A = tpu.sem_alloc : memref<!tpu.dma_semaphore, #tpu.memory_space<semaphore_mem>>
      %dma_start3A = arith.constant 0 : i32
      %dma_start3A_95 = tpu.memref_slice %arg10[%add3A_59, %dma_start3A] : memref<10240x128xf32, #tpu.memory_space<vmem_shared>> -> memref<32x128xf32, #tpu.memory_space<vmem_shared>>
      %dma_start3A_96 = arith.constant 0 : i32
      %dma_start3A_97 = tpu.memref_slice %arg10[%add3A_59, %dma_start3A_96] : memref<10240x128xf32, #tpu.memory_space<vmem_shared>> -> memref<32x128xf32, #tpu.memory_space<vmem_shared>>
      tpu.enqueue_dma source(%arg9 : memref<32x128xf32, #tpu.memory_space<vmem>>) target(%dma_start3A_97 : memref<32x128xf32, #tpu.memory_space<vmem_shared>>) target_semaphore(%run_scoped3A : memref<!tpu.dma_semaphore, #tpu.memory_space<semaphore_mem>>)
      %dma_wait3A = arith.constant 0 : i32
      %dma_wait3A_98 = tpu.memref_slice %arg10[%add3A_59, %dma_wait3A] : memref<10240x128xf32, #tpu.memory_space<vmem_shared>> -> memref<32x128xf32, #tpu.memory_space<vmem_shared>>
      %dma_wait3A_99 = arith.constant 0 : i32
      %dma_wait3A_100 = tpu.memref_slice %arg10[%add3A_59, %dma_wait3A_99] : memref<10240x128xf32, #tpu.memory_space<vmem_shared>> -> memref<32x128xf32, #tpu.memory_space<vmem_shared>>
      tpu.wait_dma2 semaphore(%run_scoped3A : memref<!tpu.dma_semaphore, #tpu.memory_space<semaphore_mem>>) src(%arg9 : memref<32x128xf32, #tpu.memory_space<vmem>>) dst(%dma_wait3A_100 : memref<32x128xf32, #tpu.memory_space<vmem_shared>>)
      tpu.yield
    }) : () -> ()
    %mul3A_60 = arith.constant 640 : i32
    %mul3A_61 = arith.muli %arg1, %mul3A_60 : i32
    %add3A_62 = arith.constant 448 : i32
    %add3A_63 = arith.addi %mul3A_61, %add3A_62 : i32
    "tpu.region"() ({
      %run_scoped3A = tpu.sem_alloc : memref<!tpu.dma_semaphore, #tpu.memory_space<semaphore_mem>>
      %dma_start3A = arith.constant 0 : i32
      %dma_start3A_95 = tpu.memref_slice %arg10[%add3A_63, %dma_start3A] : memref<10240x128xf32, #tpu.memory_space<vmem_shared>> -> memref<32x128xf32, #tpu.memory_space<vmem_shared>>
      %dma_start3A_96 = arith.constant 0 : i32
      %dma_start3A_97 = tpu.memref_slice %arg10[%add3A_63, %dma_start3A_96] : memref<10240x128xf32, #tpu.memory_space<vmem_shared>> -> memref<32x128xf32, #tpu.memory_space<vmem_shared>>
      tpu.enqueue_dma source(%arg9 : memref<32x128xf32, #tpu.memory_space<vmem>>) target(%dma_start3A_97 : memref<32x128xf32, #tpu.memory_space<vmem_shared>>) target_semaphore(%run_scoped3A : memref<!tpu.dma_semaphore, #tpu.memory_space<semaphore_mem>>)
      %dma_wait3A = arith.constant 0 : i32
      %dma_wait3A_98 = tpu.memref_slice %arg10[%add3A_63, %dma_wait3A] : memref<10240x128xf32, #tpu.memory_space<vmem_shared>> -> memref<32x128xf32, #tpu.memory_space<vmem_shared>>
      %dma_wait3A_99 = arith.constant 0 : i32
      %dma_wait3A_100 = tpu.memref_slice %arg10[%add3A_63, %dma_wait3A_99] : memref<10240x128xf32, #tpu.memory_space<vmem_shared>> -> memref<32x128xf32, #tpu.memory_space<vmem_shared>>
      tpu.wait_dma2 semaphore(%run_scoped3A : memref<!tpu.dma_semaphore, #tpu.memory_space<semaphore_mem>>) src(%arg9 : memref<32x128xf32, #tpu.memory_space<vmem>>) dst(%dma_wait3A_100 : memref<32x128xf32, #tpu.memory_space<vmem_shared>>)
      tpu.yield
    }) : () -> ()
    %mul3A_64 = arith.constant 640 : i32
    %mul3A_65 = arith.muli %arg1, %mul3A_64 : i32
    %add3A_66 = arith.constant 480 : i32
    %add3A_67 = arith.addi %mul3A_65, %add3A_66 : i32
    "tpu.region"() ({
      %run_scoped3A = tpu.sem_alloc : memref<!tpu.dma_semaphore, #tpu.memory_space<semaphore_mem>>
      %dma_start3A = arith.constant 0 : i32
      %dma_start3A_95 = tpu.memref_slice %arg10[%add3A_67, %dma_start3A] : memref<10240x128xf32, #tpu.memory_space<vmem_shared>> -> memref<32x128xf32, #tpu.memory_space<vmem_shared>>
      %dma_start3A_96 = arith.constant 0 : i32
      %dma_start3A_97 = tpu.memref_slice %arg10[%add3A_67, %dma_start3A_96] : memref<10240x128xf32, #tpu.memory_space<vmem_shared>> -> memref<32x128xf32, #tpu.memory_space<vmem_shared>>
      tpu.enqueue_dma source(%arg9 : memref<32x128xf32, #tpu.memory_space<vmem>>) target(%dma_start3A_97 : memref<32x128xf32, #tpu.memory_space<vmem_shared>>) target_semaphore(%run_scoped3A : memref<!tpu.dma_semaphore, #tpu.memory_space<semaphore_mem>>)
      %dma_wait3A = arith.constant 0 : i32
      %dma_wait3A_98 = tpu.memref_slice %arg10[%add3A_67, %dma_wait3A] : memref<10240x128xf32, #tpu.memory_space<vmem_shared>> -> memref<32x128xf32, #tpu.memory_space<vmem_shared>>
      %dma_wait3A_99 = arith.constant 0 : i32
      %dma_wait3A_100 = tpu.memref_slice %arg10[%add3A_67, %dma_wait3A_99] : memref<10240x128xf32, #tpu.memory_space<vmem_shared>> -> memref<32x128xf32, #tpu.memory_space<vmem_shared>>
      tpu.wait_dma2 semaphore(%run_scoped3A : memref<!tpu.dma_semaphore, #tpu.memory_space<semaphore_mem>>) src(%arg9 : memref<32x128xf32, #tpu.memory_space<vmem>>) dst(%dma_wait3A_100 : memref<32x128xf32, #tpu.memory_space<vmem_shared>>)
      tpu.yield
    }) : () -> ()
    %mul3A_68 = arith.constant 640 : i32
    %mul3A_69 = arith.muli %arg1, %mul3A_68 : i32
    %add3A_70 = arith.constant 512 : i32
    %add3A_71 = arith.addi %mul3A_69, %add3A_70 : i32
    "tpu.region"() ({
      %run_scoped3A = tpu.sem_alloc : memref<!tpu.dma_semaphore, #tpu.memory_space<semaphore_mem>>
      %dma_start3A = arith.constant 0 : i32
      %dma_start3A_95 = tpu.memref_slice %arg10[%add3A_71, %dma_start3A] : memref<10240x128xf32, #tpu.memory_space<vmem_shared>> -> memref<32x128xf32, #tpu.memory_space<vmem_shared>>
      %dma_start3A_96 = arith.constant 0 : i32
      %dma_start3A_97 = tpu.memref_slice %arg10[%add3A_71, %dma_start3A_96] : memref<10240x128xf32, #tpu.memory_space<vmem_shared>> -> memref<32x128xf32, #tpu.memory_space<vmem_shared>>
      tpu.enqueue_dma source(%arg9 : memref<32x128xf32, #tpu.memory_space<vmem>>) target(%dma_start3A_97 : memref<32x128xf32, #tpu.memory_space<vmem_shared>>) target_semaphore(%run_scoped3A : memref<!tpu.dma_semaphore, #tpu.memory_space<semaphore_mem>>)
      %dma_wait3A = arith.constant 0 : i32
      %dma_wait3A_98 = tpu.memref_slice %arg10[%add3A_71, %dma_wait3A] : memref<10240x128xf32, #tpu.memory_space<vmem_shared>> -> memref<32x128xf32, #tpu.memory_space<vmem_shared>>
      %dma_wait3A_99 = arith.constant 0 : i32
      %dma_wait3A_100 = tpu.memref_slice %arg10[%add3A_71, %dma_wait3A_99] : memref<10240x128xf32, #tpu.memory_space<vmem_shared>> -> memref<32x128xf32, #tpu.memory_space<vmem_shared>>
      tpu.wait_dma2 semaphore(%run_scoped3A : memref<!tpu.dma_semaphore, #tpu.memory_space<semaphore_mem>>) src(%arg9 : memref<32x128xf32, #tpu.memory_space<vmem>>) dst(%dma_wait3A_100 : memref<32x128xf32, #tpu.memory_space<vmem_shared>>)
      tpu.yield
    }) : () -> ()
    %mul3A_72 = arith.constant 640 : i32
    %mul3A_73 = arith.muli %arg1, %mul3A_72 : i32
    %add3A_74 = arith.constant 544 : i32
    %add3A_75 = arith.addi %mul3A_73, %add3A_74 : i32
    "tpu.region"() ({
      %run_scoped3A = tpu.sem_alloc : memref<!tpu.dma_semaphore, #tpu.memory_space<semaphore_mem>>
      %dma_start3A = arith.constant 0 : i32
      %dma_start3A_95 = tpu.memref_slice %arg10[%add3A_75, %dma_start3A] : memref<10240x128xf32, #tpu.memory_space<vmem_shared>> -> memref<32x128xf32, #tpu.memory_space<vmem_shared>>
      %dma_start3A_96 = arith.constant 0 : i32
      %dma_start3A_97 = tpu.memref_slice %arg10[%add3A_75, %dma_start3A_96] : memref<10240x128xf32, #tpu.memory_space<vmem_shared>> -> memref<32x128xf32, #tpu.memory_space<vmem_shared>>
      tpu.enqueue_dma source(%arg9 : memref<32x128xf32, #tpu.memory_space<vmem>>) target(%dma_start3A_97 : memref<32x128xf32, #tpu.memory_space<vmem_shared>>) target_semaphore(%run_scoped3A : memref<!tpu.dma_semaphore, #tpu.memory_space<semaphore_mem>>)
      %dma_wait3A = arith.constant 0 : i32
      %dma_wait3A_98 = tpu.memref_slice %arg10[%add3A_75, %dma_wait3A] : memref<10240x128xf32, #tpu.memory_space<vmem_shared>> -> memref<32x128xf32, #tpu.memory_space<vmem_shared>>
      %dma_wait3A_99 = arith.constant 0 : i32
      %dma_wait3A_100 = tpu.memref_slice %arg10[%add3A_75, %dma_wait3A_99] : memref<10240x128xf32, #tpu.memory_space<vmem_shared>> -> memref<32x128xf32, #tpu.memory_space<vmem_shared>>
      tpu.wait_dma2 semaphore(%run_scoped3A : memref<!tpu.dma_semaphore, #tpu.memory_space<semaphore_mem>>) src(%arg9 : memref<32x128xf32, #tpu.memory_space<vmem>>) dst(%dma_wait3A_100 : memref<32x128xf32, #tpu.memory_space<vmem_shared>>)
      tpu.yield
    }) : () -> ()
    %mul3A_76 = arith.constant 640 : i32
    %mul3A_77 = arith.muli %arg1, %mul3A_76 : i32
    %add3A_78 = arith.constant 576 : i32
    %add3A_79 = arith.addi %mul3A_77, %add3A_78 : i32
    "tpu.region"() ({
      %run_scoped3A = tpu.sem_alloc : memref<!tpu.dma_semaphore, #tpu.memory_space<semaphore_mem>>
      %dma_start3A = arith.constant 0 : i32
      %dma_start3A_95 = tpu.memref_slice %arg10[%add3A_79, %dma_start3A] : memref<10240x128xf32, #tpu.memory_space<vmem_shared>> -> memref<32x128xf32, #tpu.memory_space<vmem_shared>>
      %dma_start3A_96 = arith.constant 0 : i32
      %dma_start3A_97 = tpu.memref_slice %arg10[%add3A_79, %dma_start3A_96] : memref<10240x128xf32, #tpu.memory_space<vmem_shared>> -> memref<32x128xf32, #tpu.memory_space<vmem_shared>>
      tpu.enqueue_dma source(%arg9 : memref<32x128xf32, #tpu.memory_space<vmem>>) target(%dma_start3A_97 : memref<32x128xf32, #tpu.memory_space<vmem_shared>>) target_semaphore(%run_scoped3A : memref<!tpu.dma_semaphore, #tpu.memory_space<semaphore_mem>>)
      %dma_wait3A = arith.constant 0 : i32
      %dma_wait3A_98 = tpu.memref_slice %arg10[%add3A_79, %dma_wait3A] : memref<10240x128xf32, #tpu.memory_space<vmem_shared>> -> memref<32x128xf32, #tpu.memory_space<vmem_shared>>
      %dma_wait3A_99 = arith.constant 0 : i32
      %dma_wait3A_100 = tpu.memref_slice %arg10[%add3A_79, %dma_wait3A_99] : memref<10240x128xf32, #tpu.memory_space<vmem_shared>> -> memref<32x128xf32, #tpu.memory_space<vmem_shared>>
      tpu.wait_dma2 semaphore(%run_scoped3A : memref<!tpu.dma_semaphore, #tpu.memory_space<semaphore_mem>>) src(%arg9 : memref<32x128xf32, #tpu.memory_space<vmem>>) dst(%dma_wait3A_100 : memref<32x128xf32, #tpu.memory_space<vmem_shared>>)
      tpu.yield
    }) : () -> ()
    %mul3A_80 = arith.constant 640 : i32
    %mul3A_81 = arith.muli %arg1, %mul3A_80 : i32
    %add3A_82 = arith.constant 608 : i32
    %add3A_83 = arith.addi %mul3A_81, %add3A_82 : i32
    "tpu.region"() ({
      %run_scoped3A = tpu.sem_alloc : memref<!tpu.dma_semaphore, #tpu.memory_space<semaphore_mem>>
      %dma_start3A = arith.constant 0 : i32
      %dma_start3A_95 = tpu.memref_slice %arg10[%add3A_83, %dma_start3A] : memref<10240x128xf32, #tpu.memory_space<vmem_shared>> -> memref<32x128xf32, #tpu.memory_space<vmem_shared>>
      %dma_start3A_96 = arith.constant 0 : i32
      %dma_start3A_97 = tpu.memref_slice %arg10[%add3A_83, %dma_start3A_96] : memref<10240x128xf32, #tpu.memory_space<vmem_shared>> -> memref<32x128xf32, #tpu.memory_space<vmem_shared>>
      tpu.enqueue_dma source(%arg9 : memref<32x128xf32, #tpu.memory_space<vmem>>) target(%dma_start3A_97 : memref<32x128xf32, #tpu.memory_space<vmem_shared>>) target_semaphore(%run_scoped3A : memref<!tpu.dma_semaphore, #tpu.memory_space<semaphore_mem>>)
      %dma_wait3A = arith.constant 0 : i32
      %dma_wait3A_98 = tpu.memref_slice %arg10[%add3A_83, %dma_wait3A] : memref<10240x128xf32, #tpu.memory_space<vmem_shared>> -> memref<32x128xf32, #tpu.memory_space<vmem_shared>>
      %dma_wait3A_99 = arith.constant 0 : i32
      %dma_wait3A_100 = tpu.memref_slice %arg10[%add3A_83, %dma_wait3A_99] : memref<10240x128xf32, #tpu.memory_space<vmem_shared>> -> memref<32x128xf32, #tpu.memory_space<vmem_shared>>
      tpu.wait_dma2 semaphore(%run_scoped3A : memref<!tpu.dma_semaphore, #tpu.memory_space<semaphore_mem>>) src(%arg9 : memref<32x128xf32, #tpu.memory_space<vmem>>) dst(%dma_wait3A_100 : memref<32x128xf32, #tpu.memory_space<vmem_shared>>)
      tpu.yield
    }) : () -> ()
    %barrier3A = arith.constant 0 : index
    tpu.barrier barrier_id(%barrier3A)
    %scan3A_84 = arith.constant 0 : i32
    %scan3A_85 = arith.constant 0 : i32
    %scan3A_86 = arith.constant 5 : i32
    %scan3A_87 = arith.addi %scan3A_85, %scan3A_86 : i32
    %scan3A_88 = arith.constant 1 : i32
    scf.for %scan3A_95 = %scan3A_85 to %scan3A_87 step %scan3A_88  : i32 {
      %run_scoped3A = arith.constant 0 : i32
      "tpu.region"() ({
        %run_scoped3A_124 = tpu.sem_alloc : memref<!tpu.dma_semaphore, #tpu.memory_space<semaphore_mem>>
        %dma_start3A_125 = arith.constant 0 : i32
        %dma_start3A_126 = arith.constant 0 : i32
        %dma_start3A_127 = tpu.memref_slice %arg3[%run_scoped3A, %arg1, %scan3A_95, %dma_start3A_125, %dma_start3A_126] : memref<2x16x5x25x80xi32, #tpu.memory_space<hbm>> -> memref<1x1x1x25x80xi32, #tpu.memory_space<hbm>>
        %dma_start3A_128 = tpu.memref_squeeze %dma_start3A_127 : memref<1x1x1x25x80xi32, #tpu.memory_space<hbm>> -> memref<25x80xi32, #tpu.memory_space<hbm>>
        %dma_start3A_129 = arith.constant 0 : i32
        %dma_start3A_130 = arith.constant 0 : i32
        %dma_start3A_131 = tpu.memref_slice %arg3[%run_scoped3A, %arg1, %scan3A_95, %dma_start3A_129, %dma_start3A_130] : memref<2x16x5x25x80xi32, #tpu.memory_space<hbm>> -> memref<1x1x1x25x80xi32, #tpu.memory_space<hbm>>
        %dma_start3A_132 = tpu.memref_squeeze %dma_start3A_131 : memref<1x1x1x25x80xi32, #tpu.memory_space<hbm>> -> memref<25x80xi32, #tpu.memory_space<hbm>>
        tpu.enqueue_dma source(%dma_start3A_132 : memref<25x80xi32, #tpu.memory_space<hbm>>) target(%arg5 : memref<25x80xi32, #tpu.memory_space<vmem>>) target_semaphore(%run_scoped3A_124 : memref<!tpu.dma_semaphore, #tpu.memory_space<semaphore_mem>>)
        %dma_wait3A_133 = arith.constant 0 : i32
        %dma_wait3A_134 = arith.constant 0 : i32
        %dma_wait3A_135 = tpu.memref_slice %arg3[%run_scoped3A, %arg1, %scan3A_95, %dma_wait3A_133, %dma_wait3A_134] : memref<2x16x5x25x80xi32, #tpu.memory_space<hbm>> -> memref<1x1x1x25x80xi32, #tpu.memory_space<hbm>>
        %dma_wait3A_136 = tpu.memref_squeeze %dma_wait3A_135 : memref<1x1x1x25x80xi32, #tpu.memory_space<hbm>> -> memref<25x80xi32, #tpu.memory_space<hbm>>
        %dma_wait3A_137 = arith.constant 0 : i32
        %dma_wait3A_138 = arith.constant 0 : i32
        %dma_wait3A_139 = tpu.memref_slice %arg3[%run_scoped3A, %arg1, %scan3A_95, %dma_wait3A_137, %dma_wait3A_138] : memref<2x16x5x25x80xi32, #tpu.memory_space<hbm>> -> memref<1x1x1x25x80xi32, #tpu.memory_space<hbm>>
        %dma_wait3A_140 = tpu.memref_squeeze %dma_wait3A_139 : memref<1x1x1x25x80xi32, #tpu.memory_space<hbm>> -> memref<25x80xi32, #tpu.memory_space<hbm>>
        tpu.wait_dma2 semaphore(%run_scoped3A_124 : memref<!tpu.dma_semaphore, #tpu.memory_space<semaphore_mem>>) src(%dma_wait3A_140 : memref<25x80xi32, #tpu.memory_space<hbm>>) dst(%arg5 : memref<25x80xi32, #tpu.memory_space<vmem>>)
        tpu.yield
      }) : () -> ()
      %run_scoped3A_96 = arith.constant 1 : i32
      "tpu.region"() ({
        %run_scoped3A_124 = tpu.sem_alloc : memref<!tpu.dma_semaphore, #tpu.memory_space<semaphore_mem>>
        %dma_start3A_125 = arith.constant 0 : i32
        %dma_start3A_126 = arith.constant 0 : i32
        %dma_start3A_127 = tpu.memref_slice %arg3[%run_scoped3A_96, %arg1, %scan3A_95, %dma_start3A_125, %dma_start3A_126] : memref<2x16x5x25x80xi32, #tpu.memory_space<hbm>> -> memref<1x1x1x25x80xi32, #tpu.memory_space<hbm>>
        %dma_start3A_128 = tpu.memref_squeeze %dma_start3A_127 : memref<1x1x1x25x80xi32, #tpu.memory_space<hbm>> -> memref<25x80xi32, #tpu.memory_space<hbm>>
        %dma_start3A_129 = arith.constant 0 : i32
        %dma_start3A_130 = arith.constant 0 : i32
        %dma_start3A_131 = tpu.memref_slice %arg3[%run_scoped3A_96, %arg1, %scan3A_95, %dma_start3A_129, %dma_start3A_130] : memref<2x16x5x25x80xi32, #tpu.memory_space<hbm>> -> memref<1x1x1x25x80xi32, #tpu.memory_space<hbm>>
        %dma_start3A_132 = tpu.memref_squeeze %dma_start3A_131 : memref<1x1x1x25x80xi32, #tpu.memory_space<hbm>> -> memref<25x80xi32, #tpu.memory_space<hbm>>
        tpu.enqueue_dma source(%dma_start3A_132 : memref<25x80xi32, #tpu.memory_space<hbm>>) target(%arg6 : memref<25x80xi32, #tpu.memory_space<vmem>>) target_semaphore(%run_scoped3A_124 : memref<!tpu.dma_semaphore, #tpu.memory_space<semaphore_mem>>)
        %dma_wait3A_133 = arith.constant 0 : i32
        %dma_wait3A_134 = arith.constant 0 : i32
        %dma_wait3A_135 = tpu.memref_slice %arg3[%run_scoped3A_96, %arg1, %scan3A_95, %dma_wait3A_133, %dma_wait3A_134] : memref<2x16x5x25x80xi32, #tpu.memory_space<hbm>> -> memref<1x1x1x25x80xi32, #tpu.memory_space<hbm>>
        %dma_wait3A_136 = tpu.memref_squeeze %dma_wait3A_135 : memref<1x1x1x25x80xi32, #tpu.memory_space<hbm>> -> memref<25x80xi32, #tpu.memory_space<hbm>>
        %dma_wait3A_137 = arith.constant 0 : i32
        %dma_wait3A_138 = arith.constant 0 : i32
        %dma_wait3A_139 = tpu.memref_slice %arg3[%run_scoped3A_96, %arg1, %scan3A_95, %dma_wait3A_137, %dma_wait3A_138] : memref<2x16x5x25x80xi32, #tpu.memory_space<hbm>> -> memref<1x1x1x25x80xi32, #tpu.memory_space<hbm>>
        %dma_wait3A_140 = tpu.memref_squeeze %dma_wait3A_139 : memref<1x1x1x25x80xi32, #tpu.memory_space<hbm>> -> memref<25x80xi32, #tpu.memory_space<hbm>>
        tpu.wait_dma2 semaphore(%run_scoped3A_124 : memref<!tpu.dma_semaphore, #tpu.memory_space<semaphore_mem>>) src(%dma_wait3A_140 : memref<25x80xi32, #tpu.memory_space<hbm>>) dst(%arg6 : memref<25x80xi32, #tpu.memory_space<vmem>>)
        tpu.yield
      }) : () -> ()
      %dma_start3A = arith.constant 0 : i32
      %dma_start3A_97 = arith.constant 0 : i32
      %dma_start3A_98 = tpu.memref_slice %arg5[%dma_start3A, %dma_start3A_97] : memref<25x80xi32, #tpu.memory_space<vmem>> -> memref<1x80xi32, #tpu.memory_space<vmem>>
      %dma_start3A_99 = tpu.memref_squeeze %dma_start3A_98 : memref<1x80xi32, #tpu.memory_space<vmem>> -> memref<80xi32, #tpu.memory_space<vmem>>
      %dma_start3A_100 = arith.constant 0 : i32
      %dma_start3A_101 = arith.constant 0 : i32
      %dma_start3A_102 = tpu.memref_slice %arg2[%arg0, %dma_start3A_100, %dma_start3A_101] : memref<2x10000x128xf32, #tpu.memory_space<hbm>> -> memref<1x10000x128xf32, #tpu.memory_space<hbm>>
      %dma_start3A_103 = tpu.memref_squeeze %dma_start3A_102 : memref<1x10000x128xf32, #tpu.memory_space<hbm>> -> memref<10000x128xf32, #tpu.memory_space<hbm>>
      %dma_start3A_104 = arith.constant 0 : i32
      %dma_start3A_105 = arith.constant 0 : i32
      %dma_start3A_106 = tpu.memref_slice %dma_start3A_103[%dma_start3A_104, %dma_start3A_105] : memref<10000x128xf32, #tpu.memory_space<hbm>> -> memref<10000x128xf32, #tpu.memory_space<hbm>>
      tpu.enqueue_indirect_dma source(%dma_start3A_106 : memref<10000x128xf32, #tpu.memory_space<hbm>>) target(%arg7 : memref<80x128xf32, #tpu.memory_space<vmem>>) offsets(%dma_start3A_99 : memref<80xi32, #tpu.memory_space<vmem>>) semaphore(%arg11 : memref<!tpu.dma_semaphore, #tpu.memory_space<semaphore_mem>>)
      %scan3A_107 = arith.constant 0 : i32
      %scan3A_108 = arith.constant 0 : i32
      %scan3A_109 = arith.constant 12 : i32
      %scan3A_110 = arith.addi %scan3A_108, %scan3A_109 : i32
      %scan3A_111 = arith.constant 1 : i32
      scf.for %scan3A_124 = %scan3A_108 to %scan3A_110 step %scan3A_111  : i32 {
        %mul3A_125 = arith.constant 2 : i32
        %mul3A_126 = arith.muli %scan3A_124, %mul3A_125 : i32
        %dma_wait3A_127 = arith.constant 0 : i32
        %dma_wait3A_128 = arith.constant 0 : i32
        %dma_wait3A_129 = tpu.memref_slice %arg5[%dma_wait3A_127, %dma_wait3A_128] : memref<25x80xi32, #tpu.memory_space<vmem>> -> memref<1x80xi32, #tpu.memory_space<vmem>>
        %dma_wait3A_130 = tpu.memref_squeeze %dma_wait3A_129 : memref<1x80xi32, #tpu.memory_space<vmem>> -> memref<80xi32, #tpu.memory_space<vmem>>
        %dma_wait3A_131 = arith.constant 0 : i32
        %dma_wait3A_132 = arith.constant 0 : i32
        %dma_wait3A_133 = tpu.memref_slice %arg2[%arg0, %dma_wait3A_131, %dma_wait3A_132] : memref<2x10000x128xf32, #tpu.memory_space<hbm>> -> memref<1x10000x128xf32, #tpu.memory_space<hbm>>
        %dma_wait3A_134 = tpu.memref_squeeze %dma_wait3A_133 : memref<1x10000x128xf32, #tpu.memory_space<hbm>> -> memref<10000x128xf32, #tpu.memory_space<hbm>>
        %dma_wait3A_135 = arith.constant 0 : i32
        %dma_wait3A_136 = arith.constant 0 : i32
        %dma_wait3A_137 = tpu.memref_slice %dma_wait3A_134[%dma_wait3A_135, %dma_wait3A_136] : memref<10000x128xf32, #tpu.memory_space<hbm>> -> memref<10000x128xf32, #tpu.memory_space<hbm>>
        tpu.wait_indirect_dma semaphore(%arg11 : memref<!tpu.dma_semaphore, #tpu.memory_space<semaphore_mem>>) src(%dma_wait3A_137 : memref<10000x128xf32, #tpu.memory_space<hbm>>) dst(%arg7 : memref<80x128xf32, #tpu.memory_space<vmem>>)
        %add3A_138 = arith.constant 1 : i32
        %add3A_139 = arith.addi %mul3A_126, %add3A_138 : i32
        %dma_start3A_140 = arith.constant 0 : i32
        %dma_start3A_141 = tpu.memref_slice %arg5[%add3A_139, %dma_start3A_140] : memref<25x80xi32, #tpu.memory_space<vmem>> -> memref<1x80xi32, #tpu.memory_space<vmem>>
        %dma_start3A_142 = tpu.memref_squeeze %dma_start3A_141 : memref<1x80xi32, #tpu.memory_space<vmem>> -> memref<80xi32, #tpu.memory_space<vmem>>
        %dma_start3A_143 = arith.constant 0 : i32
        %dma_start3A_144 = arith.constant 0 : i32
        %dma_start3A_145 = tpu.memref_slice %arg2[%arg0, %dma_start3A_143, %dma_start3A_144] : memref<2x10000x128xf32, #tpu.memory_space<hbm>> -> memref<1x10000x128xf32, #tpu.memory_space<hbm>>
        %dma_start3A_146 = tpu.memref_squeeze %dma_start3A_145 : memref<1x10000x128xf32, #tpu.memory_space<hbm>> -> memref<10000x128xf32, #tpu.memory_space<hbm>>
        %dma_start3A_147 = arith.constant 0 : i32
        %dma_start3A_148 = arith.constant 0 : i32
        %dma_start3A_149 = tpu.memref_slice %dma_start3A_146[%dma_start3A_147, %dma_start3A_148] : memref<10000x128xf32, #tpu.memory_space<hbm>> -> memref<10000x128xf32, #tpu.memory_space<hbm>>
        tpu.enqueue_indirect_dma source(%dma_start3A_149 : memref<10000x128xf32, #tpu.memory_space<hbm>>) target(%arg8 : memref<80x128xf32, #tpu.memory_space<vmem>>) offsets(%dma_start3A_142 : memref<80xi32, #tpu.memory_space<vmem>>) semaphore(%arg12 : memref<!tpu.dma_semaphore, #tpu.memory_space<semaphore_mem>>)
        "tpu.region"() ({
          %run_scoped3A_175 = tpu.sem_alloc : memref<!tpu.dma_semaphore, #tpu.memory_space<semaphore_mem>>
          %dma_start3A_176 = arith.constant 0 : i32
          %dma_start3A_177 = tpu.memref_slice %arg6[%mul3A_126, %dma_start3A_176] : memref<25x80xi32, #tpu.memory_space<vmem>> -> memref<1x80xi32, #tpu.memory_space<vmem>>
          %dma_start3A_178 = tpu.memref_squeeze %dma_start3A_177 : memref<1x80xi32, #tpu.memory_space<vmem>> -> memref<80xi32, #tpu.memory_space<vmem>>
          %dma_start3A_179 = arith.constant 0 : i32
          %dma_start3A_180 = arith.constant 0 : i32
          %dma_start3A_181 = tpu.memref_slice %arg10[%dma_start3A_179, %dma_start3A_180] : memref<10240x128xf32, #tpu.memory_space<vmem_shared>> -> memref<10240x128xf32, #tpu.memory_space<vmem_shared>>
          tpu.enqueue_indirect_dma source(%arg7 : memref<80x128xf32, #tpu.memory_space<vmem>>) target(%dma_start3A_181 : memref<10240x128xf32, #tpu.memory_space<vmem_shared>>) offsets(%dma_start3A_178 : memref<80xi32, #tpu.memory_space<vmem>>) semaphore(%run_scoped3A_175 : memref<!tpu.dma_semaphore, #tpu.memory_space<semaphore_mem>>) {add = true}
          %dma_wait3A_182 = arith.constant 0 : i32
          %dma_wait3A_183 = tpu.memref_slice %arg6[%mul3A_126, %dma_wait3A_182] : memref<25x80xi32, #tpu.memory_space<vmem>> -> memref<1x80xi32, #tpu.memory_space<vmem>>
          %dma_wait3A_184 = tpu.memref_squeeze %dma_wait3A_183 : memref<1x80xi32, #tpu.memory_space<vmem>> -> memref<80xi32, #tpu.memory_space<vmem>>
          %dma_wait3A_185 = arith.constant 0 : i32
          %dma_wait3A_186 = arith.constant 0 : i32
          %dma_wait3A_187 = tpu.memref_slice %arg10[%dma_wait3A_185, %dma_wait3A_186] : memref<10240x128xf32, #tpu.memory_space<vmem_shared>> -> memref<10240x128xf32, #tpu.memory_space<vmem_shared>>
          tpu.wait_indirect_dma semaphore(%run_scoped3A_175 : memref<!tpu.dma_semaphore, #tpu.memory_space<semaphore_mem>>) src(%arg7 : memref<80x128xf32, #tpu.memory_space<vmem>>) dst(%dma_wait3A_187 : memref<10240x128xf32, #tpu.memory_space<vmem_shared>>)
          tpu.yield
        }) : () -> ()
        %dma_wait3A_150 = arith.constant 0 : i32
        %dma_wait3A_151 = arith.constant 0 : i32
        %dma_wait3A_152 = tpu.memref_slice %arg5[%dma_wait3A_150, %dma_wait3A_151] : memref<25x80xi32, #tpu.memory_space<vmem>> -> memref<1x80xi32, #tpu.memory_space<vmem>>
        %dma_wait3A_153 = tpu.memref_squeeze %dma_wait3A_152 : memref<1x80xi32, #tpu.memory_space<vmem>> -> memref<80xi32, #tpu.memory_space<vmem>>
        %dma_wait3A_154 = arith.constant 0 : i32
        %dma_wait3A_155 = arith.constant 0 : i32
        %dma_wait3A_156 = tpu.memref_slice %arg2[%arg0, %dma_wait3A_154, %dma_wait3A_155] : memref<2x10000x128xf32, #tpu.memory_space<hbm>> -> memref<1x10000x128xf32, #tpu.memory_space<hbm>>
        %dma_wait3A_157 = tpu.memref_squeeze %dma_wait3A_156 : memref<1x10000x128xf32, #tpu.memory_space<hbm>> -> memref<10000x128xf32, #tpu.memory_space<hbm>>
        %dma_wait3A_158 = arith.constant 0 : i32
        %dma_wait3A_159 = arith.constant 0 : i32
        %dma_wait3A_160 = tpu.memref_slice %dma_wait3A_157[%dma_wait3A_158, %dma_wait3A_159] : memref<10000x128xf32, #tpu.memory_space<hbm>> -> memref<10000x128xf32, #tpu.memory_space<hbm>>
        tpu.wait_indirect_dma semaphore(%arg12 : memref<!tpu.dma_semaphore, #tpu.memory_space<semaphore_mem>>) src(%dma_wait3A_160 : memref<10000x128xf32, #tpu.memory_space<hbm>>) dst(%arg8 : memref<80x128xf32, #tpu.memory_space<vmem>>)
        %add3A_161 = arith.constant 2 : i32
        %add3A_162 = arith.addi %mul3A_126, %add3A_161 : i32
        %dma_start3A_163 = arith.constant 0 : i32
        %dma_start3A_164 = tpu.memref_slice %arg5[%add3A_162, %dma_start3A_163] : memref<25x80xi32, #tpu.memory_space<vmem>> -> memref<1x80xi32, #tpu.memory_space<vmem>>
        %dma_start3A_165 = tpu.memref_squeeze %dma_start3A_164 : memref<1x80xi32, #tpu.memory_space<vmem>> -> memref<80xi32, #tpu.memory_space<vmem>>
        %dma_start3A_166 = arith.constant 0 : i32
        %dma_start3A_167 = arith.constant 0 : i32
        %dma_start3A_168 = tpu.memref_slice %arg2[%arg0, %dma_start3A_166, %dma_start3A_167] : memref<2x10000x128xf32, #tpu.memory_space<hbm>> -> memref<1x10000x128xf32, #tpu.memory_space<hbm>>
        %dma_start3A_169 = tpu.memref_squeeze %dma_start3A_168 : memref<1x10000x128xf32, #tpu.memory_space<hbm>> -> memref<10000x128xf32, #tpu.memory_space<hbm>>
        %dma_start3A_170 = arith.constant 0 : i32
        %dma_start3A_171 = arith.constant 0 : i32
        %dma_start3A_172 = tpu.memref_slice %dma_start3A_169[%dma_start3A_170, %dma_start3A_171] : memref<10000x128xf32, #tpu.memory_space<hbm>> -> memref<10000x128xf32, #tpu.memory_space<hbm>>
        tpu.enqueue_indirect_dma source(%dma_start3A_172 : memref<10000x128xf32, #tpu.memory_space<hbm>>) target(%arg7 : memref<80x128xf32, #tpu.memory_space<vmem>>) offsets(%dma_start3A_165 : memref<80xi32, #tpu.memory_space<vmem>>) semaphore(%arg11 : memref<!tpu.dma_semaphore, #tpu.memory_space<semaphore_mem>>)
        %add3A_173 = arith.constant 1 : i32
        %add3A_174 = arith.addi %mul3A_126, %add3A_173 : i32
        "tpu.region"() ({
          %run_scoped3A_175 = tpu.sem_alloc : memref<!tpu.dma_semaphore, #tpu.memory_space<semaphore_mem>>
          %dma_start3A_176 = arith.constant 0 : i32
          %dma_start3A_177 = tpu.memref_slice %arg6[%add3A_174, %dma_start3A_176] : memref<25x80xi32, #tpu.memory_space<vmem>> -> memref<1x80xi32, #tpu.memory_space<vmem>>
          %dma_start3A_178 = tpu.memref_squeeze %dma_start3A_177 : memref<1x80xi32, #tpu.memory_space<vmem>> -> memref<80xi32, #tpu.memory_space<vmem>>
          %dma_start3A_179 = arith.constant 0 : i32
          %dma_start3A_180 = arith.constant 0 : i32
          %dma_start3A_181 = tpu.memref_slice %arg10[%dma_start3A_179, %dma_start3A_180] : memref<10240x128xf32, #tpu.memory_space<vmem_shared>> -> memref<10240x128xf32, #tpu.memory_space<vmem_shared>>
          tpu.enqueue_indirect_dma source(%arg8 : memref<80x128xf32, #tpu.memory_space<vmem>>) target(%dma_start3A_181 : memref<10240x128xf32, #tpu.memory_space<vmem_shared>>) offsets(%dma_start3A_178 : memref<80xi32, #tpu.memory_space<vmem>>) semaphore(%run_scoped3A_175 : memref<!tpu.dma_semaphore, #tpu.memory_space<semaphore_mem>>) {add = true}
          %dma_wait3A_182 = arith.constant 0 : i32
          %dma_wait3A_183 = tpu.memref_slice %arg6[%add3A_174, %dma_wait3A_182] : memref<25x80xi32, #tpu.memory_space<vmem>> -> memref<1x80xi32, #tpu.memory_space<vmem>>
          %dma_wait3A_184 = tpu.memref_squeeze %dma_wait3A_183 : memref<1x80xi32, #tpu.memory_space<vmem>> -> memref<80xi32, #tpu.memory_space<vmem>>
          %dma_wait3A_185 = arith.constant 0 : i32
          %dma_wait3A_186 = arith.constant 0 : i32
          %dma_wait3A_187 = tpu.memref_slice %arg10[%dma_wait3A_185, %dma_wait3A_186] : memref<10240x128xf32, #tpu.memory_space<vmem_shared>> -> memref<10240x128xf32, #tpu.memory_space<vmem_shared>>
          tpu.wait_indirect_dma semaphore(%run_scoped3A_175 : memref<!tpu.dma_semaphore, #tpu.memory_space<semaphore_mem>>) src(%arg8 : memref<80x128xf32, #tpu.memory_space<vmem>>) dst(%dma_wait3A_187 : memref<10240x128xf32, #tpu.memory_space<vmem_shared>>)
          tpu.yield
        }) : () -> ()
      }
      %scan3A_112 = arith.constant 12 : i32
      %dma_wait3A = arith.constant 0 : i32
      %dma_wait3A_113 = arith.constant 0 : i32
      %dma_wait3A_114 = tpu.memref_slice %arg5[%dma_wait3A, %dma_wait3A_113] : memref<25x80xi32, #tpu.memory_space<vmem>> -> memref<1x80xi32, #tpu.memory_space<vmem>>
      %dma_wait3A_115 = tpu.memref_squeeze %dma_wait3A_114 : memref<1x80xi32, #tpu.memory_space<vmem>> -> memref<80xi32, #tpu.memory_space<vmem>>
      %dma_wait3A_116 = arith.constant 0 : i32
      %dma_wait3A_117 = arith.constant 0 : i32
      %dma_wait3A_118 = tpu.memref_slice %arg2[%arg0, %dma_wait3A_116, %dma_wait3A_117] : memref<2x10000x128xf32, #tpu.memory_space<hbm>> -> memref<1x10000x128xf32, #tpu.memory_space<hbm>>
      %dma_wait3A_119 = tpu.memref_squeeze %dma_wait3A_118 : memref<1x10000x128xf32, #tpu.memory_space<hbm>> -> memref<10000x128xf32, #tpu.memory_space<hbm>>
      %dma_wait3A_120 = arith.constant 0 : i32
      %dma_wait3A_121 = arith.constant 0 : i32
      %dma_wait3A_122 = tpu.memref_slice %dma_wait3A_119[%dma_wait3A_120, %dma_wait3A_121] : memref<10000x128xf32, #tpu.memory_space<hbm>> -> memref<10000x128xf32, #tpu.memory_space<hbm>>
      tpu.wait_indirect_dma semaphore(%arg11 : memref<!tpu.dma_semaphore, #tpu.memory_space<semaphore_mem>>) src(%dma_wait3A_122 : memref<10000x128xf32, #tpu.memory_space<hbm>>) dst(%arg7 : memref<80x128xf32, #tpu.memory_space<vmem>>)
      %run_scoped3A_123 = arith.constant 24 : i32
      "tpu.region"() ({
        %run_scoped3A_124 = tpu.sem_alloc : memref<!tpu.dma_semaphore, #tpu.memory_space<semaphore_mem>>
        %dma_start3A_125 = arith.constant 0 : i32
        %dma_start3A_126 = tpu.memref_slice %arg6[%run_scoped3A_123, %dma_start3A_125] : memref<25x80xi32, #tpu.memory_space<vmem>> -> memref<1x80xi32, #tpu.memory_space<vmem>>
        %dma_start3A_127 = tpu.memref_squeeze %dma_start3A_126 : memref<1x80xi32, #tpu.memory_space<vmem>> -> memref<80xi32, #tpu.memory_space<vmem>>
        %dma_start3A_128 = arith.constant 0 : i32
        %dma_start3A_129 = arith.constant 0 : i32
        %dma_start3A_130 = tpu.memref_slice %arg10[%dma_start3A_128, %dma_start3A_129] : memref<10240x128xf32, #tpu.memory_space<vmem_shared>> -> memref<10240x128xf32, #tpu.memory_space<vmem_shared>>
        tpu.enqueue_indirect_dma source(%arg7 : memref<80x128xf32, #tpu.memory_space<vmem>>) target(%dma_start3A_130 : memref<10240x128xf32, #tpu.memory_space<vmem_shared>>) offsets(%dma_start3A_127 : memref<80xi32, #tpu.memory_space<vmem>>) semaphore(%run_scoped3A_124 : memref<!tpu.dma_semaphore, #tpu.memory_space<semaphore_mem>>) {add = true}
        %dma_wait3A_131 = arith.constant 0 : i32
        %dma_wait3A_132 = tpu.memref_slice %arg6[%run_scoped3A_123, %dma_wait3A_131] : memref<25x80xi32, #tpu.memory_space<vmem>> -> memref<1x80xi32, #tpu.memory_space<vmem>>
        %dma_wait3A_133 = tpu.memref_squeeze %dma_wait3A_132 : memref<1x80xi32, #tpu.memory_space<vmem>> -> memref<80xi32, #tpu.memory_space<vmem>>
        %dma_wait3A_134 = arith.constant 0 : i32
        %dma_wait3A_135 = arith.constant 0 : i32
        %dma_wait3A_136 = tpu.memref_slice %arg10[%dma_wait3A_134, %dma_wait3A_135] : memref<10240x128xf32, #tpu.memory_space<vmem_shared>> -> memref<10240x128xf32, #tpu.memory_space<vmem_shared>>
        tpu.wait_indirect_dma semaphore(%run_scoped3A_124 : memref<!tpu.dma_semaphore, #tpu.memory_space<semaphore_mem>>) src(%arg7 : memref<80x128xf32, #tpu.memory_space<vmem>>) dst(%dma_wait3A_136 : memref<10240x128xf32, #tpu.memory_space<vmem_shared>>)
        tpu.yield
      }) : () -> ()
    }
    %scan3A_89 = arith.constant 5 : i32
    %barrier3A_90 = arith.constant 0 : index
    tpu.barrier barrier_id(%barrier3A_90)
    %mul3A_91 = arith.constant 640 : i32
    %mul3A_92 = arith.muli %arg1, %mul3A_91 : i32
    %mul3A_93 = arith.constant 640 : i32
    %mul3A_94 = arith.muli %arg1, %mul3A_93 : i32
    "tpu.region"() ({
      %run_scoped3A = tpu.sem_alloc : memref<!tpu.dma_semaphore, #tpu.memory_space<semaphore_mem>>
      %dma_start3A = arith.constant 0 : i32
      %dma_start3A_95 = tpu.memref_slice %arg4[%arg0, %mul3A_94, %dma_start3A] : memref<2x10240x128xf32, #tpu.memory_space<hbm>> -> memref<1x640x128xf32, #tpu.memory_space<hbm>>
      %dma_start3A_96 = tpu.memref_squeeze %dma_start3A_95 : memref<1x640x128xf32, #tpu.memory_space<hbm>> -> memref<640x128xf32, #tpu.memory_space<hbm>>
      %dma_start3A_97 = arith.constant 0 : i32
      %dma_start3A_98 = tpu.memref_slice %arg10[%mul3A_92, %dma_start3A_97] : memref<10240x128xf32, #tpu.memory_space<vmem_shared>> -> memref<640x128xf32, #tpu.memory_space<vmem_shared>>
      tpu.enqueue_dma source(%dma_start3A_98 : memref<640x128xf32, #tpu.memory_space<vmem_shared>>) target(%dma_start3A_96 : memref<640x128xf32, #tpu.memory_space<hbm>>) target_semaphore(%run_scoped3A : memref<!tpu.dma_semaphore, #tpu.memory_space<semaphore_mem>>)
      %dma_wait3A = arith.constant 0 : i32
      %dma_wait3A_99 = tpu.memref_slice %arg4[%arg0, %mul3A_94, %dma_wait3A] : memref<2x10240x128xf32, #tpu.memory_space<hbm>> -> memref<1x640x128xf32, #tpu.memory_space<hbm>>
      %dma_wait3A_100 = tpu.memref_squeeze %dma_wait3A_99 : memref<1x640x128xf32, #tpu.memory_space<hbm>> -> memref<640x128xf32, #tpu.memory_space<hbm>>
      %dma_wait3A_101 = arith.constant 0 : i32
      %dma_wait3A_102 = tpu.memref_slice %arg10[%mul3A_92, %dma_wait3A_101] : memref<10240x128xf32, #tpu.memory_space<vmem_shared>> -> memref<640x128xf32, #tpu.memory_space<vmem_shared>>
      tpu.wait_dma2 semaphore(%run_scoped3A : memref<!tpu.dma_semaphore, #tpu.memory_space<semaphore_mem>>) src(%dma_wait3A_102 : memref<640x128xf32, #tpu.memory_space<vmem_shared>>) dst(%dma_wait3A_100 : memref<640x128xf32, #tpu.memory_space<hbm>>)
      tpu.yield
    }) : () -> ()
    return
  }
}

module attributes {stable_mosaic.version = 14 : i64} {
  func.func @_tc_prep_body(%arg0: i32, %arg1: memref<1000x256xf32, #tpu.memory_space<vmem>>, %arg2: memref<1000x16xf32, #tpu.memory_space<vmem>>, %arg3: memref<2x1000x128xf32, #tpu.memory_space<vmem>>) attributes {dimension_semantics = [#tpu.dimension_semantics<arbitrary>], iteration_bounds = array<i64: 10>, scalar_prefetch = 0 : i64, scratch_operands = 0 : i64, tpu.core_type = #tpu.core_type<tc>, window_params = [{transform_indices = @transform_0, window_bounds = array<i64: 1000, 256>}, {transform_indices = @transform_1, window_bounds = array<i64: 1000, 16>}, {transform_indices = @transform_2, window_bounds = array<i64: 2, 1000, 128>}]} {
    %get3A = arith.constant 0 : index
    %get3A_0 = arith.constant 0 : index
    %get3A_1 = vector.load %arg2[%get3A, %get3A_0] : memref<1000x16xf32, #tpu.memory_space<vmem>>, vector<1000x1xf32>
    %gt3A = arith.constant 0.000000e+00 : f32
    %gt3A_2 = vector.broadcast %gt3A : f32 to vector<1000x1xf32>
    %gt3A_3 = arith.cmpf ogt, %get3A_1, %gt3A_2 : vector<1000x1xf32>
    %rsqrt3A = math.rsqrt %get3A_1 : vector<1000x1xf32>
    %jit3A = arith.constant 0.000000e+00 : f32
    %broadcast_in_dim3A = vector.broadcast %jit3A : f32 to vector<1000x1xf32>
    %select_n3A = arith.select %gt3A_3, %rsqrt3A, %broadcast_in_dim3A : vector<1000x1xi1>, vector<1000x1xf32>
    %get3A_4 = arith.constant 0 : index
    %get3A_5 = arith.constant 0 : index
    %get3A_6 = vector.load %arg1[%get3A_4, %get3A_5] : memref<1000x256xf32, #tpu.memory_space<vmem>>, vector<1000x256xf32>
    %mul3A = vector.broadcast %select_n3A : vector<1000x1xf32> to vector<1000x256xf32>
    %mul3A_7 = arith.mulf %get3A_6, %mul3A : vector<1000x256xf32>
    %slice3A = vector.extract_strided_slice %mul3A_7 {offsets = [0, 0], sizes = [1000, 128], strides = [1, 1]} : vector<1000x256xf32> to vector<1000x128xf32>
    %swap3A = arith.constant 0 : index
    %swap3A_8 = arith.constant 0 : index
    %swap3A_9 = arith.constant 0 : index
    %swap3A_10 = vector.load %arg3[%swap3A, %swap3A_8, %swap3A_9] : memref<2x1000x128xf32, #tpu.memory_space<vmem>>, vector<1x1000x128xf32>
    %swap3A_11 = vector.shape_cast %swap3A_10 : vector<1x1000x128xf32> to vector<1000x128xf32>
    %swap3A_12 = vector.shape_cast %slice3A : vector<1000x128xf32> to vector<1x1000x128xf32>
    tpu.vector_store %arg3[%swap3A, %swap3A_8, %swap3A_9], %swap3A_12 {strides = array<i32>} : memref<2x1000x128xf32, #tpu.memory_space<vmem>>, vector<1x1000x128xf32>,
    %slice3A_13 = vector.extract_strided_slice %mul3A_7 {offsets = [0, 128], sizes = [1000, 128], strides = [1, 1]} : vector<1000x256xf32> to vector<1000x128xf32>
    %swap3A_14 = arith.constant 1 : index
    %swap3A_15 = arith.constant 0 : index
    %swap3A_16 = arith.constant 0 : index
    %swap3A_17 = vector.load %arg3[%swap3A_14, %swap3A_15, %swap3A_16] : memref<2x1000x128xf32, #tpu.memory_space<vmem>>, vector<1x1000x128xf32>
    %swap3A_18 = vector.shape_cast %swap3A_17 : vector<1x1000x128xf32> to vector<1000x128xf32>
    %swap3A_19 = vector.shape_cast %slice3A_13 : vector<1000x128xf32> to vector<1x1000x128xf32>
    tpu.vector_store %arg3[%swap3A_14, %swap3A_15, %swap3A_16], %swap3A_19 {strides = array<i32>} : memref<2x1000x128xf32, #tpu.memory_space<vmem>>, vector<1x1000x128xf32>,
    return
  }
  func.func @transform_0(%arg0: i32) -> (i32, i32) {
    %c0_i32 = arith.constant 0 : i32
    %c0_i32_0 = arith.constant 0 : i32
    return %arg0, %c0_i32 : i32, i32
  }
  func.func @transform_1(%arg0: i32) -> (i32, i32) {
    %c0_i32 = arith.constant 0 : i32
    %c0_i32_0 = arith.constant 0 : i32
    return %arg0, %c0_i32 : i32, i32
  }
  func.func @transform_2(%arg0: i32) -> (i32, i32, i32) {
    %c0_i32 = arith.constant 0 : i32
    %c0_i32_0 = arith.constant 0 : i32
    %c0_i32_1 = arith.constant 0 : i32
    return %c0_i32, %arg0, %c0_i32_0 : i32, i32, i32
  }
}

module attributes {stable_mosaic.version = 14 : i64} {
  func.func @_tc_mid_body(%arg0: i32, %arg1: memref<2x1024x128xf32, #tpu.memory_space<vmem>>, %arg2: memref<1024x16xf32, #tpu.memory_space<vmem>>, %arg3: memref<1024x16xf32, #tpu.memory_space<vmem>>, %arg4: memref<256x256xf32, #tpu.memory_space<vmem>>, %arg5: memref<1x256xf32, #tpu.memory_space<vmem>>, %arg6: memref<256x256xf32, #tpu.memory_space<vmem>>, %arg7: memref<1x256xf32, #tpu.memory_space<vmem>>, %arg8: memref<256x256xf32, #tpu.memory_space<vmem>>, %arg9: memref<256x1xf32, #tpu.memory_space<vmem>>, %arg10: memref<2x1024x128xf32, #tpu.memory_space<vmem>>, %arg11: memref<8x128xf32, #tpu.memory_space<vmem>>) attributes {dimension_semantics = [#tpu.dimension_semantics<arbitrary>], iteration_bounds = array<i64: 10>, scalar_prefetch = 0 : i64, scratch_operands = 0 : i64, tpu.core_type = #tpu.core_type<tc>, window_params = [{transform_indices = @transform_0, window_bounds = array<i64: 2, 1024, 128>}, {transform_indices = @transform_1, window_bounds = array<i64: 1024, 16>}, {transform_indices = @transform_2, window_bounds = array<i64: 1024, 16>}, {pipeline_mode = #tpu.pipeline_mode<synchronous>, transform_indices = @transform_3, window_bounds = array<i64: 256, 256>}, {pipeline_mode = #tpu.pipeline_mode<synchronous>, transform_indices = @transform_4, window_bounds = array<i64: 1, 256>}, {pipeline_mode = #tpu.pipeline_mode<synchronous>, transform_indices = @transform_5, window_bounds = array<i64: 256, 256>}, {pipeline_mode = #tpu.pipeline_mode<synchronous>, transform_indices = @transform_6, window_bounds = array<i64: 1, 256>}, {pipeline_mode = #tpu.pipeline_mode<synchronous>, transform_indices = @transform_7, window_bounds = array<i64: 256, 256>}, {pipeline_mode = #tpu.pipeline_mode<synchronous>, transform_indices = @transform_8, window_bounds = array<i64: 256, 1>}, {transform_indices = @transform_9, window_bounds = array<i64: 2, 1024, 128>}, {transform_indices = @transform_10, window_bounds = array<i64: 8, 128>}]} {
    %get3A = arith.constant 0 : index
    %get3A_0 = arith.constant 0 : index
    %get3A_1 = arith.constant 0 : index
    %get3A_2 = vector.load %arg1[%get3A, %get3A_0, %get3A_1] : memref<2x1024x128xf32, #tpu.memory_space<vmem>>, vector<1x1024x128xf32>
    %get3A_3 = vector.shape_cast %get3A_2 : vector<1x1024x128xf32> to vector<1024x128xf32>
    %get3A_4 = arith.constant 1 : index
    %get3A_5 = arith.constant 0 : index
    %get3A_6 = arith.constant 0 : index
    %get3A_7 = vector.load %arg1[%get3A_4, %get3A_5, %get3A_6] : memref<2x1024x128xf32, #tpu.memory_space<vmem>>, vector<1x1024x128xf32>
    %get3A_8 = vector.shape_cast %get3A_7 : vector<1x1024x128xf32> to vector<1024x128xf32>
    %concatenate3A = tpu.concatenate %get3A_3, %get3A_8 in 1 : vector<1024x128xf32>, vector<1024x128xf32> -> vector<1024x256xf32>
    %get3A_9 = arith.constant 0 : index
    %get3A_10 = arith.constant 0 : index
    %get3A_11 = vector.load %arg2[%get3A_9, %get3A_10] : memref<1024x16xf32, #tpu.memory_space<vmem>>, vector<1024x1xf32>
    %gt3A = arith.constant 0.000000e+00 : f32
    %gt3A_12 = vector.broadcast %gt3A : f32 to vector<1024x1xf32>
    %gt3A_13 = arith.cmpf ogt, %get3A_11, %gt3A_12 : vector<1024x1xf32>
    %rsqrt3A = math.rsqrt %get3A_11 : vector<1024x1xf32>
    %jit3A = arith.constant 0.000000e+00 : f32
    %broadcast_in_dim3A = vector.broadcast %jit3A : f32 to vector<1024x1xf32>
    %select_n3A = arith.select %gt3A_13, %rsqrt3A, %broadcast_in_dim3A : vector<1024x1xi1>, vector<1024x1xf32>
    %get3A_14 = arith.constant 0 : index
    %get3A_15 = arith.constant 0 : index
    %get3A_16 = vector.load %arg3[%get3A_14, %get3A_15] : memref<1024x16xf32, #tpu.memory_space<vmem>>, vector<1024x1xf32>
    %gt3A_17 = arith.constant 0.000000e+00 : f32
    %gt3A_18 = vector.broadcast %gt3A_17 : f32 to vector<1024x1xf32>
    %gt3A_19 = arith.cmpf ogt, %get3A_16, %gt3A_18 : vector<1024x1xf32>
    %rsqrt3A_20 = math.rsqrt %get3A_16 : vector<1024x1xf32>
    %jit3A_21 = arith.constant 0.000000e+00 : f32
    %broadcast_in_dim3A_22 = vector.broadcast %jit3A_21 : f32 to vector<1024x1xf32>
    %select_n3A_23 = arith.select %gt3A_19, %rsqrt3A_20, %broadcast_in_dim3A_22 : vector<1024x1xi1>, vector<1024x1xf32>
    %mul3A = vector.broadcast %select_n3A : vector<1024x1xf32> to vector<1024x256xf32>
    %mul3A_24 = arith.mulf %concatenate3A, %mul3A : vector<1024x256xf32>
    %get3A_25 = arith.constant 0 : index
    %get3A_26 = arith.constant 0 : index
    %get3A_27 = vector.load %arg4[%get3A_25, %get3A_26] : memref<256x256xf32, #tpu.memory_space<vmem>>, vector<256x256xf32>
    %dot_general3A = arith.constant dense<0.000000e+00> : vector<1024x256xf32>
    %dot_general3A_28 = tpu.matmul %mul3A_24, %get3A_27, %dot_general3A {dimension_numbers = #tpu.dot_dimension_numbers<[1], [0], [0], [1], [0, 0, 1, 1], [], []>, transpose_lhs_hint = false} : vector<1024x256xf32>, vector<256x256xf32>, vector<1024x256xf32> -> vector<1024x256xf32>
    %get3A_29 = arith.constant 0 : index
    %get3A_30 = arith.constant 0 : index
    %get3A_31 = vector.load %arg5[%get3A_29, %get3A_30] : memref<1x256xf32, #tpu.memory_space<vmem>>, vector<1x256xf32>
    %add3A = vector.broadcast %get3A_31 : vector<1x256xf32> to vector<1024x256xf32>
    %add3A_32 = arith.addf %dot_general3A_28, %add3A : vector<1024x256xf32>
    %max3A = arith.constant 0.000000e+00 : f32
    %max3A_33 = vector.broadcast %max3A : f32 to vector<1024x256xf32>
    %max3A_34 = arith.maximumf %add3A_32, %max3A_33 : vector<1024x256xf32>
    %get3A_35 = arith.constant 0 : index
    %get3A_36 = arith.constant 0 : index
    %get3A_37 = vector.load %arg6[%get3A_35, %get3A_36] : memref<256x256xf32, #tpu.memory_space<vmem>>, vector<256x256xf32>
    %dot_general3A_38 = arith.constant dense<0.000000e+00> : vector<1024x256xf32>
    %dot_general3A_39 = tpu.matmul %mul3A_24, %get3A_37, %dot_general3A_38 {dimension_numbers = #tpu.dot_dimension_numbers<[1], [0], [0], [1], [0, 0, 1, 1], [], []>, transpose_lhs_hint = false} : vector<1024x256xf32>, vector<256x256xf32>, vector<1024x256xf32> -> vector<1024x256xf32>
    %get3A_40 = arith.constant 0 : index
    %get3A_41 = arith.constant 0 : index
    %get3A_42 = vector.load %arg7[%get3A_40, %get3A_41] : memref<1x256xf32, #tpu.memory_space<vmem>>, vector<1x256xf32>
    %add3A_43 = vector.broadcast %get3A_42 : vector<1x256xf32> to vector<1024x256xf32>
    %add3A_44 = arith.addf %dot_general3A_39, %add3A_43 : vector<1024x256xf32>
    %max3A_45 = arith.constant 0.000000e+00 : f32
    %max3A_46 = vector.broadcast %max3A_45 : f32 to vector<1024x256xf32>
    %max3A_47 = arith.maximumf %add3A_44, %max3A_46 : vector<1024x256xf32>
    %get3A_48 = arith.constant 0 : index
    %get3A_49 = arith.constant 0 : index
    %get3A_50 = vector.load %arg8[%get3A_48, %get3A_49] : memref<256x256xf32, #tpu.memory_space<vmem>>, vector<256x256xf32>
    %get3A_51 = arith.constant 0 : index
    %get3A_52 = arith.constant 0 : index
    %get3A_53 = vector.load %arg9[%get3A_51, %get3A_52] : memref<256x1xf32, #tpu.memory_space<vmem>>, vector<256x1xf32>
    %dot_general3A_54 = arith.constant dense<0.000000e+00> : vector<256x1xf32>
    %dot_general3A_55 = tpu.matmul %get3A_50, %get3A_53, %dot_general3A_54 {dimension_numbers = #tpu.dot_dimension_numbers<[1], [0], [0], [1], [0, 0, 1, 1], [], []>, precision = #tpu.contract_precision<fp32>, transpose_lhs_hint = false} : vector<256x256xf32>, vector<256x1xf32>, vector<256x1xf32> -> vector<256x1xf32>
    %dot_general3A_56 = arith.constant dense<0.000000e+00> : vector<1024x1xf32>
    %dot_general3A_57 = tpu.matmul %max3A_34, %dot_general3A_55, %dot_general3A_56 {dimension_numbers = #tpu.dot_dimension_numbers<[1], [0], [0], [1], [0, 0, 1, 1], [], []>, precision = #tpu.contract_precision<fp32>, transpose_lhs_hint = false} : vector<1024x256xf32>, vector<256x1xf32>, vector<1024x1xf32> -> vector<1024x1xf32>
    %mul3A_58 = vector.broadcast %select_n3A_23 : vector<1024x1xf32> to vector<1024x256xf32>
    %mul3A_59 = arith.mulf %max3A_47, %mul3A_58 : vector<1024x256xf32>
    %slice3A = vector.extract_strided_slice %mul3A_59 {offsets = [0, 0], sizes = [1024, 128], strides = [1, 1]} : vector<1024x256xf32> to vector<1024x128xf32>
    %swap3A = arith.constant 0 : index
    %swap3A_60 = arith.constant 0 : index
    %swap3A_61 = arith.constant 0 : index
    %swap3A_62 = vector.load %arg10[%swap3A, %swap3A_60, %swap3A_61] : memref<2x1024x128xf32, #tpu.memory_space<vmem>>, vector<1x1024x128xf32>
    %swap3A_63 = vector.shape_cast %swap3A_62 : vector<1x1024x128xf32> to vector<1024x128xf32>
    %swap3A_64 = vector.shape_cast %slice3A : vector<1024x128xf32> to vector<1x1024x128xf32>
    tpu.vector_store %arg10[%swap3A, %swap3A_60, %swap3A_61], %swap3A_64 {strides = array<i32>} : memref<2x1024x128xf32, #tpu.memory_space<vmem>>, vector<1x1024x128xf32>,
    %slice3A_65 = vector.extract_strided_slice %mul3A_59 {offsets = [0, 128], sizes = [1024, 128], strides = [1, 1]} : vector<1024x256xf32> to vector<1024x128xf32>
    %swap3A_66 = arith.constant 1 : index
    %swap3A_67 = arith.constant 0 : index
    %swap3A_68 = arith.constant 0 : index
    %swap3A_69 = vector.load %arg10[%swap3A_66, %swap3A_67, %swap3A_68] : memref<2x1024x128xf32, #tpu.memory_space<vmem>>, vector<1x1024x128xf32>
    %swap3A_70 = vector.shape_cast %swap3A_69 : vector<1x1024x128xf32> to vector<1024x128xf32>
    %swap3A_71 = vector.shape_cast %slice3A_65 : vector<1024x128xf32> to vector<1x1024x128xf32>
    tpu.vector_store %arg10[%swap3A_66, %swap3A_67, %swap3A_68], %swap3A_71 {strides = array<i32>} : memref<2x1024x128xf32, #tpu.memory_space<vmem>>, vector<1x1024x128xf32>,
    %mul3A_72 = arith.mulf %dot_general3A_57, %select_n3A_23 : vector<1024x1xf32>
    %reshape3A = vector.shape_cast %mul3A_72 : vector<1024x1xf32> to vector<8x128xf32>
    %swap3A_73 = arith.constant 0 : index
    %swap3A_74 = arith.constant 0 : index
    %swap3A_75 = vector.load %arg11[%swap3A_73, %swap3A_74] : memref<8x128xf32, #tpu.memory_space<vmem>>, vector<8x128xf32>
    tpu.vector_store %arg11[%swap3A_73, %swap3A_74], %reshape3A {strides = array<i32>} : memref<8x128xf32, #tpu.memory_space<vmem>>, vector<8x128xf32>,
    return
  }
  func.func @transform_0(%arg0: i32) -> (i32, i32, i32) {
    %c0_i32 = arith.constant 0 : i32
    %c0_i32_0 = arith.constant 0 : i32
    %c0_i32_1 = arith.constant 0 : i32
    return %c0_i32, %arg0, %c0_i32_0 : i32, i32, i32
  }
  func.func @transform_1(%arg0: i32) -> (i32, i32) {
    %c0_i32 = arith.constant 0 : i32
    %c0_i32_0 = arith.constant 0 : i32
    return %arg0, %c0_i32 : i32, i32
  }
  func.func @transform_2(%arg0: i32) -> (i32, i32) {
    %c0_i32 = arith.constant 0 : i32
    %c0_i32_0 = arith.constant 0 : i32
    return %arg0, %c0_i32 : i32, i32
  }
  func.func @transform_3(%arg0: i32) -> (i32, i32) {
    %c0_i32 = arith.constant 0 : i32
    %c0_i32_0 = arith.constant 0 : i32
    %c0_i32_1 = arith.constant 0 : i32
    return %c0_i32, %c0_i32_0 : i32, i32
  }
  func.func @transform_4(%arg0: i32) -> (i32, i32) {
    %c0_i32 = arith.constant 0 : i32
    %c0_i32_0 = arith.constant 0 : i32
    %c0_i32_1 = arith.constant 0 : i32
    return %c0_i32, %c0_i32_0 : i32, i32
  }
  func.func @transform_5(%arg0: i32) -> (i32, i32) {
    %c0_i32 = arith.constant 0 : i32
    %c0_i32_0 = arith.constant 0 : i32
    %c0_i32_1 = arith.constant 0 : i32
    return %c0_i32, %c0_i32_0 : i32, i32
  }
  func.func @transform_6(%arg0: i32) -> (i32, i32) {
    %c0_i32 = arith.constant 0 : i32
    %c0_i32_0 = arith.constant 0 : i32
    %c0_i32_1 = arith.constant 0 : i32
    return %c0_i32, %c0_i32_0 : i32, i32
  }
  func.func @transform_7(%arg0: i32) -> (i32, i32) {
    %c0_i32 = arith.constant 0 : i32
    %c0_i32_0 = arith.constant 0 : i32
    %c0_i32_1 = arith.constant 0 : i32
    return %c0_i32, %c0_i32_0 : i32, i32
  }
  func.func @transform_8(%arg0: i32) -> (i32, i32) {
    %c0_i32 = arith.constant 0 : i32
    %c0_i32_0 = arith.constant 0 : i32
    %c0_i32_1 = arith.constant 0 : i32
    return %c0_i32, %c0_i32_0 : i32, i32
  }
  func.func @transform_9(%arg0: i32) -> (i32, i32, i32) {
    %c0_i32 = arith.constant 0 : i32
    %c0_i32_0 = arith.constant 0 : i32
    %c0_i32_1 = arith.constant 0 : i32
    return %c0_i32, %arg0, %c0_i32_0 : i32, i32, i32
  }
  func.func @transform_10(%arg0: i32) -> (i32, i32) {
    %c0_i32 = arith.constant 0 : i32
    %c0_i32_0 = arith.constant 0 : i32
    return %arg0, %c0_i32 : i32, i32
  }
}

module attributes {stable_mosaic.version = 14 : i64} {
  func.func @_tc_final_body(%arg0: i32, %arg1: memref<2x1024x128xf32, #tpu.memory_space<vmem>>, %arg2: memref<16x8x128xf32, #tpu.memory_space<vmem>>, %arg3: memref<1024x16xf32, #tpu.memory_space<vmem>>, %arg4: memref<8x128xf32, #tpu.memory_space<vmem>>, %arg5: memref<256x256xf32, #tpu.memory_space<vmem>>, %arg6: memref<1x256xf32, #tpu.memory_space<vmem>>, %arg7: memref<256x1xf32, #tpu.memory_space<vmem>>, %arg8: memref<1x1xf32, #tpu.memory_space<vmem>>, %arg9: memref<1x256xf32, #tpu.memory_space<vmem>>, %arg10: memref<256x1xf32, #tpu.memory_space<vmem>>, %arg11: memref<1x1xf32, #tpu.memory_space<vmem>>, %arg12: memref<1024x1xf32, #tpu.memory_space<vmem>>, %arg13: memref<8x128xf32, #tpu.memory_space<vmem>>, %arg14: memref<1024x256xf32, #tpu.memory_space<vmem>>) attributes {dimension_semantics = [#tpu.dimension_semantics<arbitrary>], iteration_bounds = array<i64: 10>, scalar_prefetch = 0 : i64, scratch_operands = 0 : i64, tpu.core_type = #tpu.core_type<tc>, window_params = [{transform_indices = @transform_0, window_bounds = array<i64: 2, 1024, 128>}, {transform_indices = @transform_1, window_bounds = array<i64: 16, 8, 128>}, {transform_indices = @transform_2, window_bounds = array<i64: 1024, 16>}, {transform_indices = @transform_3, window_bounds = array<i64: 8, 128>}, {pipeline_mode = #tpu.pipeline_mode<synchronous>, transform_indices = @transform_4, window_bounds = array<i64: 256, 256>}, {pipeline_mode = #tpu.pipeline_mode<synchronous>, transform_indices = @transform_5, window_bounds = array<i64: 1, 256>}, {pipeline_mode = #tpu.pipeline_mode<synchronous>, transform_indices = @transform_6, window_bounds = array<i64: 256, 1>}, {pipeline_mode = #tpu.pipeline_mode<synchronous>, transform_indices = @transform_7, window_bounds = array<i64: 1, 1>}, {pipeline_mode = #tpu.pipeline_mode<synchronous>, transform_indices = @transform_8, window_bounds = array<i64: 1, 256>}, {pipeline_mode = #tpu.pipeline_mode<synchronous>, transform_indices = @transform_9, window_bounds = array<i64: 256, 1>}, {pipeline_mode = #tpu.pipeline_mode<synchronous>, transform_indices = @transform_10, window_bounds = array<i64: 1, 1>}, {transform_indices = @transform_11, window_bounds = array<i64: 1024, 1>}, {transform_indices = @transform_12, window_bounds = array<i64: 8, 128>}, {transform_indices = @transform_13, window_bounds = array<i64: 1024, 256>}]} {
    %get3A = arith.constant 0 : index
    %get3A_0 = arith.constant 0 : index
    %get3A_1 = arith.constant 0 : index
    %get3A_2 = vector.load %arg1[%get3A, %get3A_0, %get3A_1] : memref<2x1024x128xf32, #tpu.memory_space<vmem>>, vector<1x1024x128xf32>
    %get3A_3 = vector.shape_cast %get3A_2 : vector<1x1024x128xf32> to vector<1024x128xf32>
    %get3A_4 = arith.constant 1 : index
    %get3A_5 = arith.constant 0 : index
    %get3A_6 = arith.constant 0 : index
    %get3A_7 = vector.load %arg1[%get3A_4, %get3A_5, %get3A_6] : memref<2x1024x128xf32, #tpu.memory_space<vmem>>, vector<1x1024x128xf32>
    %get3A_8 = vector.shape_cast %get3A_7 : vector<1x1024x128xf32> to vector<1024x128xf32>
    %concatenate3A = tpu.concatenate %get3A_3, %get3A_8 in 1 : vector<1024x128xf32>, vector<1024x128xf32> -> vector<1024x256xf32>
    %get3A_9 = arith.constant 0 : index
    %get3A_10 = arith.constant 0 : index
    %get3A_11 = vector.load %arg3[%get3A_9, %get3A_10] : memref<1024x16xf32, #tpu.memory_space<vmem>>, vector<1024x1xf32>
    %gt3A = arith.constant 0.000000e+00 : f32
    %gt3A_12 = vector.broadcast %gt3A : f32 to vector<1024x1xf32>
    %gt3A_13 = arith.cmpf ogt, %get3A_11, %gt3A_12 : vector<1024x1xf32>
    %rsqrt3A = math.rsqrt %get3A_11 : vector<1024x1xf32>
    %jit3A = arith.constant 0.000000e+00 : f32
    %broadcast_in_dim3A = vector.broadcast %jit3A : f32 to vector<1024x1xf32>
    %select_n3A = arith.select %gt3A_13, %rsqrt3A, %broadcast_in_dim3A : vector<1024x1xi1>, vector<1024x1xf32>
    %mul3A = vector.broadcast %select_n3A : vector<1024x1xf32> to vector<1024x256xf32>
    %mul3A_14 = arith.mulf %concatenate3A, %mul3A : vector<1024x256xf32>
    %get3A_15 = arith.constant 0 : index
    %get3A_16 = arith.constant 0 : index
    %get3A_17 = vector.load %arg5[%get3A_15, %get3A_16] : memref<256x256xf32, #tpu.memory_space<vmem>>, vector<256x256xf32>
    %dot_general3A = arith.constant dense<0.000000e+00> : vector<1024x256xf32>
    %dot_general3A_18 = tpu.matmul %mul3A_14, %get3A_17, %dot_general3A {dimension_numbers = #tpu.dot_dimension_numbers<[1], [0], [0], [1], [0, 0, 1, 1], [], []>, transpose_lhs_hint = false} : vector<1024x256xf32>, vector<256x256xf32>, vector<1024x256xf32> -> vector<1024x256xf32>
    %get3A_19 = arith.constant 0 : index
    %get3A_20 = arith.constant 0 : index
    %get3A_21 = vector.load %arg6[%get3A_19, %get3A_20] : memref<1x256xf32, #tpu.memory_space<vmem>>, vector<1x256xf32>
    %add3A = vector.broadcast %get3A_21 : vector<1x256xf32> to vector<1024x256xf32>
    %add3A_22 = arith.addf %dot_general3A_18, %add3A : vector<1024x256xf32>
    %get3A_23 = arith.constant 0 : index
    %get3A_24 = arith.constant 0 : index
    %get3A_25 = vector.load %arg7[%get3A_23, %get3A_24] : memref<256x1xf32, #tpu.memory_space<vmem>>, vector<256x1xf32>
    %dot_general3A_26 = arith.constant dense<0.000000e+00> : vector<1024x1xf32>
    %dot_general3A_27 = tpu.matmul %add3A_22, %get3A_25, %dot_general3A_26 {dimension_numbers = #tpu.dot_dimension_numbers<[1], [0], [0], [1], [0, 0, 1, 1], [], []>, transpose_lhs_hint = false} : vector<1024x256xf32>, vector<256x1xf32>, vector<1024x1xf32> -> vector<1024x1xf32>
    %get3A_28 = arith.constant 0 : index
    %get3A_29 = arith.constant 0 : index
    %get3A_30 = vector.load %arg8[%get3A_28, %get3A_29] : memref<1x1xf32, #tpu.memory_space<vmem>>, vector<1x1xf32>
    %add3A_31 = vector.broadcast %get3A_30 : vector<1x1xf32> to vector<1024x1xf32>
    %add3A_32 = arith.addf %dot_general3A_27, %add3A_31 : vector<1024x1xf32>
    %get3A_33 = arith.constant 0 : index
    %get3A_34 = arith.constant 0 : index
    %get3A_35 = vector.load %arg9[%get3A_33, %get3A_34] : memref<1x256xf32, #tpu.memory_space<vmem>>, vector<1x256xf32>
    %get3A_36 = arith.constant 0 : index
    %get3A_37 = arith.constant 0 : index
    %get3A_38 = vector.load %arg10[%get3A_36, %get3A_37] : memref<256x1xf32, #tpu.memory_space<vmem>>, vector<256x1xf32>
    %dot_general3A_39 = arith.constant dense<0.000000e+00> : vector<1x1xf32>
    %dot_general3A_40 = tpu.matmul %get3A_35, %get3A_38, %dot_general3A_39 {dimension_numbers = #tpu.dot_dimension_numbers<[1], [0], [0], [1], [0, 0, 1, 1], [], []>, precision = #tpu.contract_precision<fp32>, transpose_lhs_hint = false} : vector<1x256xf32>, vector<256x1xf32>, vector<1x1xf32> -> vector<1x1xf32>
    %get3A_41 = arith.constant 0 : index
    %get3A_42 = arith.constant 0 : index
    %get3A_43 = vector.load %arg11[%get3A_41, %get3A_42] : memref<1x1xf32, #tpu.memory_space<vmem>>, vector<1x1xf32>
    %add3A_44 = arith.addf %dot_general3A_40, %get3A_43 : vector<1x1xf32>
    %get3A_45 = arith.constant 0 : index
    %get3A_46 = arith.constant 0 : index
    %get3A_47 = vector.load %arg4[%get3A_45, %get3A_46] : memref<8x128xf32, #tpu.memory_space<vmem>>, vector<8x128xf32>
    %gt3A_48 = arith.constant 0.000000e+00 : f32
    %gt3A_49 = vector.broadcast %gt3A_48 : f32 to vector<8x128xf32>
    %gt3A_50 = arith.cmpf ogt, %get3A_47, %gt3A_49 : vector<8x128xf32>
    %rsqrt3A_51 = math.rsqrt %get3A_47 : vector<8x128xf32>
    %jit3A_52 = arith.constant 0.000000e+00 : f32
    %broadcast_in_dim3A_53 = vector.broadcast %jit3A_52 : f32 to vector<8x128xf32>
    %select_n3A_54 = arith.select %gt3A_50, %rsqrt3A_51, %broadcast_in_dim3A_53 : vector<8x128xi1>, vector<8x128xf32>
    %get3A_55 = arith.constant 0 : index
    %get3A_56 = arith.constant 0 : index
    %get3A_57 = arith.constant 0 : index
    %get3A_58 = vector.load %arg2[%get3A_55, %get3A_56, %get3A_57] : memref<16x8x128xf32, #tpu.memory_space<vmem>>, vector<16x8x128xf32>
    %reduce_sum3A = arith.constant dense<0.000000e+00> : vector<8x128xf32>
    %reduce_sum3A_59 = vector.multi_reduction <add>, %get3A_58, %reduce_sum3A [0] : vector<16x8x128xf32> to vector<8x128xf32>
    %mul3A_60 = arith.mulf %reduce_sum3A_59, %select_n3A_54 : vector<8x128xf32>
    %add3A_61 = vector.broadcast %add3A_44 : vector<1x1xf32> to vector<8x128xf32>
    %add3A_62 = arith.addf %mul3A_60, %add3A_61 : vector<8x128xf32>
    %swap3A = arith.constant 0 : index
    %swap3A_63 = arith.constant 0 : index
    %swap3A_64 = vector.load %arg13[%swap3A, %swap3A_63] : memref<8x128xf32, #tpu.memory_space<vmem>>, vector<8x128xf32>
    tpu.vector_store %arg13[%swap3A, %swap3A_63], %add3A_62 {strides = array<i32>} : memref<8x128xf32, #tpu.memory_space<vmem>>, vector<8x128xf32>,
    %swap3A_65 = arith.constant 0 : index
    %swap3A_66 = arith.constant 0 : index
    %swap3A_67 = vector.load %arg12[%swap3A_65, %swap3A_66] : memref<1024x1xf32, #tpu.memory_space<vmem>>, vector<1024x1xf32>
    tpu.vector_store %arg12[%swap3A_65, %swap3A_66], %add3A_32 {strides = array<i32>} : memref<1024x1xf32, #tpu.memory_space<vmem>>, vector<1024x1xf32>,
    %swap3A_68 = arith.constant 0 : index
    %swap3A_69 = arith.constant 0 : index
    %swap3A_70 = vector.load %arg14[%swap3A_68, %swap3A_69] : memref<1024x256xf32, #tpu.memory_space<vmem>>, vector<1024x256xf32>
    tpu.vector_store %arg14[%swap3A_68, %swap3A_69], %add3A_22 {strides = array<i32>} : memref<1024x256xf32, #tpu.memory_space<vmem>>, vector<1024x256xf32>,
    return
  }
  func.func @transform_0(%arg0: i32) -> (i32, i32, i32) {
    %c0_i32 = arith.constant 0 : i32
    %c0_i32_0 = arith.constant 0 : i32
    %c0_i32_1 = arith.constant 0 : i32
    return %c0_i32, %arg0, %c0_i32_0 : i32, i32, i32
  }
  func.func @transform_1(%arg0: i32) -> (i32, i32, i32) {
    %c0_i32 = arith.constant 0 : i32
    %c0_i32_0 = arith.constant 0 : i32
    %c0_i32_1 = arith.constant 0 : i32
    return %c0_i32, %arg0, %c0_i32_0 : i32, i32, i32
  }
  func.func @transform_2(%arg0: i32) -> (i32, i32) {
    %c0_i32 = arith.constant 0 : i32
    %c0_i32_0 = arith.constant 0 : i32
    return %arg0, %c0_i32 : i32, i32
  }
  func.func @transform_3(%arg0: i32) -> (i32, i32) {
    %c0_i32 = arith.constant 0 : i32
    %c0_i32_0 = arith.constant 0 : i32
    return %arg0, %c0_i32 : i32, i32
  }
  func.func @transform_4(%arg0: i32) -> (i32, i32) {
    %c0_i32 = arith.constant 0 : i32
    %c0_i32_0 = arith.constant 0 : i32
    %c0_i32_1 = arith.constant 0 : i32
    return %c0_i32, %c0_i32_0 : i32, i32
  }
  func.func @transform_5(%arg0: i32) -> (i32, i32) {
    %c0_i32 = arith.constant 0 : i32
    %c0_i32_0 = arith.constant 0 : i32
    %c0_i32_1 = arith.constant 0 : i32
    return %c0_i32, %c0_i32_0 : i32, i32
  }
  func.func @transform_6(%arg0: i32) -> (i32, i32) {
    %c0_i32 = arith.constant 0 : i32
    %c0_i32_0 = arith.constant 0 : i32
    %c0_i32_1 = arith.constant 0 : i32
    return %c0_i32, %c0_i32_0 : i32, i32
  }
  func.func @transform_7(%arg0: i32) -> (i32, i32) {
    %c0_i32 = arith.constant 0 : i32
    %c0_i32_0 = arith.constant 0 : i32
    %c0_i32_1 = arith.constant 0 : i32
    return %c0_i32, %c0_i32_0 : i32, i32
  }
  func.func @transform_8(%arg0: i32) -> (i32, i32) {
    %c0_i32 = arith.constant 0 : i32
    %c0_i32_0 = arith.constant 0 : i32
    %c0_i32_1 = arith.constant 0 : i32
    return %c0_i32, %c0_i32_0 : i32, i32
  }
  func.func @transform_9(%arg0: i32) -> (i32, i32) {
    %c0_i32 = arith.constant 0 : i32
    %c0_i32_0 = arith.constant 0 : i32
    %c0_i32_1 = arith.constant 0 : i32
    return %c0_i32, %c0_i32_0 : i32, i32
  }
  func.func @transform_10(%arg0: i32) -> (i32, i32) {
    %c0_i32 = arith.constant 0 : i32
    %c0_i32_0 = arith.constant 0 : i32
    %c0_i32_1 = arith.constant 0 : i32
    return %c0_i32, %c0_i32_0 : i32, i32
  }
  func.func @transform_11(%arg0: i32) -> (i32, i32) {
    %c0_i32 = arith.constant 0 : i32
    %c0_i32_0 = arith.constant 0 : i32
    return %arg0, %c0_i32 : i32, i32
  }
  func.func @transform_12(%arg0: i32) -> (i32, i32) {
    %c0_i32 = arith.constant 0 : i32
    %c0_i32_0 = arith.constant 0 : i32
    return %arg0, %c0_i32 : i32, i32
  }
  func.func @transform_13(%arg0: i32) -> (i32, i32) {
    %c0_i32 = arith.constant 0 : i32
    %c0_i32_0 = arith.constant 0 : i32
    return %arg0, %c0_i32 : i32, i32
  }
}

</mosaic_0001>

<sc_bundles>
// kernel: kernel.12.cloned.1.call-start
scs
__scs_entry_jumppad:
0x0: {  	(pc) =	sbr.rel $0x88, $3  }
0x1: {  	(tag) =	ssettag $0x0;
	lr =	simm.s32 $0x1  }
0x2: {  	[smem:$0x3F93] =	sst lr;
	_ =	strace $0xD0000000  }
0x3: {  	_ = 	snop  }
0x4: {  	_ = 	snop  }
0x5: {  	_ = 	snop  }
0x6: {  	_ = 	snop  }
0x7: {  	_ = 	snop  }
__scs_overlays_trampoline_lowered:
0x8: {  	[smem:$0x3FA2] =	sst s0  }
0x9: {  	[smem:$0x3FA3] =	sst s1  }
0xa: {  	[smem:$0x3FA4] =	sst s2  }
0xb: {  	[smem:$0x3FA5] =	sst s3  }
0xc: {  	[smem:$0x3FA6] =	sst s4  }
0xd: {  	[smem:$0x3FA7] =	sst s5  }
0xe: {  	[smem:$0x3FA8] =	sst s6  }
0xf: {  	[smem:$0x3FA9] =	sst s7  }
0x10: {  	[smem:$0x3FAA] =	sst s8  }
0x11: {  	[smem:$0x3FAB] =	sst s9;
	s0 =	simm.s32 @!p0 $0x0  }
0x12: {  	s1 =	sld [smem:$0x3F91];
	s0 =	simm.s32 @p0 $0x1  }
0x13: {  	[smem:$0x3FAC] =	sst s0;
	s0 =	simm.s32 @!p1 $0x0  }
0x14: {  	s2 =	sld [smem:$0x3F90];
	s0 =	simm.s32 @p1 $0x1  }
0x15: {  	[smem:$0x3FAD] =	sst s0;
	s0 =	simm.s32 @!p2 $0x0  }
0x16: {  	s3 =	sld [smem:$0x3FDB];
	s0 =	simm.s32 @p2 $0x1  }
0x17: {  	s4 =	simm.s32 $0x1BF5;
	[smem:$0x3FAF] =	sst s0  }
0x18: {  	s0 =	sld [smem:$0x3F92];
	_ =	swait.ge [sflag:s4], $0x0  }
0x19: {  	s7 =	sld [smem:$0x3F93]  }
0x1a: {  	s8 =	sadd.s32 $0xFFFFE003, lr  }
0x1b: {  	s9 =	sadd.s32 $0xFFFFFEF7, lr;
	s5 =	simm.s32 $0xFFFFFFFF;
	p2 =	slt.u32 s8, $0xFFFFF086  }
0x1c: {  	p1 =	slt.u32 s9, $0xF7A;
	s5 =	simm.s32 @!p2 $0x0  }
0x1d: {  	s5 =	simm.s32 @p1 $0x1;
	p0 =	seq.s32 s7, s2  }
0x1e: {  	s7 =	smul.u32 @!p0 $0xF7A, s2;
	p2 =	seq.s32 @!p0 s5, $0x0  }
0x1f: {  	s9 =	smul.u32 $0xF7A, s1;
	s8 =	simm.s32 @!p0 $0x1BF5;
	p2 =	por !p2, p0  }
0x20: {  	[sflag:s8] =	ssyncset.s32 @!p0 $0xFFFFF086;
	s6 =	sadd.s32 @!p0 s3, s7;
	s7 =	simm.s32 @!p0 $0x108  }
0x21: {  	s3 =	sadd.s32 s3, s9;
	s6 =	sadd.s32 @!p0 $0x88, s6;
	s7 =	simm.s32 @p2 $0x1082  }
0x22: {  	[simem:s7], [sflag:s8] =	dma.local @!p0 [hbm:s6], $0xF7A  }
0x23: {  	s9 =	sor.u32 $0xD0000000, s2;
	s6 =	simm.s32 $0x108;
	_ =	swait.ge @!p0 [sflag:s8], $0x0  }
0x24: {  	s3 =	sadd.s32 $0x88, s3;
	s6 =	simm.s32 @!p1 $0x1082;
	[sflag:s4] =	ssyncset.s32 $0xFFFFF086  }
0x25: {  	[simem:s6], [sflag:s4] =	dma.local [hbm:s3], $0xF7A  }
0x26: {  	[smem:$0x3F93] =	sst s1;
	(tag) =	ssettag s2;
	_ =	strace s9  }
0x27: {  	s1 =	sld [smem:$0x3FA3]  }
0x28: {  	s2 =	sld [smem:$0x3FA4]  }
0x29: {  	s4 =	sld [smem:$0x3FA6]  }
0x2a: {  	p0 =	seq.s32 s5, $0x0;
	s5 =	sld [smem:$0x3FA7]  }
0x2b: {  	s6 =	sld [smem:$0x3FA8]  }
0x2c: {  	s7 =	sld [smem:$0x3FA9]  }
0x2d: {  	s3 =	simm.s32 $0x108;
	s8 =	sld [smem:$0x3FAA]  }
0x2e: {  	s3 =	simm.s32 @!p0 $0x1082;
	s9 =	sld [smem:$0x3FAB]  }
0x2f: {  	lr =	sadd.s32 s0, s3;
	s0 =	sld [smem:$0x3FA2]  }
0x30: {  	s3 =	sld [smem:$0x3FA5]  }
0x31: {  	[smem:$0x3FAE] =	sst s10  }
0x32: {  	s10 =	sld [smem:$0x3FAC];
	_ =	sdelay $0x3  }
0x33: {  	p0 =	seq.s32 s10, $0x1;
	s10 =	sld [smem:$0x3FAE];
	_ =	sdelay $0x3  }
0x34: {  	[smem:$0x3FAE] =	sst s10  }
0x35: {  	s10 =	sld [smem:$0x3FAD];
	_ =	sdelay $0x3  }
0x36: {  	p1 =	seq.s32 s10, $0x1;
	s10 =	sld [smem:$0x3FAE];
	_ =	sdelay $0x3  }
0x37: {  	[smem:$0x3FAE] =	sst s10  }
0x38: {  	s10 =	sld [smem:$0x3FAF]  }
0x39: {  	_ = 	snop;
	(pc) =	sbr.ind lr, $3  }
0x3a: {  	_ = 	snop  }
0x3b: {  	_ = 	snop  }
0x3c: {  	p2 =	seq.s32 s10, $0x1;
	s10 =	sld [smem:$0x3FAE]  }
0x3d: {  	_ =	shalt  }
0x3e: {  	_ =	shalt  }
0x3f: {  	_ =	shalt  }
0x40: {  	_ =	shalt  }
0x41: {  	_ =	shalt  }
0x42: {  	_ =	shalt  }
0x43: {  	_ =	shalt  }
0x44: {  	_ =	shalt  }
0x45: {  	_ =	shalt  }
0x46: {  	_ =	shalt  }
0x47: {  	_ =	shalt  }
0x48: {  	_ =	shalt  }
0x49: {  	_ =	shalt  }
0x4a: {  	_ =	shalt  }
0x4b: {  	_ =	shalt  }
0x4c: {  	_ =	shalt  }
0x4d: {  	_ =	shalt  }
0x4e: {  	_ =	shalt  }
0x4f: {  	_ =	shalt  }
0x50: {  	_ =	shalt  }
0x51: {  	_ =	shalt  }
0x52: {  	_ =	shalt  }
0x53: {  	_ =	shalt  }
0x54: {  	_ =	shalt  }
0x55: {  	_ =	shalt  }
0x56: {  	_ =	shalt  }
0x57: {  	_ =	shalt  }
0x58: {  	_ =	shalt  }
0x59: {  	_ =	shalt  }
0x5a: {  	_ =	shalt  }
0x5b: {  	_ =	shalt  }
0x5c: {  	_ =	shalt  }
0x5d: {  	_ =	shalt  }
0x5e: {  	_ =	shalt  }
0x5f: {  	_ =	shalt  }
0x60: {  	_ =	shalt  }
0x61: {  	_ =	shalt  }
0x62: {  	_ =	shalt  }
0x63: {  	_ =	shalt  }
0x64: {  	_ =	shalt  }
0x65: {  	_ =	shalt  }
0x66: {  	_ =	shalt  }
0x67: {  	_ =	shalt  }
0x68: {  	_ =	shalt  }
0x69: {  	_ =	shalt  }
0x6a: {  	_ =	shalt  }
0x6b: {  	_ =	shalt  }
0x6c: {  	_ =	shalt  }
0x6d: {  	_ =	shalt  }
0x6e: {  	_ =	shalt  }
0x6f: {  	_ =	shalt  }
0x70: {  	_ =	shalt  }
0x71: {  	_ =	shalt  }
0x72: {  	_ =	shalt  }
0x73: {  	_ =	shalt  }
0x74: {  	_ =	shalt  }
0x75: {  	_ =	shalt  }
0x76: {  	_ =	shalt  }
0x77: {  	_ =	shalt  }
0x78: {  	_ =	shalt  }
0x79: {  	_ =	shalt  }
0x7a: {  	_ =	shalt  }
0x7b: {  	_ =	shalt  }
0x7c: {  	_ =	shalt  }
0x7d: {  	_ =	shalt  }
0x7e: {  	_ =	shalt  }
0x7f: {  	_ =	shalt  }
0x80: {  	_ =	shalt  }
0x81: {  	_ =	shalt  }
0x82: {  	_ =	shalt  }
0x83: {  	_ =	shalt  }
0x84: {  	_ =	shalt  }
0x85: {  	_ =	shalt  }
0x86: {  	_ =	shalt  }
0x87: {  	_ =	shalt  }
.Lfunc_end0:
.L_simem_size_0:
called_computation.1_lowered:
.L_overlay_start_0:
0x88: {  	s2 =	sld [smem:$0x3FD9]  }
0x89: {  	s3 =	sld [smem:$0x3FFE];
	_ =	sdelay $0x1  }
0x8a: {  	s1 =	srdreg.scid  }
0x8b: {  	s0 =	sand.u32 $0x1, s1  }
0x8c: {  	s14 =	sshll.u32 s0, $0xA;
	s2 =	sadd.s32 s3, s2  }
0x8d: {  	s2 =	sadd.s32 s2, s14  }
0x8e: {  	[smem:$0x3FBA] =	sst s2  }
0x8f: {  	_ = 	snop  }
0x90: {  	s2 =	sld [smem:$0x3FD0];
	_ =	sdelay $0x2  }
0x91: {  	s15 =	simm.s32 $0xB;
	s4 =	simm.s32 $0x10  }
0x92: {  	[smem:s4], [sflag:s15] =	dma.local [hbm:s2], $0x1  }
0x93: {  	_ =	swait.eq [sflag:s15], $0x1  }
0x94: {  	[sflag:s15] =	ssyncset.done $0x0  }
0x95: {  	[sflag:s15] =	ssyncadd.s32 $0xFFFFFFFF  }
0x96: {  	s16 =	sld [smem:$0x12];
	(tm) =	ssettm $0x1  }
0x97: {  	s17 =	sld [smem:$0x3FFB];
	_ =	sdelay $0x3  }
0x98: {  	_ =	strace s17  }
0x99: {  	s3 =	sld [smem:$0x3FFC];
	_ =	sdelay $0x3  }
0x9a: {  	_ =	strace s3  }
0x9b: {  	s3 =	sld [smem:$0x3FFD];
	_ =	sdelay $0x3  }
0x9c: {  	_ =	strace s3  }
0x9d: {  	_ =	strace $0x8FFFFFFF  }
0x9e: {  	s18 =	sld [smem:$0x3FDB];
	_ =	sdelay $0x1  }
0x9f: {  	s19 =	simm.s32 $_scs_section_size  }
0xa0: {  	s5 =	simm.s32 $_size__tile_overlayer_lowered;
	s6 =	simm.s32 $_tile_overlayer_lowered  }
0xa1: {  	s22 =	simm.s32 $0x1BFF;
	s21 =	sshll.u32 s6, $0x1;
	s3 =	sadd.s32 s19, s18  }
0xa2: {  	s7 =	simm.s32 $0x0;
	s20 =	sshll.u32 s5, $0x1;
	s5 =	sadd.s32 s21, s3  }
0xa3: {  	[timem:s7], [sflag:s22] =	dma.local [hbm:s5], s20  }
0xa4: {  	_ =	swait.ge [sflag:s22], s20  }
0xa5: {  	s4 =	ssub.s32 $0x0, s20;
	[sflag:s22] =	ssyncset.done $0x0  }
0xa6: {  	[sflag:s22] =	ssyncadd.s32 s4;
	_ =	sdelay $0x1  }
0xa7: {  	s23 =	simm.s32 $0x1B8B  }
0xa8: {  	_ =	swait.ge [sflag:s23], $0x1  }
0xa9: {  	[sflag:s23] =	ssyncset.done $0x0  }
0xaa: {  	s25 =	simm.s32 $0x1B8E;
	s24 =	sld [smem:$0x3FFE];
	[sflag:s23] =	ssyncadd.s32 $0xFFFFFFFF  }
0xab: {  	s26 =	simm.s32 $execute0_lowered;
	[smem:$0x3FD2] =	sst s25  }
0xac: {  	s5 =	sshll.u32 s26, $0x1;
	_ =	strace $0x80000049;
	[dreg:$0x1] =	wrdreg $0xFFFFFFFF  }
0xad: {  	s28 =	simm.s32 $_size_execute0_lowered;
	s3 =	sadd.s32 s3, s5;
	[dreg:$0x0] =	wrdreg $0x0  }
0xae: {  	s5 =	sshll.u32 s28, $0x1;
	[dreg:$0x2] =	wrdreg s3  }
0xaf: {  	[dreg:$0x3] =	wrdreg s5  }
0xb0: {  	[dreg:$0x4] =	wrdreg $0xC0  }
0xb1: {  	_ =	task [dreg:s7], $0x5FFFF  }
0xb2: {  	[dreg:$0x1] =	wrdreg $0xFFFFFFFF  }
0xb3: {  	[dreg:$0x0] =	wrdreg $0x60  }
0xb4: {  	[dreg:$0x2] =	wrdreg s16  }
0xb5: {  	[dreg:$0x3] =	wrdreg s24  }
0xb6: {  	[dreg:$0x4] =	wrdreg $0x80000  }
0xb7: {  	[dreg:$0x5] =	wrdreg $0x9  }
0xb8: {  	_ =	task.clear_ibuf [dreg:s7], $0x6FFFF;
	_ =	strace $0x90000049  }
0xb9: {  	s29 =	simm.s32 $0x9;
	_ =	strace $0x8000004B  }
0xba: {  	_ =	swait.ge [sflag:s29], $0x1  }
0xbb: {  	[sflag:s29] =	ssyncadd.s32 $0xFFFFFFFF  }
0xbc: {  	_ =	strace $0x9000004B  }
0xbd: {  	_ =	sfence  }
0xbe: {  	s30 =	sld [smem:$0x0];
	_ =	sdelay $0x2  }
0xbf: {  	s31 =	sshll.u32 s1, $0xD;
	s1 =	sshrl.u32 s1, $0x2  }
0xc0: {  	s3 =	sand.u32 $0x4000, s31;
	s1 =	sadd.s32 s1, s30  }
0xc1: {  	s0 =	sor.u32 s3, s0;
	s1 =	sshll.u32 s1, $0x11  }
0xc2: {  	s0 =	sor.u32 s1, s0  }
0xc3: {  	s0 =	sadd.s32 $0x8F2B, s0  }
0xc4: {  	[sflag:s0] =	ssyncadd.remote.s32 $0x1  }
0xc5: {  	_ =	sfence.sel $0xFFFF  }
0xc6: {  	[dreg:$0x0] =	wrdreg $0xFFFFFFFF;
	(pc) =	sbr.abs _section_cstart, $3  }
0xc7: {  	[dreg:$0x1] =	wrdreg $0xFFFFFFFF  }
0xc8: {  	_ =	task.clear_ibuf [dreg:s7], $0x2FFFF;
	_ =	strace $0x9FFFFFFF  }
0xc9: {  	(tm) =	ssettm $0x7FFFFFFF  }
tec
execute0_lowered:
.L_overlay_start_1:
0x0: {  	(tag) =	ssettag $0x1  }
0x1: {  	s3 =	srdreg.scid;
	s10 =	stileid.u32  }
0x2: {  	s0 =	rddreg [dreg:$0x0];
	s6 =	sand.u32 $0x1, s3;
	s7 =	smul.u32 $0x14000, s10  }
0x3: {  	s2 =	rddreg [dreg:$0x1];
	s5 =	smul.u32 $0x140000, s6  }
0x4: {  	s1 =	rddreg [dreg:$0x2];
	s30 =	simm.s32 $0x7000;
	s8 =	smul.u32 $0x50000, s10  }
0x5: {  	s31 =	simm.s32 $0x3;
	s3 =	simm.s32 $0x0;
	s5 =	sadd.s32 s7, s5  }
0x6: {  	s4 =	sadd.s32 $0x12400, s2;
	s8 =	sshrl.u32 s8, $0x2;
	s5 =	sshrl.u32 s5, $0x3  }
0x7: {  	s29 =	smul.u32 $0x5000, s10;
	s2 =	sadd.s32 s5, s2;
	s5 =	sadd.s32 s8, s1  }
0x8: {  	s10 =	simm.s32 $0x1C00;
	[smem:$0x7FF] =	sst s3;
	s8 =	sadd.s32 $0x1000, s5  }
0x9: {  	_ =	strace $0x8000004A;
	s18 =	sadd.s32 $0x2000, s5;
	[dreg:$0x4] =	wrdreg s8  }
0xa: {  	s17 =	ssub.s32 $0x2, s6;
	s19 =	sadd.s32 $0x3000, s5;
	[dreg:$0x5] =	wrdreg s18  }
0xb: {  	s6 =	smul.u32 $0x27100, s6;
	s20 =	sadd.s32 $0x4000, s5;
	[dreg:$0x6] =	wrdreg s19  }
0xc: {  	s9 =	sshrl.u32 s17, $0x1;
	s21 =	sadd.s32 $0x5000, s5;
	[dreg:$0x7] =	wrdreg s20  }
0xd: {  	s7 =	ssub.s32 s17, s9;
	s22 =	sadd.s32 $0x6000, s5;
	[dreg:$0x8] =	wrdreg s21  }
0xe: {  	s9 =	simm.s32 $0x2;
	s23 =	sadd.s32 $0x7000, s5;
	[dreg:$0x9] =	wrdreg s22  }
0xf: {  	s24 =	sadd.s32 $0x8000, s5;
	s25 =	sadd.s32 $0x9000, s5;
	[dreg:$0xa] =	wrdreg s23  }
0x10: {  	s26 =	sadd.s32 $0xA000, s5;
	s16 =	sadd.s32 $0xB000, s5;
	[dreg:$0xb] =	wrdreg s24  }
0x11: {  	s17 =	sadd.s32 $0xC000, s5;
	s28 =	sadd.s32 $0x13000, s5;
	[dreg:$0xc] =	wrdreg s25  }
0x12: {  	[dreg:$0xd] =	wrdreg s26;
	s18 =	sadd.s32 $0xD000, s5;
	s19 =	sadd.s32 $0xE000, s5  }
0x13: {  	s20 =	sadd.s32 $0xF000, s5;
	s21 =	sadd.s32 $0x10000, s5;
	s22 =	sadd.s32 s0, s6  }
0x14: {  	s23 =	sadd.s32 $0x11000, s5;
	s24 =	sadd.s32 $0x26400, s2;
	s25 =	smax.u32 s7, $0x1  }
0x15: {  	s26 =	sadd.s32 $0x12000, s5;
	s0 =	simm.s32 $0x1000;
	s2 =	simm.s32 $0x50  }
0x16: {  	v0 =	vimm.f32 $0.0e+00;
	s6 =	simm.s32 $0x2000;
	s7 =	simm.s32 $0x1;
	s8 =	simm.s32 $0x4800  }
.LBB2_1:
0x17: {  	s11 =	simm.s32 $0x0;
	s12 =	simm.s32 $0x200  }
.LBB2_2:
0x18: {  	p0 =	sne.s32 s12, $0x3E00;
	[tilespmem:s11+$0x7070] =	vst v0  }
0x19: {  	[tilespmem:s11+$0x7000] =	vst v0  }
0x1a: {  	[tilespmem:s11+$0x7010] =	vst v0  }
.Ltmp0:
0x1b: {  	[tilespmem:s11+$0x7020] =	vst v0;
	(pc) =	sbr.rel @p0 .LBB2_2-.Ltmp0, $4  }
0x1c: {  	[tilespmem:s11+$0x7030] =	vst v0  }
0x1d: {  	[tilespmem:s11+$0x7040] =	vst v0  }
0x1e: {  	[tilespmem:s11+$0x7050] =	vst v0  }
0x1f: {  	[tilespmem:s11+$0x7060] =	vst v0;
	s11 =	sshra.s32 s12, $0x2;
	s12 =	sadd.s32 $0x200, s12  }
0x20: {  	[tilespmem:s11+$0x7070] =	vst v0  }
0x21: {  	[tilespmem:s11+$0x7000] =	vst v0  }
0x22: {  	[tilespmem:s11+$0x7010] =	vst v0  }
0x23: {  	[tilespmem:s11+$0x7020] =	vst v0  }
0x24: {  	[tilespmem:s11+$0x7030] =	vst v0  }
0x25: {  	[tilespmem:s11+$0x7040] =	vst v0  }
0x26: {  	[tilespmem:s11+$0x7050] =	vst v0  }
0x27: {  	[tilespmem:s11+$0x7060] =	vst v0  }
0x28: {  	[spmem:s5] =	stream.linear.scatter [tilespmem:s30], [sflag:$0x3], $0x1000, $0x38;
	[tilespmem:$0x1C000] =	vst v63  }
0x29: {  	_ =	swait.ge [sflag:s31], $0x1000  }
0x2a: {  	[sflag:s31] =	ssyncset.done $0x0  }
0x2b: {  	s14 =	rddreg [dreg:$0x4];
	[sflag:s31] =	ssyncadd.s32 $0xFFFFF000  }
0x2c: {  	[spmem:s14] =	stream.linear.scatter [tilespmem:s30], [sflag:$0x3], $0x1000, $0x38;
	[tilespmem:$0x1C000] =	vst v63  }
0x2d: {  	_ =	swait.ge [sflag:s31], $0x1000  }
0x2e: {  	[sflag:s31] =	ssyncset.done $0x0  }
0x2f: {  	s15 =	rddreg [dreg:$0x5];
	[sflag:s31] =	ssyncadd.s32 $0xFFFFF000  }
0x30: {  	[spmem:s15] =	stream.linear.scatter [tilespmem:s30], [sflag:$0x3], $0x1000, $0x38;
	[tilespmem:$0x1C000] =	vst v63  }
0x31: {  	_ =	swait.ge [sflag:s31], $0x1000  }
0x32: {  	[sflag:s31] =	ssyncset.done $0x0  }
0x33: {  	s12 =	rddreg [dreg:$0x6];
	[sflag:s31] =	ssyncadd.s32 $0xFFFFF000  }
0x34: {  	[spmem:s12] =	stream.linear.scatter [tilespmem:s30], [sflag:$0x3], $0x1000, $0x38;
	[tilespmem:$0x1C000] =	vst v63  }
0x35: {  	_ =	swait.ge [sflag:s31], $0x1000  }
0x36: {  	[sflag:s31] =	ssyncset.done $0x0  }
0x37: {  	s13 =	rddreg [dreg:$0x7];
	[sflag:s31] =	ssyncadd.s32 $0xFFFFF000  }
0x38: {  	[spmem:s13] =	stream.linear.scatter [tilespmem:s30], [sflag:$0x3], $0x1000, $0x38;
	[tilespmem:$0x1C000] =	vst v63  }
0x39: {  	_ =	swait.ge [sflag:s31], $0x1000  }
0x3a: {  	[sflag:s31] =	ssyncset.done $0x0  }
0x3b: {  	s14 =	rddreg [dreg:$0x8];
	[sflag:s31] =	ssyncadd.s32 $0xFFFFF000  }
0x3c: {  	[spmem:s14] =	stream.linear.scatter [tilespmem:s30], [sflag:$0x3], $0x1000, $0x38;
	[tilespmem:$0x1C000] =	vst v63  }
0x3d: {  	_ =	swait.ge [sflag:s31], $0x1000  }
0x3e: {  	[sflag:s31] =	ssyncset.done $0x0  }
0x3f: {  	s15 =	rddreg [dreg:$0x9];
	[sflag:s31] =	ssyncadd.s32 $0xFFFFF000  }
0x40: {  	[spmem:s15] =	stream.linear.scatter [tilespmem:s30], [sflag:$0x3], $0x1000, $0x38;
	[tilespmem:$0x1C000] =	vst v63  }
0x41: {  	_ =	swait.ge [sflag:s31], $0x1000  }
0x42: {  	[sflag:s31] =	ssyncset.done $0x0  }
0x43: {  	s12 =	rddreg [dreg:$0xa];
	[sflag:s31] =	ssyncadd.s32 $0xFFFFF000  }
0x44: {  	[spmem:s12] =	stream.linear.scatter [tilespmem:s30], [sflag:$0x3], $0x1000, $0x38;
	[tilespmem:$0x1C000] =	vst v63  }
0x45: {  	_ =	swait.ge [sflag:s31], $0x1000  }
0x46: {  	[sflag:s31] =	ssyncset.done $0x0  }
0x47: {  	s13 =	rddreg [dreg:$0xb];
	[sflag:s31] =	ssyncadd.s32 $0xFFFFF000  }
0x48: {  	[spmem:s13] =	stream.linear.scatter [tilespmem:s30], [sflag:$0x3], $0x1000, $0x38;
	[tilespmem:$0x1C000] =	vst v63  }
0x49: {  	_ =	swait.ge [sflag:s31], $0x1000  }
0x4a: {  	[sflag:s31] =	ssyncset.done $0x0  }
0x4b: {  	s14 =	rddreg [dreg:$0xc];
	[sflag:s31] =	ssyncadd.s32 $0xFFFFF000  }
0x4c: {  	[spmem:s14] =	stream.linear.scatter [tilespmem:s30], [sflag:$0x3], $0x1000, $0x38;
	[tilespmem:$0x1C000] =	vst v63  }
0x4d: {  	_ =	swait.ge [sflag:s31], $0x1000  }
0x4e: {  	[sflag:s31] =	ssyncset.done $0x0  }
0x4f: {  	s15 =	rddreg [dreg:$0xd];
	[sflag:s31] =	ssyncadd.s32 $0xFFFFF000  }
0x50: {  	[spmem:s15] =	stream.linear.scatter [tilespmem:s30], [sflag:$0x3], $0x1000, $0x38;
	[tilespmem:$0x1C000] =	vst v63  }
0x51: {  	_ =	swait.ge [sflag:s31], $0x1000  }
0x52: {  	[sflag:s31] =	ssyncset.done $0x0  }
0x53: {  	[sflag:s31] =	ssyncadd.s32 $0xFFFFF000  }
0x54: {  	[spmem:s16] =	stream.linear.scatter [tilespmem:s30], [sflag:$0x3], $0x1000, $0x38;
	[tilespmem:$0x1C000] =	vst v63  }
0x55: {  	_ =	swait.ge [sflag:s31], $0x1000  }
0x56: {  	[sflag:s31] =	ssyncset.done $0x0  }
0x57: {  	[sflag:s31] =	ssyncadd.s32 $0xFFFFF000  }
0x58: {  	[spmem:s17] =	stream.linear.scatter [tilespmem:s30], [sflag:$0x3], $0x1000, $0x38;
	[tilespmem:$0x1C000] =	vst v63  }
0x59: {  	_ =	swait.ge [sflag:s31], $0x1000  }
0x5a: {  	[sflag:s31] =	ssyncset.done $0x0  }
0x5b: {  	[sflag:s31] =	ssyncadd.s32 $0xFFFFF000  }
0x5c: {  	[spmem:s18] =	stream.linear.scatter [tilespmem:s30], [sflag:$0x3], $0x1000, $0x38;
	[tilespmem:$0x1C000] =	vst v63  }
0x5d: {  	_ =	swait.ge [sflag:s31], $0x1000  }
0x5e: {  	[sflag:s31] =	ssyncset.done $0x0  }
0x5f: {  	[sflag:s31] =	ssyncadd.s32 $0xFFFFF000  }
0x60: {  	[spmem:s19] =	stream.linear.scatter [tilespmem:s30], [sflag:$0x3], $0x1000, $0x38;
	[tilespmem:$0x1C000] =	vst v63  }
0x61: {  	_ =	swait.ge [sflag:s31], $0x1000  }
0x62: {  	[sflag:s31] =	ssyncset.done $0x0  }
0x63: {  	[sflag:s31] =	ssyncadd.s32 $0xFFFFF000  }
0x64: {  	[spmem:s20] =	stream.linear.scatter [tilespmem:s30], [sflag:$0x3], $0x1000, $0x38;
	[tilespmem:$0x1C000] =	vst v63  }
0x65: {  	_ =	swait.ge [sflag:s31], $0x1000  }
0x66: {  	[sflag:s31] =	ssyncset.done $0x0  }
0x67: {  	[sflag:s31] =	ssyncadd.s32 $0xFFFFF000  }
0x68: {  	[spmem:s21] =	stream.linear.scatter [tilespmem:s30], [sflag:$0x3], $0x1000, $0x38;
	[tilespmem:$0x1C000] =	vst v63  }
0x69: {  	_ =	swait.ge [sflag:s31], $0x1000  }
0x6a: {  	[sflag:s31] =	ssyncset.done $0x0  }
0x6b: {  	[sflag:s31] =	ssyncadd.s32 $0xFFFFF000  }
0x6c: {  	[spmem:s23] =	stream.linear.scatter [tilespmem:s30], [sflag:$0x3], $0x1000, $0x38;
	[tilespmem:$0x1C000] =	vst v63  }
0x6d: {  	_ =	swait.ge [sflag:s31], $0x1000  }
0x6e: {  	[sflag:s31] =	ssyncset.done $0x0  }
0x6f: {  	[sflag:s31] =	ssyncadd.s32 $0xFFFFF000  }
0x70: {  	[spmem:s26] =	stream.linear.scatter [tilespmem:s30], [sflag:$0x3], $0x1000, $0x38;
	[tilespmem:$0x1C000] =	vst v63  }
0x71: {  	_ =	swait.ge [sflag:s31], $0x1000  }
0x72: {  	[sflag:s31] =	ssyncset.done $0x0  }
0x73: {  	[sflag:s31] =	ssyncadd.s32 $0xFFFFF000  }
0x74: {  	[spmem:s28] =	stream.linear.scatter [tilespmem:s30], [sflag:$0x3], $0x1000, $0x38;
	[tilespmem:$0x1C000] =	vst v63  }
0x75: {  	_ =	swait.ge [sflag:s31], $0x1000  }
0x76: {  	[sflag:s31] =	ssyncset.done $0x0  }
0x77: {  	[sflag:s31] =	ssyncadd.s32 $0xFFFFF000  }
0x78: {  	s11 =	simm.s32 $0x0;
	s12 =	simm.s32 $0x0;
	[bflag:$0x0] =	sbarrier.arrive $0xFFFF  }
.LBB2_4:
0x79: {  	s13 =	sshll.u32 s12, $0xC  }
0x7a: {  	s13 =	sadd.s32 s29, s13  }
0x7b: {  	s13 =	sshrl.u32 s13, $0x3  }
0x7c: {  	s13 =	sadd.s32 s4, s13  }
0x7d: {  	[tilespmem:s11], [sflag:$0x3] =	stream.linear.gather [hbm4b:s13+s11], $0xC80, $0x38;
	[tilespmem:$0x1C000] =	vst v63  }
0x7e: {  	_ =	swait.ge [sflag:s31], $0xC80  }
0x7f: {  	[sflag:s31] =	ssyncset.done $0x0  }
0x80: {  	s13 =	sadd.s32 $0xA000, s13;
	[sflag:s31] =	ssyncadd.s32 $0xFFFFF380  }
0x81: {  	[tilespmem:s0], [sflag:$0x3] =	stream.linear.gather [hbm4b:s13+s11], $0xC80, $0x38;
	[tilespmem:$0x1C000] =	vst v63  }
0x82: {  	_ =	swait.ge [sflag:s31], $0xC80  }
0x83: {  	[sflag:s31] =	ssyncset.done $0x0  }
0x84: {  	[sflag:s31] =	ssyncadd.s32 $0xFFFFF380  }
0x85: {  	[tilespmem:s6], [sflag:$0x1] =	stream.indirect.gather [hbm4b:s22+s2], $0x80, s11, s2, $0xb8;
	[tilespmem:$0x1C000] =	vst v63  }
0x86: {  	_ =	swait.ge [sflag:s7], $0x2800  }
0x87: {  	[sflag:s7] =	ssyncset.done $0x0  }
0x88: {  	s14 =	simm.s32 $0x80;
	[sflag:s7] =	ssyncadd.s32 $0xFFFFD800  }
0x89: {  	[tilespmem:s8], [sflag:$0x2] =	stream.indirect.gather [hbm4b:s22+s2], $0x80, s14, s2, $0xb8;
	[tilespmem:$0x1C000] =	vst v63  }
0x8a: {  	s15 =	simm.s32 $0x1000  }
0x8b: {  	[spmem:s1] =	stream.indirect.scatter.add.f32 [tilespmem:s6], [sflag:$0x3], $0x80, s15, s2, $0xb8;
	[tilespmem:$0x1C000] =	vst v63  }
0x8c: {  	_ =	swait.ge [sflag:s31], $0x2800  }
0x8d: {  	[sflag:s31] =	ssyncset.done $0x0  }
0x8e: {  	[sflag:s31] =	ssyncadd.s32 $0xFFFFD800  }
0x8f: {  	_ =	swait.ge [sflag:s9], $0x2800  }
0x90: {  	[sflag:s9] =	ssyncset.done $0x0  }
0x91: {  	s14 =	simm.s32 $0x100;
	[sflag:s9] =	ssyncadd.s32 $0xFFFFD800  }
0x92: {  	[tilespmem:s6], [sflag:$0x1] =	stream.indirect.gather [hbm4b:s22+s2], $0x80, s14, s2, $0xb8;
	[tilespmem:$0x1C000] =	vst v63  }
0x93: {  	s15 =	simm.s32 $0x1080  }
0x94: {  	[spmem:s1] =	stream.indirect.scatter.add.f32 [tilespmem:s8], [sflag:$0x3], $0x80, s15, s2, $0xb8;
	[tilespmem:$0x1C000] =	vst v63  }
0x95: {  	_ =	swait.ge [sflag:s31], $0x2800  }
0x96: {  	s13 =	simm.s32 $0x400;
	[sflag:s31] =	ssyncset.done $0x0  }
.LBB2_5:
0x97: {  	p0 =	sne.s32 s13, $0x2C00  }
0x98: {  	[sflag:s31] =	ssyncadd.s32 $0xFFFFD800;
	s14 =	smov.u32 s13;
	s13 =	sadd.s32 $0x400, s13  }
0x99: {  	_ = 	snop  }
0x9a: {  	_ =	swait.ge [sflag:s7], $0x2800  }
0x9b: {  	s14 =	sshra.s32 s14, $0x2;
	[sflag:s7] =	ssyncset.done $0x0  }
0x9c: {  	s15 =	sadd.s32 $0x80, s14;
	[sflag:s7] =	ssyncadd.s32 $0xFFFFD800  }
0x9d: {  	[tilespmem:s8], [sflag:$0x2] =	stream.indirect.gather [hbm4b:s22+s2], $0x80, s15, s2, $0xb8;
	[tilespmem:$0x1C000] =	vst v63  }
0x9e: {  	s15 =	sadd.s32 $0x1000, s14  }
0x9f: {  	[spmem:s1] =	stream.indirect.scatter.add.f32 [tilespmem:s6], [sflag:$0x3], $0x80, s15, s2, $0xb8;
	[tilespmem:$0x1C000] =	vst v63  }
0xa0: {  	_ =	swait.ge [sflag:s31], $0x2800  }
0xa1: {  	[sflag:s31] =	ssyncset.done $0x0  }
0xa2: {  	[sflag:s31] =	ssyncadd.s32 $0xFFFFD800  }
0xa3: {  	_ =	swait.ge [sflag:s9], $0x2800  }
0xa4: {  	[sflag:s9] =	ssyncset.done $0x0  }
0xa5: {  	s15 =	sadd.s32 $0x100, s14;
	[sflag:s9] =	ssyncadd.s32 $0xFFFFD800  }
0xa6: {  	[tilespmem:s6], [sflag:$0x1] =	stream.indirect.gather [hbm4b:s22+s2], $0x80, s15, s2, $0xb8;
	[tilespmem:$0x1C000] =	vst v63  }
.Ltmp1:
0xa7: {  	_ = 	snop;
	(pc) =	sbr.rel @p0 .LBB2_5-.Ltmp1, $4  }
0xa8: {  	s14 =	sadd.s32 $0x1080, s14  }
0xa9: {  	[spmem:s1] =	stream.indirect.scatter.add.f32 [tilespmem:s8], [sflag:$0x3], $0x80, s14, s2, $0xb8;
	[tilespmem:$0x1C000] =	vst v63  }
0xaa: {  	_ =	swait.ge [sflag:s31], $0x2800  }
0xab: {  	[sflag:s31] =	ssyncset.done $0x0  }
0xac: {  	[sflag:s31] =	ssyncadd.s32 $0xFFFFD800  }
0xad: {  	s12 =	sadd.s32 $0x1, s12;
	_ =	swait.ge [sflag:s7], $0x2800  }
0xae: {  	p0 =	sne.s32 s12, $0x5;
	[sflag:s7] =	ssyncset.done $0x0  }
.Ltmp2:
0xaf: {  	[sflag:s7] =	ssyncadd.s32 $0xFFFFD800;
	(pc) =	sbr.rel @p0 .LBB2_4-.Ltmp2, $4  }
0xb0: {  	[spmem:s1] =	stream.indirect.scatter.add.f32 [tilespmem:s6], [sflag:$0x3], $0x80, s10, s2, $0xb8;
	[tilespmem:$0x1C000] =	vst v63  }
0xb1: {  	_ =	swait.ge [sflag:s31], $0x2800  }
0xb2: {  	[sflag:s31] =	ssyncset.done $0x0  }
0xb3: {  	[sflag:s31] =	ssyncadd.s32 $0xFFFFD800  }
0xb4: {  	s11 =	stileid.u32;
	s3 =	sadd.s32 $0x1, s3  }
0xb5: {  	[bflag:$0x0] =	sbarrier.arrive $0xFFFF;
	s11 =	sshll.u32 s11, $0x6;
	p0 =	sne.s32 s3, s25  }
.Ltmp3:
0xb6: {  	s12 =	sshrl.u32 s5, $0x3;
	s11 =	sor.u32 $0x1C03, s11;
	(pc) =	sbr.rel @p0 .LBB2_1-.Ltmp3, $4  }
0xb7: {  	[hbm:s24], [sflag:s11] =	dma.local [spmem:s12], $0x2800  }
0xb8: {  	_ =	swait.ge [sflag:s31], $0x2800  }
0xb9: {  	[sflag:s31] =	ssyncset.done $0x0  }
0xba: {  	[sflag:s31] =	ssyncadd.s32 $0xFFFFD800  }
0xbb: {  	_ =	sfence.sel $0x180000  }
0xbc: {  	[bflag:$0x0] =	sbarrier.arrive $0xFFFF  }
0xbd: {  	_ =	strace $0x9000004A  }
0xbe: {  	s0 =	stileid.u32;
	[bflag:$0x2] =	sbarrier.arrive $0xFFFF  }
0xbf: {  	p0 =	sne.s32 s0, $0x0;
	s0 =	rddreg [dreg:$0x3]  }
0xc0: {  	s0 =	sadd.s32 @!p0 $0x100000, s0  }
0xc1: {  	[sflag:s0] =	ssyncadd.tile.s32 @!p0 $0x1;
	_ =	shalt  }
.Lfunc_end2:
_tile_overlayer_lowered:
.L_overlay_start_2:
0xc2: {  	(tag) =	ssettag $0x2  }
0xc3: {  	s0 =	rddreg [dreg:$0x0];
	s2 =	stileid.u32  }
0xc4: {  	s1 =	rddreg [dreg:$0x1];
	p0 =	sne.s32 s2, $0x0  }
0xc5: {  	s3 =	rddreg [dreg:$0x2];
	[bflag:$0x3] =	sbarrier.arrive $0xFFFF;
	s2 =	simm.s32 @!p0 $0x1C03  }
0xc6: {  	[timem:s3], [sflag:s2] =	dma.local @!p0 [hbm:s0], s1  }
0xc7: {  	s0 =	simm.s32 @!p0 $0x3  }
0xc8: {  	_ =	swait.ge @!p0 [sflag:s0], s1  }
0xc9: {  	s1 =	ssub.s32 @!p0 $0x0, s1;
	[sflag:s0] =	ssyncset.done @!p0 $0x0  }
0xca: {  	[sflag:s0] =	ssyncadd.s32 @!p0 s1  }
0xcb: {  	[bflag:$0x3] =	sbarrier.arrive $0xFFFF  }
0xcc: {  	_ =	shalt  }

// kernel: kernel.15.cloned.1.call-start
scs
__scs_entry_jumppad:
0x0: {  	(pc) =	sbr.rel $0x88, $3  }
0x1: {  	(tag) =	ssettag $0x0;
	lr =	simm.s32 $0x1  }
0x2: {  	[smem:$0x3F93] =	sst lr;
	_ =	strace $0xD0000000  }
0x3: {  	_ = 	snop  }
0x4: {  	_ = 	snop  }
0x5: {  	_ = 	snop  }
0x6: {  	_ = 	snop  }
0x7: {  	_ = 	snop  }
__scs_overlays_trampoline_lowered:
0x8: {  	[smem:$0x3FA2] =	sst s0  }
0x9: {  	[smem:$0x3FA3] =	sst s1  }
0xa: {  	[smem:$0x3FA4] =	sst s2  }
0xb: {  	[smem:$0x3FA5] =	sst s3  }
0xc: {  	[smem:$0x3FA6] =	sst s4  }
0xd: {  	[smem:$0x3FA7] =	sst s5  }
0xe: {  	[smem:$0x3FA8] =	sst s6  }
0xf: {  	[smem:$0x3FA9] =	sst s7  }
0x10: {  	[smem:$0x3FAA] =	sst s8  }
0x11: {  	[smem:$0x3FAB] =	sst s9;
	s0 =	simm.s32 @!p0 $0x0  }
0x12: {  	s1 =	sld [smem:$0x3F91];
	s0 =	simm.s32 @p0 $0x1  }
0x13: {  	[smem:$0x3FAC] =	sst s0;
	s0 =	simm.s32 @!p1 $0x0  }
0x14: {  	s2 =	sld [smem:$0x3F90];
	s0 =	simm.s32 @p1 $0x1  }
0x15: {  	[smem:$0x3FAD] =	sst s0;
	s0 =	simm.s32 @!p2 $0x0  }
0x16: {  	s3 =	sld [smem:$0x3FDB];
	s0 =	simm.s32 @p2 $0x1  }
0x17: {  	s4 =	simm.s32 $0x1BF5;
	[smem:$0x3FAF] =	sst s0  }
0x18: {  	s0 =	sld [smem:$0x3F92];
	_ =	swait.ge [sflag:s4], $0x0  }
0x19: {  	s7 =	sld [smem:$0x3F93]  }
0x1a: {  	s8 =	sadd.s32 $0xFFFFE003, lr  }
0x1b: {  	s9 =	sadd.s32 $0xFFFFFEF7, lr;
	s5 =	simm.s32 $0xFFFFFFFF;
	p2 =	slt.u32 s8, $0xFFFFF086  }
0x1c: {  	p1 =	slt.u32 s9, $0xF7A;
	s5 =	simm.s32 @!p2 $0x0  }
0x1d: {  	s5 =	simm.s32 @p1 $0x1;
	p0 =	seq.s32 s7, s2  }
0x1e: {  	s7 =	smul.u32 @!p0 $0xF7A, s2;
	p2 =	seq.s32 @!p0 s5, $0x0  }
0x1f: {  	s9 =	smul.u32 $0xF7A, s1;
	s8 =	simm.s32 @!p0 $0x1BF5;
	p2 =	por !p2, p0  }
0x20: {  	[sflag:s8] =	ssyncset.s32 @!p0 $0xFFFFF086;
	s6 =	sadd.s32 @!p0 s3, s7;
	s7 =	simm.s32 @!p0 $0x108  }
0x21: {  	s3 =	sadd.s32 s3, s9;
	s6 =	sadd.s32 @!p0 $0x88, s6;
	s7 =	simm.s32 @p2 $0x1082  }
0x22: {  	[simem:s7], [sflag:s8] =	dma.local @!p0 [hbm:s6], $0xF7A  }
0x23: {  	s9 =	sor.u32 $0xD0000000, s2;
	s6 =	simm.s32 $0x108;
	_ =	swait.ge @!p0 [sflag:s8], $0x0  }
0x24: {  	s3 =	sadd.s32 $0x88, s3;
	s6 =	simm.s32 @!p1 $0x1082;
	[sflag:s4] =	ssyncset.s32 $0xFFFFF086  }
0x25: {  	[simem:s6], [sflag:s4] =	dma.local [hbm:s3], $0xF7A  }
0x26: {  	[smem:$0x3F93] =	sst s1;
	(tag) =	ssettag s2;
	_ =	strace s9  }
0x27: {  	s1 =	sld [smem:$0x3FA3]  }
0x28: {  	s2 =	sld [smem:$0x3FA4]  }
0x29: {  	s4 =	sld [smem:$0x3FA6]  }
0x2a: {  	p0 =	seq.s32 s5, $0x0;
	s5 =	sld [smem:$0x3FA7]  }
0x2b: {  	s6 =	sld [smem:$0x3FA8]  }
0x2c: {  	s7 =	sld [smem:$0x3FA9]  }
0x2d: {  	s3 =	simm.s32 $0x108;
	s8 =	sld [smem:$0x3FAA]  }
0x2e: {  	s3 =	simm.s32 @!p0 $0x1082;
	s9 =	sld [smem:$0x3FAB]  }
0x2f: {  	lr =	sadd.s32 s0, s3;
	s0 =	sld [smem:$0x3FA2]  }
0x30: {  	s3 =	sld [smem:$0x3FA5]  }
0x31: {  	[smem:$0x3FAE] =	sst s10  }
0x32: {  	s10 =	sld [smem:$0x3FAC];
	_ =	sdelay $0x3  }
0x33: {  	p0 =	seq.s32 s10, $0x1;
	s10 =	sld [smem:$0x3FAE];
	_ =	sdelay $0x3  }
0x34: {  	[smem:$0x3FAE] =	sst s10  }
0x35: {  	s10 =	sld [smem:$0x3FAD];
	_ =	sdelay $0x3  }
0x36: {  	p1 =	seq.s32 s10, $0x1;
	s10 =	sld [smem:$0x3FAE];
	_ =	sdelay $0x3  }
0x37: {  	[smem:$0x3FAE] =	sst s10  }
0x38: {  	s10 =	sld [smem:$0x3FAF]  }
0x39: {  	_ = 	snop;
	(pc) =	sbr.ind lr, $3  }
0x3a: {  	_ = 	snop  }
0x3b: {  	_ = 	snop  }
0x3c: {  	p2 =	seq.s32 s10, $0x1;
	s10 =	sld [smem:$0x3FAE]  }
0x3d: {  	_ =	shalt  }
0x3e: {  	_ =	shalt  }
0x3f: {  	_ =	shalt  }
0x40: {  	_ =	shalt  }
0x41: {  	_ =	shalt  }
0x42: {  	_ =	shalt  }
0x43: {  	_ =	shalt  }
0x44: {  	_ =	shalt  }
0x45: {  	_ =	shalt  }
0x46: {  	_ =	shalt  }
0x47: {  	_ =	shalt  }
0x48: {  	_ =	shalt  }
0x49: {  	_ =	shalt  }
0x4a: {  	_ =	shalt  }
0x4b: {  	_ =	shalt  }
0x4c: {  	_ =	shalt  }
0x4d: {  	_ =	shalt  }
0x4e: {  	_ =	shalt  }
0x4f: {  	_ =	shalt  }
0x50: {  	_ =	shalt  }
0x51: {  	_ =	shalt  }
0x52: {  	_ =	shalt  }
0x53: {  	_ =	shalt  }
0x54: {  	_ =	shalt  }
0x55: {  	_ =	shalt  }
0x56: {  	_ =	shalt  }
0x57: {  	_ =	shalt  }
0x58: {  	_ =	shalt  }
0x59: {  	_ =	shalt  }
0x5a: {  	_ =	shalt  }
0x5b: {  	_ =	shalt  }
0x5c: {  	_ =	shalt  }
0x5d: {  	_ =	shalt  }
0x5e: {  	_ =	shalt  }
0x5f: {  	_ =	shalt  }
0x60: {  	_ =	shalt  }
0x61: {  	_ =	shalt  }
0x62: {  	_ =	shalt  }
0x63: {  	_ =	shalt  }
0x64: {  	_ =	shalt  }
0x65: {  	_ =	shalt  }
0x66: {  	_ =	shalt  }
0x67: {  	_ =	shalt  }
0x68: {  	_ =	shalt  }
0x69: {  	_ =	shalt  }
0x6a: {  	_ =	shalt  }
0x6b: {  	_ =	shalt  }
0x6c: {  	_ =	shalt  }
0x6d: {  	_ =	shalt  }
0x6e: {  	_ =	shalt  }
0x6f: {  	_ =	shalt  }
0x70: {  	_ =	shalt  }
0x71: {  	_ =	shalt  }
0x72: {  	_ =	shalt  }
0x73: {  	_ =	shalt  }
0x74: {  	_ =	shalt  }
0x75: {  	_ =	shalt  }
0x76: {  	_ =	shalt  }
0x77: {  	_ =	shalt  }
0x78: {  	_ =	shalt  }
0x79: {  	_ =	shalt  }
0x7a: {  	_ =	shalt  }
0x7b: {  	_ =	shalt  }
0x7c: {  	_ =	shalt  }
0x7d: {  	_ =	shalt  }
0x7e: {  	_ =	shalt  }
0x7f: {  	_ =	shalt  }
0x80: {  	_ =	shalt  }
0x81: {  	_ =	shalt  }
0x82: {  	_ =	shalt  }
0x83: {  	_ =	shalt  }
0x84: {  	_ =	shalt  }
0x85: {  	_ =	shalt  }
0x86: {  	_ =	shalt  }
0x87: {  	_ =	shalt  }
.Lfunc_end0:
.L_simem_size_0:
called_computation.2_lowered:
.L_overlay_start_0:
0x88: {  	s2 =	sld [smem:$0x3FD9]  }
0x89: {  	s3 =	sld [smem:$0x3FFE];
	_ =	sdelay $0x1  }
0x8a: {  	s1 =	srdreg.scid  }
0x8b: {  	s0 =	sand.u32 $0x1, s1  }
0x8c: {  	s14 =	sshll.u32 s0, $0xA;
	s2 =	sadd.s32 s3, s2  }
0x8d: {  	s2 =	sadd.s32 s2, s14  }
0x8e: {  	[smem:$0x3FBA] =	sst s2  }
0x8f: {  	_ = 	snop  }
0x90: {  	s2 =	sld [smem:$0x3FD0];
	_ =	sdelay $0x2  }
0x91: {  	s15 =	simm.s32 $0xB;
	s4 =	simm.s32 $0x10  }
0x92: {  	[smem:s4], [sflag:s15] =	dma.local [hbm:s2], $0x1  }
0x93: {  	_ =	swait.eq [sflag:s15], $0x1  }
0x94: {  	[sflag:s15] =	ssyncset.done $0x0  }
0x95: {  	[sflag:s15] =	ssyncadd.s32 $0xFFFFFFFF  }
0x96: {  	s16 =	sld [smem:$0x12];
	(tm) =	ssettm $0x1  }
0x97: {  	s17 =	sld [smem:$0x3FFB];
	_ =	sdelay $0x3  }
0x98: {  	_ =	strace s17  }
0x99: {  	s3 =	sld [smem:$0x3FFC];
	_ =	sdelay $0x3  }
0x9a: {  	_ =	strace s3  }
0x9b: {  	s3 =	sld [smem:$0x3FFD];
	_ =	sdelay $0x3  }
0x9c: {  	_ =	strace s3  }
0x9d: {  	_ =	strace $0x8FFFFFFF  }
0x9e: {  	s18 =	sld [smem:$0x3FDB];
	_ =	sdelay $0x1  }
0x9f: {  	s19 =	simm.s32 $_scs_section_size  }
0xa0: {  	s5 =	simm.s32 $_size__tile_overlayer_lowered;
	s6 =	simm.s32 $_tile_overlayer_lowered  }
0xa1: {  	s22 =	simm.s32 $0x1BFF;
	s21 =	sshll.u32 s6, $0x1;
	s3 =	sadd.s32 s19, s18  }
0xa2: {  	s7 =	simm.s32 $0x0;
	s20 =	sshll.u32 s5, $0x1;
	s5 =	sadd.s32 s21, s3  }
0xa3: {  	[timem:s7], [sflag:s22] =	dma.local [hbm:s5], s20  }
0xa4: {  	_ =	swait.ge [sflag:s22], s20  }
0xa5: {  	s4 =	ssub.s32 $0x0, s20;
	[sflag:s22] =	ssyncset.done $0x0  }
0xa6: {  	[sflag:s22] =	ssyncadd.s32 s4;
	_ =	sdelay $0x1  }
0xa7: {  	s23 =	simm.s32 $0x1B8B  }
0xa8: {  	_ =	swait.ge [sflag:s23], $0x1  }
0xa9: {  	[sflag:s23] =	ssyncset.done $0x0  }
0xaa: {  	s25 =	simm.s32 $0x1B8E;
	s24 =	sld [smem:$0x3FFE];
	[sflag:s23] =	ssyncadd.s32 $0xFFFFFFFF  }
0xab: {  	s26 =	simm.s32 $execute0_lowered;
	[smem:$0x3FD2] =	sst s25  }
0xac: {  	s5 =	sshll.u32 s26, $0x1;
	_ =	strace $0x8000004C;
	[dreg:$0x1] =	wrdreg $0xFFFFFFFF  }
0xad: {  	s28 =	simm.s32 $_size_execute0_lowered;
	s3 =	sadd.s32 s3, s5;
	[dreg:$0x0] =	wrdreg $0x0  }
0xae: {  	s5 =	sshll.u32 s28, $0x1;
	[dreg:$0x2] =	wrdreg s3  }
0xaf: {  	[dreg:$0x3] =	wrdreg s5  }
0xb0: {  	[dreg:$0x4] =	wrdreg $0xC0  }
0xb1: {  	_ =	task [dreg:s7], $0x5FFFF  }
0xb2: {  	[dreg:$0x1] =	wrdreg $0xFFFFFFFF  }
0xb3: {  	[dreg:$0x0] =	wrdreg $0x60  }
0xb4: {  	[dreg:$0x2] =	wrdreg s24  }
0xb5: {  	[dreg:$0x3] =	wrdreg s16  }
0xb6: {  	[dreg:$0x4] =	wrdreg $0x9  }
0xb7: {  	_ =	task.clear_ibuf [dreg:s7], $0x5FFFF;
	_ =	strace $0x9000004C  }
0xb8: {  	s29 =	simm.s32 $0x9;
	_ =	strace $0x8000004E  }
0xb9: {  	_ =	swait.ge [sflag:s29], $0x1  }
0xba: {  	[sflag:s29] =	ssyncadd.s32 $0xFFFFFFFF  }
0xbb: {  	_ =	strace $0x9000004E  }
0xbc: {  	_ =	sfence  }
0xbd: {  	s30 =	sld [smem:$0x0];
	_ =	sdelay $0x2  }
0xbe: {  	s31 =	sshll.u32 s1, $0xD;
	s1 =	sshrl.u32 s1, $0x2  }
0xbf: {  	s3 =	sand.u32 $0x4000, s31;
	s1 =	sadd.s32 s1, s30  }
0xc0: {  	s0 =	sor.u32 s3, s0;
	s1 =	sshll.u32 s1, $0x11  }
0xc1: {  	s0 =	sor.u32 s1, s0  }
0xc2: {  	s0 =	sadd.s32 $0x8F2B, s0  }
0xc3: {  	[sflag:s0] =	ssyncadd.remote.s32 $0x1  }
0xc4: {  	_ =	sfence.sel $0xFFFF  }
0xc5: {  	[dreg:$0x0] =	wrdreg $0xFFFFFFFF;
	(pc) =	sbr.abs _section_cstart, $3  }
0xc6: {  	[dreg:$0x1] =	wrdreg $0xFFFFFFFF  }
0xc7: {  	_ =	task.clear_ibuf [dreg:s7], $0x2FFFF;
	_ =	strace $0x9FFFFFFF  }
0xc8: {  	(tm) =	ssettm $0x7FFFFFFF  }
0xc9: {  	_ =	shalt  }
tec
execute0_lowered:
.L_overlay_start_1:
0x0: {  	(tag) =	ssettag $0x1  }
0x1: {  	s1 =	srdreg.scid  }
0x2: {  	s1 =	sand.u32 $0x1, s1  }
0x3: {  	p0 =	seq.s32 s1, $0x1  }
.Ltmp0:
0x4: {  	_ = 	snop;
	(pc) =	sbr.rel @p0 .LBB2_6-.Ltmp0, $4  }
0x5: {  	s4 =	rddreg [dreg:$0x0]  }
0x6: {  	s2 =	rddreg [dreg:$0x1];
	s3 =	simm.s32 $0x0  }
0x7: {  	[smem:$0x7FF] =	sst s3  }
0x8: {  	s0 =	rddreg [dreg:$0x2];
	_ =	strace $0x8000004D;
	s1 =	stileid.u32  }
0x9: {  	s5 =	sadd.s32 $0xD400, s4  }
0xa: {  	s6 =	simm.s32 $0x4F00;
	s26 =	smul.u32 $0x2710, s1;
	s28 =	simm.s32 $0x1  }
0xb: {  	[tilespmem:s6], [sflag:$0x1] =	stream.linear.gather [hbm4b:s5+s3], $0x2800, $0x38;
	[tilespmem:$0x9F00] =	vst v63  }
0xc: {  	_ =	swait.ge [sflag:s28], $0x2800  }
0xd: {  	s29 =	sadd.s32 $0x3600, s4;
	s5 =	sshrl.u32 s26, $0x3;
	[sflag:s28] =	ssyncset.done $0x0  }
0xe: {  	s4 =	sadd.s32 s29, s5;
	[sflag:s28] =	ssyncadd.s32 $0xFFFFD800  }
0xf: {  	[tilespmem:s3], [sflag:$0x1] =	stream.linear.gather [hbm4b:s4+s3], $0x2710, $0x38;
	[tilespmem:$0x9F00] =	vst v63  }
0x10: {  	_ =	swait.ge [sflag:s28], $0x2710  }
0x11: {  	[sflag:s28] =	ssyncset.done $0x0  }
0x12: {  	s30 =	simm.s32 $0x2780;
	s4 =	sadd.s32 $0x4E20, s4;
	[sflag:s28] =	ssyncadd.s32 $0xFFFFD8F0  }
0x13: {  	[tilespmem:s30], [sflag:$0x1] =	stream.linear.gather [hbm4b:s4+s3], $0x2710, $0x38;
	[tilespmem:$0x9F00] =	vst v63  }
0x14: {  	s31 =	smul.u32 $0x500, s1;
	_ =	swait.ge [sflag:s28], $0x2710  }
0x15: {  	[sflag:s28] =	ssyncset.done $0x0  }
0x16: {  	v0 =	vimm.f32 $0.0e+00;
	s2 =	sadd.s32 s2, s31;
	[sflag:s28] =	ssyncadd.s32 $0xFFFFD8F0  }
.LBB2_2:
0x17: {  	p0 =	sne.s32 s3, $0x9FC0  }
.Ltmp1:
0x18: {  	_ = 	snop;
	(pc) =	sbr.rel @p0 .LBB2_2-.Ltmp1, $3  }
0x19: {  	_ =	sdelay $0x1  }
0x1a: {  	s4 =	sshra.s32 s3, $0x2  }
0x1b: {  	s3 =	sadd.s32 $0x40, s3;
	[tilespmem:s4+$0x7700] =	vst v0  }
0x1c: {  	s3 =	simm.s32 $0x4F00  }
0x1d: {  	s4 =	simm.s32 $0x7700;
	s6 =	simm.s32 $0x0;
	s5 =	simm.s32 $0x40  }
.LBB2_4:
0x1e: {  	p0 =	sne.s32 s5, $0x9C00;
	v0 =	vld [tilespmem:s6+$0x0];
	_ =	sdelay $0x5  }
0x1f: {  	v1 =	vld [tilespmem:s6+$0x2780];
	_ =	sdelay $0x1  }
0x20: {  	v0 =	vld.idx.msk [tilespmem:v0+s3+$0x0], $0xffff;
	_ =	sdelay $0x1  }
.Ltmp2:
0x21: {  	(pc) =	sbr.rel @p0 .LBB2_4-.Ltmp2, $2  }
0x22: {  	_ =	sdelay $0x2  }
0x23: {  	s6 =	sshra.s32 s5, $0x2;
	s5 =	sadd.s32 $0x40, s5;
	[tilespmem:v1+s4+$0x0] =	vst.idx.add.f32.msk $0xffff, v0  }
0x24: {  	v0 =	vld [tilespmem:s6+$0x0];
	_ =	sdelay $0x4  }
0x25: {  	v1 =	vld [tilespmem:s6+$0x2780];
	_ =	sdelay $0x2  }
0x26: {  	v0 =	vld.idx.msk [tilespmem:v0+s3+$0x0], $0xffff;
	_ =	sdelay $0x4  }
0x27: {  	s29 =	simm.s32 $0x0;
	s30 =	simm.s32 $0x7700;
	s31 =	simm.s32 $0x1;
	[tilespmem:v1+s4+$0x0] =	vst.idx.add.f32.msk $0xffff, v0  }
0x28: {  	[hbm4b:s2+s29] =	stream.linear.scatter [tilespmem:s30], [sflag:$0x1], $0x2800, $0x38;
	[tilespmem:$0x9F00] =	vst v63  }
0x29: {  	_ =	swait.ge [sflag:s31], $0x2800  }
0x2a: {  	[sflag:s31] =	ssyncset.done $0x0  }
0x2b: {  	[sflag:s31] =	ssyncadd.s32 $0xFFFFD800  }
.LBB2_6:
0x2c: {  	_ =	sfence.sel $0x180000  }
0x2d: {  	[bflag:$0x0] =	sbarrier.arrive $0xFFFF  }
0x2e: {  	p0 =	sne.s32 s1, $0x0;
	_ =	strace $0x9000004D  }
0x2f: {  	s0 =	sadd.s32 @!p0 $0x100000, s0;
	[bflag:$0x2] =	sbarrier.arrive $0xFFFF  }
0x30: {  	[sflag:s0] =	ssyncadd.tile.s32 @!p0 $0x1;
	_ =	shalt  }
.Lfunc_end2:
_tile_overlayer_lowered:
.L_overlay_start_2:
0x31: {  	(tag) =	ssettag $0x2  }
0x32: {  	s0 =	rddreg [dreg:$0x0];
	s2 =	stileid.u32  }
0x33: {  	s1 =	rddreg [dreg:$0x1];
	p0 =	sne.s32 s2, $0x0  }
0x34: {  	s3 =	rddreg [dreg:$0x2];
	[bflag:$0x3] =	sbarrier.arrive $0xFFFF;
	s2 =	simm.s32 @!p0 $0x1C01  }
0x35: {  	[timem:s3], [sflag:s2] =	dma.local @!p0 [hbm:s0], s1  }
0x36: {  	s0 =	simm.s32 @!p0 $0x1  }
0x37: {  	_ =	swait.ge @!p0 [sflag:s0], s1  }
0x38: {  	s1 =	ssub.s32 @!p0 $0x0, s1;
	[sflag:s0] =	ssyncset.done @!p0 $0x0  }
0x39: {  	[sflag:s0] =	ssyncadd.s32 @!p0 s1  }
0x3a: {  	[bflag:$0x3] =	sbarrier.arrive $0xFFFF  }
0x3b: {  	_ =	shalt  }

// kernel: kernel.18.cloned.1.call-start
scs
__scs_entry_jumppad:
0x0: {  	(pc) =	sbr.rel $0x88, $3  }
0x1: {  	(tag) =	ssettag $0x0;
	lr =	simm.s32 $0x1  }
0x2: {  	[smem:$0x3F93] =	sst lr;
	_ =	strace $0xD0000000  }
0x3: {  	_ = 	snop  }
0x4: {  	_ = 	snop  }
0x5: {  	_ = 	snop  }
0x6: {  	_ = 	snop  }
0x7: {  	_ = 	snop  }
__scs_overlays_trampoline_lowered:
0x8: {  	[smem:$0x3FA2] =	sst s0  }
0x9: {  	[smem:$0x3FA3] =	sst s1  }
0xa: {  	[smem:$0x3FA4] =	sst s2  }
0xb: {  	[smem:$0x3FA5] =	sst s3  }
0xc: {  	[smem:$0x3FA6] =	sst s4  }
0xd: {  	[smem:$0x3FA7] =	sst s5  }
0xe: {  	[smem:$0x3FA8] =	sst s6  }
0xf: {  	[smem:$0x3FA9] =	sst s7  }
0x10: {  	[smem:$0x3FAA] =	sst s8  }
0x11: {  	[smem:$0x3FAB] =	sst s9;
	s0 =	simm.s32 @!p0 $0x0  }
0x12: {  	s1 =	sld [smem:$0x3F91];
	s0 =	simm.s32 @p0 $0x1  }
0x13: {  	[smem:$0x3FAC] =	sst s0;
	s0 =	simm.s32 @!p1 $0x0  }
0x14: {  	s2 =	sld [smem:$0x3F90];
	s0 =	simm.s32 @p1 $0x1  }
0x15: {  	[smem:$0x3FAD] =	sst s0;
	s0 =	simm.s32 @!p2 $0x0  }
0x16: {  	s3 =	sld [smem:$0x3FDB];
	s0 =	simm.s32 @p2 $0x1  }
0x17: {  	s4 =	simm.s32 $0x1BF5;
	[smem:$0x3FAF] =	sst s0  }
0x18: {  	s0 =	sld [smem:$0x3F92];
	_ =	swait.ge [sflag:s4], $0x0  }
0x19: {  	s7 =	sld [smem:$0x3F93]  }
0x1a: {  	s8 =	sadd.s32 $0xFFFFE003, lr  }
0x1b: {  	s9 =	sadd.s32 $0xFFFFFEF7, lr;
	s5 =	simm.s32 $0xFFFFFFFF;
	p2 =	slt.u32 s8, $0xFFFFF086  }
0x1c: {  	p1 =	slt.u32 s9, $0xF7A;
	s5 =	simm.s32 @!p2 $0x0  }
0x1d: {  	s5 =	simm.s32 @p1 $0x1;
	p0 =	seq.s32 s7, s2  }
0x1e: {  	s7 =	smul.u32 @!p0 $0xF7A, s2;
	p2 =	seq.s32 @!p0 s5, $0x0  }
0x1f: {  	s9 =	smul.u32 $0xF7A, s1;
	s8 =	simm.s32 @!p0 $0x1BF5;
	p2 =	por !p2, p0  }
0x20: {  	[sflag:s8] =	ssyncset.s32 @!p0 $0xFFFFF086;
	s6 =	sadd.s32 @!p0 s3, s7;
	s7 =	simm.s32 @!p0 $0x108  }
0x21: {  	s3 =	sadd.s32 s3, s9;
	s6 =	sadd.s32 @!p0 $0x88, s6;
	s7 =	simm.s32 @p2 $0x1082  }
0x22: {  	[simem:s7], [sflag:s8] =	dma.local @!p0 [hbm:s6], $0xF7A  }
0x23: {  	s9 =	sor.u32 $0xD0000000, s2;
	s6 =	simm.s32 $0x108;
	_ =	swait.ge @!p0 [sflag:s8], $0x0  }
0x24: {  	s3 =	sadd.s32 $0x88, s3;
	s6 =	simm.s32 @!p1 $0x1082;
	[sflag:s4] =	ssyncset.s32 $0xFFFFF086  }
0x25: {  	[simem:s6], [sflag:s4] =	dma.local [hbm:s3], $0xF7A  }
0x26: {  	[smem:$0x3F93] =	sst s1;
	(tag) =	ssettag s2;
	_ =	strace s9  }
0x27: {  	s1 =	sld [smem:$0x3FA3]  }
0x28: {  	s2 =	sld [smem:$0x3FA4]  }
0x29: {  	s4 =	sld [smem:$0x3FA6]  }
0x2a: {  	p0 =	seq.s32 s5, $0x0;
	s5 =	sld [smem:$0x3FA7]  }
0x2b: {  	s6 =	sld [smem:$0x3FA8]  }
0x2c: {  	s7 =	sld [smem:$0x3FA9]  }
0x2d: {  	s3 =	simm.s32 $0x108;
	s8 =	sld [smem:$0x3FAA]  }
0x2e: {  	s3 =	simm.s32 @!p0 $0x1082;
	s9 =	sld [smem:$0x3FAB]  }
0x2f: {  	lr =	sadd.s32 s0, s3;
	s0 =	sld [smem:$0x3FA2]  }
0x30: {  	s3 =	sld [smem:$0x3FA5]  }
0x31: {  	[smem:$0x3FAE] =	sst s10  }
0x32: {  	s10 =	sld [smem:$0x3FAC];
	_ =	sdelay $0x3  }
0x33: {  	p0 =	seq.s32 s10, $0x1;
	s10 =	sld [smem:$0x3FAE];
	_ =	sdelay $0x3  }
0x34: {  	[smem:$0x3FAE] =	sst s10  }
0x35: {  	s10 =	sld [smem:$0x3FAD];
	_ =	sdelay $0x3  }
0x36: {  	p1 =	seq.s32 s10, $0x1;
	s10 =	sld [smem:$0x3FAE];
	_ =	sdelay $0x3  }
0x37: {  	[smem:$0x3FAE] =	sst s10  }
0x38: {  	s10 =	sld [smem:$0x3FAF]  }
0x39: {  	_ = 	snop;
	(pc) =	sbr.ind lr, $3  }
0x3a: {  	_ = 	snop  }
0x3b: {  	_ = 	snop  }
0x3c: {  	p2 =	seq.s32 s10, $0x1;
	s10 =	sld [smem:$0x3FAE]  }
0x3d: {  	_ =	shalt  }
0x3e: {  	_ =	shalt  }
0x3f: {  	_ =	shalt  }
0x40: {  	_ =	shalt  }
0x41: {  	_ =	shalt  }
0x42: {  	_ =	shalt  }
0x43: {  	_ =	shalt  }
0x44: {  	_ =	shalt  }
0x45: {  	_ =	shalt  }
0x46: {  	_ =	shalt  }
0x47: {  	_ =	shalt  }
0x48: {  	_ =	shalt  }
0x49: {  	_ =	shalt  }
0x4a: {  	_ =	shalt  }
0x4b: {  	_ =	shalt  }
0x4c: {  	_ =	shalt  }
0x4d: {  	_ =	shalt  }
0x4e: {  	_ =	shalt  }
0x4f: {  	_ =	shalt  }
0x50: {  	_ =	shalt  }
0x51: {  	_ =	shalt  }
0x52: {  	_ =	shalt  }
0x53: {  	_ =	shalt  }
0x54: {  	_ =	shalt  }
0x55: {  	_ =	shalt  }
0x56: {  	_ =	shalt  }
0x57: {  	_ =	shalt  }
0x58: {  	_ =	shalt  }
0x59: {  	_ =	shalt  }
0x5a: {  	_ =	shalt  }
0x5b: {  	_ =	shalt  }
0x5c: {  	_ =	shalt  }
0x5d: {  	_ =	shalt  }
0x5e: {  	_ =	shalt  }
0x5f: {  	_ =	shalt  }
0x60: {  	_ =	shalt  }
0x61: {  	_ =	shalt  }
0x62: {  	_ =	shalt  }
0x63: {  	_ =	shalt  }
0x64: {  	_ =	shalt  }
0x65: {  	_ =	shalt  }
0x66: {  	_ =	shalt  }
0x67: {  	_ =	shalt  }
0x68: {  	_ =	shalt  }
0x69: {  	_ =	shalt  }
0x6a: {  	_ =	shalt  }
0x6b: {  	_ =	shalt  }
0x6c: {  	_ =	shalt  }
0x6d: {  	_ =	shalt  }
0x6e: {  	_ =	shalt  }
0x6f: {  	_ =	shalt  }
0x70: {  	_ =	shalt  }
0x71: {  	_ =	shalt  }
0x72: {  	_ =	shalt  }
0x73: {  	_ =	shalt  }
0x74: {  	_ =	shalt  }
0x75: {  	_ =	shalt  }
0x76: {  	_ =	shalt  }
0x77: {  	_ =	shalt  }
0x78: {  	_ =	shalt  }
0x79: {  	_ =	shalt  }
0x7a: {  	_ =	shalt  }
0x7b: {  	_ =	shalt  }
0x7c: {  	_ =	shalt  }
0x7d: {  	_ =	shalt  }
0x7e: {  	_ =	shalt  }
0x7f: {  	_ =	shalt  }
0x80: {  	_ =	shalt  }
0x81: {  	_ =	shalt  }
0x82: {  	_ =	shalt  }
0x83: {  	_ =	shalt  }
0x84: {  	_ =	shalt  }
0x85: {  	_ =	shalt  }
0x86: {  	_ =	shalt  }
0x87: {  	_ =	shalt  }
.Lfunc_end0:
.L_simem_size_0:
called_computation.3_lowered:
.L_overlay_start_0:
0x88: {  	s2 =	sld [smem:$0x3FD9]  }
0x89: {  	s3 =	sld [smem:$0x3FFE];
	_ =	sdelay $0x1  }
0x8a: {  	s1 =	srdreg.scid  }
0x8b: {  	s0 =	sand.u32 $0x1, s1  }
0x8c: {  	s17 =	sshll.u32 s0, $0xA;
	s2 =	sadd.s32 s3, s2  }
0x8d: {  	s2 =	sadd.s32 s2, s17  }
0x8e: {  	[smem:$0x3FBA] =	sst s2  }
0x8f: {  	_ = 	snop  }
0x90: {  	(tm) =	ssettm $0x1  }
0x91: {  	s18 =	sld [smem:$0x3FFB];
	_ =	sdelay $0x3  }
0x92: {  	_ =	strace s18  }
0x93: {  	s2 =	sld [smem:$0x3FFC];
	_ =	sdelay $0x3  }
0x94: {  	_ =	strace s2  }
0x95: {  	s2 =	sld [smem:$0x3FFD];
	_ =	sdelay $0x3  }
0x96: {  	_ =	strace s2  }
0x97: {  	_ =	strace $0x8FFFFFFF  }
0x98: {  	s19 =	sld [smem:$0x3FDB];
	_ =	sdelay $0x1  }
0x99: {  	s20 =	simm.s32 $_scs_section_size  }
0x9a: {  	s4 =	simm.s32 $_size__tile_overlayer_lowered;
	s5 =	simm.s32 $_tile_overlayer_lowered  }
0x9b: {  	s6 =	simm.s32 $0x1BFF;
	s21 =	sshll.u32 s5, $0x1;
	s3 =	sadd.s32 s20, s19  }
0x9c: {  	s22 =	simm.s32 $0x0;
	s4 =	sshll.u32 s4, $0x1;
	s5 =	sadd.s32 s21, s3  }
0x9d: {  	[timem:s22], [sflag:s6] =	dma.local [hbm:s5], s4  }
0x9e: {  	_ =	swait.ge [sflag:s6], s4  }
0x9f: {  	s4 =	ssub.s32 $0x0, s4;
	[sflag:s6] =	ssyncset.done $0x0  }
0xa0: {  	[sflag:s6] =	ssyncadd.s32 s4;
	_ =	sdelay $0x1  }
0xa1: {  	s23 =	simm.s32 $0x1B8B  }
0xa2: {  	_ =	swait.ge [sflag:s23], $0x1  }
0xa3: {  	[sflag:s23] =	ssyncset.done $0x0  }
0xa4: {  	[sflag:s23] =	ssyncadd.s32 $0xFFFFFFFF  }
0xa5: {  	s4 =	sld [smem:$0x0]  }
0xa6: {  	s5 =	sand.u32 $0xFFFFFFFE, s1  }
0xa7: {  	p0 =	sne.s32 s1, s5  }
0xa8: {  	s5 =	sshll.u32 @p0 s5, $0xE  }
0xa9: {  	s5 =	sadd.s32 @p0 $0x11B8D, s5;
	s6 =	sshll.u32 @p0 s4, $0x11  }
0xaa: {  	s5 =	sor.u32 @p0 s6, s5  }
0xab: {  	[sflag:s5] =	ssyncadd.remote.s32 @p0 $0x1;
	_ =	sdelay $0x1  }
0xac: {  	s5 =	simm.s32 @p0 $0x1B8D  }
0xad: {  	_ =	swait.eq @p0 [sflag:s5], $0x1  }
0xae: {  	[sflag:s5] =	ssyncadd.s32 @p0 $0xFFFFFFFF  }
0xaf: {  	s6 =	sshll.u32 @!p0 s1, $0xE  }
0xb0: {  	s6 =	sor.u32 @!p0 $0x4000, s6;
	s5 =	simm.s32 @!p0 $0x1B8D  }
0xb1: {  	s4 =	sshll.u32 @!p0 s4, $0x11;
	s6 =	sadd.s32 @!p0 $0x11B8D, s6;
	_ =	swait.eq @!p0 [sflag:s5], $0x1  }
0xb2: {  	s4 =	sor.u32 @!p0 s4, s6;
	[sflag:s5] =	ssyncadd.s32 @!p0 $0xFFFFFFFF  }
0xb3: {  	s25 =	simm.s32 $0x1B8E;
	s24 =	sld [smem:$0x3FFE];
	[sflag:s4] =	ssyncadd.remote.s32 @!p0 $0x1  }
0xb4: {  	s26 =	simm.s32 $execute0_lowered;
	[smem:$0x3FD2] =	sst s25  }
0xb5: {  	s5 =	sshll.u32 s26, $0x1;
	_ =	strace $0x8000004F;
	[dreg:$0x1] =	wrdreg $0xFFFFFFFF  }
0xb6: {  	s28 =	simm.s32 $_size_execute0_lowered;
	s3 =	sadd.s32 s3, s5;
	[dreg:$0x0] =	wrdreg $0x0  }
0xb7: {  	s5 =	sshll.u32 s28, $0x1;
	[dreg:$0x2] =	wrdreg s3  }
0xb8: {  	[dreg:$0x3] =	wrdreg s5  }
0xb9: {  	[dreg:$0x4] =	wrdreg $0xC0  }
0xba: {  	_ =	task [dreg:s22], $0x5FFFF  }
0xbb: {  	[dreg:$0x1] =	wrdreg $0xFFFFFFFF  }
0xbc: {  	[dreg:$0x0] =	wrdreg $0x60  }
0xbd: {  	[dreg:$0x2] =	wrdreg s24  }
0xbe: {  	[dreg:$0x3] =	wrdreg $0x80000  }
0xbf: {  	[dreg:$0x4] =	wrdreg $0xA  }
0xc0: {  	_ =	task.clear_ibuf [dreg:s22], $0x5FFFF;
	_ =	strace $0x9000004F  }
0xc1: {  	s29 =	simm.s32 $0xA;
	_ =	strace $0x80000051  }
0xc2: {  	_ =	swait.ge [sflag:s29], $0x1  }
0xc3: {  	[sflag:s29] =	ssyncadd.s32 $0xFFFFFFFF  }
0xc4: {  	_ =	strace $0x90000051  }
0xc5: {  	_ =	sfence  }
0xc6: {  	s30 =	sld [smem:$0x0];
	_ =	sdelay $0x2  }
0xc7: {  	s31 =	sshll.u32 s1, $0xD;
	s1 =	sshrl.u32 s1, $0x2  }
0xc8: {  	s4 =	sand.u32 $0x4000, s31;
	s1 =	sadd.s32 s1, s30  }
0xc9: {  	s0 =	sor.u32 s4, s0;
	s1 =	sshll.u32 s1, $0x11  }
0xca: {  	s0 =	sor.u32 s1, s0  }
0xcb: {  	s0 =	sadd.s32 $0x8F2B, s0  }
0xcc: {  	[sflag:s0] =	ssyncadd.remote.s32 $0x1  }
0xcd: {  	_ =	sfence.sel $0xFFFF  }
0xce: {  	[dreg:$0x0] =	wrdreg $0xFFFFFFFF;
	(pc) =	sbr.abs _section_cstart, $3  }
0xcf: {  	[dreg:$0x1] =	wrdreg $0xFFFFFFFF  }
0xd0: {  	_ =	task.clear_ibuf [dreg:s22], $0x2FFFF;
	_ =	strace $0x9FFFFFFF  }
0xd1: {  	(tm) =	ssettm $0x7FFFFFFF  }
tec
execute0_lowered:
.L_overlay_start_1:
0x0: {  	(tag) =	ssettag $0x1  }
0x1: {  	s9 =	stileid.u32  }
0x2: {  	s2 =	srdreg.scid;
	s6 =	smul.u32 $0x14000, s9  }
0x3: {  	s2 =	sand.u32 $0x1, s2;
	s7 =	smul.u32 $0x50000, s9  }
0x4: {  	s0 =	rddreg [dreg:$0x0];
	s5 =	smul.u32 $0x140000, s2  }
0x5: {  	s1 =	rddreg [dreg:$0x1];
	s3 =	simm.s32 $0x0;
	s4 =	smul.u32 $0x28000, s2  }
0x6: {  	s30 =	simm.s32 $0x7000;
	s31 =	simm.s32 $0x3;
	s5 =	sadd.s32 s6, s5  }
0x7: {  	s16 =	sshrl.u32 s7, $0x2;
	s8 =	sadd.s32 s4, s0;
	s5 =	sshrl.u32 s5, $0x3  }
0x8: {  	s4 =	sadd.s32 $0x12400, s0;
	s0 =	sadd.s32 s5, s0;
	s5 =	sadd.s32 s16, s1  }
0x9: {  	s10 =	simm.s32 $0x1C00;
	[smem:$0x7FF] =	sst s3;
	s6 =	sadd.s32 $0x1000, s5  }
0xa: {  	_ =	strace $0x80000050;
	s18 =	sadd.s32 $0x2000, s5;
	[dreg:$0x3] =	wrdreg s6  }
0xb: {  	s29 =	smul.u32 $0x5000, s9;
	s19 =	sadd.s32 $0x3000, s5;
	[dreg:$0x4] =	wrdreg s18  }
0xc: {  	s9 =	simm.s32 $0x2;
	s20 =	sadd.s32 $0x4000, s5;
	[dreg:$0x5] =	wrdreg s19  }
0xd: {  	s2 =	ssub.s32 $0x2, s2;
	s21 =	sadd.s32 $0x5000, s5;
	[dreg:$0x6] =	wrdreg s20  }
0xe: {  	s17 =	sshrl.u32 s2, $0x1;
	s22 =	sadd.s32 $0x6000, s5;
	[dreg:$0x7] =	wrdreg s21  }
0xf: {  	s7 =	simm.s32 $0x1;
	s23 =	sadd.s32 $0x7000, s5;
	[dreg:$0x8] =	wrdreg s22  }
0x10: {  	s2 =	ssub.s32 s2, s17;
	s24 =	sadd.s32 $0x8000, s5;
	[dreg:$0x9] =	wrdreg s23  }
0x11: {  	s25 =	sadd.s32 $0x9000, s5;
	s26 =	sadd.s32 $0xA000, s5;
	[dreg:$0xa] =	wrdreg s24  }
0x12: {  	s16 =	sadd.s32 $0xB000, s5;
	s17 =	sadd.s32 $0xC000, s5;
	[dreg:$0xb] =	wrdreg s25  }
0x13: {  	s28 =	sadd.s32 $0x13000, s5;
	[dreg:$0xc] =	wrdreg s26;
	s18 =	sadd.s32 $0xD000, s5  }
0x14: {  	s19 =	sadd.s32 $0xE000, s5;
	s20 =	sadd.s32 $0xF000, s5;
	s21 =	sadd.s32 $0x10000, s5  }
0x15: {  	s22 =	sadd.s32 $0x11000, s5;
	s23 =	sadd.s32 $0x26400, s8;
	s24 =	sadd.s32 $0x76400, s0  }
0x16: {  	s25 =	smax.u32 s2, $0x1;
	s26 =	sadd.s32 $0x12000, s5;
	s0 =	simm.s32 $0x1000  }
0x17: {  	v0 =	vimm.f32 $0.0e+00;
	s2 =	simm.s32 $0x50;
	s6 =	simm.s32 $0x2000;
	s8 =	simm.s32 $0x4800  }
.LBB2_1:
0x18: {  	s11 =	simm.s32 $0x0;
	s12 =	simm.s32 $0x200  }
.LBB2_2:
0x19: {  	p0 =	sne.s32 s12, $0x3E00;
	[tilespmem:s11+$0x7070] =	vst v0  }
0x1a: {  	[tilespmem:s11+$0x7000] =	vst v0  }
0x1b: {  	[tilespmem:s11+$0x7010] =	vst v0  }
.Ltmp0:
0x1c: {  	[tilespmem:s11+$0x7020] =	vst v0;
	(pc) =	sbr.rel @p0 .LBB2_2-.Ltmp0, $4  }
0x1d: {  	[tilespmem:s11+$0x7030] =	vst v0  }
0x1e: {  	[tilespmem:s11+$0x7040] =	vst v0  }
0x1f: {  	[tilespmem:s11+$0x7050] =	vst v0  }
0x20: {  	[tilespmem:s11+$0x7060] =	vst v0;
	s11 =	sshra.s32 s12, $0x2;
	s12 =	sadd.s32 $0x200, s12  }
0x21: {  	[tilespmem:s11+$0x7070] =	vst v0  }
0x22: {  	[tilespmem:s11+$0x7000] =	vst v0  }
0x23: {  	[tilespmem:s11+$0x7010] =	vst v0  }
0x24: {  	[tilespmem:s11+$0x7020] =	vst v0  }
0x25: {  	[tilespmem:s11+$0x7030] =	vst v0  }
0x26: {  	[tilespmem:s11+$0x7040] =	vst v0  }
0x27: {  	[tilespmem:s11+$0x7050] =	vst v0  }
0x28: {  	[tilespmem:s11+$0x7060] =	vst v0  }
0x29: {  	[spmem:s5] =	stream.linear.scatter [tilespmem:s30], [sflag:$0x3], $0x1000, $0x38;
	[tilespmem:$0x1C000] =	vst v63  }
0x2a: {  	_ =	swait.ge [sflag:s31], $0x1000  }
0x2b: {  	[sflag:s31] =	ssyncset.done $0x0  }
0x2c: {  	s14 =	rddreg [dreg:$0x3];
	[sflag:s31] =	ssyncadd.s32 $0xFFFFF000  }
0x2d: {  	[spmem:s14] =	stream.linear.scatter [tilespmem:s30], [sflag:$0x3], $0x1000, $0x38;
	[tilespmem:$0x1C000] =	vst v63  }
0x2e: {  	_ =	swait.ge [sflag:s31], $0x1000  }
0x2f: {  	[sflag:s31] =	ssyncset.done $0x0  }
0x30: {  	s15 =	rddreg [dreg:$0x4];
	[sflag:s31] =	ssyncadd.s32 $0xFFFFF000  }
0x31: {  	[spmem:s15] =	stream.linear.scatter [tilespmem:s30], [sflag:$0x3], $0x1000, $0x38;
	[tilespmem:$0x1C000] =	vst v63  }
0x32: {  	_ =	swait.ge [sflag:s31], $0x1000  }
0x33: {  	[sflag:s31] =	ssyncset.done $0x0  }
0x34: {  	s12 =	rddreg [dreg:$0x5];
	[sflag:s31] =	ssyncadd.s32 $0xFFFFF000  }
0x35: {  	[spmem:s12] =	stream.linear.scatter [tilespmem:s30], [sflag:$0x3], $0x1000, $0x38;
	[tilespmem:$0x1C000] =	vst v63  }
0x36: {  	_ =	swait.ge [sflag:s31], $0x1000  }
0x37: {  	[sflag:s31] =	ssyncset.done $0x0  }
0x38: {  	s13 =	rddreg [dreg:$0x6];
	[sflag:s31] =	ssyncadd.s32 $0xFFFFF000  }
0x39: {  	[spmem:s13] =	stream.linear.scatter [tilespmem:s30], [sflag:$0x3], $0x1000, $0x38;
	[tilespmem:$0x1C000] =	vst v63  }
0x3a: {  	_ =	swait.ge [sflag:s31], $0x1000  }
0x3b: {  	[sflag:s31] =	ssyncset.done $0x0  }
0x3c: {  	s14 =	rddreg [dreg:$0x7];
	[sflag:s31] =	ssyncadd.s32 $0xFFFFF000  }
0x3d: {  	[spmem:s14] =	stream.linear.scatter [tilespmem:s30], [sflag:$0x3], $0x1000, $0x38;
	[tilespmem:$0x1C000] =	vst v63  }
0x3e: {  	_ =	swait.ge [sflag:s31], $0x1000  }
0x3f: {  	[sflag:s31] =	ssyncset.done $0x0  }
0x40: {  	s15 =	rddreg [dreg:$0x8];
	[sflag:s31] =	ssyncadd.s32 $0xFFFFF000  }
0x41: {  	[spmem:s15] =	stream.linear.scatter [tilespmem:s30], [sflag:$0x3], $0x1000, $0x38;
	[tilespmem:$0x1C000] =	vst v63  }
0x42: {  	_ =	swait.ge [sflag:s31], $0x1000  }
0x43: {  	[sflag:s31] =	ssyncset.done $0x0  }
0x44: {  	s12 =	rddreg [dreg:$0x9];
	[sflag:s31] =	ssyncadd.s32 $0xFFFFF000  }
0x45: {  	[spmem:s12] =	stream.linear.scatter [tilespmem:s30], [sflag:$0x3], $0x1000, $0x38;
	[tilespmem:$0x1C000] =	vst v63  }
0x46: {  	_ =	swait.ge [sflag:s31], $0x1000  }
0x47: {  	[sflag:s31] =	ssyncset.done $0x0  }
0x48: {  	s13 =	rddreg [dreg:$0xa];
	[sflag:s31] =	ssyncadd.s32 $0xFFFFF000  }
0x49: {  	[spmem:s13] =	stream.linear.scatter [tilespmem:s30], [sflag:$0x3], $0x1000, $0x38;
	[tilespmem:$0x1C000] =	vst v63  }
0x4a: {  	_ =	swait.ge [sflag:s31], $0x1000  }
0x4b: {  	[sflag:s31] =	ssyncset.done $0x0  }
0x4c: {  	s14 =	rddreg [dreg:$0xb];
	[sflag:s31] =	ssyncadd.s32 $0xFFFFF000  }
0x4d: {  	[spmem:s14] =	stream.linear.scatter [tilespmem:s30], [sflag:$0x3], $0x1000, $0x38;
	[tilespmem:$0x1C000] =	vst v63  }
0x4e: {  	_ =	swait.ge [sflag:s31], $0x1000  }
0x4f: {  	[sflag:s31] =	ssyncset.done $0x0  }
0x50: {  	s15 =	rddreg [dreg:$0xc];
	[sflag:s31] =	ssyncadd.s32 $0xFFFFF000  }
0x51: {  	[spmem:s15] =	stream.linear.scatter [tilespmem:s30], [sflag:$0x3], $0x1000, $0x38;
	[tilespmem:$0x1C000] =	vst v63  }
0x52: {  	_ =	swait.ge [sflag:s31], $0x1000  }
0x53: {  	[sflag:s31] =	ssyncset.done $0x0  }
0x54: {  	[sflag:s31] =	ssyncadd.s32 $0xFFFFF000  }
0x55: {  	[spmem:s16] =	stream.linear.scatter [tilespmem:s30], [sflag:$0x3], $0x1000, $0x38;
	[tilespmem:$0x1C000] =	vst v63  }
0x56: {  	_ =	swait.ge [sflag:s31], $0x1000  }
0x57: {  	[sflag:s31] =	ssyncset.done $0x0  }
0x58: {  	[sflag:s31] =	ssyncadd.s32 $0xFFFFF000  }
0x59: {  	[spmem:s17] =	stream.linear.scatter [tilespmem:s30], [sflag:$0x3], $0x1000, $0x38;
	[tilespmem:$0x1C000] =	vst v63  }
0x5a: {  	_ =	swait.ge [sflag:s31], $0x1000  }
0x5b: {  	[sflag:s31] =	ssyncset.done $0x0  }
0x5c: {  	[sflag:s31] =	ssyncadd.s32 $0xFFFFF000  }
0x5d: {  	[spmem:s18] =	stream.linear.scatter [tilespmem:s30], [sflag:$0x3], $0x1000, $0x38;
	[tilespmem:$0x1C000] =	vst v63  }
0x5e: {  	_ =	swait.ge [sflag:s31], $0x1000  }
0x5f: {  	[sflag:s31] =	ssyncset.done $0x0  }
0x60: {  	[sflag:s31] =	ssyncadd.s32 $0xFFFFF000  }
0x61: {  	[spmem:s19] =	stream.linear.scatter [tilespmem:s30], [sflag:$0x3], $0x1000, $0x38;
	[tilespmem:$0x1C000] =	vst v63  }
0x62: {  	_ =	swait.ge [sflag:s31], $0x1000  }
0x63: {  	[sflag:s31] =	ssyncset.done $0x0  }
0x64: {  	[sflag:s31] =	ssyncadd.s32 $0xFFFFF000  }
0x65: {  	[spmem:s20] =	stream.linear.scatter [tilespmem:s30], [sflag:$0x3], $0x1000, $0x38;
	[tilespmem:$0x1C000] =	vst v63  }
0x66: {  	_ =	swait.ge [sflag:s31], $0x1000  }
0x67: {  	[sflag:s31] =	ssyncset.done $0x0  }
0x68: {  	[sflag:s31] =	ssyncadd.s32 $0xFFFFF000  }
0x69: {  	[spmem:s21] =	stream.linear.scatter [tilespmem:s30], [sflag:$0x3], $0x1000, $0x38;
	[tilespmem:$0x1C000] =	vst v63  }
0x6a: {  	_ =	swait.ge [sflag:s31], $0x1000  }
0x6b: {  	[sflag:s31] =	ssyncset.done $0x0  }
0x6c: {  	[sflag:s31] =	ssyncadd.s32 $0xFFFFF000  }
0x6d: {  	[spmem:s22] =	stream.linear.scatter [tilespmem:s30], [sflag:$0x3], $0x1000, $0x38;
	[tilespmem:$0x1C000] =	vst v63  }
0x6e: {  	_ =	swait.ge [sflag:s31], $0x1000  }
0x6f: {  	[sflag:s31] =	ssyncset.done $0x0  }
0x70: {  	[sflag:s31] =	ssyncadd.s32 $0xFFFFF000  }
0x71: {  	[spmem:s26] =	stream.linear.scatter [tilespmem:s30], [sflag:$0x3], $0x1000, $0x38;
	[tilespmem:$0x1C000] =	vst v63  }
0x72: {  	_ =	swait.ge [sflag:s31], $0x1000  }
0x73: {  	[sflag:s31] =	ssyncset.done $0x0  }
0x74: {  	[sflag:s31] =	ssyncadd.s32 $0xFFFFF000  }
0x75: {  	[spmem:s28] =	stream.linear.scatter [tilespmem:s30], [sflag:$0x3], $0x1000, $0x38;
	[tilespmem:$0x1C000] =	vst v63  }
0x76: {  	_ =	swait.ge [sflag:s31], $0x1000  }
0x77: {  	[sflag:s31] =	ssyncset.done $0x0  }
0x78: {  	[sflag:s31] =	ssyncadd.s32 $0xFFFFF000  }
0x79: {  	s11 =	simm.s32 $0x0;
	s12 =	simm.s32 $0x0;
	[bflag:$0x0] =	sbarrier.arrive $0xFFFF  }
.LBB2_4:
0x7a: {  	s13 =	sshll.u32 s12, $0xC  }
0x7b: {  	s13 =	sadd.s32 s29, s13  }
0x7c: {  	s13 =	sshrl.u32 s13, $0x3  }
0x7d: {  	s13 =	sadd.s32 s4, s13  }
0x7e: {  	[tilespmem:s11], [sflag:$0x3] =	stream.linear.gather [hbm4b:s13+s11], $0xC80, $0x38;
	[tilespmem:$0x1C000] =	vst v63  }
0x7f: {  	_ =	swait.ge [sflag:s31], $0xC80  }
0x80: {  	[sflag:s31] =	ssyncset.done $0x0  }
0x81: {  	s13 =	sadd.s32 $0xA000, s13;
	[sflag:s31] =	ssyncadd.s32 $0xFFFFF380  }
0x82: {  	[tilespmem:s0], [sflag:$0x3] =	stream.linear.gather [hbm4b:s13+s11], $0xC80, $0x38;
	[tilespmem:$0x1C000] =	vst v63  }
0x83: {  	_ =	swait.ge [sflag:s31], $0xC80  }
0x84: {  	[sflag:s31] =	ssyncset.done $0x0  }
0x85: {  	[sflag:s31] =	ssyncadd.s32 $0xFFFFF380  }
0x86: {  	[tilespmem:s6], [sflag:$0x1] =	stream.indirect.gather [hbm4b:s23+s2], $0x80, s11, s2, $0xb8;
	[tilespmem:$0x1C000] =	vst v63  }
0x87: {  	_ =	swait.ge [sflag:s7], $0x2800  }
0x88: {  	[sflag:s7] =	ssyncset.done $0x0  }
0x89: {  	s14 =	simm.s32 $0x80;
	[sflag:s7] =	ssyncadd.s32 $0xFFFFD800  }
0x8a: {  	[tilespmem:s8], [sflag:$0x2] =	stream.indirect.gather [hbm4b:s23+s2], $0x80, s14, s2, $0xb8;
	[tilespmem:$0x1C000] =	vst v63  }
0x8b: {  	s15 =	simm.s32 $0x1000  }
0x8c: {  	[spmem:s1] =	stream.indirect.scatter.add.f32 [tilespmem:s6], [sflag:$0x3], $0x80, s15, s2, $0xb8;
	[tilespmem:$0x1C000] =	vst v63  }
0x8d: {  	_ =	swait.ge [sflag:s31], $0x2800  }
0x8e: {  	[sflag:s31] =	ssyncset.done $0x0  }
0x8f: {  	[sflag:s31] =	ssyncadd.s32 $0xFFFFD800  }
0x90: {  	_ =	swait.ge [sflag:s9], $0x2800  }
0x91: {  	[sflag:s9] =	ssyncset.done $0x0  }
0x92: {  	s14 =	simm.s32 $0x100;
	[sflag:s9] =	ssyncadd.s32 $0xFFFFD800  }
0x93: {  	[tilespmem:s6], [sflag:$0x1] =	stream.indirect.gather [hbm4b:s23+s2], $0x80, s14, s2, $0xb8;
	[tilespmem:$0x1C000] =	vst v63  }
0x94: {  	s15 =	simm.s32 $0x1080  }
0x95: {  	[spmem:s1] =	stream.indirect.scatter.add.f32 [tilespmem:s8], [sflag:$0x3], $0x80, s15, s2, $0xb8;
	[tilespmem:$0x1C000] =	vst v63  }
0x96: {  	_ =	swait.ge [sflag:s31], $0x2800  }
0x97: {  	s13 =	simm.s32 $0x400;
	[sflag:s31] =	ssyncset.done $0x0  }
.LBB2_5:
0x98: {  	p0 =	sne.s32 s13, $0x2C00  }
0x99: {  	[sflag:s31] =	ssyncadd.s32 $0xFFFFD800;
	s14 =	smov.u32 s13;
	s13 =	sadd.s32 $0x400, s13  }
0x9a: {  	_ = 	snop  }
0x9b: {  	_ =	swait.ge [sflag:s7], $0x2800  }
0x9c: {  	s14 =	sshra.s32 s14, $0x2;
	[sflag:s7] =	ssyncset.done $0x0  }
0x9d: {  	s15 =	sadd.s32 $0x80, s14;
	[sflag:s7] =	ssyncadd.s32 $0xFFFFD800  }
0x9e: {  	[tilespmem:s8], [sflag:$0x2] =	stream.indirect.gather [hbm4b:s23+s2], $0x80, s15, s2, $0xb8;
	[tilespmem:$0x1C000] =	vst v63  }
0x9f: {  	s15 =	sadd.s32 $0x1000, s14  }
0xa0: {  	[spmem:s1] =	stream.indirect.scatter.add.f32 [tilespmem:s6], [sflag:$0x3], $0x80, s15, s2, $0xb8;
	[tilespmem:$0x1C000] =	vst v63  }
0xa1: {  	_ =	swait.ge [sflag:s31], $0x2800  }
0xa2: {  	[sflag:s31] =	ssyncset.done $0x0  }
0xa3: {  	[sflag:s31] =	ssyncadd.s32 $0xFFFFD800  }
0xa4: {  	_ =	swait.ge [sflag:s9], $0x2800  }
0xa5: {  	[sflag:s9] =	ssyncset.done $0x0  }
0xa6: {  	s15 =	sadd.s32 $0x100, s14;
	[sflag:s9] =	ssyncadd.s32 $0xFFFFD800  }
0xa7: {  	[tilespmem:s6], [sflag:$0x1] =	stream.indirect.gather [hbm4b:s23+s2], $0x80, s15, s2, $0xb8;
	[tilespmem:$0x1C000] =	vst v63  }
.Ltmp1:
0xa8: {  	_ = 	snop;
	(pc) =	sbr.rel @p0 .LBB2_5-.Ltmp1, $4  }
0xa9: {  	s14 =	sadd.s32 $0x1080, s14  }
0xaa: {  	[spmem:s1] =	stream.indirect.scatter.add.f32 [tilespmem:s8], [sflag:$0x3], $0x80, s14, s2, $0xb8;
	[tilespmem:$0x1C000] =	vst v63  }
0xab: {  	_ =	swait.ge [sflag:s31], $0x2800  }
0xac: {  	[sflag:s31] =	ssyncset.done $0x0  }
0xad: {  	[sflag:s31] =	ssyncadd.s32 $0xFFFFD800  }
0xae: {  	s12 =	sadd.s32 $0x1, s12;
	_ =	swait.ge [sflag:s7], $0x2800  }
0xaf: {  	p0 =	sne.s32 s12, $0x5;
	[sflag:s7] =	ssyncset.done $0x0  }
.Ltmp2:
0xb0: {  	[sflag:s7] =	ssyncadd.s32 $0xFFFFD800;
	(pc) =	sbr.rel @p0 .LBB2_4-.Ltmp2, $4  }
0xb1: {  	[spmem:s1] =	stream.indirect.scatter.add.f32 [tilespmem:s6], [sflag:$0x3], $0x80, s10, s2, $0xb8;
	[tilespmem:$0x1C000] =	vst v63  }
0xb2: {  	_ =	swait.ge [sflag:s31], $0x2800  }
0xb3: {  	[sflag:s31] =	ssyncset.done $0x0  }
0xb4: {  	[sflag:s31] =	ssyncadd.s32 $0xFFFFD800  }
0xb5: {  	s11 =	stileid.u32;
	s3 =	sadd.s32 $0x1, s3  }
0xb6: {  	[bflag:$0x0] =	sbarrier.arrive $0xFFFF;
	s11 =	sshll.u32 s11, $0x6;
	p0 =	sne.s32 s3, s25  }
.Ltmp3:
0xb7: {  	s12 =	sshrl.u32 s5, $0x3;
	s11 =	sor.u32 $0x1C03, s11;
	(pc) =	sbr.rel @p0 .LBB2_1-.Ltmp3, $4  }
0xb8: {  	[hbm:s24], [sflag:s11] =	dma.local [spmem:s12], $0x2800  }
0xb9: {  	_ =	swait.ge [sflag:s31], $0x2800  }
0xba: {  	[sflag:s31] =	ssyncset.done $0x0  }
0xbb: {  	[sflag:s31] =	ssyncadd.s32 $0xFFFFD800  }
0xbc: {  	_ =	sfence.sel $0x180000  }
0xbd: {  	[bflag:$0x0] =	sbarrier.arrive $0xFFFF  }
0xbe: {  	_ =	strace $0x90000050  }
0xbf: {  	s0 =	stileid.u32;
	[bflag:$0x2] =	sbarrier.arrive $0xFFFF  }
0xc0: {  	p0 =	sne.s32 s0, $0x0;
	s0 =	rddreg [dreg:$0x2]  }
0xc1: {  	s0 =	sadd.s32 @!p0 $0x100000, s0  }
0xc2: {  	[sflag:s0] =	ssyncadd.tile.s32 @!p0 $0x1;
	_ =	shalt  }
.Lfunc_end2:
_tile_overlayer_lowered:
.L_overlay_start_2:
0xc3: {  	(tag) =	ssettag $0x2  }
0xc4: {  	s0 =	rddreg [dreg:$0x0];
	s2 =	stileid.u32  }
0xc5: {  	s1 =	rddreg [dreg:$0x1];
	p0 =	sne.s32 s2, $0x0  }
0xc6: {  	s3 =	rddreg [dreg:$0x2];
	[bflag:$0x3] =	sbarrier.arrive $0xFFFF;
	s2 =	simm.s32 @!p0 $0x1C03  }
0xc7: {  	[timem:s3], [sflag:s2] =	dma.local @!p0 [hbm:s0], s1  }
0xc8: {  	s0 =	simm.s32 @!p0 $0x3  }
0xc9: {  	_ =	swait.ge @!p0 [sflag:s0], s1  }
0xca: {  	s1 =	ssub.s32 @!p0 $0x0, s1;
	[sflag:s0] =	ssyncset.done @!p0 $0x0  }
0xcb: {  	[sflag:s0] =	ssyncadd.s32 @!p0 s1  }
0xcc: {  	[bflag:$0x3] =	sbarrier.arrive $0xFFFF  }
0xcd: {  	_ =	shalt  }

// kernel: kernel.9.cloned.1.call-start
scs
__scs_entry_jumppad:
0x0: {  	(pc) =	sbr.rel $0x88, $3  }
0x1: {  	(tag) =	ssettag $0x0;
	lr =	simm.s32 $0x1  }
0x2: {  	[smem:$0x3F93] =	sst lr;
	_ =	strace $0xD0000000  }
0x3: {  	_ = 	snop  }
0x4: {  	_ = 	snop  }
0x5: {  	_ = 	snop  }
0x6: {  	_ = 	snop  }
0x7: {  	_ = 	snop  }
__scs_overlays_trampoline_lowered:
0x8: {  	[smem:$0x3FA2] =	sst s0  }
0x9: {  	[smem:$0x3FA3] =	sst s1  }
0xa: {  	[smem:$0x3FA4] =	sst s2  }
0xb: {  	[smem:$0x3FA5] =	sst s3  }
0xc: {  	[smem:$0x3FA6] =	sst s4  }
0xd: {  	[smem:$0x3FA7] =	sst s5  }
0xe: {  	[smem:$0x3FA8] =	sst s6  }
0xf: {  	[smem:$0x3FA9] =	sst s7  }
0x10: {  	[smem:$0x3FAA] =	sst s8  }
0x11: {  	[smem:$0x3FAB] =	sst s9;
	s0 =	simm.s32 @!p0 $0x0  }
0x12: {  	s1 =	sld [smem:$0x3F91];
	s0 =	simm.s32 @p0 $0x1  }
0x13: {  	[smem:$0x3FAC] =	sst s0;
	s0 =	simm.s32 @!p1 $0x0  }
0x14: {  	s2 =	sld [smem:$0x3F90];
	s0 =	simm.s32 @p1 $0x1  }
0x15: {  	[smem:$0x3FAD] =	sst s0;
	s0 =	simm.s32 @!p2 $0x0  }
0x16: {  	s3 =	sld [smem:$0x3FDB];
	s0 =	simm.s32 @p2 $0x1  }
0x17: {  	s4 =	simm.s32 $0x1BF5;
	[smem:$0x3FAF] =	sst s0  }
0x18: {  	s0 =	sld [smem:$0x3F92];
	_ =	swait.ge [sflag:s4], $0x0  }
0x19: {  	s7 =	sld [smem:$0x3F93]  }
0x1a: {  	s8 =	sadd.s32 $0xFFFFE003, lr  }
0x1b: {  	s9 =	sadd.s32 $0xFFFFFEF7, lr;
	s5 =	simm.s32 $0xFFFFFFFF;
	p2 =	slt.u32 s8, $0xFFFFF086  }
0x1c: {  	p1 =	slt.u32 s9, $0xF7A;
	s5 =	simm.s32 @!p2 $0x0  }
0x1d: {  	s5 =	simm.s32 @p1 $0x1;
	p0 =	seq.s32 s7, s2  }
0x1e: {  	s7 =	smul.u32 @!p0 $0xF7A, s2;
	p2 =	seq.s32 @!p0 s5, $0x0  }
0x1f: {  	s9 =	smul.u32 $0xF7A, s1;
	s8 =	simm.s32 @!p0 $0x1BF5;
	p2 =	por !p2, p0  }
0x20: {  	[sflag:s8] =	ssyncset.s32 @!p0 $0xFFFFF086;
	s6 =	sadd.s32 @!p0 s3, s7;
	s7 =	simm.s32 @!p0 $0x108  }
0x21: {  	s3 =	sadd.s32 s3, s9;
	s6 =	sadd.s32 @!p0 $0x88, s6;
	s7 =	simm.s32 @p2 $0x1082  }
0x22: {  	[simem:s7], [sflag:s8] =	dma.local @!p0 [hbm:s6], $0xF7A  }
0x23: {  	s9 =	sor.u32 $0xD0000000, s2;
	s6 =	simm.s32 $0x108;
	_ =	swait.ge @!p0 [sflag:s8], $0x0  }
0x24: {  	s3 =	sadd.s32 $0x88, s3;
	s6 =	simm.s32 @!p1 $0x1082;
	[sflag:s4] =	ssyncset.s32 $0xFFFFF086  }
0x25: {  	[simem:s6], [sflag:s4] =	dma.local [hbm:s3], $0xF7A  }
0x26: {  	[smem:$0x3F93] =	sst s1;
	(tag) =	ssettag s2;
	_ =	strace s9  }
0x27: {  	s1 =	sld [smem:$0x3FA3]  }
0x28: {  	s2 =	sld [smem:$0x3FA4]  }
0x29: {  	s4 =	sld [smem:$0x3FA6]  }
0x2a: {  	p0 =	seq.s32 s5, $0x0;
	s5 =	sld [smem:$0x3FA7]  }
0x2b: {  	s6 =	sld [smem:$0x3FA8]  }
0x2c: {  	s7 =	sld [smem:$0x3FA9]  }
0x2d: {  	s3 =	simm.s32 $0x108;
	s8 =	sld [smem:$0x3FAA]  }
0x2e: {  	s3 =	simm.s32 @!p0 $0x1082;
	s9 =	sld [smem:$0x3FAB]  }
0x2f: {  	lr =	sadd.s32 s0, s3;
	s0 =	sld [smem:$0x3FA2]  }
0x30: {  	s3 =	sld [smem:$0x3FA5]  }
0x31: {  	[smem:$0x3FAE] =	sst s10  }
0x32: {  	s10 =	sld [smem:$0x3FAC];
	_ =	sdelay $0x3  }
0x33: {  	p0 =	seq.s32 s10, $0x1;
	s10 =	sld [smem:$0x3FAE];
	_ =	sdelay $0x3  }
0x34: {  	[smem:$0x3FAE] =	sst s10  }
0x35: {  	s10 =	sld [smem:$0x3FAD];
	_ =	sdelay $0x3  }
0x36: {  	p1 =	seq.s32 s10, $0x1;
	s10 =	sld [smem:$0x3FAE];
	_ =	sdelay $0x3  }
0x37: {  	[smem:$0x3FAE] =	sst s10  }
0x38: {  	s10 =	sld [smem:$0x3FAF]  }
0x39: {  	_ = 	snop;
	(pc) =	sbr.ind lr, $3  }
0x3a: {  	_ = 	snop  }
0x3b: {  	_ = 	snop  }
0x3c: {  	p2 =	seq.s32 s10, $0x1;
	s10 =	sld [smem:$0x3FAE]  }
0x3d: {  	_ =	shalt  }
0x3e: {  	_ =	shalt  }
0x3f: {  	_ =	shalt  }
0x40: {  	_ =	shalt  }
0x41: {  	_ =	shalt  }
0x42: {  	_ =	shalt  }
0x43: {  	_ =	shalt  }
0x44: {  	_ =	shalt  }
0x45: {  	_ =	shalt  }
0x46: {  	_ =	shalt  }
0x47: {  	_ =	shalt  }
0x48: {  	_ =	shalt  }
0x49: {  	_ =	shalt  }
0x4a: {  	_ =	shalt  }
0x4b: {  	_ =	shalt  }
0x4c: {  	_ =	shalt  }
0x4d: {  	_ =	shalt  }
0x4e: {  	_ =	shalt  }
0x4f: {  	_ =	shalt  }
0x50: {  	_ =	shalt  }
0x51: {  	_ =	shalt  }
0x52: {  	_ =	shalt  }
0x53: {  	_ =	shalt  }
0x54: {  	_ =	shalt  }
0x55: {  	_ =	shalt  }
0x56: {  	_ =	shalt  }
0x57: {  	_ =	shalt  }
0x58: {  	_ =	shalt  }
0x59: {  	_ =	shalt  }
0x5a: {  	_ =	shalt  }
0x5b: {  	_ =	shalt  }
0x5c: {  	_ =	shalt  }
0x5d: {  	_ =	shalt  }
0x5e: {  	_ =	shalt  }
0x5f: {  	_ =	shalt  }
0x60: {  	_ =	shalt  }
0x61: {  	_ =	shalt  }
0x62: {  	_ =	shalt  }
0x63: {  	_ =	shalt  }
0x64: {  	_ =	shalt  }
0x65: {  	_ =	shalt  }
0x66: {  	_ =	shalt  }
0x67: {  	_ =	shalt  }
0x68: {  	_ =	shalt  }
0x69: {  	_ =	shalt  }
0x6a: {  	_ =	shalt  }
0x6b: {  	_ =	shalt  }
0x6c: {  	_ =	shalt  }
0x6d: {  	_ =	shalt  }
0x6e: {  	_ =	shalt  }
0x6f: {  	_ =	shalt  }
0x70: {  	_ =	shalt  }
0x71: {  	_ =	shalt  }
0x72: {  	_ =	shalt  }
0x73: {  	_ =	shalt  }
0x74: {  	_ =	shalt  }
0x75: {  	_ =	shalt  }
0x76: {  	_ =	shalt  }
0x77: {  	_ =	shalt  }
0x78: {  	_ =	shalt  }
0x79: {  	_ =	shalt  }
0x7a: {  	_ =	shalt  }
0x7b: {  	_ =	shalt  }
0x7c: {  	_ =	shalt  }
0x7d: {  	_ =	shalt  }
0x7e: {  	_ =	shalt  }
0x7f: {  	_ =	shalt  }
0x80: {  	_ =	shalt  }
0x81: {  	_ =	shalt  }
0x82: {  	_ =	shalt  }
0x83: {  	_ =	shalt  }
0x84: {  	_ =	shalt  }
0x85: {  	_ =	shalt  }
0x86: {  	_ =	shalt  }
0x87: {  	_ =	shalt  }
.Lfunc_end0:
.L_simem_size_0:
called_computation_lowered:
.L_overlay_start_0:
0x88: {  	s2 =	sld [smem:$0x3FD9]  }
0x89: {  	s3 =	sld [smem:$0x3FFE];
	_ =	sdelay $0x1  }
0x8a: {  	s1 =	srdreg.scid  }
0x8b: {  	s0 =	sand.u32 $0x1, s1  }
0x8c: {  	s14 =	sshll.u32 s0, $0xA;
	s2 =	sadd.s32 s3, s2  }
0x8d: {  	s2 =	sadd.s32 s2, s14  }
0x8e: {  	[smem:$0x3FBA] =	sst s2  }
0x8f: {  	_ = 	snop  }
0x90: {  	s2 =	sld [smem:$0x3FD0];
	_ =	sdelay $0x2  }
0x91: {  	s15 =	simm.s32 $0xB;
	s4 =	simm.s32 $0x10  }
0x92: {  	[smem:s4], [sflag:s15] =	dma.local [hbm:s2], $0x1  }
0x93: {  	_ =	swait.eq [sflag:s15], $0x1  }
0x94: {  	[sflag:s15] =	ssyncset.done $0x0  }
0x95: {  	[sflag:s15] =	ssyncadd.s32 $0xFFFFFFFF  }
0x96: {  	s16 =	sld [smem:$0x12];
	(tm) =	ssettm $0x1  }
0x97: {  	s17 =	sld [smem:$0x3FFB];
	_ =	sdelay $0x3  }
0x98: {  	_ =	strace s17  }
0x99: {  	s3 =	sld [smem:$0x3FFC];
	_ =	sdelay $0x3  }
0x9a: {  	_ =	strace s3  }
0x9b: {  	s3 =	sld [smem:$0x3FFD];
	_ =	sdelay $0x3  }
0x9c: {  	_ =	strace s3  }
0x9d: {  	_ =	strace $0x8FFFFFFF  }
0x9e: {  	s18 =	sld [smem:$0x3FDB];
	_ =	sdelay $0x1  }
0x9f: {  	s19 =	simm.s32 $_scs_section_size  }
0xa0: {  	s5 =	simm.s32 $_size__tile_overlayer_lowered;
	s6 =	simm.s32 $_tile_overlayer_lowered  }
0xa1: {  	s22 =	simm.s32 $0x1BFF;
	s21 =	sshll.u32 s6, $0x1;
	s3 =	sadd.s32 s19, s18  }
0xa2: {  	s7 =	simm.s32 $0x0;
	s20 =	sshll.u32 s5, $0x1;
	s5 =	sadd.s32 s21, s3  }
0xa3: {  	[timem:s7], [sflag:s22] =	dma.local [hbm:s5], s20  }
0xa4: {  	_ =	swait.ge [sflag:s22], s20  }
0xa5: {  	s4 =	ssub.s32 $0x0, s20;
	[sflag:s22] =	ssyncset.done $0x0  }
0xa6: {  	[sflag:s22] =	ssyncadd.s32 s4;
	_ =	sdelay $0x1  }
0xa7: {  	s23 =	simm.s32 $0x1B8B  }
0xa8: {  	_ =	swait.ge [sflag:s23], $0x1  }
0xa9: {  	[sflag:s23] =	ssyncset.done $0x0  }
0xaa: {  	s25 =	simm.s32 $0x1B8E;
	s24 =	sld [smem:$0x3FFE];
	[sflag:s23] =	ssyncadd.s32 $0xFFFFFFFF  }
0xab: {  	s26 =	simm.s32 $execute0_lowered;
	[smem:$0x3FD2] =	sst s25  }
0xac: {  	s5 =	sshll.u32 s26, $0x1;
	_ =	strace $0x80000046;
	[dreg:$0x1] =	wrdreg $0xFFFFFFFF  }
0xad: {  	s28 =	simm.s32 $_size_execute0_lowered;
	s3 =	sadd.s32 s3, s5;
	[dreg:$0x0] =	wrdreg $0x0  }
0xae: {  	s5 =	sshll.u32 s28, $0x1;
	[dreg:$0x2] =	wrdreg s3  }
0xaf: {  	[dreg:$0x3] =	wrdreg s5  }
0xb0: {  	[dreg:$0x4] =	wrdreg $0xC0  }
0xb1: {  	_ =	task [dreg:s7], $0x5FFFF  }
0xb2: {  	[dreg:$0x1] =	wrdreg $0xFFFFFFFF  }
0xb3: {  	[dreg:$0x0] =	wrdreg $0x60  }
0xb4: {  	[dreg:$0x2] =	wrdreg s24  }
0xb5: {  	[dreg:$0x3] =	wrdreg s16  }
0xb6: {  	[dreg:$0x4] =	wrdreg $0x9F800  }
0xb7: {  	[dreg:$0x5] =	wrdreg $0x9  }
0xb8: {  	_ =	task.clear_ibuf [dreg:s7], $0x6FFFF;
	_ =	strace $0x90000046  }
0xb9: {  	s29 =	simm.s32 $0x9;
	_ =	strace $0x80000048  }
0xba: {  	_ =	swait.ge [sflag:s29], $0x1  }
0xbb: {  	[sflag:s29] =	ssyncadd.s32 $0xFFFFFFFF  }
0xbc: {  	_ =	strace $0x90000048  }
0xbd: {  	_ =	sfence  }
0xbe: {  	s30 =	sld [smem:$0x0];
	_ =	sdelay $0x2  }
0xbf: {  	s31 =	sshll.u32 s1, $0xD;
	s1 =	sshrl.u32 s1, $0x2  }
0xc0: {  	s3 =	sand.u32 $0x4000, s31;
	s1 =	sadd.s32 s1, s30  }
0xc1: {  	s0 =	sor.u32 s3, s0;
	s1 =	sshll.u32 s1, $0x11  }
0xc2: {  	s0 =	sor.u32 s1, s0  }
0xc3: {  	s0 =	sadd.s32 $0x8F2B, s0  }
0xc4: {  	[sflag:s0] =	ssyncadd.remote.s32 $0x1  }
0xc5: {  	_ =	sfence.sel $0xFFFF  }
0xc6: {  	[dreg:$0x0] =	wrdreg $0xFFFFFFFF;
	(pc) =	sbr.abs _section_cstart, $3  }
0xc7: {  	[dreg:$0x1] =	wrdreg $0xFFFFFFFF  }
0xc8: {  	_ =	task.clear_ibuf [dreg:s7], $0x2FFFF;
	_ =	strace $0x9FFFFFFF  }
0xc9: {  	(tm) =	ssettm $0x7FFFFFFF  }
tec
execute0_lowered:
.L_overlay_start_1:
0x0: {  	(tag) =	ssettag $0x1  }
0x1: {  	s0 =	rddreg [dreg:$0x0]  }
0x2: {  	s1 =	rddreg [dreg:$0x1];
	s2 =	srdreg.scid  }
0x3: {  	s5 =	rddreg [dreg:$0x2];
	s8 =	stileid.u32;
	s6 =	simm.s32 $0x0  }
0x4: {  	s23 =	simm.s32 $0x1;
	s24 =	simm.s32 $0x2780;
	s4 =	smul.u32 $0x2710, s8  }
0x5: {  	s29 =	simm.s32 $0x7000;
	s30 =	simm.s32 $0x7280;
	s26 =	smul.u32 $0xA00, s8  }
0x6: {  	s31 =	simm.s32 $0x7500;
	s2 =	sand.u32 $0x1, s2;
	s21 =	smul.u32 $0x2800, s8  }
0x7: {  	[smem:$0x7FF] =	sst s6;
	s3 =	smul.u32 $0x27100, s2;
	s25 =	ssub.s32 $0x2, s2  }
0x8: {  	_ =	strace $0x80000047;
	p0 =	seq.s32 s2, $0x1;
	s7 =	sshrl.u32 s25, $0x1  }
0x9: {  	s6 =	sshrl.u32 s26, $0x2;
	s28 =	sshrl.u32 s21, $0x3;
	s3 =	sadd.s32 s4, s3  }
0xa: {  	s22 =	ssub.s32 s25, s7;
	s4 =	sadd.s32 s21, s5;
	s5 =	sadd.s32 s6, s5  }
0xb: {  	s3 =	sshrl.u32 s3, $0x3;
	s6 =	sadd.s32 $0x2800, s5;
	s7 =	sadd.s32 $0x5000, s5  }
0xc: {  	s8 =	sadd.s32 $0x7800, s5;
	s9 =	sadd.s32 $0xA000, s5;
	s10 =	sadd.s32 $0xC800, s5  }
0xd: {  	s11 =	sadd.s32 $0xF000, s5;
	s12 =	sadd.s32 $0x11800, s5;
	s13 =	sadd.s32 $0x14000, s5  }
0xe: {  	s14 =	sadd.s32 $0x16800, s5;
	s15 =	sadd.s32 $0x19000, s5;
	s16 =	sadd.s32 $0x1B800, s5  }
0xf: {  	s17 =	sadd.s32 $0x1E000, s5;
	s18 =	sadd.s32 $0x20800, s5;
	s19 =	sadd.s32 $0x23000, s5  }
0x10: {  	s20 =	sadd.s32 $0x25800, s5;
	s3 =	sadd.s32 s3, s0;
	s0 =	sadd.s32 $0xD400, s0  }
0x11: {  	v2 =	vlaneseq.u32;
	s21 =	smax.u32 s22, $0x1;
	s3 =	sadd.s32 $0x3600, s3;
	s1 =	smov.u32 @p0 s0  }
0x12: {  	v0 =	vimm.f32 $0.0e+00;
	v1 =	vimm.f32 $1.000000000e+00;
	v2 =	vmul.u32 $0x10, v2;
	s0 =	simm.s32 $0x7780;
	s22 =	sadd.s32 s1, s28;
	s1 =	simm.s32 $0x0  }
.LBB2_1:
0x13: {  	s2 =	simm.s32 $0x40;
	s25 =	simm.s32 $0x0  }
.LBB2_2:
0x14: {  	p0 =	sne.s32 s2, $0x9FC0;
	[tilespmem:s25+$0x2780] =	vst v0;
	s25 =	smov.u32 s2;
	s2 =	sadd.s32 $0x40, s2  }
.Ltmp0:
0x15: {  	(pc) =	sbr.rel @p0 .LBB2_2-.Ltmp0, $2  }
0x16: {  	_ =	sdelay $0x2  }
0x17: {  	s25 =	sshra.s32 s25, $0x2  }
0x18: {  	[tilespmem:s25+$0x2780] =	vst v0;
	s2 =	simm.s32 $0x0  }
0x19: {  	[tilespmem:s2], [sflag:$0x1] =	stream.linear.gather [hbm4b:s3+s2], $0x2710, $0x38;
	[tilespmem:$0xC780] =	vst v63  }
0x1a: {  	_ =	swait.ge [sflag:s23], $0x2710  }
0x1b: {  	[sflag:s23] =	ssyncset.done $0x0  }
0x1c: {  	s25 =	simm.s32 $0x0;
	s2 =	simm.s32 $0x40;
	[sflag:s23] =	ssyncadd.s32 $0xFFFFD8F0  }
.LBB2_4:
0x1d: {  	p0 =	sne.s32 s2, $0x9C00;
	v3 =	vld [tilespmem:s25+$0x0];
	_ =	sdelay $0x3  }
.Ltmp1:
0x1e: {  	(pc) =	sbr.rel @p0 .LBB2_4-.Ltmp1, $2  }
0x1f: {  	_ =	sdelay $0x2  }
0x20: {  	s25 =	sshra.s32 s2, $0x2;
	s2 =	sadd.s32 $0x40, s2;
	[tilespmem:v3+s24+$0x0] =	vst.idx.add.f32.msk $0xffff, v1  }
0x21: {  	v3 =	vld [tilespmem:s25+$0x0];
	_ =	sdelay $0x7  }
0x22: {  	[tilespmem:v3+s24+$0x0] =	vst.idx.add.f32.msk $0xffff, v1  }
0x23: {  	[spmem:s4] =	stream.linear.scatter [tilespmem:s24], [sflag:$0x1], $0x2800, $0x38;
	[tilespmem:$0xC780] =	vst v63  }
0x24: {  	_ =	swait.ge [sflag:s23], $0x2800  }
0x25: {  	[sflag:s23] =	ssyncset.done $0x0  }
0x26: {  	[sflag:s23] =	ssyncadd.s32 $0xFFFFD800  }
0x27: {  	s2 =	simm.s32 $0x4F80;
	[bflag:$0x0] =	sbarrier.arrive $0xFFFF  }
0x28: {  	[tilespmem:s2], [sflag:$0x1] =	stream.linear.gather [spmem:s5], $0x280, $0x38;
	[tilespmem:$0xC780] =	vst v63  }
0x29: {  	_ =	swait.ge [sflag:s23], $0x280  }
0x2a: {  	[sflag:s23] =	ssyncset.done $0x0  }
0x2b: {  	s26 =	simm.s32 $0x5200;
	[sflag:s23] =	ssyncadd.s32 $0xFFFFFD80  }
0x2c: {  	[tilespmem:s26], [sflag:$0x1] =	stream.linear.gather [spmem:s6], $0x280, $0x38;
	[tilespmem:$0xC780] =	vst v63  }
0x2d: {  	_ =	swait.ge [sflag:s23], $0x280  }
0x2e: {  	[sflag:s23] =	ssyncset.done $0x0  }
0x2f: {  	s26 =	simm.s32 $0x5480;
	[sflag:s23] =	ssyncadd.s32 $0xFFFFFD80  }
0x30: {  	[tilespmem:s26], [sflag:$0x1] =	stream.linear.gather [spmem:s7], $0x280, $0x38;
	[tilespmem:$0xC780] =	vst v63  }
0x31: {  	_ =	swait.ge [sflag:s23], $0x280  }
0x32: {  	[sflag:s23] =	ssyncset.done $0x0  }
0x33: {  	s26 =	simm.s32 $0x5700;
	[sflag:s23] =	ssyncadd.s32 $0xFFFFFD80  }
0x34: {  	[tilespmem:s26], [sflag:$0x1] =	stream.linear.gather [spmem:s8], $0x280, $0x38;
	[tilespmem:$0xC780] =	vst v63  }
0x35: {  	_ =	swait.ge [sflag:s23], $0x280  }
0x36: {  	[sflag:s23] =	ssyncset.done $0x0  }
0x37: {  	s26 =	simm.s32 $0x5980;
	[sflag:s23] =	ssyncadd.s32 $0xFFFFFD80  }
0x38: {  	[tilespmem:s26], [sflag:$0x1] =	stream.linear.gather [spmem:s9], $0x280, $0x38;
	[tilespmem:$0xC780] =	vst v63  }
0x39: {  	_ =	swait.ge [sflag:s23], $0x280  }
0x3a: {  	[sflag:s23] =	ssyncset.done $0x0  }
0x3b: {  	s26 =	simm.s32 $0x5C00;
	[sflag:s23] =	ssyncadd.s32 $0xFFFFFD80  }
0x3c: {  	[tilespmem:s26], [sflag:$0x1] =	stream.linear.gather [spmem:s10], $0x280, $0x38;
	[tilespmem:$0xC780] =	vst v63  }
0x3d: {  	_ =	swait.ge [sflag:s23], $0x280  }
0x3e: {  	[sflag:s23] =	ssyncset.done $0x0  }
0x3f: {  	s26 =	simm.s32 $0x5E80;
	[sflag:s23] =	ssyncadd.s32 $0xFFFFFD80  }
0x40: {  	[tilespmem:s26], [sflag:$0x1] =	stream.linear.gather [spmem:s11], $0x280, $0x38;
	[tilespmem:$0xC780] =	vst v63  }
0x41: {  	_ =	swait.ge [sflag:s23], $0x280  }
0x42: {  	[sflag:s23] =	ssyncset.done $0x0  }
0x43: {  	s26 =	simm.s32 $0x6100;
	[sflag:s23] =	ssyncadd.s32 $0xFFFFFD80  }
0x44: {  	[tilespmem:s26], [sflag:$0x1] =	stream.linear.gather [spmem:s12], $0x280, $0x38;
	[tilespmem:$0xC780] =	vst v63  }
0x45: {  	_ =	swait.ge [sflag:s23], $0x280  }
0x46: {  	[sflag:s23] =	ssyncset.done $0x0  }
0x47: {  	s26 =	simm.s32 $0x6380;
	[sflag:s23] =	ssyncadd.s32 $0xFFFFFD80  }
0x48: {  	[tilespmem:s26], [sflag:$0x1] =	stream.linear.gather [spmem:s13], $0x280, $0x38;
	[tilespmem:$0xC780] =	vst v63  }
0x49: {  	_ =	swait.ge [sflag:s23], $0x280  }
0x4a: {  	[sflag:s23] =	ssyncset.done $0x0  }
0x4b: {  	s26 =	simm.s32 $0x6600;
	[sflag:s23] =	ssyncadd.s32 $0xFFFFFD80  }
0x4c: {  	[tilespmem:s26], [sflag:$0x1] =	stream.linear.gather [spmem:s14], $0x280, $0x38;
	[tilespmem:$0xC780] =	vst v63  }
0x4d: {  	_ =	swait.ge [sflag:s23], $0x280  }
0x4e: {  	[sflag:s23] =	ssyncset.done $0x0  }
0x4f: {  	s26 =	simm.s32 $0x6880;
	[sflag:s23] =	ssyncadd.s32 $0xFFFFFD80  }
0x50: {  	[tilespmem:s26], [sflag:$0x1] =	stream.linear.gather [spmem:s15], $0x280, $0x38;
	[tilespmem:$0xC780] =	vst v63  }
0x51: {  	_ =	swait.ge [sflag:s23], $0x280  }
0x52: {  	[sflag:s23] =	ssyncset.done $0x0  }
0x53: {  	s26 =	simm.s32 $0x6B00;
	[sflag:s23] =	ssyncadd.s32 $0xFFFFFD80  }
0x54: {  	[tilespmem:s26], [sflag:$0x1] =	stream.linear.gather [spmem:s16], $0x280, $0x38;
	[tilespmem:$0xC780] =	vst v63  }
0x55: {  	_ =	swait.ge [sflag:s23], $0x280  }
0x56: {  	[sflag:s23] =	ssyncset.done $0x0  }
0x57: {  	s26 =	simm.s32 $0x6D80;
	[sflag:s23] =	ssyncadd.s32 $0xFFFFFD80  }
0x58: {  	[tilespmem:s26], [sflag:$0x1] =	stream.linear.gather [spmem:s17], $0x280, $0x38;
	[tilespmem:$0xC780] =	vst v63  }
0x59: {  	_ =	swait.ge [sflag:s23], $0x280  }
0x5a: {  	[sflag:s23] =	ssyncset.done $0x0  }
0x5b: {  	[sflag:s23] =	ssyncadd.s32 $0xFFFFFD80  }
0x5c: {  	[tilespmem:s29], [sflag:$0x1] =	stream.linear.gather [spmem:s18], $0x280, $0x38;
	[tilespmem:$0xC780] =	vst v63  }
0x5d: {  	_ =	swait.ge [sflag:s23], $0x280  }
0x5e: {  	[sflag:s23] =	ssyncset.done $0x0  }
0x5f: {  	[sflag:s23] =	ssyncadd.s32 $0xFFFFFD80  }
0x60: {  	[tilespmem:s30], [sflag:$0x1] =	stream.linear.gather [spmem:s19], $0x280, $0x38;
	[tilespmem:$0xC780] =	vst v63  }
0x61: {  	_ =	swait.ge [sflag:s23], $0x280  }
0x62: {  	[sflag:s23] =	ssyncset.done $0x0  }
0x63: {  	[sflag:s23] =	ssyncadd.s32 $0xFFFFFD80  }
0x64: {  	[tilespmem:s31], [sflag:$0x1] =	stream.linear.gather [spmem:s20], $0x280, $0x38;
	[tilespmem:$0xC780] =	vst v63  }
0x65: {  	_ =	swait.ge [sflag:s23], $0x280  }
0x66: {  	s25 =	simm.s32 $0x0;
	[sflag:s23] =	ssyncset.done $0x0  }
0x67: {  	s26 =	sand.u32 $0x3F0, s25;
	[sflag:s23] =	ssyncadd.s32 $0xFFFFFD80  }
0x68: {  	s28 =	simm.s32 $0x10;
	v3 =	vld [tilespmem:s26+$0x5200]  }
.LBB2_6:
0x69: {  	p0 =	sne.s32 s28, $0x270;
	v4 =	vld [tilespmem:s2+$0x0];
	_ =	sdelay $0x1  }
0x6a: {  	v5 =	vld [tilespmem:s26+$0x5480];
	_ =	sdelay $0x1  }
0x6b: {  	v6 =	vld [tilespmem:s26+$0x5700]  }
0x6c: {  	v3 =	vadd.f32 v3, v4  }
0x6d: {  	v4 =	vld [tilespmem:s26+$0x5980]  }
0x6e: {  	v3 =	vadd.f32 v5, v3  }
0x6f: {  	v5 =	vld [tilespmem:s26+$0x5C00]  }
0x70: {  	v3 =	vadd.f32 v6, v3  }
0x71: {  	v6 =	vld [tilespmem:s26+$0x5E80]  }
0x72: {  	v3 =	vadd.f32 v4, v3  }
0x73: {  	v4 =	vld [tilespmem:s26+$0x6100]  }
0x74: {  	v3 =	vadd.f32 v5, v3  }
0x75: {  	v5 =	vld [tilespmem:s26+$0x6380]  }
0x76: {  	v3 =	vadd.f32 v6, v3  }
0x77: {  	v6 =	vld [tilespmem:s26+$0x6600]  }
0x78: {  	v3 =	vadd.f32 v4, v3  }
0x79: {  	v4 =	vld [tilespmem:s26+$0x6880]  }
0x7a: {  	v3 =	vadd.f32 v5, v3  }
0x7b: {  	v5 =	vld [tilespmem:s26+$0x6B00]  }
0x7c: {  	v3 =	vadd.f32 v6, v3  }
0x7d: {  	v6 =	vld [tilespmem:s26+$0x6D80]  }
0x7e: {  	v3 =	vadd.f32 v4, v3  }
0x7f: {  	v4 =	vld [tilespmem:s26+$0x7000]  }
0x80: {  	v3 =	vadd.f32 v5, v3  }
0x81: {  	v5 =	vld [tilespmem:s26+$0x7280]  }
0x82: {  	v3 =	vadd.f32 v6, v3  }
0x83: {  	v7 =	vmov s25;
	s25 =	smov.u32 s28;
	v6 =	vld [tilespmem:s26+$0x7500]  }
0x84: {  	v3 =	vadd.f32 v4, v3;
	v4 =	vshll.u32 v7, $0x4  }
0x85: {  	v4 =	vor.u32 v2, v4  }
0x86: {  	v3 =	vadd.f32 v5, v3  }
.Ltmp2:
0x87: {  	(pc) =	sbr.rel @p0 .LBB2_6-.Ltmp2, $3  }
0x88: {  	v3 =	vadd.f32 v6, v3;
	_ =	sdelay $0x1  }
0x89: {  	s26 =	sand.u32 $0x3F0, s28;
	[tilespmem:v4+s0+$0x0] =	vst.idx.msk $0xffff, v3  }
0x8a: {  	s2 =	sadd.s32 $0x10, s2;
	s28 =	sadd.s32 $0x10, s28;
	v3 =	vld [tilespmem:s26+$0x5200]  }
0x8b: {  	v4 =	vld [tilespmem:s2+$0x0];
	_ =	sdelay $0x1  }
0x8c: {  	v5 =	vld [tilespmem:s26+$0x5480];
	_ =	sdelay $0x1  }
0x8d: {  	v6 =	vld [tilespmem:s26+$0x5700]  }
0x8e: {  	v3 =	vadd.f32 v3, v4  }
0x8f: {  	v51 =	vld [tilespmem:s26+$0x5980]  }
0x90: {  	v3 =	vadd.f32 v5, v3  }
0x91: {  	v52 =	vld [tilespmem:s26+$0x5C00]  }
0x92: {  	v3 =	vadd.f32 v6, v3  }
0x93: {  	v53 =	vld [tilespmem:s26+$0x5E80]  }
0x94: {  	v3 =	vadd.f32 v51, v3  }
0x95: {  	v54 =	vld [tilespmem:s26+$0x6100]  }
0x96: {  	v3 =	vadd.f32 v52, v3  }
0x97: {  	v55 =	vld [tilespmem:s26+$0x6380]  }
0x98: {  	v3 =	vadd.f32 v53, v3  }
0x99: {  	v56 =	vld [tilespmem:s26+$0x6600]  }
0x9a: {  	v3 =	vadd.f32 v54, v3  }
0x9b: {  	v57 =	vld [tilespmem:s26+$0x6880]  }
0x9c: {  	v3 =	vadd.f32 v55, v3  }
0x9d: {  	v58 =	vld [tilespmem:s26+$0x6B00]  }
0x9e: {  	v3 =	vadd.f32 v56, v3  }
0x9f: {  	v59 =	vld [tilespmem:s26+$0x6D80]  }
0xa0: {  	v3 =	vadd.f32 v57, v3  }
0xa1: {  	v60 =	vld [tilespmem:s26+$0x7000]  }
0xa2: {  	v3 =	vadd.f32 v58, v3  }
0xa3: {  	v61 =	vld [tilespmem:s26+$0x7280]  }
0xa4: {  	v3 =	vadd.f32 v59, v3  }
0xa5: {  	v62 =	vld [tilespmem:s26+$0x7500];
	v7 =	vmov s25  }
0xa6: {  	v63 =	vshll.u32 v7, $0x4;
	v3 =	vadd.f32 v60, v3  }
0xa7: {  	v4 =	vor.u32 v2, v63  }
0xa8: {  	v3 =	vadd.f32 v61, v3;
	_ =	sdelay $0x1  }
0xa9: {  	s1 =	sadd.s32 $0x1, s1;
	v3 =	vadd.f32 v62, v3  }
0xaa: {  	p0 =	sne.s32 s1, s21  }
.Ltmp3:
0xab: {  	s28 =	simm.s32 $0x0;
	[tilespmem:v4+s0+$0x0] =	vst.idx.msk $0xffff, v3;
	(pc) =	sbr.rel @p0 .LBB2_1-.Ltmp3, $4  }
0xac: {  	[hbm4b:s22+s28] =	stream.linear.scatter [tilespmem:s0], [sflag:$0x1], $0x2800, $0x38;
	[tilespmem:$0xC780] =	vst v63  }
0xad: {  	_ =	swait.ge [sflag:s23], $0x2800  }
0xae: {  	[sflag:s23] =	ssyncset.done $0x0  }
0xaf: {  	[sflag:s23] =	ssyncadd.s32 $0xFFFFD800  }
0xb0: {  	_ =	sfence.sel $0x180000  }
0xb1: {  	[bflag:$0x0] =	sbarrier.arrive $0xFFFF  }
0xb2: {  	_ =	strace $0x90000047  }
0xb3: {  	s0 =	stileid.u32;
	[bflag:$0x2] =	sbarrier.arrive $0xFFFF  }
0xb4: {  	p0 =	sne.s32 s0, $0x0;
	s0 =	rddreg [dreg:$0x3]  }
0xb5: {  	s0 =	sadd.s32 @!p0 $0x100000, s0  }
0xb6: {  	[sflag:s0] =	ssyncadd.tile.s32 @!p0 $0x1;
	_ =	shalt  }
.Lfunc_end2:
_tile_overlayer_lowered:
.L_overlay_start_2:
0xb7: {  	(tag) =	ssettag $0x2  }
0xb8: {  	s0 =	rddreg [dreg:$0x0];
	s2 =	stileid.u32  }
0xb9: {  	s1 =	rddreg [dreg:$0x1];
	p0 =	sne.s32 s2, $0x0  }
0xba: {  	s3 =	rddreg [dreg:$0x2];
	[bflag:$0x3] =	sbarrier.arrive $0xFFFF;
	s2 =	simm.s32 @!p0 $0x1C01  }
0xbb: {  	[timem:s3], [sflag:s2] =	dma.local @!p0 [hbm:s0], s1  }
0xbc: {  	s0 =	simm.s32 @!p0 $0x1  }
0xbd: {  	_ =	swait.ge @!p0 [sflag:s0], s1  }
0xbe: {  	s1 =	ssub.s32 @!p0 $0x0, s1;
	[sflag:s0] =	ssyncset.done @!p0 $0x0  }
0xbf: {  	[sflag:s0] =	ssyncadd.s32 @!p0 s1  }
0xc0: {  	[bflag:$0x3] =	sbarrier.arrive $0xFFFF  }
0xc1: {  	_ =	shalt  }

</sc_bundles>
